<compile_context>
chip_gen: v7x
topology: tpu7x:2x2x1
jax: 0.10.2.dev20260603
libtpu: 0.0.44.dev20260713+nightly
codegen_flags: <defaults>
</compile_context>

<pallas_src>
import functools

import jax
import jax.numpy as jnp
from jax import lax
from jax.experimental import pallas as pl
from jax.experimental.pallas import tpu as pltpu
from jax.experimental.pallas import tpu_sc as plsc

N = 10000
E = 320000
NPS = 10112
EP = 327680
K = 80
NC = 2
NS = 16
NW = NC * NS
E_PER_W = EP // NW
NCH = E_PER_W // K
NBUF = 2
GROUPS = NCH // NBUF
RPT = NPS // NS


def _spmm_sc(tlo, thi, src3, dst3, zeros, dh, local, count_hi=False):
    mesh = plsc.VectorSubcoreMesh(core_axis_name="c", subcore_axis_name="s")

    scratch = [
        pltpu.VMEM((NCH, K), jnp.int32),
        pltpu.VMEM((NBUF, K), jnp.int32),
        pltpu.VMEM((NBUF, K, dh), jnp.float32),
        pltpu.VMEM_SHARED((NPS, dh), jnp.float32),
    ]
    if local:
        scratch.append(pltpu.VMEM_SHARED((NPS, dh), jnp.float32))
    scratch += [pltpu.SemaphoreType.DMA] * (3 * NBUF)

    @functools.partial(
        pl.kernel,
        out_type=jax.ShapeDtypeStruct((2, NC, NPS, dh), jnp.float32),
        mesh=mesh,
        scratch_types=scratch,
        compiler_params=pltpu.CompilerParams(use_tc_tiling_on_sc=False),
    )
    def spmm(tlo_hbm, thi_hbm, src_hbm, dst_hbm, zeros_hbm, out_hbm,
             srcs_v, dsts_v, rows_v, acc_sh, *rest):
        if local:
            tab_sh, *sems = rest
        else:
            sems = rest
        gsem = sems[0:NBUF]
        ssem = sems[NBUF:2 * NBUF]
        dsem = sems[2 * NBUF:3 * NBUF]
        cid = lax.axis_index("c")
        sid = lax.axis_index("s")
        wid = sid * NC + cid
        r0 = sid * RPT
        pltpu.sync_copy(src_hbm.at[wid], srcs_v)

        def wait_gather(b):
            pltpu.make_async_copy(zeros_hbm.at[pl.ds(0, K)],
                                  rows_v.at[b], gsem[b]).wait()

        def wait_scatter(b):
            pltpu.make_async_copy(rows_v.at[b],
                                  acc_sh.at[pl.ds(0, K)], ssem[b]).wait()

        def wait_dst(b):
            pltpu.make_async_copy(dst_hbm.at[wid, 0],
                                  dsts_v.at[b], dsem[b]).wait()

        for half, tab_in in enumerate((tlo_hbm, thi_hbm)):
            const_rows = count_hi and half == 1
            if const_rows:
                tab = None
                for b in range(NBUF):
                    pltpu.sync_copy(tab_in, rows_v.at[b])
            elif local:
                pltpu.sync_copy(tab_in.at[pl.ds(r0, RPT)],
                                tab_sh.at[pl.ds(r0, RPT)])
                tab = tab_sh
            else:
                tab = tab_in
            pltpu.sync_copy(zeros_hbm.at[pl.ds(r0, RPT)],
                            acc_sh.at[pl.ds(r0, RPT)])
            plsc.subcore_barrier()

            for b in range(NBUF):
                pltpu.sync_copy(dst_hbm.at[wid, b], dsts_v.at[b])
                if not const_rows:
                    pltpu.async_copy(tab.at[srcs_v.at[b]], rows_v.at[b],
                                     gsem[b])

            @pl.loop(0, GROUPS)
            def grp(g):
                for b in range(NBUF):
                    if not const_rows:
                        wait_gather(b)

                    @pl.when(g > 0)
                    def _():
                        wait_dst(b)
                    pltpu.async_copy(rows_v.at[b],
                                     acc_sh.at[dsts_v.at[b]],
                                     ssem[b], add=True)

                @pl.when(g < GROUPS - 1)
                def _():
                    for b in range(NBUF):
                        wait_scatter(b)
                        pltpu.async_copy(
                            dst_hbm.at[wid, (g + 1) * NBUF + b],
                            dsts_v.at[b], dsem[b])
                        if not const_rows:
                            pltpu.async_copy(
                                tab.at[srcs_v.at[(g + 1) * NBUF + b]],
                                rows_v.at[b], gsem[b])

            for b in range(NBUF):
                wait_scatter(b)
            plsc.subcore_barrier()
            pltpu.sync_copy(acc_sh.at[pl.ds(r0, RPT)],
                            out_hbm.at[half, cid, pl.ds(r0, RPT)])

    return spmm(tlo, thi, src3, dst3, zeros)


BLK = 632


def _dense_layer(h, gp, efap, wmt, wme, bm, wat, wan, ba):
    din = h.shape[1]
    dh = din // 2
    dm = wmt.shape[1]

    def body(h_ref, g_ref, efa_ref, wmt_ref, wme_ref, bm_ref,
             wat_ref, wan_ref, ba_ref, out_ref):
        g_lo = g_ref[0, 0] + g_ref[0, 1]
        g_hi = g_ref[1, 0] + g_ref[1, 1]
        efa = efa_ref[0, 0] + efa_ref[0, 1]
        cnt = (efa_ref[1, 0] + efa_ref[1, 1])[:, 0:1]
        inv = 1.0 / jnp.maximum(cnt, 1.0)
        s = (jnp.dot(g_lo, wmt_ref[:dh], preferred_element_type=jnp.float32)
             + jnp.dot(g_hi, wmt_ref[dh:],
                       preferred_element_type=jnp.float32)
             + jnp.dot(efa, wme_ref[...], preferred_element_type=jnp.float32)
             + cnt * bm_ref[...])
        hn = s * inv
        out = (jnp.dot(h_ref[...], wat_ref[...],
                       preferred_element_type=jnp.float32)
               + jnp.dot(hn, wan_ref[...], preferred_element_type=jnp.float32)
               + ba_ref[...])
        out_ref[...] = jnp.maximum(out, 0.0)

    grid = NPS // BLK
    return pl.pallas_call(
        body,
        grid=(grid,),
        in_specs=[
            pl.BlockSpec((BLK, din), lambda i: (i, 0)),
            pl.BlockSpec((2, NC, BLK, dh), lambda i: (0, 0, i, 0)),
            pl.BlockSpec((2, NC, BLK, 16), lambda i: (0, 0, i, 0)),
            pl.BlockSpec((din, dm), lambda i: (0, 0)),
            pl.BlockSpec((16, dm), lambda i: (0, 0)),
            pl.BlockSpec((1, dm), lambda i: (0, 0)),
            pl.BlockSpec((din, dm), lambda i: (0, 0)),
            pl.BlockSpec((dm, dm), lambda i: (0, 0)),
            pl.BlockSpec((1, dm), lambda i: (0, 0)),
        ],
        out_specs=pl.BlockSpec((BLK, dm), lambda i: (i, 0)),
        out_shape=jax.ShapeDtypeStruct((NPS, dm), jnp.float32),
    )(h, gp, efap, wmt, wme, bm, wat, wan, ba)


def _pad2(w, r, c):
    return jnp.pad(w, ((0, r - w.shape[0]), (0, c - w.shape[1])))


def kernel(nfeats, edge_index, efeats, Wm1, bm1, Wa1, ba1,
           Wm2, bm2, Wa2, ba2, Wm3, bm3, Wa3, ba3):
    f32 = jnp.float32
    h0 = jnp.pad(nfeats[:, 0, :], ((0, NPS - N), (0, 0)))
    src3 = jnp.pad(edge_index[0], (0, EP - E)).reshape(NW, NCH, K)
    dst3 = jnp.pad(edge_index[1], (0, EP - E),
                   constant_values=N).reshape(NW, NCH, K)
    ef_tab = efeats[:, 0, :]
    ones_k = jnp.zeros((K, 16), f32).at[:, 0].set(1.0)
    eidx3 = jnp.pad(jnp.arange(E, dtype=jnp.int32),
                    (0, EP - E)).reshape(NW, NCH, K)

    z80 = jnp.zeros((NPS, 80), f32)
    z64 = jnp.zeros((NPS, 64), f32)
    z16 = jnp.zeros((NPS, 16), f32)

    efap = _spmm_sc(ef_tab, ones_k, eidx3, dst3, z16, 16, local=False,
                    count_hi=True)

    DH, DIN, DOUT, DHP = 152, 128, 128, 160
    g1 = _spmm_sc(h0[:, :64], h0[:, 64:], src3, dst3, z64, 64, local=True)
    h1 = _dense_layer(
        h0, g1, efap,
        _pad2(Wm1[:DIN], DIN, DHP), _pad2(Wm1[DIN:], 16, DHP),
        _pad2(bm1[None, :], 1, DHP),
        _pad2(Wa1[:DIN], DIN, DHP), _pad2(Wa1[DIN:], DHP, DHP),
        _pad2(ba1[None, :], 1, DHP))

    g2 = _spmm_sc(h1[:, :80], h1[:, 80:], src3, dst3, z80, 80, local=True)
    h2 = _dense_layer(
        h1, g2, efap,
        _pad2(Wm2[:DH], DHP, DHP), _pad2(Wm2[DH:], 16, DHP),
        _pad2(bm2[None, :], 1, DHP),
        _pad2(Wa2[:DH], DHP, DHP), _pad2(Wa2[DH:], DHP, DHP),
        _pad2(ba2[None, :], 1, DHP))

    g3 = _spmm_sc(h2[:, :80], h2[:, 80:], src3, dst3, z80, 80, local=True)
    h3 = _dense_layer(
        h2, g3, efap,
        _pad2(Wm3[:DH], DHP, DOUT), _pad2(Wm3[DH:], 16, DOUT),
        bm3[None, :],
        _pad2(Wa3[:DH], DHP, DOUT), _pad2(Wa3[DH:], DOUT, DOUT),
        ba3[None, :])

    return h3[:N]

# --- scband reference (transcript-rebuilt; emitter-appended) ---
"""Pipeline reference for scband-sage-3985729651444 (READ-ONLY COPY).

The authoritative reference and input builder live on the scoring server;
editing this copy changes nothing except your own understanding.
"""

import jax, jax.numpy as jnp
import numpy as np

N = 10000
E = 320000
DIN = 128
DE = 16
DH = 152
DOUT = 128


def _lin_init(k, fan_in, fan_out):
    k1, k2 = jax.random.split(k)
    lim = 1.0 / np.sqrt(fan_in)
    W = jax.random.uniform(k1, (fan_in, fan_out), jnp.float32, -lim, lim)
    b = jax.random.uniform(k2, (fan_out,), jnp.float32, -lim, lim)
    return W, b


def setup_inputs(seed: int = 0):
    key = jax.random.key(seed)
    ks = jax.random.split(key, 10)
    nfeats = jax.random.normal(ks[0], (N, 1, DIN), jnp.float32)
    edge_index = jax.random.randint(ks[1], (2, E), 0, N, jnp.int32)
    efeats = jax.random.normal(ks[2], (E, 1, DE), jnp.float32)
    Wm1, bm1 = _lin_init(ks[3], DIN + DE, DH)
    Wa1, ba1 = _lin_init(ks[4], DIN + DH, DH)
    Wm2, bm2 = _lin_init(ks[5], DH + DE, DH)
    Wa2, ba2 = _lin_init(ks[6], DH + DH, DH)
    Wm3, bm3 = _lin_init(ks[7], DH + DE, DOUT)
    Wa3, ba3 = _lin_init(ks[8], DH + DOUT, DOUT)
    return {"nfeats": nfeats, "edge_index": edge_index, "efeats": efeats,
            "Wm1": Wm1, "bm1": bm1, "Wa1": Wa1, "ba1": ba1,
            "Wm2": Wm2, "bm2": bm2, "Wa2": Wa2, "ba2": ba2,
            "Wm3": Wm3, "bm3": bm3, "Wa3": Wa3, "ba3": ba3}


def _sage_layer(h, ef, Wm, bm, Wa, ba, src, dst, n_nodes):
    # message: m = W_msg(cat([h[src], ef], dim=2))
    x = jnp.concatenate([h[src], ef], axis=2)  # [E, 1, din+de]
    m = x @ Wm + bm                             # [E, 1, dout]
    # mean aggregation over incoming edges (dst); zero for isolated nodes
    s = jax.ops.segment_sum(m, dst, num_segments=n_nodes)
    cnt = jax.ops.segment_sum(jnp.ones((dst.shape[0],), jnp.float32), dst, num_segments=n_nodes)
    h_neigh = s / jnp.clip(cnt, 1.0)[:, None, None]
    # apply: relu(W_apply(cat([h, h_neigh], dim=2)))
    out = jax.nn.relu(jnp.concatenate([h, h_neigh], axis=2) @ Wa + ba)
    return out


def reference(nfeats, edge_index, efeats, Wm1, bm1, Wa1, ba1, Wm2, bm2, Wa2, ba2, Wm3, bm3, Wa3, ba3):
    src = edge_index[0]
    dst = edge_index[1]
    n = nfeats.shape[0]
    h = _sage_layer(nfeats, efeats, Wm1, bm1, Wa1, ba1, src, dst, n)
    # dropout p=0.0 -> identity
    h = _sage_layer(h, efeats, Wm2, bm2, Wa2, ba2, src, dst, n)
    h = _sage_layer(h, efeats, Wm3, bm3, Wa3, ba3, src, dst, n)
    return h.sum(axis=1)  # [N, DOUT]

if __name__ == "__main__":
    import jax
    _d = setup_inputs()
    print(jax.jit(kernel)(*tuple(_d.values())))

</pallas_src>

<mosaic_0001>
#map = affine_map<(d0, d1) -> (0, 0)>
#map1 = affine_map<(d0, d1) -> (0, 0, 0)>
#map2 = affine_map<(d0, d1) -> (0, 0, 0, 0)>
module attributes {stable_mosaic.version = 14 : i64} {
  func.func @spmm(%arg0: i32, %arg1: i32, %arg2: memref<10112x64xf32, #tpu.memory_space<hbm>>, %arg3: memref<10112x64xf32, #tpu.memory_space<hbm>>, %arg4: memref<32x128x80xi32, #tpu.memory_space<hbm>>, %arg5: memref<32x128x80xi32, #tpu.memory_space<hbm>>, %arg6: memref<10112x64xf32, #tpu.memory_space<hbm>>, %arg7: memref<2x2x10112x64xf32, #tpu.memory_space<hbm>>, %arg8: memref<128x80xi32, #tpu.memory_space<vmem>>, %arg9: memref<2x80xi32, #tpu.memory_space<vmem>>, %arg10: memref<2x80x64xf32, #tpu.memory_space<vmem>>, %arg11: memref<10112x64xf32, #tpu.memory_space<vmem_shared>>, %arg12: memref<10112x64xf32, #tpu.memory_space<vmem_shared>>, %arg13: memref<!tpu.dma_semaphore, #tpu.memory_space<semaphore_mem>>, %arg14: memref<!tpu.dma_semaphore, #tpu.memory_space<semaphore_mem>>, %arg15: memref<!tpu.dma_semaphore, #tpu.memory_space<semaphore_mem>>, %arg16: memref<!tpu.dma_semaphore, #tpu.memory_space<semaphore_mem>>, %arg17: memref<!tpu.dma_semaphore, #tpu.memory_space<semaphore_mem>>, %arg18: memref<!tpu.dma_semaphore, #tpu.memory_space<semaphore_mem>>) attributes {dimension_semantics = [#tpu.dimension_semantics<core_parallel>, #tpu.dimension_semantics<subcore_parallel>], iteration_bounds = array<i64: 2, 16>, scalar_prefetch = 0 : i64, scratch_operands = 11 : i64, tpu.core_type = #tpu.core_type<sc_vector_subcore>, window_params = [{transform_indices = #map}, {transform_indices = #map}, {transform_indices = #map1}, {transform_indices = #map1}, {transform_indices = #map}, {transform_indices = #map2}]} {
    %mul3A = arith.constant 2 : i32
    %mul3A_0 = arith.muli %arg1, %mul3A : i32
    %add3A = arith.addi %mul3A_0, %arg0 : i32
    %mul3A_1 = arith.constant 632 : i32
    %mul3A_2 = arith.muli %arg1, %mul3A_1 : i32
    "tpu.region"() ({
      %run_scoped3A_130 = tpu.sem_alloc : memref<!tpu.dma_semaphore, #tpu.memory_space<semaphore_mem>>
      %dma_start3A_131 = arith.constant 0 : i32
      %dma_start3A_132 = arith.constant 0 : i32
      %dma_start3A_133 = tpu.memref_slice %arg4[%add3A, %dma_start3A_131, %dma_start3A_132] : memref<32x128x80xi32, #tpu.memory_space<hbm>> -> memref<1x128x80xi32, #tpu.memory_space<hbm>>
      %dma_start3A_134 = tpu.memref_squeeze %dma_start3A_133 : memref<1x128x80xi32, #tpu.memory_space<hbm>> -> memref<128x80xi32, #tpu.memory_space<hbm>>
      %dma_start3A_135 = arith.constant 0 : i32
      %dma_start3A_136 = arith.constant 0 : i32
      %dma_start3A_137 = tpu.memref_slice %arg4[%add3A, %dma_start3A_135, %dma_start3A_136] : memref<32x128x80xi32, #tpu.memory_space<hbm>> -> memref<1x128x80xi32, #tpu.memory_space<hbm>>
      %dma_start3A_138 = tpu.memref_squeeze %dma_start3A_137 : memref<1x128x80xi32, #tpu.memory_space<hbm>> -> memref<128x80xi32, #tpu.memory_space<hbm>>
      tpu.enqueue_dma source(%dma_start3A_138 : memref<128x80xi32, #tpu.memory_space<hbm>>) target(%arg8 : memref<128x80xi32, #tpu.memory_space<vmem>>) target_semaphore(%run_scoped3A_130 : memref<!tpu.dma_semaphore, #tpu.memory_space<semaphore_mem>>)
      %dma_wait3A_139 = arith.constant 0 : i32
      %dma_wait3A_140 = arith.constant 0 : i32
      %dma_wait3A_141 = tpu.memref_slice %arg4[%add3A, %dma_wait3A_139, %dma_wait3A_140] : memref<32x128x80xi32, #tpu.memory_space<hbm>> -> memref<1x128x80xi32, #tpu.memory_space<hbm>>
      %dma_wait3A_142 = tpu.memref_squeeze %dma_wait3A_141 : memref<1x128x80xi32, #tpu.memory_space<hbm>> -> memref<128x80xi32, #tpu.memory_space<hbm>>
      %dma_wait3A_143 = arith.constant 0 : i32
      %dma_wait3A_144 = arith.constant 0 : i32
      %dma_wait3A_145 = tpu.memref_slice %arg4[%add3A, %dma_wait3A_143, %dma_wait3A_144] : memref<32x128x80xi32, #tpu.memory_space<hbm>> -> memref<1x128x80xi32, #tpu.memory_space<hbm>>
      %dma_wait3A_146 = tpu.memref_squeeze %dma_wait3A_145 : memref<1x128x80xi32, #tpu.memory_space<hbm>> -> memref<128x80xi32, #tpu.memory_space<hbm>>
      tpu.wait_dma2 semaphore(%run_scoped3A_130 : memref<!tpu.dma_semaphore, #tpu.memory_space<semaphore_mem>>) src(%dma_wait3A_146 : memref<128x80xi32, #tpu.memory_space<hbm>>) dst(%arg8 : memref<128x80xi32, #tpu.memory_space<vmem>>)
      tpu.yield
    }) : () -> ()
    "tpu.region"() ({
      %run_scoped3A_130 = tpu.sem_alloc : memref<!tpu.dma_semaphore, #tpu.memory_space<semaphore_mem>>
      %dma_start3A_131 = arith.constant 0 : i32
      %dma_start3A_132 = tpu.memref_slice %arg12[%mul3A_2, %dma_start3A_131] : memref<10112x64xf32, #tpu.memory_space<vmem_shared>> -> memref<632x64xf32, #tpu.memory_space<vmem_shared>>
      %dma_start3A_133 = arith.constant 0 : i32
      %dma_start3A_134 = tpu.memref_slice %arg2[%mul3A_2, %dma_start3A_133] : memref<10112x64xf32, #tpu.memory_space<hbm>> -> memref<632x64xf32, #tpu.memory_space<hbm>>
      tpu.enqueue_dma source(%dma_start3A_134 : memref<632x64xf32, #tpu.memory_space<hbm>>) target(%dma_start3A_132 : memref<632x64xf32, #tpu.memory_space<vmem_shared>>) target_semaphore(%run_scoped3A_130 : memref<!tpu.dma_semaphore, #tpu.memory_space<semaphore_mem>>)
      %dma_wait3A_135 = arith.constant 0 : i32
      %dma_wait3A_136 = tpu.memref_slice %arg12[%mul3A_2, %dma_wait3A_135] : memref<10112x64xf32, #tpu.memory_space<vmem_shared>> -> memref<632x64xf32, #tpu.memory_space<vmem_shared>>
      %dma_wait3A_137 = arith.constant 0 : i32
      %dma_wait3A_138 = tpu.memref_slice %arg2[%mul3A_2, %dma_wait3A_137] : memref<10112x64xf32, #tpu.memory_space<hbm>> -> memref<632x64xf32, #tpu.memory_space<hbm>>
      tpu.wait_dma2 semaphore(%run_scoped3A_130 : memref<!tpu.dma_semaphore, #tpu.memory_space<semaphore_mem>>) src(%dma_wait3A_138 : memref<632x64xf32, #tpu.memory_space<hbm>>) dst(%dma_wait3A_136 : memref<632x64xf32, #tpu.memory_space<vmem_shared>>)
      tpu.yield
    }) : () -> ()
    "tpu.region"() ({
      %run_scoped3A_130 = tpu.sem_alloc : memref<!tpu.dma_semaphore, #tpu.memory_space<semaphore_mem>>
      %dma_start3A_131 = arith.constant 0 : i32
      %dma_start3A_132 = tpu.memref_slice %arg11[%mul3A_2, %dma_start3A_131] : memref<10112x64xf32, #tpu.memory_space<vmem_shared>> -> memref<632x64xf32, #tpu.memory_space<vmem_shared>>
      %dma_start3A_133 = arith.constant 0 : i32
      %dma_start3A_134 = tpu.memref_slice %arg6[%mul3A_2, %dma_start3A_133] : memref<10112x64xf32, #tpu.memory_space<hbm>> -> memref<632x64xf32, #tpu.memory_space<hbm>>
      tpu.enqueue_dma source(%dma_start3A_134 : memref<632x64xf32, #tpu.memory_space<hbm>>) target(%dma_start3A_132 : memref<632x64xf32, #tpu.memory_space<vmem_shared>>) target_semaphore(%run_scoped3A_130 : memref<!tpu.dma_semaphore, #tpu.memory_space<semaphore_mem>>)
      %dma_wait3A_135 = arith.constant 0 : i32
      %dma_wait3A_136 = tpu.memref_slice %arg11[%mul3A_2, %dma_wait3A_135] : memref<10112x64xf32, #tpu.memory_space<vmem_shared>> -> memref<632x64xf32, #tpu.memory_space<vmem_shared>>
      %dma_wait3A_137 = arith.constant 0 : i32
      %dma_wait3A_138 = tpu.memref_slice %arg6[%mul3A_2, %dma_wait3A_137] : memref<10112x64xf32, #tpu.memory_space<hbm>> -> memref<632x64xf32, #tpu.memory_space<hbm>>
      tpu.wait_dma2 semaphore(%run_scoped3A_130 : memref<!tpu.dma_semaphore, #tpu.memory_space<semaphore_mem>>) src(%dma_wait3A_138 : memref<632x64xf32, #tpu.memory_space<hbm>>) dst(%dma_wait3A_136 : memref<632x64xf32, #tpu.memory_space<vmem_shared>>)
      tpu.yield
    }) : () -> ()
    %barrier3A = arith.constant 0 : index
    tpu.barrier barrier_id(%barrier3A)
    %run_scoped3A = arith.constant 0 : i32
    %run_scoped3A_3 = arith.constant 0 : i32
    "tpu.region"() ({
      %run_scoped3A_130 = tpu.sem_alloc : memref<!tpu.dma_semaphore, #tpu.memory_space<semaphore_mem>>
      %dma_start3A_131 = arith.constant 0 : i32
      %dma_start3A_132 = tpu.memref_slice %arg9[%run_scoped3A_3, %dma_start3A_131] : memref<2x80xi32, #tpu.memory_space<vmem>> -> memref<1x80xi32, #tpu.memory_space<vmem>>
      %dma_start3A_133 = tpu.memref_squeeze %dma_start3A_132 : memref<1x80xi32, #tpu.memory_space<vmem>> -> memref<80xi32, #tpu.memory_space<vmem>>
      %dma_start3A_134 = arith.constant 0 : i32
      %dma_start3A_135 = tpu.memref_slice %arg5[%add3A, %run_scoped3A, %dma_start3A_134] : memref<32x128x80xi32, #tpu.memory_space<hbm>> -> memref<1x1x80xi32, #tpu.memory_space<hbm>>
      %dma_start3A_136 = tpu.memref_squeeze %dma_start3A_135 : memref<1x1x80xi32, #tpu.memory_space<hbm>> -> memref<80xi32, #tpu.memory_space<hbm>>
      %dma_start3A_137 = arith.constant 0 : i32
      %dma_start3A_138 = tpu.memref_slice %arg9[%run_scoped3A_3, %dma_start3A_137] : memref<2x80xi32, #tpu.memory_space<vmem>> -> memref<1x80xi32, #tpu.memory_space<vmem>>
      %dma_start3A_139 = tpu.memref_squeeze %dma_start3A_138 : memref<1x80xi32, #tpu.memory_space<vmem>> -> memref<80xi32, #tpu.memory_space<vmem>>
      %dma_start3A_140 = arith.constant 0 : i32
      %dma_start3A_141 = tpu.memref_slice %arg5[%add3A, %run_scoped3A, %dma_start3A_140] : memref<32x128x80xi32, #tpu.memory_space<hbm>> -> memref<1x1x80xi32, #tpu.memory_space<hbm>>
      %dma_start3A_142 = tpu.memref_squeeze %dma_start3A_141 : memref<1x1x80xi32, #tpu.memory_space<hbm>> -> memref<80xi32, #tpu.memory_space<hbm>>
      tpu.enqueue_dma source(%dma_start3A_142 : memref<80xi32, #tpu.memory_space<hbm>>) target(%dma_start3A_139 : memref<80xi32, #tpu.memory_space<vmem>>) target_semaphore(%run_scoped3A_130 : memref<!tpu.dma_semaphore, #tpu.memory_space<semaphore_mem>>)
      %dma_wait3A_143 = arith.constant 0 : i32
      %dma_wait3A_144 = tpu.memref_slice %arg9[%run_scoped3A_3, %dma_wait3A_143] : memref<2x80xi32, #tpu.memory_space<vmem>> -> memref<1x80xi32, #tpu.memory_space<vmem>>
      %dma_wait3A_145 = tpu.memref_squeeze %dma_wait3A_144 : memref<1x80xi32, #tpu.memory_space<vmem>> -> memref<80xi32, #tpu.memory_space<vmem>>
      %dma_wait3A_146 = arith.constant 0 : i32
      %dma_wait3A_147 = tpu.memref_slice %arg5[%add3A, %run_scoped3A, %dma_wait3A_146] : memref<32x128x80xi32, #tpu.memory_space<hbm>> -> memref<1x1x80xi32, #tpu.memory_space<hbm>>
      %dma_wait3A_148 = tpu.memref_squeeze %dma_wait3A_147 : memref<1x1x80xi32, #tpu.memory_space<hbm>> -> memref<80xi32, #tpu.memory_space<hbm>>
      %dma_wait3A_149 = arith.constant 0 : i32
      %dma_wait3A_150 = tpu.memref_slice %arg9[%run_scoped3A_3, %dma_wait3A_149] : memref<2x80xi32, #tpu.memory_space<vmem>> -> memref<1x80xi32, #tpu.memory_space<vmem>>
      %dma_wait3A_151 = tpu.memref_squeeze %dma_wait3A_150 : memref<1x80xi32, #tpu.memory_space<vmem>> -> memref<80xi32, #tpu.memory_space<vmem>>
      %dma_wait3A_152 = arith.constant 0 : i32
      %dma_wait3A_153 = tpu.memref_slice %arg5[%add3A, %run_scoped3A, %dma_wait3A_152] : memref<32x128x80xi32, #tpu.memory_space<hbm>> -> memref<1x1x80xi32, #tpu.memory_space<hbm>>
      %dma_wait3A_154 = tpu.memref_squeeze %dma_wait3A_153 : memref<1x1x80xi32, #tpu.memory_space<hbm>> -> memref<80xi32, #tpu.memory_space<hbm>>
      tpu.wait_dma2 semaphore(%run_scoped3A_130 : memref<!tpu.dma_semaphore, #tpu.memory_space<semaphore_mem>>) src(%dma_wait3A_154 : memref<80xi32, #tpu.memory_space<hbm>>) dst(%dma_wait3A_151 : memref<80xi32, #tpu.memory_space<vmem>>)
      tpu.yield
    }) : () -> ()
    %dma_start3A = arith.constant 0 : i32
    %dma_start3A_4 = arith.constant 0 : i32
    %dma_start3A_5 = arith.constant 0 : i32
    %dma_start3A_6 = arith.constant 0 : i32
    %dma_start3A_7 = tpu.memref_slice %arg10[%dma_start3A_4, %dma_start3A_5, %dma_start3A_6] : memref<2x80x64xf32, #tpu.memory_space<vmem>> -> memref<1x80x64xf32, #tpu.memory_space<vmem>>
    %dma_start3A_8 = tpu.memref_squeeze %dma_start3A_7 : memref<1x80x64xf32, #tpu.memory_space<vmem>> -> memref<80x64xf32, #tpu.memory_space<vmem>>
    %dma_start3A_9 = arith.constant 0 : i32
    %dma_start3A_10 = tpu.memref_slice %arg8[%dma_start3A, %dma_start3A_9] : memref<128x80xi32, #tpu.memory_space<vmem>> -> memref<1x80xi32, #tpu.memory_space<vmem>>
    %dma_start3A_11 = tpu.memref_squeeze %dma_start3A_10 : memref<1x80xi32, #tpu.memory_space<vmem>> -> memref<80xi32, #tpu.memory_space<vmem>>
    %dma_start3A_12 = arith.constant 0 : i32
    %dma_start3A_13 = arith.constant 0 : i32
    %dma_start3A_14 = tpu.memref_slice %arg12[%dma_start3A_12, %dma_start3A_13] : memref<10112x64xf32, #tpu.memory_space<vmem_shared>> -> memref<10112x64xf32, #tpu.memory_space<vmem_shared>>
    tpu.enqueue_indirect_dma source(%dma_start3A_14 : memref<10112x64xf32, #tpu.memory_space<vmem_shared>>) target(%dma_start3A_8 : memref<80x64xf32, #tpu.memory_space<vmem>>) offsets(%dma_start3A_11 : memref<80xi32, #tpu.memory_space<vmem>>) semaphore(%arg13 : memref<!tpu.dma_semaphore, #tpu.memory_space<semaphore_mem>>)
    %run_scoped3A_15 = arith.constant 1 : i32
    %run_scoped3A_16 = arith.constant 1 : i32
    "tpu.region"() ({
      %run_scoped3A_130 = tpu.sem_alloc : memref<!tpu.dma_semaphore, #tpu.memory_space<semaphore_mem>>
      %dma_start3A_131 = arith.constant 0 : i32
      %dma_start3A_132 = tpu.memref_slice %arg9[%run_scoped3A_16, %dma_start3A_131] : memref<2x80xi32, #tpu.memory_space<vmem>> -> memref<1x80xi32, #tpu.memory_space<vmem>>
      %dma_start3A_133 = tpu.memref_squeeze %dma_start3A_132 : memref<1x80xi32, #tpu.memory_space<vmem>> -> memref<80xi32, #tpu.memory_space<vmem>>
      %dma_start3A_134 = arith.constant 0 : i32
      %dma_start3A_135 = tpu.memref_slice %arg5[%add3A, %run_scoped3A_15, %dma_start3A_134] : memref<32x128x80xi32, #tpu.memory_space<hbm>> -> memref<1x1x80xi32, #tpu.memory_space<hbm>>
      %dma_start3A_136 = tpu.memref_squeeze %dma_start3A_135 : memref<1x1x80xi32, #tpu.memory_space<hbm>> -> memref<80xi32, #tpu.memory_space<hbm>>
      %dma_start3A_137 = arith.constant 0 : i32
      %dma_start3A_138 = tpu.memref_slice %arg9[%run_scoped3A_16, %dma_start3A_137] : memref<2x80xi32, #tpu.memory_space<vmem>> -> memref<1x80xi32, #tpu.memory_space<vmem>>
      %dma_start3A_139 = tpu.memref_squeeze %dma_start3A_138 : memref<1x80xi32, #tpu.memory_space<vmem>> -> memref<80xi32, #tpu.memory_space<vmem>>
      %dma_start3A_140 = arith.constant 0 : i32
      %dma_start3A_141 = tpu.memref_slice %arg5[%add3A, %run_scoped3A_15, %dma_start3A_140] : memref<32x128x80xi32, #tpu.memory_space<hbm>> -> memref<1x1x80xi32, #tpu.memory_space<hbm>>
      %dma_start3A_142 = tpu.memref_squeeze %dma_start3A_141 : memref<1x1x80xi32, #tpu.memory_space<hbm>> -> memref<80xi32, #tpu.memory_space<hbm>>
      tpu.enqueue_dma source(%dma_start3A_142 : memref<80xi32, #tpu.memory_space<hbm>>) target(%dma_start3A_139 : memref<80xi32, #tpu.memory_space<vmem>>) target_semaphore(%run_scoped3A_130 : memref<!tpu.dma_semaphore, #tpu.memory_space<semaphore_mem>>)
      %dma_wait3A_143 = arith.constant 0 : i32
      %dma_wait3A_144 = tpu.memref_slice %arg9[%run_scoped3A_16, %dma_wait3A_143] : memref<2x80xi32, #tpu.memory_space<vmem>> -> memref<1x80xi32, #tpu.memory_space<vmem>>
      %dma_wait3A_145 = tpu.memref_squeeze %dma_wait3A_144 : memref<1x80xi32, #tpu.memory_space<vmem>> -> memref<80xi32, #tpu.memory_space<vmem>>
      %dma_wait3A_146 = arith.constant 0 : i32
      %dma_wait3A_147 = tpu.memref_slice %arg5[%add3A, %run_scoped3A_15, %dma_wait3A_146] : memref<32x128x80xi32, #tpu.memory_space<hbm>> -> memref<1x1x80xi32, #tpu.memory_space<hbm>>
      %dma_wait3A_148 = tpu.memref_squeeze %dma_wait3A_147 : memref<1x1x80xi32, #tpu.memory_space<hbm>> -> memref<80xi32, #tpu.memory_space<hbm>>
      %dma_wait3A_149 = arith.constant 0 : i32
      %dma_wait3A_150 = tpu.memref_slice %arg9[%run_scoped3A_16, %dma_wait3A_149] : memref<2x80xi32, #tpu.memory_space<vmem>> -> memref<1x80xi32, #tpu.memory_space<vmem>>
      %dma_wait3A_151 = tpu.memref_squeeze %dma_wait3A_150 : memref<1x80xi32, #tpu.memory_space<vmem>> -> memref<80xi32, #tpu.memory_space<vmem>>
      %dma_wait3A_152 = arith.constant 0 : i32
      %dma_wait3A_153 = tpu.memref_slice %arg5[%add3A, %run_scoped3A_15, %dma_wait3A_152] : memref<32x128x80xi32, #tpu.memory_space<hbm>> -> memref<1x1x80xi32, #tpu.memory_space<hbm>>
      %dma_wait3A_154 = tpu.memref_squeeze %dma_wait3A_153 : memref<1x1x80xi32, #tpu.memory_space<hbm>> -> memref<80xi32, #tpu.memory_space<hbm>>
      tpu.wait_dma2 semaphore(%run_scoped3A_130 : memref<!tpu.dma_semaphore, #tpu.memory_space<semaphore_mem>>) src(%dma_wait3A_154 : memref<80xi32, #tpu.memory_space<hbm>>) dst(%dma_wait3A_151 : memref<80xi32, #tpu.memory_space<vmem>>)
      tpu.yield
    }) : () -> ()
    %dma_start3A_17 = arith.constant 1 : i32
    %dma_start3A_18 = arith.constant 1 : i32
    %dma_start3A_19 = arith.constant 0 : i32
    %dma_start3A_20 = arith.constant 0 : i32
    %dma_start3A_21 = tpu.memref_slice %arg10[%dma_start3A_18, %dma_start3A_19, %dma_start3A_20] : memref<2x80x64xf32, #tpu.memory_space<vmem>> -> memref<1x80x64xf32, #tpu.memory_space<vmem>>
    %dma_start3A_22 = tpu.memref_squeeze %dma_start3A_21 : memref<1x80x64xf32, #tpu.memory_space<vmem>> -> memref<80x64xf32, #tpu.memory_space<vmem>>
    %dma_start3A_23 = arith.constant 0 : i32
    %dma_start3A_24 = tpu.memref_slice %arg8[%dma_start3A_17, %dma_start3A_23] : memref<128x80xi32, #tpu.memory_space<vmem>> -> memref<1x80xi32, #tpu.memory_space<vmem>>
    %dma_start3A_25 = tpu.memref_squeeze %dma_start3A_24 : memref<1x80xi32, #tpu.memory_space<vmem>> -> memref<80xi32, #tpu.memory_space<vmem>>
    %dma_start3A_26 = arith.constant 0 : i32
    %dma_start3A_27 = arith.constant 0 : i32
    %dma_start3A_28 = tpu.memref_slice %arg12[%dma_start3A_26, %dma_start3A_27] : memref<10112x64xf32, #tpu.memory_space<vmem_shared>> -> memref<10112x64xf32, #tpu.memory_space<vmem_shared>>
    tpu.enqueue_indirect_dma source(%dma_start3A_28 : memref<10112x64xf32, #tpu.memory_space<vmem_shared>>) target(%dma_start3A_22 : memref<80x64xf32, #tpu.memory_space<vmem>>) offsets(%dma_start3A_25 : memref<80xi32, #tpu.memory_space<vmem>>) semaphore(%arg14 : memref<!tpu.dma_semaphore, #tpu.memory_space<semaphore_mem>>)
    %scan3A = arith.constant 0 : i32
    %scan3A_29 = arith.constant 64 : i32
    %scan3A_30 = arith.addi %scan3A, %scan3A_29 : i32
    %scan3A_31 = arith.constant 1 : i32
    scf.for %scan3A_130 = %scan3A to %scan3A_30 step %scan3A_31  : i32 {
      %mul3A_131 = arith.constant 1 : i32
      %mul3A_132 = arith.muli %scan3A_130, %mul3A_131 : i32
      %add3A_133 = arith.constant 0 : i32
      %add3A_134 = arith.addi %add3A_133, %mul3A_132 : i32
      %dma_wait3A_135 = arith.constant 0 : i32
      %dma_wait3A_136 = arith.constant 0 : i32
      %dma_wait3A_137 = arith.constant 0 : i32
      %dma_wait3A_138 = tpu.memref_slice %arg10[%dma_wait3A_135, %dma_wait3A_136, %dma_wait3A_137] : memref<2x80x64xf32, #tpu.memory_space<vmem>> -> memref<1x80x64xf32, #tpu.memory_space<vmem>>
      %dma_wait3A_139 = tpu.memref_squeeze %dma_wait3A_138 : memref<1x80x64xf32, #tpu.memory_space<vmem>> -> memref<80x64xf32, #tpu.memory_space<vmem>>
      %dma_wait3A_140 = arith.constant 0 : i32
      %dma_wait3A_141 = arith.constant 0 : i32
      %dma_wait3A_142 = tpu.memref_slice %arg6[%dma_wait3A_140, %dma_wait3A_141] : memref<10112x64xf32, #tpu.memory_space<hbm>> -> memref<80x64xf32, #tpu.memory_space<hbm>>
      %dma_wait3A_143 = arith.constant 0 : i32
      %dma_wait3A_144 = arith.constant 0 : i32
      %dma_wait3A_145 = tpu.memref_slice %arg10[%dma_wait3A_135, %dma_wait3A_143, %dma_wait3A_144] : memref<2x80x64xf32, #tpu.memory_space<vmem>> -> memref<1x80x64xf32, #tpu.memory_space<vmem>>
      %dma_wait3A_146 = tpu.memref_squeeze %dma_wait3A_145 : memref<1x80x64xf32, #tpu.memory_space<vmem>> -> memref<80x64xf32, #tpu.memory_space<vmem>>
      %dma_wait3A_147 = arith.constant 0 : i32
      %dma_wait3A_148 = arith.constant 0 : i32
      %dma_wait3A_149 = tpu.memref_slice %arg6[%dma_wait3A_147, %dma_wait3A_148] : memref<10112x64xf32, #tpu.memory_space<hbm>> -> memref<80x64xf32, #tpu.memory_space<hbm>>
      tpu.wait_dma2 semaphore(%arg13 : memref<!tpu.dma_semaphore, #tpu.memory_space<semaphore_mem>>) src(%dma_wait3A_149 : memref<80x64xf32, #tpu.memory_space<hbm>>) dst(%dma_wait3A_146 : memref<80x64xf32, #tpu.memory_space<vmem>>)
      %gt3A = arith.constant 0 : i32
      %gt3A_150 = arith.cmpi sgt, %add3A_134, %gt3A : i32
      %convert_element_type3A = arith.extui %gt3A_150 : i1 to i32
      %cond3A = arith.constant 0 : i32
      %cond3A_151 = arith.cmpi ne, %convert_element_type3A, %cond3A : i32
      scf.if %cond3A_151 {
        %dma_wait3A_200 = arith.constant 0 : i32
        %dma_wait3A_201 = arith.constant 0 : i32
        %dma_wait3A_202 = arith.constant 0 : i32
        %dma_wait3A_203 = tpu.memref_slice %arg9[%dma_wait3A_201, %dma_wait3A_202] : memref<2x80xi32, #tpu.memory_space<vmem>> -> memref<1x80xi32, #tpu.memory_space<vmem>>
        %dma_wait3A_204 = tpu.memref_squeeze %dma_wait3A_203 : memref<1x80xi32, #tpu.memory_space<vmem>> -> memref<80xi32, #tpu.memory_space<vmem>>
        %dma_wait3A_205 = arith.constant 0 : i32
        %dma_wait3A_206 = tpu.memref_slice %arg5[%add3A, %dma_wait3A_200, %dma_wait3A_205] : memref<32x128x80xi32, #tpu.memory_space<hbm>> -> memref<1x1x80xi32, #tpu.memory_space<hbm>>
        %dma_wait3A_207 = tpu.memref_squeeze %dma_wait3A_206 : memref<1x1x80xi32, #tpu.memory_space<hbm>> -> memref<80xi32, #tpu.memory_space<hbm>>
        %dma_wait3A_208 = arith.constant 0 : i32
        %dma_wait3A_209 = tpu.memref_slice %arg9[%dma_wait3A_201, %dma_wait3A_208] : memref<2x80xi32, #tpu.memory_space<vmem>> -> memref<1x80xi32, #tpu.memory_space<vmem>>
        %dma_wait3A_210 = tpu.memref_squeeze %dma_wait3A_209 : memref<1x80xi32, #tpu.memory_space<vmem>> -> memref<80xi32, #tpu.memory_space<vmem>>
        %dma_wait3A_211 = arith.constant 0 : i32
        %dma_wait3A_212 = tpu.memref_slice %arg5[%add3A, %dma_wait3A_200, %dma_wait3A_211] : memref<32x128x80xi32, #tpu.memory_space<hbm>> -> memref<1x1x80xi32, #tpu.memory_space<hbm>>
        %dma_wait3A_213 = tpu.memref_squeeze %dma_wait3A_212 : memref<1x1x80xi32, #tpu.memory_space<hbm>> -> memref<80xi32, #tpu.memory_space<hbm>>
        tpu.wait_dma2 semaphore(%arg17 : memref<!tpu.dma_semaphore, #tpu.memory_space<semaphore_mem>>) src(%dma_wait3A_213 : memref<80xi32, #tpu.memory_space<hbm>>) dst(%dma_wait3A_210 : memref<80xi32, #tpu.memory_space<vmem>>)
      } else {
      }
      %dma_start3A_152 = arith.constant 0 : i32
      %dma_start3A_153 = arith.constant 0 : i32
      %dma_start3A_154 = arith.constant 0 : i32
      %dma_start3A_155 = arith.constant 0 : i32
      %dma_start3A_156 = tpu.memref_slice %arg10[%dma_start3A_152, %dma_start3A_154, %dma_start3A_155] : memref<2x80x64xf32, #tpu.memory_space<vmem>> -> memref<1x80x64xf32, #tpu.memory_space<vmem>>
      %dma_start3A_157 = tpu.memref_squeeze %dma_start3A_156 : memref<1x80x64xf32, #tpu.memory_space<vmem>> -> memref<80x64xf32, #tpu.memory_space<vmem>>
      %dma_start3A_158 = arith.constant 0 : i32
      %dma_start3A_159 = tpu.memref_slice %arg9[%dma_start3A_153, %dma_start3A_158] : memref<2x80xi32, #tpu.memory_space<vmem>> -> memref<1x80xi32, #tpu.memory_space<vmem>>
      %dma_start3A_160 = tpu.memref_squeeze %dma_start3A_159 : memref<1x80xi32, #tpu.memory_space<vmem>> -> memref<80xi32, #tpu.memory_space<vmem>>
      %dma_start3A_161 = arith.constant 0 : i32
      %dma_start3A_162 = arith.constant 0 : i32
      %dma_start3A_163 = tpu.memref_slice %arg11[%dma_start3A_161, %dma_start3A_162] : memref<10112x64xf32, #tpu.memory_space<vmem_shared>> -> memref<10112x64xf32, #tpu.memory_space<vmem_shared>>
      tpu.enqueue_indirect_dma source(%dma_start3A_157 : memref<80x64xf32, #tpu.memory_space<vmem>>) target(%dma_start3A_163 : memref<10112x64xf32, #tpu.memory_space<vmem_shared>>) offsets(%dma_start3A_160 : memref<80xi32, #tpu.memory_space<vmem>>) semaphore(%arg15 : memref<!tpu.dma_semaphore, #tpu.memory_space<semaphore_mem>>) {add = true}
      %dma_wait3A_164 = arith.constant 1 : i32
      %dma_wait3A_165 = arith.constant 0 : i32
      %dma_wait3A_166 = arith.constant 0 : i32
      %dma_wait3A_167 = tpu.memref_slice %arg10[%dma_wait3A_164, %dma_wait3A_165, %dma_wait3A_166] : memref<2x80x64xf32, #tpu.memory_space<vmem>> -> memref<1x80x64xf32, #tpu.memory_space<vmem>>
      %dma_wait3A_168 = tpu.memref_squeeze %dma_wait3A_167 : memref<1x80x64xf32, #tpu.memory_space<vmem>> -> memref<80x64xf32, #tpu.memory_space<vmem>>
      %dma_wait3A_169 = arith.constant 0 : i32
      %dma_wait3A_170 = arith.constant 0 : i32
      %dma_wait3A_171 = tpu.memref_slice %arg6[%dma_wait3A_169, %dma_wait3A_170] : memref<10112x64xf32, #tpu.memory_space<hbm>> -> memref<80x64xf32, #tpu.memory_space<hbm>>
      %dma_wait3A_172 = arith.constant 0 : i32
      %dma_wait3A_173 = arith.constant 0 : i32
      %dma_wait3A_174 = tpu.memref_slice %arg10[%dma_wait3A_164, %dma_wait3A_172, %dma_wait3A_173] : memref<2x80x64xf32, #tpu.memory_space<vmem>> -> memref<1x80x64xf32, #tpu.memory_space<vmem>>
      %dma_wait3A_175 = tpu.memref_squeeze %dma_wait3A_174 : memref<1x80x64xf32, #tpu.memory_space<vmem>> -> memref<80x64xf32, #tpu.memory_space<vmem>>
      %dma_wait3A_176 = arith.constant 0 : i32
      %dma_wait3A_177 = arith.constant 0 : i32
      %dma_wait3A_178 = tpu.memref_slice %arg6[%dma_wait3A_176, %dma_wait3A_177] : memref<10112x64xf32, #tpu.memory_space<hbm>> -> memref<80x64xf32, #tpu.memory_space<hbm>>
      tpu.wait_dma2 semaphore(%arg14 : memref<!tpu.dma_semaphore, #tpu.memory_space<semaphore_mem>>) src(%dma_wait3A_178 : memref<80x64xf32, #tpu.memory_space<hbm>>) dst(%dma_wait3A_175 : memref<80x64xf32, #tpu.memory_space<vmem>>)
      %gt3A_179 = arith.constant 0 : i32
      %gt3A_180 = arith.cmpi sgt, %add3A_134, %gt3A_179 : i32
      %convert_element_type3A_181 = arith.extui %gt3A_180 : i1 to i32
      %cond3A_182 = arith.constant 0 : i32
      %cond3A_183 = arith.cmpi ne, %convert_element_type3A_181, %cond3A_182 : i32
      scf.if %cond3A_183 {
        %dma_wait3A_200 = arith.constant 0 : i32
        %dma_wait3A_201 = arith.constant 1 : i32
        %dma_wait3A_202 = arith.constant 0 : i32
        %dma_wait3A_203 = tpu.memref_slice %arg9[%dma_wait3A_201, %dma_wait3A_202] : memref<2x80xi32, #tpu.memory_space<vmem>> -> memref<1x80xi32, #tpu.memory_space<vmem>>
        %dma_wait3A_204 = tpu.memref_squeeze %dma_wait3A_203 : memref<1x80xi32, #tpu.memory_space<vmem>> -> memref<80xi32, #tpu.memory_space<vmem>>
        %dma_wait3A_205 = arith.constant 0 : i32
        %dma_wait3A_206 = tpu.memref_slice %arg5[%add3A, %dma_wait3A_200, %dma_wait3A_205] : memref<32x128x80xi32, #tpu.memory_space<hbm>> -> memref<1x1x80xi32, #tpu.memory_space<hbm>>
        %dma_wait3A_207 = tpu.memref_squeeze %dma_wait3A_206 : memref<1x1x80xi32, #tpu.memory_space<hbm>> -> memref<80xi32, #tpu.memory_space<hbm>>
        %dma_wait3A_208 = arith.constant 0 : i32
        %dma_wait3A_209 = tpu.memref_slice %arg9[%dma_wait3A_201, %dma_wait3A_208] : memref<2x80xi32, #tpu.memory_space<vmem>> -> memref<1x80xi32, #tpu.memory_space<vmem>>
        %dma_wait3A_210 = tpu.memref_squeeze %dma_wait3A_209 : memref<1x80xi32, #tpu.memory_space<vmem>> -> memref<80xi32, #tpu.memory_space<vmem>>
        %dma_wait3A_211 = arith.constant 0 : i32
        %dma_wait3A_212 = tpu.memref_slice %arg5[%add3A, %dma_wait3A_200, %dma_wait3A_211] : memref<32x128x80xi32, #tpu.memory_space<hbm>> -> memref<1x1x80xi32, #tpu.memory_space<hbm>>
        %dma_wait3A_213 = tpu.memref_squeeze %dma_wait3A_212 : memref<1x1x80xi32, #tpu.memory_space<hbm>> -> memref<80xi32, #tpu.memory_space<hbm>>
        tpu.wait_dma2 semaphore(%arg18 : memref<!tpu.dma_semaphore, #tpu.memory_space<semaphore_mem>>) src(%dma_wait3A_213 : memref<80xi32, #tpu.memory_space<hbm>>) dst(%dma_wait3A_210 : memref<80xi32, #tpu.memory_space<vmem>>)
      } else {
      }
      %dma_start3A_184 = arith.constant 1 : i32
      %dma_start3A_185 = arith.constant 1 : i32
      %dma_start3A_186 = arith.constant 0 : i32
      %dma_start3A_187 = arith.constant 0 : i32
      %dma_start3A_188 = tpu.memref_slice %arg10[%dma_start3A_184, %dma_start3A_186, %dma_start3A_187] : memref<2x80x64xf32, #tpu.memory_space<vmem>> -> memref<1x80x64xf32, #tpu.memory_space<vmem>>
      %dma_start3A_189 = tpu.memref_squeeze %dma_start3A_188 : memref<1x80x64xf32, #tpu.memory_space<vmem>> -> memref<80x64xf32, #tpu.memory_space<vmem>>
      %dma_start3A_190 = arith.constant 0 : i32
      %dma_start3A_191 = tpu.memref_slice %arg9[%dma_start3A_185, %dma_start3A_190] : memref<2x80xi32, #tpu.memory_space<vmem>> -> memref<1x80xi32, #tpu.memory_space<vmem>>
      %dma_start3A_192 = tpu.memref_squeeze %dma_start3A_191 : memref<1x80xi32, #tpu.memory_space<vmem>> -> memref<80xi32, #tpu.memory_space<vmem>>
      %dma_start3A_193 = arith.constant 0 : i32
      %dma_start3A_194 = arith.constant 0 : i32
      %dma_start3A_195 = tpu.memref_slice %arg11[%dma_start3A_193, %dma_start3A_194] : memref<10112x64xf32, #tpu.memory_space<vmem_shared>> -> memref<10112x64xf32, #tpu.memory_space<vmem_shared>>
      tpu.enqueue_indirect_dma source(%dma_start3A_189 : memref<80x64xf32, #tpu.memory_space<vmem>>) target(%dma_start3A_195 : memref<10112x64xf32, #tpu.memory_space<vmem_shared>>) offsets(%dma_start3A_192 : memref<80xi32, #tpu.memory_space<vmem>>) semaphore(%arg16 : memref<!tpu.dma_semaphore, #tpu.memory_space<semaphore_mem>>) {add = true}
      %lt3A = arith.constant 63 : i32
      %lt3A_196 = arith.cmpi slt, %add3A_134, %lt3A : i32
      %convert_element_type3A_197 = arith.extui %lt3A_196 : i1 to i32
      %cond3A_198 = arith.constant 0 : i32
      %cond3A_199 = arith.cmpi ne, %convert_element_type3A_197, %cond3A_198 : i32
      scf.if %cond3A_199 {
        %dma_wait3A_200 = arith.constant 0 : i32
        %dma_wait3A_201 = arith.constant 0 : i32
        %dma_wait3A_202 = arith.constant 0 : i32
        %dma_wait3A_203 = tpu.memref_slice %arg10[%dma_wait3A_200, %dma_wait3A_201, %dma_wait3A_202] : memref<2x80x64xf32, #tpu.memory_space<vmem>> -> memref<1x80x64xf32, #tpu.memory_space<vmem>>
        %dma_wait3A_204 = tpu.memref_squeeze %dma_wait3A_203 : memref<1x80x64xf32, #tpu.memory_space<vmem>> -> memref<80x64xf32, #tpu.memory_space<vmem>>
        %dma_wait3A_205 = arith.constant 0 : i32
        %dma_wait3A_206 = arith.constant 0 : i32
        %dma_wait3A_207 = tpu.memref_slice %arg11[%dma_wait3A_205, %dma_wait3A_206] : memref<10112x64xf32, #tpu.memory_space<vmem_shared>> -> memref<80x64xf32, #tpu.memory_space<vmem_shared>>
        %dma_wait3A_208 = arith.constant 0 : i32
        %dma_wait3A_209 = arith.constant 0 : i32
        %dma_wait3A_210 = tpu.memref_slice %arg11[%dma_wait3A_208, %dma_wait3A_209] : memref<10112x64xf32, #tpu.memory_space<vmem_shared>> -> memref<80x64xf32, #tpu.memory_space<vmem_shared>>
        %dma_wait3A_211 = arith.constant 0 : i32
        %dma_wait3A_212 = arith.constant 0 : i32
        %dma_wait3A_213 = tpu.memref_slice %arg10[%dma_wait3A_200, %dma_wait3A_211, %dma_wait3A_212] : memref<2x80x64xf32, #tpu.memory_space<vmem>> -> memref<1x80x64xf32, #tpu.memory_space<vmem>>
        %dma_wait3A_214 = tpu.memref_squeeze %dma_wait3A_213 : memref<1x80x64xf32, #tpu.memory_space<vmem>> -> memref<80x64xf32, #tpu.memory_space<vmem>>
        tpu.wait_dma2 semaphore(%arg15 : memref<!tpu.dma_semaphore, #tpu.memory_space<semaphore_mem>>) src(%dma_wait3A_214 : memref<80x64xf32, #tpu.memory_space<vmem>>) dst(%dma_wait3A_210 : memref<80x64xf32, #tpu.memory_space<vmem_shared>>)
        %add3A_215 = arith.constant 1 : i32
        %add3A_216 = arith.addi %add3A_134, %add3A_215 : i32
        %mul3A_217 = arith.constant 2 : i32
        %mul3A_218 = arith.muli %add3A_216, %mul3A_217 : i32
        %add3A_219 = arith.constant 0 : i32
        %add3A_220 = arith.addi %mul3A_218, %add3A_219 : i32
        %dma_start3A_221 = arith.constant 0 : i32
        %dma_start3A_222 = arith.constant 0 : i32
        %dma_start3A_223 = tpu.memref_slice %arg9[%dma_start3A_221, %dma_start3A_222] : memref<2x80xi32, #tpu.memory_space<vmem>> -> memref<1x80xi32, #tpu.memory_space<vmem>>
        %dma_start3A_224 = tpu.memref_squeeze %dma_start3A_223 : memref<1x80xi32, #tpu.memory_space<vmem>> -> memref<80xi32, #tpu.memory_space<vmem>>
        %dma_start3A_225 = arith.constant 0 : i32
        %dma_start3A_226 = tpu.memref_slice %arg5[%add3A, %add3A_220, %dma_start3A_225] : memref<32x128x80xi32, #tpu.memory_space<hbm>> -> memref<1x1x80xi32, #tpu.memory_space<hbm>>
        %dma_start3A_227 = tpu.memref_squeeze %dma_start3A_226 : memref<1x1x80xi32, #tpu.memory_space<hbm>> -> memref<80xi32, #tpu.memory_space<hbm>>
        %dma_start3A_228 = arith.constant 0 : i32
        %dma_start3A_229 = tpu.memref_slice %arg9[%dma_start3A_221, %dma_start3A_228] : memref<2x80xi32, #tpu.memory_space<vmem>> -> memref<1x80xi32, #tpu.memory_space<vmem>>
        %dma_start3A_230 = tpu.memref_squeeze %dma_start3A_229 : memref<1x80xi32, #tpu.memory_space<vmem>> -> memref<80xi32, #tpu.memory_space<vmem>>
        %dma_start3A_231 = arith.constant 0 : i32
        %dma_start3A_232 = tpu.memref_slice %arg5[%add3A, %add3A_220, %dma_start3A_231] : memref<32x128x80xi32, #tpu.memory_space<hbm>> -> memref<1x1x80xi32, #tpu.memory_space<hbm>>
        %dma_start3A_233 = tpu.memref_squeeze %dma_start3A_232 : memref<1x1x80xi32, #tpu.memory_space<hbm>> -> memref<80xi32, #tpu.memory_space<hbm>>
        tpu.enqueue_dma source(%dma_start3A_233 : memref<80xi32, #tpu.memory_space<hbm>>) target(%dma_start3A_230 : memref<80xi32, #tpu.memory_space<vmem>>) target_semaphore(%arg17 : memref<!tpu.dma_semaphore, #tpu.memory_space<semaphore_mem>>)
        %add3A_234 = arith.constant 1 : i32
        %add3A_235 = arith.addi %add3A_134, %add3A_234 : i32
        %mul3A_236 = arith.constant 2 : i32
        %mul3A_237 = arith.muli %add3A_235, %mul3A_236 : i32
        %add3A_238 = arith.constant 0 : i32
        %add3A_239 = arith.addi %mul3A_237, %add3A_238 : i32
        %dma_start3A_240 = arith.constant 0 : i32
        %dma_start3A_241 = arith.constant 0 : i32
        %dma_start3A_242 = arith.constant 0 : i32
        %dma_start3A_243 = tpu.memref_slice %arg10[%dma_start3A_240, %dma_start3A_241, %dma_start3A_242] : memref<2x80x64xf32, #tpu.memory_space<vmem>> -> memref<1x80x64xf32, #tpu.memory_space<vmem>>
        %dma_start3A_244 = tpu.memref_squeeze %dma_start3A_243 : memref<1x80x64xf32, #tpu.memory_space<vmem>> -> memref<80x64xf32, #tpu.memory_space<vmem>>
        %dma_start3A_245 = arith.constant 0 : i32
        %dma_start3A_246 = tpu.memref_slice %arg8[%add3A_239, %dma_start3A_245] : memref<128x80xi32, #tpu.memory_space<vmem>> -> memref<1x80xi32, #tpu.memory_space<vmem>>
        %dma_start3A_247 = tpu.memref_squeeze %dma_start3A_246 : memref<1x80xi32, #tpu.memory_space<vmem>> -> memref<80xi32, #tpu.memory_space<vmem>>
        %dma_start3A_248 = arith.constant 0 : i32
        %dma_start3A_249 = arith.constant 0 : i32
        %dma_start3A_250 = tpu.memref_slice %arg12[%dma_start3A_248, %dma_start3A_249] : memref<10112x64xf32, #tpu.memory_space<vmem_shared>> -> memref<10112x64xf32, #tpu.memory_space<vmem_shared>>
        tpu.enqueue_indirect_dma source(%dma_start3A_250 : memref<10112x64xf32, #tpu.memory_space<vmem_shared>>) target(%dma_start3A_244 : memref<80x64xf32, #tpu.memory_space<vmem>>) offsets(%dma_start3A_247 : memref<80xi32, #tpu.memory_space<vmem>>) semaphore(%arg13 : memref<!tpu.dma_semaphore, #tpu.memory_space<semaphore_mem>>)
        %dma_wait3A_251 = arith.constant 1 : i32
        %dma_wait3A_252 = arith.constant 0 : i32
        %dma_wait3A_253 = arith.constant 0 : i32
        %dma_wait3A_254 = tpu.memref_slice %arg10[%dma_wait3A_251, %dma_wait3A_252, %dma_wait3A_253] : memref<2x80x64xf32, #tpu.memory_space<vmem>> -> memref<1x80x64xf32, #tpu.memory_space<vmem>>
        %dma_wait3A_255 = tpu.memref_squeeze %dma_wait3A_254 : memref<1x80x64xf32, #tpu.memory_space<vmem>> -> memref<80x64xf32, #tpu.memory_space<vmem>>
        %dma_wait3A_256 = arith.constant 0 : i32
        %dma_wait3A_257 = arith.constant 0 : i32
        %dma_wait3A_258 = tpu.memref_slice %arg11[%dma_wait3A_256, %dma_wait3A_257] : memref<10112x64xf32, #tpu.memory_space<vmem_shared>> -> memref<80x64xf32, #tpu.memory_space<vmem_shared>>
        %dma_wait3A_259 = arith.constant 0 : i32
        %dma_wait3A_260 = arith.constant 0 : i32
        %dma_wait3A_261 = tpu.memref_slice %arg11[%dma_wait3A_259, %dma_wait3A_260] : memref<10112x64xf32, #tpu.memory_space<vmem_shared>> -> memref<80x64xf32, #tpu.memory_space<vmem_shared>>
        %dma_wait3A_262 = arith.constant 0 : i32
        %dma_wait3A_263 = arith.constant 0 : i32
        %dma_wait3A_264 = tpu.memref_slice %arg10[%dma_wait3A_251, %dma_wait3A_262, %dma_wait3A_263] : memref<2x80x64xf32, #tpu.memory_space<vmem>> -> memref<1x80x64xf32, #tpu.memory_space<vmem>>
        %dma_wait3A_265 = tpu.memref_squeeze %dma_wait3A_264 : memref<1x80x64xf32, #tpu.memory_space<vmem>> -> memref<80x64xf32, #tpu.memory_space<vmem>>
        tpu.wait_dma2 semaphore(%arg16 : memref<!tpu.dma_semaphore, #tpu.memory_space<semaphore_mem>>) src(%dma_wait3A_265 : memref<80x64xf32, #tpu.memory_space<vmem>>) dst(%dma_wait3A_261 : memref<80x64xf32, #tpu.memory_space<vmem_shared>>)
        %add3A_266 = arith.constant 1 : i32
        %add3A_267 = arith.addi %add3A_134, %add3A_266 : i32
        %mul3A_268 = arith.constant 2 : i32
        %mul3A_269 = arith.muli %add3A_267, %mul3A_268 : i32
        %add3A_270 = arith.constant 1 : i32
        %add3A_271 = arith.addi %mul3A_269, %add3A_270 : i32
        %dma_start3A_272 = arith.constant 1 : i32
        %dma_start3A_273 = arith.constant 0 : i32
        %dma_start3A_274 = tpu.memref_slice %arg9[%dma_start3A_272, %dma_start3A_273] : memref<2x80xi32, #tpu.memory_space<vmem>> -> memref<1x80xi32, #tpu.memory_space<vmem>>
        %dma_start3A_275 = tpu.memref_squeeze %dma_start3A_274 : memref<1x80xi32, #tpu.memory_space<vmem>> -> memref<80xi32, #tpu.memory_space<vmem>>
        %dma_start3A_276 = arith.constant 0 : i32
        %dma_start3A_277 = tpu.memref_slice %arg5[%add3A, %add3A_271, %dma_start3A_276] : memref<32x128x80xi32, #tpu.memory_space<hbm>> -> memref<1x1x80xi32, #tpu.memory_space<hbm>>
        %dma_start3A_278 = tpu.memref_squeeze %dma_start3A_277 : memref<1x1x80xi32, #tpu.memory_space<hbm>> -> memref<80xi32, #tpu.memory_space<hbm>>
        %dma_start3A_279 = arith.constant 0 : i32
        %dma_start3A_280 = tpu.memref_slice %arg9[%dma_start3A_272, %dma_start3A_279] : memref<2x80xi32, #tpu.memory_space<vmem>> -> memref<1x80xi32, #tpu.memory_space<vmem>>
        %dma_start3A_281 = tpu.memref_squeeze %dma_start3A_280 : memref<1x80xi32, #tpu.memory_space<vmem>> -> memref<80xi32, #tpu.memory_space<vmem>>
        %dma_start3A_282 = arith.constant 0 : i32
        %dma_start3A_283 = tpu.memref_slice %arg5[%add3A, %add3A_271, %dma_start3A_282] : memref<32x128x80xi32, #tpu.memory_space<hbm>> -> memref<1x1x80xi32, #tpu.memory_space<hbm>>
        %dma_start3A_284 = tpu.memref_squeeze %dma_start3A_283 : memref<1x1x80xi32, #tpu.memory_space<hbm>> -> memref<80xi32, #tpu.memory_space<hbm>>
        tpu.enqueue_dma source(%dma_start3A_284 : memref<80xi32, #tpu.memory_space<hbm>>) target(%dma_start3A_281 : memref<80xi32, #tpu.memory_space<vmem>>) target_semaphore(%arg18 : memref<!tpu.dma_semaphore, #tpu.memory_space<semaphore_mem>>)
        %add3A_285 = arith.constant 1 : i32
        %add3A_286 = arith.addi %add3A_134, %add3A_285 : i32
        %mul3A_287 = arith.constant 2 : i32
        %mul3A_288 = arith.muli %add3A_286, %mul3A_287 : i32
        %add3A_289 = arith.constant 1 : i32
        %add3A_290 = arith.addi %mul3A_288, %add3A_289 : i32
        %dma_start3A_291 = arith.constant 1 : i32
        %dma_start3A_292 = arith.constant 0 : i32
        %dma_start3A_293 = arith.constant 0 : i32
        %dma_start3A_294 = tpu.memref_slice %arg10[%dma_start3A_291, %dma_start3A_292, %dma_start3A_293] : memref<2x80x64xf32, #tpu.memory_space<vmem>> -> memref<1x80x64xf32, #tpu.memory_space<vmem>>
        %dma_start3A_295 = tpu.memref_squeeze %dma_start3A_294 : memref<1x80x64xf32, #tpu.memory_space<vmem>> -> memref<80x64xf32, #tpu.memory_space<vmem>>
        %dma_start3A_296 = arith.constant 0 : i32
        %dma_start3A_297 = tpu.memref_slice %arg8[%add3A_290, %dma_start3A_296] : memref<128x80xi32, #tpu.memory_space<vmem>> -> memref<1x80xi32, #tpu.memory_space<vmem>>
        %dma_start3A_298 = tpu.memref_squeeze %dma_start3A_297 : memref<1x80xi32, #tpu.memory_space<vmem>> -> memref<80xi32, #tpu.memory_space<vmem>>
        %dma_start3A_299 = arith.constant 0 : i32
        %dma_start3A_300 = arith.constant 0 : i32
        %dma_start3A_301 = tpu.memref_slice %arg12[%dma_start3A_299, %dma_start3A_300] : memref<10112x64xf32, #tpu.memory_space<vmem_shared>> -> memref<10112x64xf32, #tpu.memory_space<vmem_shared>>
        tpu.enqueue_indirect_dma source(%dma_start3A_301 : memref<10112x64xf32, #tpu.memory_space<vmem_shared>>) target(%dma_start3A_295 : memref<80x64xf32, #tpu.memory_space<vmem>>) offsets(%dma_start3A_298 : memref<80xi32, #tpu.memory_space<vmem>>) semaphore(%arg14 : memref<!tpu.dma_semaphore, #tpu.memory_space<semaphore_mem>>)
      } else {
      }
    }
    %scan3A_32 = arith.constant 64 : i32
    %dma_wait3A = arith.constant 0 : i32
    %dma_wait3A_33 = arith.constant 0 : i32
    %dma_wait3A_34 = arith.constant 0 : i32
    %dma_wait3A_35 = tpu.memref_slice %arg10[%dma_wait3A, %dma_wait3A_33, %dma_wait3A_34] : memref<2x80x64xf32, #tpu.memory_space<vmem>> -> memref<1x80x64xf32, #tpu.memory_space<vmem>>
    %dma_wait3A_36 = tpu.memref_squeeze %dma_wait3A_35 : memref<1x80x64xf32, #tpu.memory_space<vmem>> -> memref<80x64xf32, #tpu.memory_space<vmem>>
    %dma_wait3A_37 = arith.constant 0 : i32
    %dma_wait3A_38 = arith.constant 0 : i32
    %dma_wait3A_39 = tpu.memref_slice %arg11[%dma_wait3A_37, %dma_wait3A_38] : memref<10112x64xf32, #tpu.memory_space<vmem_shared>> -> memref<80x64xf32, #tpu.memory_space<vmem_shared>>
    %dma_wait3A_40 = arith.constant 0 : i32
    %dma_wait3A_41 = arith.constant 0 : i32
    %dma_wait3A_42 = tpu.memref_slice %arg11[%dma_wait3A_40, %dma_wait3A_41] : memref<10112x64xf32, #tpu.memory_space<vmem_shared>> -> memref<80x64xf32, #tpu.memory_space<vmem_shared>>
    %dma_wait3A_43 = arith.constant 0 : i32
    %dma_wait3A_44 = arith.constant 0 : i32
    %dma_wait3A_45 = tpu.memref_slice %arg10[%dma_wait3A, %dma_wait3A_43, %dma_wait3A_44] : memref<2x80x64xf32, #tpu.memory_space<vmem>> -> memref<1x80x64xf32, #tpu.memory_space<vmem>>
    %dma_wait3A_46 = tpu.memref_squeeze %dma_wait3A_45 : memref<1x80x64xf32, #tpu.memory_space<vmem>> -> memref<80x64xf32, #tpu.memory_space<vmem>>
    tpu.wait_dma2 semaphore(%arg15 : memref<!tpu.dma_semaphore, #tpu.memory_space<semaphore_mem>>) src(%dma_wait3A_46 : memref<80x64xf32, #tpu.memory_space<vmem>>) dst(%dma_wait3A_42 : memref<80x64xf32, #tpu.memory_space<vmem_shared>>)
    %dma_wait3A_47 = arith.constant 1 : i32
    %dma_wait3A_48 = arith.constant 0 : i32
    %dma_wait3A_49 = arith.constant 0 : i32
    %dma_wait3A_50 = tpu.memref_slice %arg10[%dma_wait3A_47, %dma_wait3A_48, %dma_wait3A_49] : memref<2x80x64xf32, #tpu.memory_space<vmem>> -> memref<1x80x64xf32, #tpu.memory_space<vmem>>
    %dma_wait3A_51 = tpu.memref_squeeze %dma_wait3A_50 : memref<1x80x64xf32, #tpu.memory_space<vmem>> -> memref<80x64xf32, #tpu.memory_space<vmem>>
    %dma_wait3A_52 = arith.constant 0 : i32
    %dma_wait3A_53 = arith.constant 0 : i32
    %dma_wait3A_54 = tpu.memref_slice %arg11[%dma_wait3A_52, %dma_wait3A_53] : memref<10112x64xf32, #tpu.memory_space<vmem_shared>> -> memref<80x64xf32, #tpu.memory_space<vmem_shared>>
    %dma_wait3A_55 = arith.constant 0 : i32
    %dma_wait3A_56 = arith.constant 0 : i32
    %dma_wait3A_57 = tpu.memref_slice %arg11[%dma_wait3A_55, %dma_wait3A_56] : memref<10112x64xf32, #tpu.memory_space<vmem_shared>> -> memref<80x64xf32, #tpu.memory_space<vmem_shared>>
    %dma_wait3A_58 = arith.constant 0 : i32
    %dma_wait3A_59 = arith.constant 0 : i32
    %dma_wait3A_60 = tpu.memref_slice %arg10[%dma_wait3A_47, %dma_wait3A_58, %dma_wait3A_59] : memref<2x80x64xf32, #tpu.memory_space<vmem>> -> memref<1x80x64xf32, #tpu.memory_space<vmem>>
    %dma_wait3A_61 = tpu.memref_squeeze %dma_wait3A_60 : memref<1x80x64xf32, #tpu.memory_space<vmem>> -> memref<80x64xf32, #tpu.memory_space<vmem>>
    tpu.wait_dma2 semaphore(%arg16 : memref<!tpu.dma_semaphore, #tpu.memory_space<semaphore_mem>>) src(%dma_wait3A_61 : memref<80x64xf32, #tpu.memory_space<vmem>>) dst(%dma_wait3A_57 : memref<80x64xf32, #tpu.memory_space<vmem_shared>>)
    %barrier3A_62 = arith.constant 0 : index
    tpu.barrier barrier_id(%barrier3A_62)
    %run_scoped3A_63 = arith.constant 0 : i32
    "tpu.region"() ({
      %run_scoped3A_130 = tpu.sem_alloc : memref<!tpu.dma_semaphore, #tpu.memory_space<semaphore_mem>>
      %dma_start3A_131 = arith.constant 0 : i32
      %dma_start3A_132 = tpu.memref_slice %arg7[%run_scoped3A_63, %arg0, %mul3A_2, %dma_start3A_131] : memref<2x2x10112x64xf32, #tpu.memory_space<hbm>> -> memref<1x1x632x64xf32, #tpu.memory_space<hbm>>
      %dma_start3A_133 = tpu.memref_squeeze %dma_start3A_132 : memref<1x1x632x64xf32, #tpu.memory_space<hbm>> -> memref<632x64xf32, #tpu.memory_space<hbm>>
      %dma_start3A_134 = arith.constant 0 : i32
      %dma_start3A_135 = tpu.memref_slice %arg11[%mul3A_2, %dma_start3A_134] : memref<10112x64xf32, #tpu.memory_space<vmem_shared>> -> memref<632x64xf32, #tpu.memory_space<vmem_shared>>
      tpu.enqueue_dma source(%dma_start3A_135 : memref<632x64xf32, #tpu.memory_space<vmem_shared>>) target(%dma_start3A_133 : memref<632x64xf32, #tpu.memory_space<hbm>>) target_semaphore(%run_scoped3A_130 : memref<!tpu.dma_semaphore, #tpu.memory_space<semaphore_mem>>)
      %dma_wait3A_136 = arith.constant 0 : i32
      %dma_wait3A_137 = tpu.memref_slice %arg7[%run_scoped3A_63, %arg0, %mul3A_2, %dma_wait3A_136] : memref<2x2x10112x64xf32, #tpu.memory_space<hbm>> -> memref<1x1x632x64xf32, #tpu.memory_space<hbm>>
      %dma_wait3A_138 = tpu.memref_squeeze %dma_wait3A_137 : memref<1x1x632x64xf32, #tpu.memory_space<hbm>> -> memref<632x64xf32, #tpu.memory_space<hbm>>
      %dma_wait3A_139 = arith.constant 0 : i32
      %dma_wait3A_140 = tpu.memref_slice %arg11[%mul3A_2, %dma_wait3A_139] : memref<10112x64xf32, #tpu.memory_space<vmem_shared>> -> memref<632x64xf32, #tpu.memory_space<vmem_shared>>
      tpu.wait_dma2 semaphore(%run_scoped3A_130 : memref<!tpu.dma_semaphore, #tpu.memory_space<semaphore_mem>>) src(%dma_wait3A_140 : memref<632x64xf32, #tpu.memory_space<vmem_shared>>) dst(%dma_wait3A_138 : memref<632x64xf32, #tpu.memory_space<hbm>>)
      tpu.yield
    }) : () -> ()
    "tpu.region"() ({
      %run_scoped3A_130 = tpu.sem_alloc : memref<!tpu.dma_semaphore, #tpu.memory_space<semaphore_mem>>
      %dma_start3A_131 = arith.constant 0 : i32
      %dma_start3A_132 = tpu.memref_slice %arg12[%mul3A_2, %dma_start3A_131] : memref<10112x64xf32, #tpu.memory_space<vmem_shared>> -> memref<632x64xf32, #tpu.memory_space<vmem_shared>>
      %dma_start3A_133 = arith.constant 0 : i32
      %dma_start3A_134 = tpu.memref_slice %arg3[%mul3A_2, %dma_start3A_133] : memref<10112x64xf32, #tpu.memory_space<hbm>> -> memref<632x64xf32, #tpu.memory_space<hbm>>
      tpu.enqueue_dma source(%dma_start3A_134 : memref<632x64xf32, #tpu.memory_space<hbm>>) target(%dma_start3A_132 : memref<632x64xf32, #tpu.memory_space<vmem_shared>>) target_semaphore(%run_scoped3A_130 : memref<!tpu.dma_semaphore, #tpu.memory_space<semaphore_mem>>)
      %dma_wait3A_135 = arith.constant 0 : i32
      %dma_wait3A_136 = tpu.memref_slice %arg12[%mul3A_2, %dma_wait3A_135] : memref<10112x64xf32, #tpu.memory_space<vmem_shared>> -> memref<632x64xf32, #tpu.memory_space<vmem_shared>>
      %dma_wait3A_137 = arith.constant 0 : i32
      %dma_wait3A_138 = tpu.memref_slice %arg3[%mul3A_2, %dma_wait3A_137] : memref<10112x64xf32, #tpu.memory_space<hbm>> -> memref<632x64xf32, #tpu.memory_space<hbm>>
      tpu.wait_dma2 semaphore(%run_scoped3A_130 : memref<!tpu.dma_semaphore, #tpu.memory_space<semaphore_mem>>) src(%dma_wait3A_138 : memref<632x64xf32, #tpu.memory_space<hbm>>) dst(%dma_wait3A_136 : memref<632x64xf32, #tpu.memory_space<vmem_shared>>)
      tpu.yield
    }) : () -> ()
    "tpu.region"() ({
      %run_scoped3A_130 = tpu.sem_alloc : memref<!tpu.dma_semaphore, #tpu.memory_space<semaphore_mem>>
      %dma_start3A_131 = arith.constant 0 : i32
      %dma_start3A_132 = tpu.memref_slice %arg11[%mul3A_2, %dma_start3A_131] : memref<10112x64xf32, #tpu.memory_space<vmem_shared>> -> memref<632x64xf32, #tpu.memory_space<vmem_shared>>
      %dma_start3A_133 = arith.constant 0 : i32
      %dma_start3A_134 = tpu.memref_slice %arg6[%mul3A_2, %dma_start3A_133] : memref<10112x64xf32, #tpu.memory_space<hbm>> -> memref<632x64xf32, #tpu.memory_space<hbm>>
      tpu.enqueue_dma source(%dma_start3A_134 : memref<632x64xf32, #tpu.memory_space<hbm>>) target(%dma_start3A_132 : memref<632x64xf32, #tpu.memory_space<vmem_shared>>) target_semaphore(%run_scoped3A_130 : memref<!tpu.dma_semaphore, #tpu.memory_space<semaphore_mem>>)
      %dma_wait3A_135 = arith.constant 0 : i32
      %dma_wait3A_136 = tpu.memref_slice %arg11[%mul3A_2, %dma_wait3A_135] : memref<10112x64xf32, #tpu.memory_space<vmem_shared>> -> memref<632x64xf32, #tpu.memory_space<vmem_shared>>
      %dma_wait3A_137 = arith.constant 0 : i32
      %dma_wait3A_138 = tpu.memref_slice %arg6[%mul3A_2, %dma_wait3A_137] : memref<10112x64xf32, #tpu.memory_space<hbm>> -> memref<632x64xf32, #tpu.memory_space<hbm>>
      tpu.wait_dma2 semaphore(%run_scoped3A_130 : memref<!tpu.dma_semaphore, #tpu.memory_space<semaphore_mem>>) src(%dma_wait3A_138 : memref<632x64xf32, #tpu.memory_space<hbm>>) dst(%dma_wait3A_136 : memref<632x64xf32, #tpu.memory_space<vmem_shared>>)
      tpu.yield
    }) : () -> ()
    %barrier3A_64 = arith.constant 0 : index
    tpu.barrier barrier_id(%barrier3A_64)
    %run_scoped3A_65 = arith.constant 0 : i32
    %run_scoped3A_66 = arith.constant 0 : i32
    "tpu.region"() ({
      %run_scoped3A_130 = tpu.sem_alloc : memref<!tpu.dma_semaphore, #tpu.memory_space<semaphore_mem>>
      %dma_start3A_131 = arith.constant 0 : i32
      %dma_start3A_132 = tpu.memref_slice %arg9[%run_scoped3A_66, %dma_start3A_131] : memref<2x80xi32, #tpu.memory_space<vmem>> -> memref<1x80xi32, #tpu.memory_space<vmem>>
      %dma_start3A_133 = tpu.memref_squeeze %dma_start3A_132 : memref<1x80xi32, #tpu.memory_space<vmem>> -> memref<80xi32, #tpu.memory_space<vmem>>
      %dma_start3A_134 = arith.constant 0 : i32
      %dma_start3A_135 = tpu.memref_slice %arg5[%add3A, %run_scoped3A_65, %dma_start3A_134] : memref<32x128x80xi32, #tpu.memory_space<hbm>> -> memref<1x1x80xi32, #tpu.memory_space<hbm>>
      %dma_start3A_136 = tpu.memref_squeeze %dma_start3A_135 : memref<1x1x80xi32, #tpu.memory_space<hbm>> -> memref<80xi32, #tpu.memory_space<hbm>>
      %dma_start3A_137 = arith.constant 0 : i32
      %dma_start3A_138 = tpu.memref_slice %arg9[%run_scoped3A_66, %dma_start3A_137] : memref<2x80xi32, #tpu.memory_space<vmem>> -> memref<1x80xi32, #tpu.memory_space<vmem>>
      %dma_start3A_139 = tpu.memref_squeeze %dma_start3A_138 : memref<1x80xi32, #tpu.memory_space<vmem>> -> memref<80xi32, #tpu.memory_space<vmem>>
      %dma_start3A_140 = arith.constant 0 : i32
      %dma_start3A_141 = tpu.memref_slice %arg5[%add3A, %run_scoped3A_65, %dma_start3A_140] : memref<32x128x80xi32, #tpu.memory_space<hbm>> -> memref<1x1x80xi32, #tpu.memory_space<hbm>>
      %dma_start3A_142 = tpu.memref_squeeze %dma_start3A_141 : memref<1x1x80xi32, #tpu.memory_space<hbm>> -> memref<80xi32, #tpu.memory_space<hbm>>
      tpu.enqueue_dma source(%dma_start3A_142 : memref<80xi32, #tpu.memory_space<hbm>>) target(%dma_start3A_139 : memref<80xi32, #tpu.memory_space<vmem>>) target_semaphore(%run_scoped3A_130 : memref<!tpu.dma_semaphore, #tpu.memory_space<semaphore_mem>>)
      %dma_wait3A_143 = arith.constant 0 : i32
      %dma_wait3A_144 = tpu.memref_slice %arg9[%run_scoped3A_66, %dma_wait3A_143] : memref<2x80xi32, #tpu.memory_space<vmem>> -> memref<1x80xi32, #tpu.memory_space<vmem>>
      %dma_wait3A_145 = tpu.memref_squeeze %dma_wait3A_144 : memref<1x80xi32, #tpu.memory_space<vmem>> -> memref<80xi32, #tpu.memory_space<vmem>>
      %dma_wait3A_146 = arith.constant 0 : i32
      %dma_wait3A_147 = tpu.memref_slice %arg5[%add3A, %run_scoped3A_65, %dma_wait3A_146] : memref<32x128x80xi32, #tpu.memory_space<hbm>> -> memref<1x1x80xi32, #tpu.memory_space<hbm>>
      %dma_wait3A_148 = tpu.memref_squeeze %dma_wait3A_147 : memref<1x1x80xi32, #tpu.memory_space<hbm>> -> memref<80xi32, #tpu.memory_space<hbm>>
      %dma_wait3A_149 = arith.constant 0 : i32
      %dma_wait3A_150 = tpu.memref_slice %arg9[%run_scoped3A_66, %dma_wait3A_149] : memref<2x80xi32, #tpu.memory_space<vmem>> -> memref<1x80xi32, #tpu.memory_space<vmem>>
      %dma_wait3A_151 = tpu.memref_squeeze %dma_wait3A_150 : memref<1x80xi32, #tpu.memory_space<vmem>> -> memref<80xi32, #tpu.memory_space<vmem>>
      %dma_wait3A_152 = arith.constant 0 : i32
      %dma_wait3A_153 = tpu.memref_slice %arg5[%add3A, %run_scoped3A_65, %dma_wait3A_152] : memref<32x128x80xi32, #tpu.memory_space<hbm>> -> memref<1x1x80xi32, #tpu.memory_space<hbm>>
      %dma_wait3A_154 = tpu.memref_squeeze %dma_wait3A_153 : memref<1x1x80xi32, #tpu.memory_space<hbm>> -> memref<80xi32, #tpu.memory_space<hbm>>
      tpu.wait_dma2 semaphore(%run_scoped3A_130 : memref<!tpu.dma_semaphore, #tpu.memory_space<semaphore_mem>>) src(%dma_wait3A_154 : memref<80xi32, #tpu.memory_space<hbm>>) dst(%dma_wait3A_151 : memref<80xi32, #tpu.memory_space<vmem>>)
      tpu.yield
    }) : () -> ()
    %dma_start3A_67 = arith.constant 0 : i32
    %dma_start3A_68 = arith.constant 0 : i32
    %dma_start3A_69 = arith.constant 0 : i32
    %dma_start3A_70 = arith.constant 0 : i32
    %dma_start3A_71 = tpu.memref_slice %arg10[%dma_start3A_68, %dma_start3A_69, %dma_start3A_70] : memref<2x80x64xf32, #tpu.memory_space<vmem>> -> memref<1x80x64xf32, #tpu.memory_space<vmem>>
    %dma_start3A_72 = tpu.memref_squeeze %dma_start3A_71 : memref<1x80x64xf32, #tpu.memory_space<vmem>> -> memref<80x64xf32, #tpu.memory_space<vmem>>
    %dma_start3A_73 = arith.constant 0 : i32
    %dma_start3A_74 = tpu.memref_slice %arg8[%dma_start3A_67, %dma_start3A_73] : memref<128x80xi32, #tpu.memory_space<vmem>> -> memref<1x80xi32, #tpu.memory_space<vmem>>
    %dma_start3A_75 = tpu.memref_squeeze %dma_start3A_74 : memref<1x80xi32, #tpu.memory_space<vmem>> -> memref<80xi32, #tpu.memory_space<vmem>>
    %dma_start3A_76 = arith.constant 0 : i32
    %dma_start3A_77 = arith.constant 0 : i32
    %dma_start3A_78 = tpu.memref_slice %arg12[%dma_start3A_76, %dma_start3A_77] : memref<10112x64xf32, #tpu.memory_space<vmem_shared>> -> memref<10112x64xf32, #tpu.memory_space<vmem_shared>>
    tpu.enqueue_indirect_dma source(%dma_start3A_78 : memref<10112x64xf32, #tpu.memory_space<vmem_shared>>) target(%dma_start3A_72 : memref<80x64xf32, #tpu.memory_space<vmem>>) offsets(%dma_start3A_75 : memref<80xi32, #tpu.memory_space<vmem>>) semaphore(%arg13 : memref<!tpu.dma_semaphore, #tpu.memory_space<semaphore_mem>>)
    %run_scoped3A_79 = arith.constant 1 : i32
    %run_scoped3A_80 = arith.constant 1 : i32
    "tpu.region"() ({
      %run_scoped3A_130 = tpu.sem_alloc : memref<!tpu.dma_semaphore, #tpu.memory_space<semaphore_mem>>
      %dma_start3A_131 = arith.constant 0 : i32
      %dma_start3A_132 = tpu.memref_slice %arg9[%run_scoped3A_80, %dma_start3A_131] : memref<2x80xi32, #tpu.memory_space<vmem>> -> memref<1x80xi32, #tpu.memory_space<vmem>>
      %dma_start3A_133 = tpu.memref_squeeze %dma_start3A_132 : memref<1x80xi32, #tpu.memory_space<vmem>> -> memref<80xi32, #tpu.memory_space<vmem>>
      %dma_start3A_134 = arith.constant 0 : i32
      %dma_start3A_135 = tpu.memref_slice %arg5[%add3A, %run_scoped3A_79, %dma_start3A_134] : memref<32x128x80xi32, #tpu.memory_space<hbm>> -> memref<1x1x80xi32, #tpu.memory_space<hbm>>
      %dma_start3A_136 = tpu.memref_squeeze %dma_start3A_135 : memref<1x1x80xi32, #tpu.memory_space<hbm>> -> memref<80xi32, #tpu.memory_space<hbm>>
      %dma_start3A_137 = arith.constant 0 : i32
      %dma_start3A_138 = tpu.memref_slice %arg9[%run_scoped3A_80, %dma_start3A_137] : memref<2x80xi32, #tpu.memory_space<vmem>> -> memref<1x80xi32, #tpu.memory_space<vmem>>
      %dma_start3A_139 = tpu.memref_squeeze %dma_start3A_138 : memref<1x80xi32, #tpu.memory_space<vmem>> -> memref<80xi32, #tpu.memory_space<vmem>>
      %dma_start3A_140 = arith.constant 0 : i32
      %dma_start3A_141 = tpu.memref_slice %arg5[%add3A, %run_scoped3A_79, %dma_start3A_140] : memref<32x128x80xi32, #tpu.memory_space<hbm>> -> memref<1x1x80xi32, #tpu.memory_space<hbm>>
      %dma_start3A_142 = tpu.memref_squeeze %dma_start3A_141 : memref<1x1x80xi32, #tpu.memory_space<hbm>> -> memref<80xi32, #tpu.memory_space<hbm>>
      tpu.enqueue_dma source(%dma_start3A_142 : memref<80xi32, #tpu.memory_space<hbm>>) target(%dma_start3A_139 : memref<80xi32, #tpu.memory_space<vmem>>) target_semaphore(%run_scoped3A_130 : memref<!tpu.dma_semaphore, #tpu.memory_space<semaphore_mem>>)
      %dma_wait3A_143 = arith.constant 0 : i32
      %dma_wait3A_144 = tpu.memref_slice %arg9[%run_scoped3A_80, %dma_wait3A_143] : memref<2x80xi32, #tpu.memory_space<vmem>> -> memref<1x80xi32, #tpu.memory_space<vmem>>
      %dma_wait3A_145 = tpu.memref_squeeze %dma_wait3A_144 : memref<1x80xi32, #tpu.memory_space<vmem>> -> memref<80xi32, #tpu.memory_space<vmem>>
      %dma_wait3A_146 = arith.constant 0 : i32
      %dma_wait3A_147 = tpu.memref_slice %arg5[%add3A, %run_scoped3A_79, %dma_wait3A_146] : memref<32x128x80xi32, #tpu.memory_space<hbm>> -> memref<1x1x80xi32, #tpu.memory_space<hbm>>
      %dma_wait3A_148 = tpu.memref_squeeze %dma_wait3A_147 : memref<1x1x80xi32, #tpu.memory_space<hbm>> -> memref<80xi32, #tpu.memory_space<hbm>>
      %dma_wait3A_149 = arith.constant 0 : i32
      %dma_wait3A_150 = tpu.memref_slice %arg9[%run_scoped3A_80, %dma_wait3A_149] : memref<2x80xi32, #tpu.memory_space<vmem>> -> memref<1x80xi32, #tpu.memory_space<vmem>>
      %dma_wait3A_151 = tpu.memref_squeeze %dma_wait3A_150 : memref<1x80xi32, #tpu.memory_space<vmem>> -> memref<80xi32, #tpu.memory_space<vmem>>
      %dma_wait3A_152 = arith.constant 0 : i32
      %dma_wait3A_153 = tpu.memref_slice %arg5[%add3A, %run_scoped3A_79, %dma_wait3A_152] : memref<32x128x80xi32, #tpu.memory_space<hbm>> -> memref<1x1x80xi32, #tpu.memory_space<hbm>>
      %dma_wait3A_154 = tpu.memref_squeeze %dma_wait3A_153 : memref<1x1x80xi32, #tpu.memory_space<hbm>> -> memref<80xi32, #tpu.memory_space<hbm>>
      tpu.wait_dma2 semaphore(%run_scoped3A_130 : memref<!tpu.dma_semaphore, #tpu.memory_space<semaphore_mem>>) src(%dma_wait3A_154 : memref<80xi32, #tpu.memory_space<hbm>>) dst(%dma_wait3A_151 : memref<80xi32, #tpu.memory_space<vmem>>)
      tpu.yield
    }) : () -> ()
    %dma_start3A_81 = arith.constant 1 : i32
    %dma_start3A_82 = arith.constant 1 : i32
    %dma_start3A_83 = arith.constant 0 : i32
    %dma_start3A_84 = arith.constant 0 : i32
    %dma_start3A_85 = tpu.memref_slice %arg10[%dma_start3A_82, %dma_start3A_83, %dma_start3A_84] : memref<2x80x64xf32, #tpu.memory_space<vmem>> -> memref<1x80x64xf32, #tpu.memory_space<vmem>>
    %dma_start3A_86 = tpu.memref_squeeze %dma_start3A_85 : memref<1x80x64xf32, #tpu.memory_space<vmem>> -> memref<80x64xf32, #tpu.memory_space<vmem>>
    %dma_start3A_87 = arith.constant 0 : i32
    %dma_start3A_88 = tpu.memref_slice %arg8[%dma_start3A_81, %dma_start3A_87] : memref<128x80xi32, #tpu.memory_space<vmem>> -> memref<1x80xi32, #tpu.memory_space<vmem>>
    %dma_start3A_89 = tpu.memref_squeeze %dma_start3A_88 : memref<1x80xi32, #tpu.memory_space<vmem>> -> memref<80xi32, #tpu.memory_space<vmem>>
    %dma_start3A_90 = arith.constant 0 : i32
    %dma_start3A_91 = arith.constant 0 : i32
    %dma_start3A_92 = tpu.memref_slice %arg12[%dma_start3A_90, %dma_start3A_91] : memref<10112x64xf32, #tpu.memory_space<vmem_shared>> -> memref<10112x64xf32, #tpu.memory_space<vmem_shared>>
    tpu.enqueue_indirect_dma source(%dma_start3A_92 : memref<10112x64xf32, #tpu.memory_space<vmem_shared>>) target(%dma_start3A_86 : memref<80x64xf32, #tpu.memory_space<vmem>>) offsets(%dma_start3A_89 : memref<80xi32, #tpu.memory_space<vmem>>) semaphore(%arg14 : memref<!tpu.dma_semaphore, #tpu.memory_space<semaphore_mem>>)
    %scan3A_93 = arith.constant 0 : i32
    %scan3A_94 = arith.constant 64 : i32
    %scan3A_95 = arith.addi %scan3A_93, %scan3A_94 : i32
    %scan3A_96 = arith.constant 1 : i32
    scf.for %scan3A_130 = %scan3A_93 to %scan3A_95 step %scan3A_96  : i32 {
      %mul3A_131 = arith.constant 1 : i32
      %mul3A_132 = arith.muli %scan3A_130, %mul3A_131 : i32
      %add3A_133 = arith.constant 0 : i32
      %add3A_134 = arith.addi %add3A_133, %mul3A_132 : i32
      %dma_wait3A_135 = arith.constant 0 : i32
      %dma_wait3A_136 = arith.constant 0 : i32
      %dma_wait3A_137 = arith.constant 0 : i32
      %dma_wait3A_138 = tpu.memref_slice %arg10[%dma_wait3A_135, %dma_wait3A_136, %dma_wait3A_137] : memref<2x80x64xf32, #tpu.memory_space<vmem>> -> memref<1x80x64xf32, #tpu.memory_space<vmem>>
      %dma_wait3A_139 = tpu.memref_squeeze %dma_wait3A_138 : memref<1x80x64xf32, #tpu.memory_space<vmem>> -> memref<80x64xf32, #tpu.memory_space<vmem>>
      %dma_wait3A_140 = arith.constant 0 : i32
      %dma_wait3A_141 = arith.constant 0 : i32
      %dma_wait3A_142 = tpu.memref_slice %arg6[%dma_wait3A_140, %dma_wait3A_141] : memref<10112x64xf32, #tpu.memory_space<hbm>> -> memref<80x64xf32, #tpu.memory_space<hbm>>
      %dma_wait3A_143 = arith.constant 0 : i32
      %dma_wait3A_144 = arith.constant 0 : i32
      %dma_wait3A_145 = tpu.memref_slice %arg10[%dma_wait3A_135, %dma_wait3A_143, %dma_wait3A_144] : memref<2x80x64xf32, #tpu.memory_space<vmem>> -> memref<1x80x64xf32, #tpu.memory_space<vmem>>
      %dma_wait3A_146 = tpu.memref_squeeze %dma_wait3A_145 : memref<1x80x64xf32, #tpu.memory_space<vmem>> -> memref<80x64xf32, #tpu.memory_space<vmem>>
      %dma_wait3A_147 = arith.constant 0 : i32
      %dma_wait3A_148 = arith.constant 0 : i32
      %dma_wait3A_149 = tpu.memref_slice %arg6[%dma_wait3A_147, %dma_wait3A_148] : memref<10112x64xf32, #tpu.memory_space<hbm>> -> memref<80x64xf32, #tpu.memory_space<hbm>>
      tpu.wait_dma2 semaphore(%arg13 : memref<!tpu.dma_semaphore, #tpu.memory_space<semaphore_mem>>) src(%dma_wait3A_149 : memref<80x64xf32, #tpu.memory_space<hbm>>) dst(%dma_wait3A_146 : memref<80x64xf32, #tpu.memory_space<vmem>>)
      %gt3A = arith.constant 0 : i32
      %gt3A_150 = arith.cmpi sgt, %add3A_134, %gt3A : i32
      %convert_element_type3A = arith.extui %gt3A_150 : i1 to i32
      %cond3A = arith.constant 0 : i32
      %cond3A_151 = arith.cmpi ne, %convert_element_type3A, %cond3A : i32
      scf.if %cond3A_151 {
        %dma_wait3A_200 = arith.constant 0 : i32
        %dma_wait3A_201 = arith.constant 0 : i32
        %dma_wait3A_202 = arith.constant 0 : i32
        %dma_wait3A_203 = tpu.memref_slice %arg9[%dma_wait3A_201, %dma_wait3A_202] : memref<2x80xi32, #tpu.memory_space<vmem>> -> memref<1x80xi32, #tpu.memory_space<vmem>>
        %dma_wait3A_204 = tpu.memref_squeeze %dma_wait3A_203 : memref<1x80xi32, #tpu.memory_space<vmem>> -> memref<80xi32, #tpu.memory_space<vmem>>
        %dma_wait3A_205 = arith.constant 0 : i32
        %dma_wait3A_206 = tpu.memref_slice %arg5[%add3A, %dma_wait3A_200, %dma_wait3A_205] : memref<32x128x80xi32, #tpu.memory_space<hbm>> -> memref<1x1x80xi32, #tpu.memory_space<hbm>>
        %dma_wait3A_207 = tpu.memref_squeeze %dma_wait3A_206 : memref<1x1x80xi32, #tpu.memory_space<hbm>> -> memref<80xi32, #tpu.memory_space<hbm>>
        %dma_wait3A_208 = arith.constant 0 : i32
        %dma_wait3A_209 = tpu.memref_slice %arg9[%dma_wait3A_201, %dma_wait3A_208] : memref<2x80xi32, #tpu.memory_space<vmem>> -> memref<1x80xi32, #tpu.memory_space<vmem>>
        %dma_wait3A_210 = tpu.memref_squeeze %dma_wait3A_209 : memref<1x80xi32, #tpu.memory_space<vmem>> -> memref<80xi32, #tpu.memory_space<vmem>>
        %dma_wait3A_211 = arith.constant 0 : i32
        %dma_wait3A_212 = tpu.memref_slice %arg5[%add3A, %dma_wait3A_200, %dma_wait3A_211] : memref<32x128x80xi32, #tpu.memory_space<hbm>> -> memref<1x1x80xi32, #tpu.memory_space<hbm>>
        %dma_wait3A_213 = tpu.memref_squeeze %dma_wait3A_212 : memref<1x1x80xi32, #tpu.memory_space<hbm>> -> memref<80xi32, #tpu.memory_space<hbm>>
        tpu.wait_dma2 semaphore(%arg17 : memref<!tpu.dma_semaphore, #tpu.memory_space<semaphore_mem>>) src(%dma_wait3A_213 : memref<80xi32, #tpu.memory_space<hbm>>) dst(%dma_wait3A_210 : memref<80xi32, #tpu.memory_space<vmem>>)
      } else {
      }
      %dma_start3A_152 = arith.constant 0 : i32
      %dma_start3A_153 = arith.constant 0 : i32
      %dma_start3A_154 = arith.constant 0 : i32
      %dma_start3A_155 = arith.constant 0 : i32
      %dma_start3A_156 = tpu.memref_slice %arg10[%dma_start3A_152, %dma_start3A_154, %dma_start3A_155] : memref<2x80x64xf32, #tpu.memory_space<vmem>> -> memref<1x80x64xf32, #tpu.memory_space<vmem>>
      %dma_start3A_157 = tpu.memref_squeeze %dma_start3A_156 : memref<1x80x64xf32, #tpu.memory_space<vmem>> -> memref<80x64xf32, #tpu.memory_space<vmem>>
      %dma_start3A_158 = arith.constant 0 : i32
      %dma_start3A_159 = tpu.memref_slice %arg9[%dma_start3A_153, %dma_start3A_158] : memref<2x80xi32, #tpu.memory_space<vmem>> -> memref<1x80xi32, #tpu.memory_space<vmem>>
      %dma_start3A_160 = tpu.memref_squeeze %dma_start3A_159 : memref<1x80xi32, #tpu.memory_space<vmem>> -> memref<80xi32, #tpu.memory_space<vmem>>
      %dma_start3A_161 = arith.constant 0 : i32
      %dma_start3A_162 = arith.constant 0 : i32
      %dma_start3A_163 = tpu.memref_slice %arg11[%dma_start3A_161, %dma_start3A_162] : memref<10112x64xf32, #tpu.memory_space<vmem_shared>> -> memref<10112x64xf32, #tpu.memory_space<vmem_shared>>
      tpu.enqueue_indirect_dma source(%dma_start3A_157 : memref<80x64xf32, #tpu.memory_space<vmem>>) target(%dma_start3A_163 : memref<10112x64xf32, #tpu.memory_space<vmem_shared>>) offsets(%dma_start3A_160 : memref<80xi32, #tpu.memory_space<vmem>>) semaphore(%arg15 : memref<!tpu.dma_semaphore, #tpu.memory_space<semaphore_mem>>) {add = true}
      %dma_wait3A_164 = arith.constant 1 : i32
      %dma_wait3A_165 = arith.constant 0 : i32
      %dma_wait3A_166 = arith.constant 0 : i32
      %dma_wait3A_167 = tpu.memref_slice %arg10[%dma_wait3A_164, %dma_wait3A_165, %dma_wait3A_166] : memref<2x80x64xf32, #tpu.memory_space<vmem>> -> memref<1x80x64xf32, #tpu.memory_space<vmem>>
      %dma_wait3A_168 = tpu.memref_squeeze %dma_wait3A_167 : memref<1x80x64xf32, #tpu.memory_space<vmem>> -> memref<80x64xf32, #tpu.memory_space<vmem>>
      %dma_wait3A_169 = arith.constant 0 : i32
      %dma_wait3A_170 = arith.constant 0 : i32
      %dma_wait3A_171 = tpu.memref_slice %arg6[%dma_wait3A_169, %dma_wait3A_170] : memref<10112x64xf32, #tpu.memory_space<hbm>> -> memref<80x64xf32, #tpu.memory_space<hbm>>
      %dma_wait3A_172 = arith.constant 0 : i32
      %dma_wait3A_173 = arith.constant 0 : i32
      %dma_wait3A_174 = tpu.memref_slice %arg10[%dma_wait3A_164, %dma_wait3A_172, %dma_wait3A_173] : memref<2x80x64xf32, #tpu.memory_space<vmem>> -> memref<1x80x64xf32, #tpu.memory_space<vmem>>
      %dma_wait3A_175 = tpu.memref_squeeze %dma_wait3A_174 : memref<1x80x64xf32, #tpu.memory_space<vmem>> -> memref<80x64xf32, #tpu.memory_space<vmem>>
      %dma_wait3A_176 = arith.constant 0 : i32
      %dma_wait3A_177 = arith.constant 0 : i32
      %dma_wait3A_178 = tpu.memref_slice %arg6[%dma_wait3A_176, %dma_wait3A_177] : memref<10112x64xf32, #tpu.memory_space<hbm>> -> memref<80x64xf32, #tpu.memory_space<hbm>>
      tpu.wait_dma2 semaphore(%arg14 : memref<!tpu.dma_semaphore, #tpu.memory_space<semaphore_mem>>) src(%dma_wait3A_178 : memref<80x64xf32, #tpu.memory_space<hbm>>) dst(%dma_wait3A_175 : memref<80x64xf32, #tpu.memory_space<vmem>>)
      %gt3A_179 = arith.constant 0 : i32
      %gt3A_180 = arith.cmpi sgt, %add3A_134, %gt3A_179 : i32
      %convert_element_type3A_181 = arith.extui %gt3A_180 : i1 to i32
      %cond3A_182 = arith.constant 0 : i32
      %cond3A_183 = arith.cmpi ne, %convert_element_type3A_181, %cond3A_182 : i32
      scf.if %cond3A_183 {
        %dma_wait3A_200 = arith.constant 0 : i32
        %dma_wait3A_201 = arith.constant 1 : i32
        %dma_wait3A_202 = arith.constant 0 : i32
        %dma_wait3A_203 = tpu.memref_slice %arg9[%dma_wait3A_201, %dma_wait3A_202] : memref<2x80xi32, #tpu.memory_space<vmem>> -> memref<1x80xi32, #tpu.memory_space<vmem>>
        %dma_wait3A_204 = tpu.memref_squeeze %dma_wait3A_203 : memref<1x80xi32, #tpu.memory_space<vmem>> -> memref<80xi32, #tpu.memory_space<vmem>>
        %dma_wait3A_205 = arith.constant 0 : i32
        %dma_wait3A_206 = tpu.memref_slice %arg5[%add3A, %dma_wait3A_200, %dma_wait3A_205] : memref<32x128x80xi32, #tpu.memory_space<hbm>> -> memref<1x1x80xi32, #tpu.memory_space<hbm>>
        %dma_wait3A_207 = tpu.memref_squeeze %dma_wait3A_206 : memref<1x1x80xi32, #tpu.memory_space<hbm>> -> memref<80xi32, #tpu.memory_space<hbm>>
        %dma_wait3A_208 = arith.constant 0 : i32
        %dma_wait3A_209 = tpu.memref_slice %arg9[%dma_wait3A_201, %dma_wait3A_208] : memref<2x80xi32, #tpu.memory_space<vmem>> -> memref<1x80xi32, #tpu.memory_space<vmem>>
        %dma_wait3A_210 = tpu.memref_squeeze %dma_wait3A_209 : memref<1x80xi32, #tpu.memory_space<vmem>> -> memref<80xi32, #tpu.memory_space<vmem>>
        %dma_wait3A_211 = arith.constant 0 : i32
        %dma_wait3A_212 = tpu.memref_slice %arg5[%add3A, %dma_wait3A_200, %dma_wait3A_211] : memref<32x128x80xi32, #tpu.memory_space<hbm>> -> memref<1x1x80xi32, #tpu.memory_space<hbm>>
        %dma_wait3A_213 = tpu.memref_squeeze %dma_wait3A_212 : memref<1x1x80xi32, #tpu.memory_space<hbm>> -> memref<80xi32, #tpu.memory_space<hbm>>
        tpu.wait_dma2 semaphore(%arg18 : memref<!tpu.dma_semaphore, #tpu.memory_space<semaphore_mem>>) src(%dma_wait3A_213 : memref<80xi32, #tpu.memory_space<hbm>>) dst(%dma_wait3A_210 : memref<80xi32, #tpu.memory_space<vmem>>)
      } else {
      }
      %dma_start3A_184 = arith.constant 1 : i32
      %dma_start3A_185 = arith.constant 1 : i32
      %dma_start3A_186 = arith.constant 0 : i32
      %dma_start3A_187 = arith.constant 0 : i32
      %dma_start3A_188 = tpu.memref_slice %arg10[%dma_start3A_184, %dma_start3A_186, %dma_start3A_187] : memref<2x80x64xf32, #tpu.memory_space<vmem>> -> memref<1x80x64xf32, #tpu.memory_space<vmem>>
      %dma_start3A_189 = tpu.memref_squeeze %dma_start3A_188 : memref<1x80x64xf32, #tpu.memory_space<vmem>> -> memref<80x64xf32, #tpu.memory_space<vmem>>
      %dma_start3A_190 = arith.constant 0 : i32
      %dma_start3A_191 = tpu.memref_slice %arg9[%dma_start3A_185, %dma_start3A_190] : memref<2x80xi32, #tpu.memory_space<vmem>> -> memref<1x80xi32, #tpu.memory_space<vmem>>
      %dma_start3A_192 = tpu.memref_squeeze %dma_start3A_191 : memref<1x80xi32, #tpu.memory_space<vmem>> -> memref<80xi32, #tpu.memory_space<vmem>>
      %dma_start3A_193 = arith.constant 0 : i32
      %dma_start3A_194 = arith.constant 0 : i32
      %dma_start3A_195 = tpu.memref_slice %arg11[%dma_start3A_193, %dma_start3A_194] : memref<10112x64xf32, #tpu.memory_space<vmem_shared>> -> memref<10112x64xf32, #tpu.memory_space<vmem_shared>>
      tpu.enqueue_indirect_dma source(%dma_start3A_189 : memref<80x64xf32, #tpu.memory_space<vmem>>) target(%dma_start3A_195 : memref<10112x64xf32, #tpu.memory_space<vmem_shared>>) offsets(%dma_start3A_192 : memref<80xi32, #tpu.memory_space<vmem>>) semaphore(%arg16 : memref<!tpu.dma_semaphore, #tpu.memory_space<semaphore_mem>>) {add = true}
      %lt3A = arith.constant 63 : i32
      %lt3A_196 = arith.cmpi slt, %add3A_134, %lt3A : i32
      %convert_element_type3A_197 = arith.extui %lt3A_196 : i1 to i32
      %cond3A_198 = arith.constant 0 : i32
      %cond3A_199 = arith.cmpi ne, %convert_element_type3A_197, %cond3A_198 : i32
      scf.if %cond3A_199 {
        %dma_wait3A_200 = arith.constant 0 : i32
        %dma_wait3A_201 = arith.constant 0 : i32
        %dma_wait3A_202 = arith.constant 0 : i32
        %dma_wait3A_203 = tpu.memref_slice %arg10[%dma_wait3A_200, %dma_wait3A_201, %dma_wait3A_202] : memref<2x80x64xf32, #tpu.memory_space<vmem>> -> memref<1x80x64xf32, #tpu.memory_space<vmem>>
        %dma_wait3A_204 = tpu.memref_squeeze %dma_wait3A_203 : memref<1x80x64xf32, #tpu.memory_space<vmem>> -> memref<80x64xf32, #tpu.memory_space<vmem>>
        %dma_wait3A_205 = arith.constant 0 : i32
        %dma_wait3A_206 = arith.constant 0 : i32
        %dma_wait3A_207 = tpu.memref_slice %arg11[%dma_wait3A_205, %dma_wait3A_206] : memref<10112x64xf32, #tpu.memory_space<vmem_shared>> -> memref<80x64xf32, #tpu.memory_space<vmem_shared>>
        %dma_wait3A_208 = arith.constant 0 : i32
        %dma_wait3A_209 = arith.constant 0 : i32
        %dma_wait3A_210 = tpu.memref_slice %arg11[%dma_wait3A_208, %dma_wait3A_209] : memref<10112x64xf32, #tpu.memory_space<vmem_shared>> -> memref<80x64xf32, #tpu.memory_space<vmem_shared>>
        %dma_wait3A_211 = arith.constant 0 : i32
        %dma_wait3A_212 = arith.constant 0 : i32
        %dma_wait3A_213 = tpu.memref_slice %arg10[%dma_wait3A_200, %dma_wait3A_211, %dma_wait3A_212] : memref<2x80x64xf32, #tpu.memory_space<vmem>> -> memref<1x80x64xf32, #tpu.memory_space<vmem>>
        %dma_wait3A_214 = tpu.memref_squeeze %dma_wait3A_213 : memref<1x80x64xf32, #tpu.memory_space<vmem>> -> memref<80x64xf32, #tpu.memory_space<vmem>>
        tpu.wait_dma2 semaphore(%arg15 : memref<!tpu.dma_semaphore, #tpu.memory_space<semaphore_mem>>) src(%dma_wait3A_214 : memref<80x64xf32, #tpu.memory_space<vmem>>) dst(%dma_wait3A_210 : memref<80x64xf32, #tpu.memory_space<vmem_shared>>)
        %add3A_215 = arith.constant 1 : i32
        %add3A_216 = arith.addi %add3A_134, %add3A_215 : i32
        %mul3A_217 = arith.constant 2 : i32
        %mul3A_218 = arith.muli %add3A_216, %mul3A_217 : i32
        %add3A_219 = arith.constant 0 : i32
        %add3A_220 = arith.addi %mul3A_218, %add3A_219 : i32
        %dma_start3A_221 = arith.constant 0 : i32
        %dma_start3A_222 = arith.constant 0 : i32
        %dma_start3A_223 = tpu.memref_slice %arg9[%dma_start3A_221, %dma_start3A_222] : memref<2x80xi32, #tpu.memory_space<vmem>> -> memref<1x80xi32, #tpu.memory_space<vmem>>
        %dma_start3A_224 = tpu.memref_squeeze %dma_start3A_223 : memref<1x80xi32, #tpu.memory_space<vmem>> -> memref<80xi32, #tpu.memory_space<vmem>>
        %dma_start3A_225 = arith.constant 0 : i32
        %dma_start3A_226 = tpu.memref_slice %arg5[%add3A, %add3A_220, %dma_start3A_225] : memref<32x128x80xi32, #tpu.memory_space<hbm>> -> memref<1x1x80xi32, #tpu.memory_space<hbm>>
        %dma_start3A_227 = tpu.memref_squeeze %dma_start3A_226 : memref<1x1x80xi32, #tpu.memory_space<hbm>> -> memref<80xi32, #tpu.memory_space<hbm>>
        %dma_start3A_228 = arith.constant 0 : i32
        %dma_start3A_229 = tpu.memref_slice %arg9[%dma_start3A_221, %dma_start3A_228] : memref<2x80xi32, #tpu.memory_space<vmem>> -> memref<1x80xi32, #tpu.memory_space<vmem>>
        %dma_start3A_230 = tpu.memref_squeeze %dma_start3A_229 : memref<1x80xi32, #tpu.memory_space<vmem>> -> memref<80xi32, #tpu.memory_space<vmem>>
        %dma_start3A_231 = arith.constant 0 : i32
        %dma_start3A_232 = tpu.memref_slice %arg5[%add3A, %add3A_220, %dma_start3A_231] : memref<32x128x80xi32, #tpu.memory_space<hbm>> -> memref<1x1x80xi32, #tpu.memory_space<hbm>>
        %dma_start3A_233 = tpu.memref_squeeze %dma_start3A_232 : memref<1x1x80xi32, #tpu.memory_space<hbm>> -> memref<80xi32, #tpu.memory_space<hbm>>
        tpu.enqueue_dma source(%dma_start3A_233 : memref<80xi32, #tpu.memory_space<hbm>>) target(%dma_start3A_230 : memref<80xi32, #tpu.memory_space<vmem>>) target_semaphore(%arg17 : memref<!tpu.dma_semaphore, #tpu.memory_space<semaphore_mem>>)
        %add3A_234 = arith.constant 1 : i32
        %add3A_235 = arith.addi %add3A_134, %add3A_234 : i32
        %mul3A_236 = arith.constant 2 : i32
        %mul3A_237 = arith.muli %add3A_235, %mul3A_236 : i32
        %add3A_238 = arith.constant 0 : i32
        %add3A_239 = arith.addi %mul3A_237, %add3A_238 : i32
        %dma_start3A_240 = arith.constant 0 : i32
        %dma_start3A_241 = arith.constant 0 : i32
        %dma_start3A_242 = arith.constant 0 : i32
        %dma_start3A_243 = tpu.memref_slice %arg10[%dma_start3A_240, %dma_start3A_241, %dma_start3A_242] : memref<2x80x64xf32, #tpu.memory_space<vmem>> -> memref<1x80x64xf32, #tpu.memory_space<vmem>>
        %dma_start3A_244 = tpu.memref_squeeze %dma_start3A_243 : memref<1x80x64xf32, #tpu.memory_space<vmem>> -> memref<80x64xf32, #tpu.memory_space<vmem>>
        %dma_start3A_245 = arith.constant 0 : i32
        %dma_start3A_246 = tpu.memref_slice %arg8[%add3A_239, %dma_start3A_245] : memref<128x80xi32, #tpu.memory_space<vmem>> -> memref<1x80xi32, #tpu.memory_space<vmem>>
        %dma_start3A_247 = tpu.memref_squeeze %dma_start3A_246 : memref<1x80xi32, #tpu.memory_space<vmem>> -> memref<80xi32, #tpu.memory_space<vmem>>
        %dma_start3A_248 = arith.constant 0 : i32
        %dma_start3A_249 = arith.constant 0 : i32
        %dma_start3A_250 = tpu.memref_slice %arg12[%dma_start3A_248, %dma_start3A_249] : memref<10112x64xf32, #tpu.memory_space<vmem_shared>> -> memref<10112x64xf32, #tpu.memory_space<vmem_shared>>
        tpu.enqueue_indirect_dma source(%dma_start3A_250 : memref<10112x64xf32, #tpu.memory_space<vmem_shared>>) target(%dma_start3A_244 : memref<80x64xf32, #tpu.memory_space<vmem>>) offsets(%dma_start3A_247 : memref<80xi32, #tpu.memory_space<vmem>>) semaphore(%arg13 : memref<!tpu.dma_semaphore, #tpu.memory_space<semaphore_mem>>)
        %dma_wait3A_251 = arith.constant 1 : i32
        %dma_wait3A_252 = arith.constant 0 : i32
        %dma_wait3A_253 = arith.constant 0 : i32
        %dma_wait3A_254 = tpu.memref_slice %arg10[%dma_wait3A_251, %dma_wait3A_252, %dma_wait3A_253] : memref<2x80x64xf32, #tpu.memory_space<vmem>> -> memref<1x80x64xf32, #tpu.memory_space<vmem>>
        %dma_wait3A_255 = tpu.memref_squeeze %dma_wait3A_254 : memref<1x80x64xf32, #tpu.memory_space<vmem>> -> memref<80x64xf32, #tpu.memory_space<vmem>>
        %dma_wait3A_256 = arith.constant 0 : i32
        %dma_wait3A_257 = arith.constant 0 : i32
        %dma_wait3A_258 = tpu.memref_slice %arg11[%dma_wait3A_256, %dma_wait3A_257] : memref<10112x64xf32, #tpu.memory_space<vmem_shared>> -> memref<80x64xf32, #tpu.memory_space<vmem_shared>>
        %dma_wait3A_259 = arith.constant 0 : i32
        %dma_wait3A_260 = arith.constant 0 : i32
        %dma_wait3A_261 = tpu.memref_slice %arg11[%dma_wait3A_259, %dma_wait3A_260] : memref<10112x64xf32, #tpu.memory_space<vmem_shared>> -> memref<80x64xf32, #tpu.memory_space<vmem_shared>>
        %dma_wait3A_262 = arith.constant 0 : i32
        %dma_wait3A_263 = arith.constant 0 : i32
        %dma_wait3A_264 = tpu.memref_slice %arg10[%dma_wait3A_251, %dma_wait3A_262, %dma_wait3A_263] : memref<2x80x64xf32, #tpu.memory_space<vmem>> -> memref<1x80x64xf32, #tpu.memory_space<vmem>>
        %dma_wait3A_265 = tpu.memref_squeeze %dma_wait3A_264 : memref<1x80x64xf32, #tpu.memory_space<vmem>> -> memref<80x64xf32, #tpu.memory_space<vmem>>
        tpu.wait_dma2 semaphore(%arg16 : memref<!tpu.dma_semaphore, #tpu.memory_space<semaphore_mem>>) src(%dma_wait3A_265 : memref<80x64xf32, #tpu.memory_space<vmem>>) dst(%dma_wait3A_261 : memref<80x64xf32, #tpu.memory_space<vmem_shared>>)
        %add3A_266 = arith.constant 1 : i32
        %add3A_267 = arith.addi %add3A_134, %add3A_266 : i32
        %mul3A_268 = arith.constant 2 : i32
        %mul3A_269 = arith.muli %add3A_267, %mul3A_268 : i32
        %add3A_270 = arith.constant 1 : i32
        %add3A_271 = arith.addi %mul3A_269, %add3A_270 : i32
        %dma_start3A_272 = arith.constant 1 : i32
        %dma_start3A_273 = arith.constant 0 : i32
        %dma_start3A_274 = tpu.memref_slice %arg9[%dma_start3A_272, %dma_start3A_273] : memref<2x80xi32, #tpu.memory_space<vmem>> -> memref<1x80xi32, #tpu.memory_space<vmem>>
        %dma_start3A_275 = tpu.memref_squeeze %dma_start3A_274 : memref<1x80xi32, #tpu.memory_space<vmem>> -> memref<80xi32, #tpu.memory_space<vmem>>
        %dma_start3A_276 = arith.constant 0 : i32
        %dma_start3A_277 = tpu.memref_slice %arg5[%add3A, %add3A_271, %dma_start3A_276] : memref<32x128x80xi32, #tpu.memory_space<hbm>> -> memref<1x1x80xi32, #tpu.memory_space<hbm>>
        %dma_start3A_278 = tpu.memref_squeeze %dma_start3A_277 : memref<1x1x80xi32, #tpu.memory_space<hbm>> -> memref<80xi32, #tpu.memory_space<hbm>>
        %dma_start3A_279 = arith.constant 0 : i32
        %dma_start3A_280 = tpu.memref_slice %arg9[%dma_start3A_272, %dma_start3A_279] : memref<2x80xi32, #tpu.memory_space<vmem>> -> memref<1x80xi32, #tpu.memory_space<vmem>>
        %dma_start3A_281 = tpu.memref_squeeze %dma_start3A_280 : memref<1x80xi32, #tpu.memory_space<vmem>> -> memref<80xi32, #tpu.memory_space<vmem>>
        %dma_start3A_282 = arith.constant 0 : i32
        %dma_start3A_283 = tpu.memref_slice %arg5[%add3A, %add3A_271, %dma_start3A_282] : memref<32x128x80xi32, #tpu.memory_space<hbm>> -> memref<1x1x80xi32, #tpu.memory_space<hbm>>
        %dma_start3A_284 = tpu.memref_squeeze %dma_start3A_283 : memref<1x1x80xi32, #tpu.memory_space<hbm>> -> memref<80xi32, #tpu.memory_space<hbm>>
        tpu.enqueue_dma source(%dma_start3A_284 : memref<80xi32, #tpu.memory_space<hbm>>) target(%dma_start3A_281 : memref<80xi32, #tpu.memory_space<vmem>>) target_semaphore(%arg18 : memref<!tpu.dma_semaphore, #tpu.memory_space<semaphore_mem>>)
        %add3A_285 = arith.constant 1 : i32
        %add3A_286 = arith.addi %add3A_134, %add3A_285 : i32
        %mul3A_287 = arith.constant 2 : i32
        %mul3A_288 = arith.muli %add3A_286, %mul3A_287 : i32
        %add3A_289 = arith.constant 1 : i32
        %add3A_290 = arith.addi %mul3A_288, %add3A_289 : i32
        %dma_start3A_291 = arith.constant 1 : i32
        %dma_start3A_292 = arith.constant 0 : i32
        %dma_start3A_293 = arith.constant 0 : i32
        %dma_start3A_294 = tpu.memref_slice %arg10[%dma_start3A_291, %dma_start3A_292, %dma_start3A_293] : memref<2x80x64xf32, #tpu.memory_space<vmem>> -> memref<1x80x64xf32, #tpu.memory_space<vmem>>
        %dma_start3A_295 = tpu.memref_squeeze %dma_start3A_294 : memref<1x80x64xf32, #tpu.memory_space<vmem>> -> memref<80x64xf32, #tpu.memory_space<vmem>>
        %dma_start3A_296 = arith.constant 0 : i32
        %dma_start3A_297 = tpu.memref_slice %arg8[%add3A_290, %dma_start3A_296] : memref<128x80xi32, #tpu.memory_space<vmem>> -> memref<1x80xi32, #tpu.memory_space<vmem>>
        %dma_start3A_298 = tpu.memref_squeeze %dma_start3A_297 : memref<1x80xi32, #tpu.memory_space<vmem>> -> memref<80xi32, #tpu.memory_space<vmem>>
        %dma_start3A_299 = arith.constant 0 : i32
        %dma_start3A_300 = arith.constant 0 : i32
        %dma_start3A_301 = tpu.memref_slice %arg12[%dma_start3A_299, %dma_start3A_300] : memref<10112x64xf32, #tpu.memory_space<vmem_shared>> -> memref<10112x64xf32, #tpu.memory_space<vmem_shared>>
        tpu.enqueue_indirect_dma source(%dma_start3A_301 : memref<10112x64xf32, #tpu.memory_space<vmem_shared>>) target(%dma_start3A_295 : memref<80x64xf32, #tpu.memory_space<vmem>>) offsets(%dma_start3A_298 : memref<80xi32, #tpu.memory_space<vmem>>) semaphore(%arg14 : memref<!tpu.dma_semaphore, #tpu.memory_space<semaphore_mem>>)
      } else {
      }
    }
    %scan3A_97 = arith.constant 64 : i32
    %dma_wait3A_98 = arith.constant 0 : i32
    %dma_wait3A_99 = arith.constant 0 : i32
    %dma_wait3A_100 = arith.constant 0 : i32
    %dma_wait3A_101 = tpu.memref_slice %arg10[%dma_wait3A_98, %dma_wait3A_99, %dma_wait3A_100] : memref<2x80x64xf32, #tpu.memory_space<vmem>> -> memref<1x80x64xf32, #tpu.memory_space<vmem>>
    %dma_wait3A_102 = tpu.memref_squeeze %dma_wait3A_101 : memref<1x80x64xf32, #tpu.memory_space<vmem>> -> memref<80x64xf32, #tpu.memory_space<vmem>>
    %dma_wait3A_103 = arith.constant 0 : i32
    %dma_wait3A_104 = arith.constant 0 : i32
    %dma_wait3A_105 = tpu.memref_slice %arg11[%dma_wait3A_103, %dma_wait3A_104] : memref<10112x64xf32, #tpu.memory_space<vmem_shared>> -> memref<80x64xf32, #tpu.memory_space<vmem_shared>>
    %dma_wait3A_106 = arith.constant 0 : i32
    %dma_wait3A_107 = arith.constant 0 : i32
    %dma_wait3A_108 = tpu.memref_slice %arg11[%dma_wait3A_106, %dma_wait3A_107] : memref<10112x64xf32, #tpu.memory_space<vmem_shared>> -> memref<80x64xf32, #tpu.memory_space<vmem_shared>>
    %dma_wait3A_109 = arith.constant 0 : i32
    %dma_wait3A_110 = arith.constant 0 : i32
    %dma_wait3A_111 = tpu.memref_slice %arg10[%dma_wait3A_98, %dma_wait3A_109, %dma_wait3A_110] : memref<2x80x64xf32, #tpu.memory_space<vmem>> -> memref<1x80x64xf32, #tpu.memory_space<vmem>>
    %dma_wait3A_112 = tpu.memref_squeeze %dma_wait3A_111 : memref<1x80x64xf32, #tpu.memory_space<vmem>> -> memref<80x64xf32, #tpu.memory_space<vmem>>
    tpu.wait_dma2 semaphore(%arg15 : memref<!tpu.dma_semaphore, #tpu.memory_space<semaphore_mem>>) src(%dma_wait3A_112 : memref<80x64xf32, #tpu.memory_space<vmem>>) dst(%dma_wait3A_108 : memref<80x64xf32, #tpu.memory_space<vmem_shared>>)
    %dma_wait3A_113 = arith.constant 1 : i32
    %dma_wait3A_114 = arith.constant 0 : i32
    %dma_wait3A_115 = arith.constant 0 : i32
    %dma_wait3A_116 = tpu.memref_slice %arg10[%dma_wait3A_113, %dma_wait3A_114, %dma_wait3A_115] : memref<2x80x64xf32, #tpu.memory_space<vmem>> -> memref<1x80x64xf32, #tpu.memory_space<vmem>>
    %dma_wait3A_117 = tpu.memref_squeeze %dma_wait3A_116 : memref<1x80x64xf32, #tpu.memory_space<vmem>> -> memref<80x64xf32, #tpu.memory_space<vmem>>
    %dma_wait3A_118 = arith.constant 0 : i32
    %dma_wait3A_119 = arith.constant 0 : i32
    %dma_wait3A_120 = tpu.memref_slice %arg11[%dma_wait3A_118, %dma_wait3A_119] : memref<10112x64xf32, #tpu.memory_space<vmem_shared>> -> memref<80x64xf32, #tpu.memory_space<vmem_shared>>
    %dma_wait3A_121 = arith.constant 0 : i32
    %dma_wait3A_122 = arith.constant 0 : i32
    %dma_wait3A_123 = tpu.memref_slice %arg11[%dma_wait3A_121, %dma_wait3A_122] : memref<10112x64xf32, #tpu.memory_space<vmem_shared>> -> memref<80x64xf32, #tpu.memory_space<vmem_shared>>
    %dma_wait3A_124 = arith.constant 0 : i32
    %dma_wait3A_125 = arith.constant 0 : i32
    %dma_wait3A_126 = tpu.memref_slice %arg10[%dma_wait3A_113, %dma_wait3A_124, %dma_wait3A_125] : memref<2x80x64xf32, #tpu.memory_space<vmem>> -> memref<1x80x64xf32, #tpu.memory_space<vmem>>
    %dma_wait3A_127 = tpu.memref_squeeze %dma_wait3A_126 : memref<1x80x64xf32, #tpu.memory_space<vmem>> -> memref<80x64xf32, #tpu.memory_space<vmem>>
    tpu.wait_dma2 semaphore(%arg16 : memref<!tpu.dma_semaphore, #tpu.memory_space<semaphore_mem>>) src(%dma_wait3A_127 : memref<80x64xf32, #tpu.memory_space<vmem>>) dst(%dma_wait3A_123 : memref<80x64xf32, #tpu.memory_space<vmem_shared>>)
    %barrier3A_128 = arith.constant 0 : index
    tpu.barrier barrier_id(%barrier3A_128)
    %run_scoped3A_129 = arith.constant 1 : i32
    "tpu.region"() ({
      %run_scoped3A_130 = tpu.sem_alloc : memref<!tpu.dma_semaphore, #tpu.memory_space<semaphore_mem>>
      %dma_start3A_131 = arith.constant 0 : i32
      %dma_start3A_132 = tpu.memref_slice %arg7[%run_scoped3A_129, %arg0, %mul3A_2, %dma_start3A_131] : memref<2x2x10112x64xf32, #tpu.memory_space<hbm>> -> memref<1x1x632x64xf32, #tpu.memory_space<hbm>>
      %dma_start3A_133 = tpu.memref_squeeze %dma_start3A_132 : memref<1x1x632x64xf32, #tpu.memory_space<hbm>> -> memref<632x64xf32, #tpu.memory_space<hbm>>
      %dma_start3A_134 = arith.constant 0 : i32
      %dma_start3A_135 = tpu.memref_slice %arg11[%mul3A_2, %dma_start3A_134] : memref<10112x64xf32, #tpu.memory_space<vmem_shared>> -> memref<632x64xf32, #tpu.memory_space<vmem_shared>>
      tpu.enqueue_dma source(%dma_start3A_135 : memref<632x64xf32, #tpu.memory_space<vmem_shared>>) target(%dma_start3A_133 : memref<632x64xf32, #tpu.memory_space<hbm>>) target_semaphore(%run_scoped3A_130 : memref<!tpu.dma_semaphore, #tpu.memory_space<semaphore_mem>>)
      %dma_wait3A_136 = arith.constant 0 : i32
      %dma_wait3A_137 = tpu.memref_slice %arg7[%run_scoped3A_129, %arg0, %mul3A_2, %dma_wait3A_136] : memref<2x2x10112x64xf32, #tpu.memory_space<hbm>> -> memref<1x1x632x64xf32, #tpu.memory_space<hbm>>
      %dma_wait3A_138 = tpu.memref_squeeze %dma_wait3A_137 : memref<1x1x632x64xf32, #tpu.memory_space<hbm>> -> memref<632x64xf32, #tpu.memory_space<hbm>>
      %dma_wait3A_139 = arith.constant 0 : i32
      %dma_wait3A_140 = tpu.memref_slice %arg11[%mul3A_2, %dma_wait3A_139] : memref<10112x64xf32, #tpu.memory_space<vmem_shared>> -> memref<632x64xf32, #tpu.memory_space<vmem_shared>>
      tpu.wait_dma2 semaphore(%run_scoped3A_130 : memref<!tpu.dma_semaphore, #tpu.memory_space<semaphore_mem>>) src(%dma_wait3A_140 : memref<632x64xf32, #tpu.memory_space<vmem_shared>>) dst(%dma_wait3A_138 : memref<632x64xf32, #tpu.memory_space<hbm>>)
      tpu.yield
    }) : () -> ()
    return
  }
}

#map = affine_map<(d0, d1) -> (0, 0)>
#map1 = affine_map<(d0, d1) -> (0, 0, 0)>
#map2 = affine_map<(d0, d1) -> (0, 0, 0, 0)>
module attributes {stable_mosaic.version = 14 : i64} {
  func.func @spmm(%arg0: i32, %arg1: i32, %arg2: memref<10112x80xf32, #tpu.memory_space<hbm>>, %arg3: memref<10112x80xf32, #tpu.memory_space<hbm>>, %arg4: memref<32x128x80xi32, #tpu.memory_space<hbm>>, %arg5: memref<32x128x80xi32, #tpu.memory_space<hbm>>, %arg6: memref<10112x80xf32, #tpu.memory_space<hbm>>, %arg7: memref<2x2x10112x80xf32, #tpu.memory_space<hbm>>, %arg8: memref<128x80xi32, #tpu.memory_space<vmem>>, %arg9: memref<2x80xi32, #tpu.memory_space<vmem>>, %arg10: memref<2x80x80xf32, #tpu.memory_space<vmem>>, %arg11: memref<10112x80xf32, #tpu.memory_space<vmem_shared>>, %arg12: memref<10112x80xf32, #tpu.memory_space<vmem_shared>>, %arg13: memref<!tpu.dma_semaphore, #tpu.memory_space<semaphore_mem>>, %arg14: memref<!tpu.dma_semaphore, #tpu.memory_space<semaphore_mem>>, %arg15: memref<!tpu.dma_semaphore, #tpu.memory_space<semaphore_mem>>, %arg16: memref<!tpu.dma_semaphore, #tpu.memory_space<semaphore_mem>>, %arg17: memref<!tpu.dma_semaphore, #tpu.memory_space<semaphore_mem>>, %arg18: memref<!tpu.dma_semaphore, #tpu.memory_space<semaphore_mem>>) attributes {dimension_semantics = [#tpu.dimension_semantics<core_parallel>, #tpu.dimension_semantics<subcore_parallel>], iteration_bounds = array<i64: 2, 16>, scalar_prefetch = 0 : i64, scratch_operands = 11 : i64, tpu.core_type = #tpu.core_type<sc_vector_subcore>, window_params = [{transform_indices = #map}, {transform_indices = #map}, {transform_indices = #map1}, {transform_indices = #map1}, {transform_indices = #map}, {transform_indices = #map2}]} {
    %mul3A = arith.constant 2 : i32
    %mul3A_0 = arith.muli %arg1, %mul3A : i32
    %add3A = arith.addi %mul3A_0, %arg0 : i32
    %mul3A_1 = arith.constant 632 : i32
    %mul3A_2 = arith.muli %arg1, %mul3A_1 : i32
    "tpu.region"() ({
      %run_scoped3A_130 = tpu.sem_alloc : memref<!tpu.dma_semaphore, #tpu.memory_space<semaphore_mem>>
      %dma_start3A_131 = arith.constant 0 : i32
      %dma_start3A_132 = arith.constant 0 : i32
      %dma_start3A_133 = tpu.memref_slice %arg4[%add3A, %dma_start3A_131, %dma_start3A_132] : memref<32x128x80xi32, #tpu.memory_space<hbm>> -> memref<1x128x80xi32, #tpu.memory_space<hbm>>
      %dma_start3A_134 = tpu.memref_squeeze %dma_start3A_133 : memref<1x128x80xi32, #tpu.memory_space<hbm>> -> memref<128x80xi32, #tpu.memory_space<hbm>>
      %dma_start3A_135 = arith.constant 0 : i32
      %dma_start3A_136 = arith.constant 0 : i32
      %dma_start3A_137 = tpu.memref_slice %arg4[%add3A, %dma_start3A_135, %dma_start3A_136] : memref<32x128x80xi32, #tpu.memory_space<hbm>> -> memref<1x128x80xi32, #tpu.memory_space<hbm>>
      %dma_start3A_138 = tpu.memref_squeeze %dma_start3A_137 : memref<1x128x80xi32, #tpu.memory_space<hbm>> -> memref<128x80xi32, #tpu.memory_space<hbm>>
      tpu.enqueue_dma source(%dma_start3A_138 : memref<128x80xi32, #tpu.memory_space<hbm>>) target(%arg8 : memref<128x80xi32, #tpu.memory_space<vmem>>) target_semaphore(%run_scoped3A_130 : memref<!tpu.dma_semaphore, #tpu.memory_space<semaphore_mem>>)
      %dma_wait3A_139 = arith.constant 0 : i32
      %dma_wait3A_140 = arith.constant 0 : i32
      %dma_wait3A_141 = tpu.memref_slice %arg4[%add3A, %dma_wait3A_139, %dma_wait3A_140] : memref<32x128x80xi32, #tpu.memory_space<hbm>> -> memref<1x128x80xi32, #tpu.memory_space<hbm>>
      %dma_wait3A_142 = tpu.memref_squeeze %dma_wait3A_141 : memref<1x128x80xi32, #tpu.memory_space<hbm>> -> memref<128x80xi32, #tpu.memory_space<hbm>>
      %dma_wait3A_143 = arith.constant 0 : i32
      %dma_wait3A_144 = arith.constant 0 : i32
      %dma_wait3A_145 = tpu.memref_slice %arg4[%add3A, %dma_wait3A_143, %dma_wait3A_144] : memref<32x128x80xi32, #tpu.memory_space<hbm>> -> memref<1x128x80xi32, #tpu.memory_space<hbm>>
      %dma_wait3A_146 = tpu.memref_squeeze %dma_wait3A_145 : memref<1x128x80xi32, #tpu.memory_space<hbm>> -> memref<128x80xi32, #tpu.memory_space<hbm>>
      tpu.wait_dma2 semaphore(%run_scoped3A_130 : memref<!tpu.dma_semaphore, #tpu.memory_space<semaphore_mem>>) src(%dma_wait3A_146 : memref<128x80xi32, #tpu.memory_space<hbm>>) dst(%arg8 : memref<128x80xi32, #tpu.memory_space<vmem>>)
      tpu.yield
    }) : () -> ()
    "tpu.region"() ({
      %run_scoped3A_130 = tpu.sem_alloc : memref<!tpu.dma_semaphore, #tpu.memory_space<semaphore_mem>>
      %dma_start3A_131 = arith.constant 0 : i32
      %dma_start3A_132 = tpu.memref_slice %arg12[%mul3A_2, %dma_start3A_131] : memref<10112x80xf32, #tpu.memory_space<vmem_shared>> -> memref<632x80xf32, #tpu.memory_space<vmem_shared>>
      %dma_start3A_133 = arith.constant 0 : i32
      %dma_start3A_134 = tpu.memref_slice %arg2[%mul3A_2, %dma_start3A_133] : memref<10112x80xf32, #tpu.memory_space<hbm>> -> memref<632x80xf32, #tpu.memory_space<hbm>>
      tpu.enqueue_dma source(%dma_start3A_134 : memref<632x80xf32, #tpu.memory_space<hbm>>) target(%dma_start3A_132 : memref<632x80xf32, #tpu.memory_space<vmem_shared>>) target_semaphore(%run_scoped3A_130 : memref<!tpu.dma_semaphore, #tpu.memory_space<semaphore_mem>>)
      %dma_wait3A_135 = arith.constant 0 : i32
      %dma_wait3A_136 = tpu.memref_slice %arg12[%mul3A_2, %dma_wait3A_135] : memref<10112x80xf32, #tpu.memory_space<vmem_shared>> -> memref<632x80xf32, #tpu.memory_space<vmem_shared>>
      %dma_wait3A_137 = arith.constant 0 : i32
      %dma_wait3A_138 = tpu.memref_slice %arg2[%mul3A_2, %dma_wait3A_137] : memref<10112x80xf32, #tpu.memory_space<hbm>> -> memref<632x80xf32, #tpu.memory_space<hbm>>
      tpu.wait_dma2 semaphore(%run_scoped3A_130 : memref<!tpu.dma_semaphore, #tpu.memory_space<semaphore_mem>>) src(%dma_wait3A_138 : memref<632x80xf32, #tpu.memory_space<hbm>>) dst(%dma_wait3A_136 : memref<632x80xf32, #tpu.memory_space<vmem_shared>>)
      tpu.yield
    }) : () -> ()
    "tpu.region"() ({
      %run_scoped3A_130 = tpu.sem_alloc : memref<!tpu.dma_semaphore, #tpu.memory_space<semaphore_mem>>
      %dma_start3A_131 = arith.constant 0 : i32
      %dma_start3A_132 = tpu.memref_slice %arg11[%mul3A_2, %dma_start3A_131] : memref<10112x80xf32, #tpu.memory_space<vmem_shared>> -> memref<632x80xf32, #tpu.memory_space<vmem_shared>>
      %dma_start3A_133 = arith.constant 0 : i32
      %dma_start3A_134 = tpu.memref_slice %arg6[%mul3A_2, %dma_start3A_133] : memref<10112x80xf32, #tpu.memory_space<hbm>> -> memref<632x80xf32, #tpu.memory_space<hbm>>
      tpu.enqueue_dma source(%dma_start3A_134 : memref<632x80xf32, #tpu.memory_space<hbm>>) target(%dma_start3A_132 : memref<632x80xf32, #tpu.memory_space<vmem_shared>>) target_semaphore(%run_scoped3A_130 : memref<!tpu.dma_semaphore, #tpu.memory_space<semaphore_mem>>)
      %dma_wait3A_135 = arith.constant 0 : i32
      %dma_wait3A_136 = tpu.memref_slice %arg11[%mul3A_2, %dma_wait3A_135] : memref<10112x80xf32, #tpu.memory_space<vmem_shared>> -> memref<632x80xf32, #tpu.memory_space<vmem_shared>>
      %dma_wait3A_137 = arith.constant 0 : i32
      %dma_wait3A_138 = tpu.memref_slice %arg6[%mul3A_2, %dma_wait3A_137] : memref<10112x80xf32, #tpu.memory_space<hbm>> -> memref<632x80xf32, #tpu.memory_space<hbm>>
      tpu.wait_dma2 semaphore(%run_scoped3A_130 : memref<!tpu.dma_semaphore, #tpu.memory_space<semaphore_mem>>) src(%dma_wait3A_138 : memref<632x80xf32, #tpu.memory_space<hbm>>) dst(%dma_wait3A_136 : memref<632x80xf32, #tpu.memory_space<vmem_shared>>)
      tpu.yield
    }) : () -> ()
    %barrier3A = arith.constant 0 : index
    tpu.barrier barrier_id(%barrier3A)
    %run_scoped3A = arith.constant 0 : i32
    %run_scoped3A_3 = arith.constant 0 : i32
    "tpu.region"() ({
      %run_scoped3A_130 = tpu.sem_alloc : memref<!tpu.dma_semaphore, #tpu.memory_space<semaphore_mem>>
      %dma_start3A_131 = arith.constant 0 : i32
      %dma_start3A_132 = tpu.memref_slice %arg9[%run_scoped3A_3, %dma_start3A_131] : memref<2x80xi32, #tpu.memory_space<vmem>> -> memref<1x80xi32, #tpu.memory_space<vmem>>
      %dma_start3A_133 = tpu.memref_squeeze %dma_start3A_132 : memref<1x80xi32, #tpu.memory_space<vmem>> -> memref<80xi32, #tpu.memory_space<vmem>>
      %dma_start3A_134 = arith.constant 0 : i32
      %dma_start3A_135 = tpu.memref_slice %arg5[%add3A, %run_scoped3A, %dma_start3A_134] : memref<32x128x80xi32, #tpu.memory_space<hbm>> -> memref<1x1x80xi32, #tpu.memory_space<hbm>>
      %dma_start3A_136 = tpu.memref_squeeze %dma_start3A_135 : memref<1x1x80xi32, #tpu.memory_space<hbm>> -> memref<80xi32, #tpu.memory_space<hbm>>
      %dma_start3A_137 = arith.constant 0 : i32
      %dma_start3A_138 = tpu.memref_slice %arg9[%run_scoped3A_3, %dma_start3A_137] : memref<2x80xi32, #tpu.memory_space<vmem>> -> memref<1x80xi32, #tpu.memory_space<vmem>>
      %dma_start3A_139 = tpu.memref_squeeze %dma_start3A_138 : memref<1x80xi32, #tpu.memory_space<vmem>> -> memref<80xi32, #tpu.memory_space<vmem>>
      %dma_start3A_140 = arith.constant 0 : i32
      %dma_start3A_141 = tpu.memref_slice %arg5[%add3A, %run_scoped3A, %dma_start3A_140] : memref<32x128x80xi32, #tpu.memory_space<hbm>> -> memref<1x1x80xi32, #tpu.memory_space<hbm>>
      %dma_start3A_142 = tpu.memref_squeeze %dma_start3A_141 : memref<1x1x80xi32, #tpu.memory_space<hbm>> -> memref<80xi32, #tpu.memory_space<hbm>>
      tpu.enqueue_dma source(%dma_start3A_142 : memref<80xi32, #tpu.memory_space<hbm>>) target(%dma_start3A_139 : memref<80xi32, #tpu.memory_space<vmem>>) target_semaphore(%run_scoped3A_130 : memref<!tpu.dma_semaphore, #tpu.memory_space<semaphore_mem>>)
      %dma_wait3A_143 = arith.constant 0 : i32
      %dma_wait3A_144 = tpu.memref_slice %arg9[%run_scoped3A_3, %dma_wait3A_143] : memref<2x80xi32, #tpu.memory_space<vmem>> -> memref<1x80xi32, #tpu.memory_space<vmem>>
      %dma_wait3A_145 = tpu.memref_squeeze %dma_wait3A_144 : memref<1x80xi32, #tpu.memory_space<vmem>> -> memref<80xi32, #tpu.memory_space<vmem>>
      %dma_wait3A_146 = arith.constant 0 : i32
      %dma_wait3A_147 = tpu.memref_slice %arg5[%add3A, %run_scoped3A, %dma_wait3A_146] : memref<32x128x80xi32, #tpu.memory_space<hbm>> -> memref<1x1x80xi32, #tpu.memory_space<hbm>>
      %dma_wait3A_148 = tpu.memref_squeeze %dma_wait3A_147 : memref<1x1x80xi32, #tpu.memory_space<hbm>> -> memref<80xi32, #tpu.memory_space<hbm>>
      %dma_wait3A_149 = arith.constant 0 : i32
      %dma_wait3A_150 = tpu.memref_slice %arg9[%run_scoped3A_3, %dma_wait3A_149] : memref<2x80xi32, #tpu.memory_space<vmem>> -> memref<1x80xi32, #tpu.memory_space<vmem>>
      %dma_wait3A_151 = tpu.memref_squeeze %dma_wait3A_150 : memref<1x80xi32, #tpu.memory_space<vmem>> -> memref<80xi32, #tpu.memory_space<vmem>>
      %dma_wait3A_152 = arith.constant 0 : i32
      %dma_wait3A_153 = tpu.memref_slice %arg5[%add3A, %run_scoped3A, %dma_wait3A_152] : memref<32x128x80xi32, #tpu.memory_space<hbm>> -> memref<1x1x80xi32, #tpu.memory_space<hbm>>
      %dma_wait3A_154 = tpu.memref_squeeze %dma_wait3A_153 : memref<1x1x80xi32, #tpu.memory_space<hbm>> -> memref<80xi32, #tpu.memory_space<hbm>>
      tpu.wait_dma2 semaphore(%run_scoped3A_130 : memref<!tpu.dma_semaphore, #tpu.memory_space<semaphore_mem>>) src(%dma_wait3A_154 : memref<80xi32, #tpu.memory_space<hbm>>) dst(%dma_wait3A_151 : memref<80xi32, #tpu.memory_space<vmem>>)
      tpu.yield
    }) : () -> ()
    %dma_start3A = arith.constant 0 : i32
    %dma_start3A_4 = arith.constant 0 : i32
    %dma_start3A_5 = arith.constant 0 : i32
    %dma_start3A_6 = arith.constant 0 : i32
    %dma_start3A_7 = tpu.memref_slice %arg10[%dma_start3A_4, %dma_start3A_5, %dma_start3A_6] : memref<2x80x80xf32, #tpu.memory_space<vmem>> -> memref<1x80x80xf32, #tpu.memory_space<vmem>>
    %dma_start3A_8 = tpu.memref_squeeze %dma_start3A_7 : memref<1x80x80xf32, #tpu.memory_space<vmem>> -> memref<80x80xf32, #tpu.memory_space<vmem>>
    %dma_start3A_9 = arith.constant 0 : i32
    %dma_start3A_10 = tpu.memref_slice %arg8[%dma_start3A, %dma_start3A_9] : memref<128x80xi32, #tpu.memory_space<vmem>> -> memref<1x80xi32, #tpu.memory_space<vmem>>
    %dma_start3A_11 = tpu.memref_squeeze %dma_start3A_10 : memref<1x80xi32, #tpu.memory_space<vmem>> -> memref<80xi32, #tpu.memory_space<vmem>>
    %dma_start3A_12 = arith.constant 0 : i32
    %dma_start3A_13 = arith.constant 0 : i32
    %dma_start3A_14 = tpu.memref_slice %arg12[%dma_start3A_12, %dma_start3A_13] : memref<10112x80xf32, #tpu.memory_space<vmem_shared>> -> memref<10112x80xf32, #tpu.memory_space<vmem_shared>>
    tpu.enqueue_indirect_dma source(%dma_start3A_14 : memref<10112x80xf32, #tpu.memory_space<vmem_shared>>) target(%dma_start3A_8 : memref<80x80xf32, #tpu.memory_space<vmem>>) offsets(%dma_start3A_11 : memref<80xi32, #tpu.memory_space<vmem>>) semaphore(%arg13 : memref<!tpu.dma_semaphore, #tpu.memory_space<semaphore_mem>>)
    %run_scoped3A_15 = arith.constant 1 : i32
    %run_scoped3A_16 = arith.constant 1 : i32
    "tpu.region"() ({
      %run_scoped3A_130 = tpu.sem_alloc : memref<!tpu.dma_semaphore, #tpu.memory_space<semaphore_mem>>
      %dma_start3A_131 = arith.constant 0 : i32
      %dma_start3A_132 = tpu.memref_slice %arg9[%run_scoped3A_16, %dma_start3A_131] : memref<2x80xi32, #tpu.memory_space<vmem>> -> memref<1x80xi32, #tpu.memory_space<vmem>>
      %dma_start3A_133 = tpu.memref_squeeze %dma_start3A_132 : memref<1x80xi32, #tpu.memory_space<vmem>> -> memref<80xi32, #tpu.memory_space<vmem>>
      %dma_start3A_134 = arith.constant 0 : i32
      %dma_start3A_135 = tpu.memref_slice %arg5[%add3A, %run_scoped3A_15, %dma_start3A_134] : memref<32x128x80xi32, #tpu.memory_space<hbm>> -> memref<1x1x80xi32, #tpu.memory_space<hbm>>
      %dma_start3A_136 = tpu.memref_squeeze %dma_start3A_135 : memref<1x1x80xi32, #tpu.memory_space<hbm>> -> memref<80xi32, #tpu.memory_space<hbm>>
      %dma_start3A_137 = arith.constant 0 : i32
      %dma_start3A_138 = tpu.memref_slice %arg9[%run_scoped3A_16, %dma_start3A_137] : memref<2x80xi32, #tpu.memory_space<vmem>> -> memref<1x80xi32, #tpu.memory_space<vmem>>
      %dma_start3A_139 = tpu.memref_squeeze %dma_start3A_138 : memref<1x80xi32, #tpu.memory_space<vmem>> -> memref<80xi32, #tpu.memory_space<vmem>>
      %dma_start3A_140 = arith.constant 0 : i32
      %dma_start3A_141 = tpu.memref_slice %arg5[%add3A, %run_scoped3A_15, %dma_start3A_140] : memref<32x128x80xi32, #tpu.memory_space<hbm>> -> memref<1x1x80xi32, #tpu.memory_space<hbm>>
      %dma_start3A_142 = tpu.memref_squeeze %dma_start3A_141 : memref<1x1x80xi32, #tpu.memory_space<hbm>> -> memref<80xi32, #tpu.memory_space<hbm>>
      tpu.enqueue_dma source(%dma_start3A_142 : memref<80xi32, #tpu.memory_space<hbm>>) target(%dma_start3A_139 : memref<80xi32, #tpu.memory_space<vmem>>) target_semaphore(%run_scoped3A_130 : memref<!tpu.dma_semaphore, #tpu.memory_space<semaphore_mem>>)
      %dma_wait3A_143 = arith.constant 0 : i32
      %dma_wait3A_144 = tpu.memref_slice %arg9[%run_scoped3A_16, %dma_wait3A_143] : memref<2x80xi32, #tpu.memory_space<vmem>> -> memref<1x80xi32, #tpu.memory_space<vmem>>
      %dma_wait3A_145 = tpu.memref_squeeze %dma_wait3A_144 : memref<1x80xi32, #tpu.memory_space<vmem>> -> memref<80xi32, #tpu.memory_space<vmem>>
      %dma_wait3A_146 = arith.constant 0 : i32
      %dma_wait3A_147 = tpu.memref_slice %arg5[%add3A, %run_scoped3A_15, %dma_wait3A_146] : memref<32x128x80xi32, #tpu.memory_space<hbm>> -> memref<1x1x80xi32, #tpu.memory_space<hbm>>
      %dma_wait3A_148 = tpu.memref_squeeze %dma_wait3A_147 : memref<1x1x80xi32, #tpu.memory_space<hbm>> -> memref<80xi32, #tpu.memory_space<hbm>>
      %dma_wait3A_149 = arith.constant 0 : i32
      %dma_wait3A_150 = tpu.memref_slice %arg9[%run_scoped3A_16, %dma_wait3A_149] : memref<2x80xi32, #tpu.memory_space<vmem>> -> memref<1x80xi32, #tpu.memory_space<vmem>>
      %dma_wait3A_151 = tpu.memref_squeeze %dma_wait3A_150 : memref<1x80xi32, #tpu.memory_space<vmem>> -> memref<80xi32, #tpu.memory_space<vmem>>
      %dma_wait3A_152 = arith.constant 0 : i32
      %dma_wait3A_153 = tpu.memref_slice %arg5[%add3A, %run_scoped3A_15, %dma_wait3A_152] : memref<32x128x80xi32, #tpu.memory_space<hbm>> -> memref<1x1x80xi32, #tpu.memory_space<hbm>>
      %dma_wait3A_154 = tpu.memref_squeeze %dma_wait3A_153 : memref<1x1x80xi32, #tpu.memory_space<hbm>> -> memref<80xi32, #tpu.memory_space<hbm>>
      tpu.wait_dma2 semaphore(%run_scoped3A_130 : memref<!tpu.dma_semaphore, #tpu.memory_space<semaphore_mem>>) src(%dma_wait3A_154 : memref<80xi32, #tpu.memory_space<hbm>>) dst(%dma_wait3A_151 : memref<80xi32, #tpu.memory_space<vmem>>)
      tpu.yield
    }) : () -> ()
    %dma_start3A_17 = arith.constant 1 : i32
    %dma_start3A_18 = arith.constant 1 : i32
    %dma_start3A_19 = arith.constant 0 : i32
    %dma_start3A_20 = arith.constant 0 : i32
    %dma_start3A_21 = tpu.memref_slice %arg10[%dma_start3A_18, %dma_start3A_19, %dma_start3A_20] : memref<2x80x80xf32, #tpu.memory_space<vmem>> -> memref<1x80x80xf32, #tpu.memory_space<vmem>>
    %dma_start3A_22 = tpu.memref_squeeze %dma_start3A_21 : memref<1x80x80xf32, #tpu.memory_space<vmem>> -> memref<80x80xf32, #tpu.memory_space<vmem>>
    %dma_start3A_23 = arith.constant 0 : i32
    %dma_start3A_24 = tpu.memref_slice %arg8[%dma_start3A_17, %dma_start3A_23] : memref<128x80xi32, #tpu.memory_space<vmem>> -> memref<1x80xi32, #tpu.memory_space<vmem>>
    %dma_start3A_25 = tpu.memref_squeeze %dma_start3A_24 : memref<1x80xi32, #tpu.memory_space<vmem>> -> memref<80xi32, #tpu.memory_space<vmem>>
    %dma_start3A_26 = arith.constant 0 : i32
    %dma_start3A_27 = arith.constant 0 : i32
    %dma_start3A_28 = tpu.memref_slice %arg12[%dma_start3A_26, %dma_start3A_27] : memref<10112x80xf32, #tpu.memory_space<vmem_shared>> -> memref<10112x80xf32, #tpu.memory_space<vmem_shared>>
    tpu.enqueue_indirect_dma source(%dma_start3A_28 : memref<10112x80xf32, #tpu.memory_space<vmem_shared>>) target(%dma_start3A_22 : memref<80x80xf32, #tpu.memory_space<vmem>>) offsets(%dma_start3A_25 : memref<80xi32, #tpu.memory_space<vmem>>) semaphore(%arg14 : memref<!tpu.dma_semaphore, #tpu.memory_space<semaphore_mem>>)
    %scan3A = arith.constant 0 : i32
    %scan3A_29 = arith.constant 64 : i32
    %scan3A_30 = arith.addi %scan3A, %scan3A_29 : i32
    %scan3A_31 = arith.constant 1 : i32
    scf.for %scan3A_130 = %scan3A to %scan3A_30 step %scan3A_31  : i32 {
      %mul3A_131 = arith.constant 1 : i32
      %mul3A_132 = arith.muli %scan3A_130, %mul3A_131 : i32
      %add3A_133 = arith.constant 0 : i32
      %add3A_134 = arith.addi %add3A_133, %mul3A_132 : i32
      %dma_wait3A_135 = arith.constant 0 : i32
      %dma_wait3A_136 = arith.constant 0 : i32
      %dma_wait3A_137 = arith.constant 0 : i32
      %dma_wait3A_138 = tpu.memref_slice %arg10[%dma_wait3A_135, %dma_wait3A_136, %dma_wait3A_137] : memref<2x80x80xf32, #tpu.memory_space<vmem>> -> memref<1x80x80xf32, #tpu.memory_space<vmem>>
      %dma_wait3A_139 = tpu.memref_squeeze %dma_wait3A_138 : memref<1x80x80xf32, #tpu.memory_space<vmem>> -> memref<80x80xf32, #tpu.memory_space<vmem>>
      %dma_wait3A_140 = arith.constant 0 : i32
      %dma_wait3A_141 = arith.constant 0 : i32
      %dma_wait3A_142 = tpu.memref_slice %arg6[%dma_wait3A_140, %dma_wait3A_141] : memref<10112x80xf32, #tpu.memory_space<hbm>> -> memref<80x80xf32, #tpu.memory_space<hbm>>
      %dma_wait3A_143 = arith.constant 0 : i32
      %dma_wait3A_144 = arith.constant 0 : i32
      %dma_wait3A_145 = tpu.memref_slice %arg10[%dma_wait3A_135, %dma_wait3A_143, %dma_wait3A_144] : memref<2x80x80xf32, #tpu.memory_space<vmem>> -> memref<1x80x80xf32, #tpu.memory_space<vmem>>
      %dma_wait3A_146 = tpu.memref_squeeze %dma_wait3A_145 : memref<1x80x80xf32, #tpu.memory_space<vmem>> -> memref<80x80xf32, #tpu.memory_space<vmem>>
      %dma_wait3A_147 = arith.constant 0 : i32
      %dma_wait3A_148 = arith.constant 0 : i32
      %dma_wait3A_149 = tpu.memref_slice %arg6[%dma_wait3A_147, %dma_wait3A_148] : memref<10112x80xf32, #tpu.memory_space<hbm>> -> memref<80x80xf32, #tpu.memory_space<hbm>>
      tpu.wait_dma2 semaphore(%arg13 : memref<!tpu.dma_semaphore, #tpu.memory_space<semaphore_mem>>) src(%dma_wait3A_149 : memref<80x80xf32, #tpu.memory_space<hbm>>) dst(%dma_wait3A_146 : memref<80x80xf32, #tpu.memory_space<vmem>>)
      %gt3A = arith.constant 0 : i32
      %gt3A_150 = arith.cmpi sgt, %add3A_134, %gt3A : i32
      %convert_element_type3A = arith.extui %gt3A_150 : i1 to i32
      %cond3A = arith.constant 0 : i32
      %cond3A_151 = arith.cmpi ne, %convert_element_type3A, %cond3A : i32
      scf.if %cond3A_151 {
        %dma_wait3A_200 = arith.constant 0 : i32
        %dma_wait3A_201 = arith.constant 0 : i32
        %dma_wait3A_202 = arith.constant 0 : i32
        %dma_wait3A_203 = tpu.memref_slice %arg9[%dma_wait3A_201, %dma_wait3A_202] : memref<2x80xi32, #tpu.memory_space<vmem>> -> memref<1x80xi32, #tpu.memory_space<vmem>>
        %dma_wait3A_204 = tpu.memref_squeeze %dma_wait3A_203 : memref<1x80xi32, #tpu.memory_space<vmem>> -> memref<80xi32, #tpu.memory_space<vmem>>
        %dma_wait3A_205 = arith.constant 0 : i32
        %dma_wait3A_206 = tpu.memref_slice %arg5[%add3A, %dma_wait3A_200, %dma_wait3A_205] : memref<32x128x80xi32, #tpu.memory_space<hbm>> -> memref<1x1x80xi32, #tpu.memory_space<hbm>>
        %dma_wait3A_207 = tpu.memref_squeeze %dma_wait3A_206 : memref<1x1x80xi32, #tpu.memory_space<hbm>> -> memref<80xi32, #tpu.memory_space<hbm>>
        %dma_wait3A_208 = arith.constant 0 : i32
        %dma_wait3A_209 = tpu.memref_slice %arg9[%dma_wait3A_201, %dma_wait3A_208] : memref<2x80xi32, #tpu.memory_space<vmem>> -> memref<1x80xi32, #tpu.memory_space<vmem>>
        %dma_wait3A_210 = tpu.memref_squeeze %dma_wait3A_209 : memref<1x80xi32, #tpu.memory_space<vmem>> -> memref<80xi32, #tpu.memory_space<vmem>>
        %dma_wait3A_211 = arith.constant 0 : i32
        %dma_wait3A_212 = tpu.memref_slice %arg5[%add3A, %dma_wait3A_200, %dma_wait3A_211] : memref<32x128x80xi32, #tpu.memory_space<hbm>> -> memref<1x1x80xi32, #tpu.memory_space<hbm>>
        %dma_wait3A_213 = tpu.memref_squeeze %dma_wait3A_212 : memref<1x1x80xi32, #tpu.memory_space<hbm>> -> memref<80xi32, #tpu.memory_space<hbm>>
        tpu.wait_dma2 semaphore(%arg17 : memref<!tpu.dma_semaphore, #tpu.memory_space<semaphore_mem>>) src(%dma_wait3A_213 : memref<80xi32, #tpu.memory_space<hbm>>) dst(%dma_wait3A_210 : memref<80xi32, #tpu.memory_space<vmem>>)
      } else {
      }
      %dma_start3A_152 = arith.constant 0 : i32
      %dma_start3A_153 = arith.constant 0 : i32
      %dma_start3A_154 = arith.constant 0 : i32
      %dma_start3A_155 = arith.constant 0 : i32
      %dma_start3A_156 = tpu.memref_slice %arg10[%dma_start3A_152, %dma_start3A_154, %dma_start3A_155] : memref<2x80x80xf32, #tpu.memory_space<vmem>> -> memref<1x80x80xf32, #tpu.memory_space<vmem>>
      %dma_start3A_157 = tpu.memref_squeeze %dma_start3A_156 : memref<1x80x80xf32, #tpu.memory_space<vmem>> -> memref<80x80xf32, #tpu.memory_space<vmem>>
      %dma_start3A_158 = arith.constant 0 : i32
      %dma_start3A_159 = tpu.memref_slice %arg9[%dma_start3A_153, %dma_start3A_158] : memref<2x80xi32, #tpu.memory_space<vmem>> -> memref<1x80xi32, #tpu.memory_space<vmem>>
      %dma_start3A_160 = tpu.memref_squeeze %dma_start3A_159 : memref<1x80xi32, #tpu.memory_space<vmem>> -> memref<80xi32, #tpu.memory_space<vmem>>
      %dma_start3A_161 = arith.constant 0 : i32
      %dma_start3A_162 = arith.constant 0 : i32
      %dma_start3A_163 = tpu.memref_slice %arg11[%dma_start3A_161, %dma_start3A_162] : memref<10112x80xf32, #tpu.memory_space<vmem_shared>> -> memref<10112x80xf32, #tpu.memory_space<vmem_shared>>
      tpu.enqueue_indirect_dma source(%dma_start3A_157 : memref<80x80xf32, #tpu.memory_space<vmem>>) target(%dma_start3A_163 : memref<10112x80xf32, #tpu.memory_space<vmem_shared>>) offsets(%dma_start3A_160 : memref<80xi32, #tpu.memory_space<vmem>>) semaphore(%arg15 : memref<!tpu.dma_semaphore, #tpu.memory_space<semaphore_mem>>) {add = true}
      %dma_wait3A_164 = arith.constant 1 : i32
      %dma_wait3A_165 = arith.constant 0 : i32
      %dma_wait3A_166 = arith.constant 0 : i32
      %dma_wait3A_167 = tpu.memref_slice %arg10[%dma_wait3A_164, %dma_wait3A_165, %dma_wait3A_166] : memref<2x80x80xf32, #tpu.memory_space<vmem>> -> memref<1x80x80xf32, #tpu.memory_space<vmem>>
      %dma_wait3A_168 = tpu.memref_squeeze %dma_wait3A_167 : memref<1x80x80xf32, #tpu.memory_space<vmem>> -> memref<80x80xf32, #tpu.memory_space<vmem>>
      %dma_wait3A_169 = arith.constant 0 : i32
      %dma_wait3A_170 = arith.constant 0 : i32
      %dma_wait3A_171 = tpu.memref_slice %arg6[%dma_wait3A_169, %dma_wait3A_170] : memref<10112x80xf32, #tpu.memory_space<hbm>> -> memref<80x80xf32, #tpu.memory_space<hbm>>
      %dma_wait3A_172 = arith.constant 0 : i32
      %dma_wait3A_173 = arith.constant 0 : i32
      %dma_wait3A_174 = tpu.memref_slice %arg10[%dma_wait3A_164, %dma_wait3A_172, %dma_wait3A_173] : memref<2x80x80xf32, #tpu.memory_space<vmem>> -> memref<1x80x80xf32, #tpu.memory_space<vmem>>
      %dma_wait3A_175 = tpu.memref_squeeze %dma_wait3A_174 : memref<1x80x80xf32, #tpu.memory_space<vmem>> -> memref<80x80xf32, #tpu.memory_space<vmem>>
      %dma_wait3A_176 = arith.constant 0 : i32
      %dma_wait3A_177 = arith.constant 0 : i32
      %dma_wait3A_178 = tpu.memref_slice %arg6[%dma_wait3A_176, %dma_wait3A_177] : memref<10112x80xf32, #tpu.memory_space<hbm>> -> memref<80x80xf32, #tpu.memory_space<hbm>>
      tpu.wait_dma2 semaphore(%arg14 : memref<!tpu.dma_semaphore, #tpu.memory_space<semaphore_mem>>) src(%dma_wait3A_178 : memref<80x80xf32, #tpu.memory_space<hbm>>) dst(%dma_wait3A_175 : memref<80x80xf32, #tpu.memory_space<vmem>>)
      %gt3A_179 = arith.constant 0 : i32
      %gt3A_180 = arith.cmpi sgt, %add3A_134, %gt3A_179 : i32
      %convert_element_type3A_181 = arith.extui %gt3A_180 : i1 to i32
      %cond3A_182 = arith.constant 0 : i32
      %cond3A_183 = arith.cmpi ne, %convert_element_type3A_181, %cond3A_182 : i32
      scf.if %cond3A_183 {
        %dma_wait3A_200 = arith.constant 0 : i32
        %dma_wait3A_201 = arith.constant 1 : i32
        %dma_wait3A_202 = arith.constant 0 : i32
        %dma_wait3A_203 = tpu.memref_slice %arg9[%dma_wait3A_201, %dma_wait3A_202] : memref<2x80xi32, #tpu.memory_space<vmem>> -> memref<1x80xi32, #tpu.memory_space<vmem>>
        %dma_wait3A_204 = tpu.memref_squeeze %dma_wait3A_203 : memref<1x80xi32, #tpu.memory_space<vmem>> -> memref<80xi32, #tpu.memory_space<vmem>>
        %dma_wait3A_205 = arith.constant 0 : i32
        %dma_wait3A_206 = tpu.memref_slice %arg5[%add3A, %dma_wait3A_200, %dma_wait3A_205] : memref<32x128x80xi32, #tpu.memory_space<hbm>> -> memref<1x1x80xi32, #tpu.memory_space<hbm>>
        %dma_wait3A_207 = tpu.memref_squeeze %dma_wait3A_206 : memref<1x1x80xi32, #tpu.memory_space<hbm>> -> memref<80xi32, #tpu.memory_space<hbm>>
        %dma_wait3A_208 = arith.constant 0 : i32
        %dma_wait3A_209 = tpu.memref_slice %arg9[%dma_wait3A_201, %dma_wait3A_208] : memref<2x80xi32, #tpu.memory_space<vmem>> -> memref<1x80xi32, #tpu.memory_space<vmem>>
        %dma_wait3A_210 = tpu.memref_squeeze %dma_wait3A_209 : memref<1x80xi32, #tpu.memory_space<vmem>> -> memref<80xi32, #tpu.memory_space<vmem>>
        %dma_wait3A_211 = arith.constant 0 : i32
        %dma_wait3A_212 = tpu.memref_slice %arg5[%add3A, %dma_wait3A_200, %dma_wait3A_211] : memref<32x128x80xi32, #tpu.memory_space<hbm>> -> memref<1x1x80xi32, #tpu.memory_space<hbm>>
        %dma_wait3A_213 = tpu.memref_squeeze %dma_wait3A_212 : memref<1x1x80xi32, #tpu.memory_space<hbm>> -> memref<80xi32, #tpu.memory_space<hbm>>
        tpu.wait_dma2 semaphore(%arg18 : memref<!tpu.dma_semaphore, #tpu.memory_space<semaphore_mem>>) src(%dma_wait3A_213 : memref<80xi32, #tpu.memory_space<hbm>>) dst(%dma_wait3A_210 : memref<80xi32, #tpu.memory_space<vmem>>)
      } else {
      }
      %dma_start3A_184 = arith.constant 1 : i32
      %dma_start3A_185 = arith.constant 1 : i32
      %dma_start3A_186 = arith.constant 0 : i32
      %dma_start3A_187 = arith.constant 0 : i32
      %dma_start3A_188 = tpu.memref_slice %arg10[%dma_start3A_184, %dma_start3A_186, %dma_start3A_187] : memref<2x80x80xf32, #tpu.memory_space<vmem>> -> memref<1x80x80xf32, #tpu.memory_space<vmem>>
      %dma_start3A_189 = tpu.memref_squeeze %dma_start3A_188 : memref<1x80x80xf32, #tpu.memory_space<vmem>> -> memref<80x80xf32, #tpu.memory_space<vmem>>
      %dma_start3A_190 = arith.constant 0 : i32
      %dma_start3A_191 = tpu.memref_slice %arg9[%dma_start3A_185, %dma_start3A_190] : memref<2x80xi32, #tpu.memory_space<vmem>> -> memref<1x80xi32, #tpu.memory_space<vmem>>
      %dma_start3A_192 = tpu.memref_squeeze %dma_start3A_191 : memref<1x80xi32, #tpu.memory_space<vmem>> -> memref<80xi32, #tpu.memory_space<vmem>>
      %dma_start3A_193 = arith.constant 0 : i32
      %dma_start3A_194 = arith.constant 0 : i32
      %dma_start3A_195 = tpu.memref_slice %arg11[%dma_start3A_193, %dma_start3A_194] : memref<10112x80xf32, #tpu.memory_space<vmem_shared>> -> memref<10112x80xf32, #tpu.memory_space<vmem_shared>>
      tpu.enqueue_indirect_dma source(%dma_start3A_189 : memref<80x80xf32, #tpu.memory_space<vmem>>) target(%dma_start3A_195 : memref<10112x80xf32, #tpu.memory_space<vmem_shared>>) offsets(%dma_start3A_192 : memref<80xi32, #tpu.memory_space<vmem>>) semaphore(%arg16 : memref<!tpu.dma_semaphore, #tpu.memory_space<semaphore_mem>>) {add = true}
      %lt3A = arith.constant 63 : i32
      %lt3A_196 = arith.cmpi slt, %add3A_134, %lt3A : i32
      %convert_element_type3A_197 = arith.extui %lt3A_196 : i1 to i32
      %cond3A_198 = arith.constant 0 : i32
      %cond3A_199 = arith.cmpi ne, %convert_element_type3A_197, %cond3A_198 : i32
      scf.if %cond3A_199 {
        %dma_wait3A_200 = arith.constant 0 : i32
        %dma_wait3A_201 = arith.constant 0 : i32
        %dma_wait3A_202 = arith.constant 0 : i32
        %dma_wait3A_203 = tpu.memref_slice %arg10[%dma_wait3A_200, %dma_wait3A_201, %dma_wait3A_202] : memref<2x80x80xf32, #tpu.memory_space<vmem>> -> memref<1x80x80xf32, #tpu.memory_space<vmem>>
        %dma_wait3A_204 = tpu.memref_squeeze %dma_wait3A_203 : memref<1x80x80xf32, #tpu.memory_space<vmem>> -> memref<80x80xf32, #tpu.memory_space<vmem>>
        %dma_wait3A_205 = arith.constant 0 : i32
        %dma_wait3A_206 = arith.constant 0 : i32
        %dma_wait3A_207 = tpu.memref_slice %arg11[%dma_wait3A_205, %dma_wait3A_206] : memref<10112x80xf32, #tpu.memory_space<vmem_shared>> -> memref<80x80xf32, #tpu.memory_space<vmem_shared>>
        %dma_wait3A_208 = arith.constant 0 : i32
        %dma_wait3A_209 = arith.constant 0 : i32
        %dma_wait3A_210 = tpu.memref_slice %arg11[%dma_wait3A_208, %dma_wait3A_209] : memref<10112x80xf32, #tpu.memory_space<vmem_shared>> -> memref<80x80xf32, #tpu.memory_space<vmem_shared>>
        %dma_wait3A_211 = arith.constant 0 : i32
        %dma_wait3A_212 = arith.constant 0 : i32
        %dma_wait3A_213 = tpu.memref_slice %arg10[%dma_wait3A_200, %dma_wait3A_211, %dma_wait3A_212] : memref<2x80x80xf32, #tpu.memory_space<vmem>> -> memref<1x80x80xf32, #tpu.memory_space<vmem>>
        %dma_wait3A_214 = tpu.memref_squeeze %dma_wait3A_213 : memref<1x80x80xf32, #tpu.memory_space<vmem>> -> memref<80x80xf32, #tpu.memory_space<vmem>>
        tpu.wait_dma2 semaphore(%arg15 : memref<!tpu.dma_semaphore, #tpu.memory_space<semaphore_mem>>) src(%dma_wait3A_214 : memref<80x80xf32, #tpu.memory_space<vmem>>) dst(%dma_wait3A_210 : memref<80x80xf32, #tpu.memory_space<vmem_shared>>)
        %add3A_215 = arith.constant 1 : i32
        %add3A_216 = arith.addi %add3A_134, %add3A_215 : i32
        %mul3A_217 = arith.constant 2 : i32
        %mul3A_218 = arith.muli %add3A_216, %mul3A_217 : i32
        %add3A_219 = arith.constant 0 : i32
        %add3A_220 = arith.addi %mul3A_218, %add3A_219 : i32
        %dma_start3A_221 = arith.constant 0 : i32
        %dma_start3A_222 = arith.constant 0 : i32
        %dma_start3A_223 = tpu.memref_slice %arg9[%dma_start3A_221, %dma_start3A_222] : memref<2x80xi32, #tpu.memory_space<vmem>> -> memref<1x80xi32, #tpu.memory_space<vmem>>
        %dma_start3A_224 = tpu.memref_squeeze %dma_start3A_223 : memref<1x80xi32, #tpu.memory_space<vmem>> -> memref<80xi32, #tpu.memory_space<vmem>>
        %dma_start3A_225 = arith.constant 0 : i32
        %dma_start3A_226 = tpu.memref_slice %arg5[%add3A, %add3A_220, %dma_start3A_225] : memref<32x128x80xi32, #tpu.memory_space<hbm>> -> memref<1x1x80xi32, #tpu.memory_space<hbm>>
        %dma_start3A_227 = tpu.memref_squeeze %dma_start3A_226 : memref<1x1x80xi32, #tpu.memory_space<hbm>> -> memref<80xi32, #tpu.memory_space<hbm>>
        %dma_start3A_228 = arith.constant 0 : i32
        %dma_start3A_229 = tpu.memref_slice %arg9[%dma_start3A_221, %dma_start3A_228] : memref<2x80xi32, #tpu.memory_space<vmem>> -> memref<1x80xi32, #tpu.memory_space<vmem>>
        %dma_start3A_230 = tpu.memref_squeeze %dma_start3A_229 : memref<1x80xi32, #tpu.memory_space<vmem>> -> memref<80xi32, #tpu.memory_space<vmem>>
        %dma_start3A_231 = arith.constant 0 : i32
        %dma_start3A_232 = tpu.memref_slice %arg5[%add3A, %add3A_220, %dma_start3A_231] : memref<32x128x80xi32, #tpu.memory_space<hbm>> -> memref<1x1x80xi32, #tpu.memory_space<hbm>>
        %dma_start3A_233 = tpu.memref_squeeze %dma_start3A_232 : memref<1x1x80xi32, #tpu.memory_space<hbm>> -> memref<80xi32, #tpu.memory_space<hbm>>
        tpu.enqueue_dma source(%dma_start3A_233 : memref<80xi32, #tpu.memory_space<hbm>>) target(%dma_start3A_230 : memref<80xi32, #tpu.memory_space<vmem>>) target_semaphore(%arg17 : memref<!tpu.dma_semaphore, #tpu.memory_space<semaphore_mem>>)
        %add3A_234 = arith.constant 1 : i32
        %add3A_235 = arith.addi %add3A_134, %add3A_234 : i32
        %mul3A_236 = arith.constant 2 : i32
        %mul3A_237 = arith.muli %add3A_235, %mul3A_236 : i32
        %add3A_238 = arith.constant 0 : i32
        %add3A_239 = arith.addi %mul3A_237, %add3A_238 : i32
        %dma_start3A_240 = arith.constant 0 : i32
        %dma_start3A_241 = arith.constant 0 : i32
        %dma_start3A_242 = arith.constant 0 : i32
        %dma_start3A_243 = tpu.memref_slice %arg10[%dma_start3A_240, %dma_start3A_241, %dma_start3A_242] : memref<2x80x80xf32, #tpu.memory_space<vmem>> -> memref<1x80x80xf32, #tpu.memory_space<vmem>>
        %dma_start3A_244 = tpu.memref_squeeze %dma_start3A_243 : memref<1x80x80xf32, #tpu.memory_space<vmem>> -> memref<80x80xf32, #tpu.memory_space<vmem>>
        %dma_start3A_245 = arith.constant 0 : i32
        %dma_start3A_246 = tpu.memref_slice %arg8[%add3A_239, %dma_start3A_245] : memref<128x80xi32, #tpu.memory_space<vmem>> -> memref<1x80xi32, #tpu.memory_space<vmem>>
        %dma_start3A_247 = tpu.memref_squeeze %dma_start3A_246 : memref<1x80xi32, #tpu.memory_space<vmem>> -> memref<80xi32, #tpu.memory_space<vmem>>
        %dma_start3A_248 = arith.constant 0 : i32
        %dma_start3A_249 = arith.constant 0 : i32
        %dma_start3A_250 = tpu.memref_slice %arg12[%dma_start3A_248, %dma_start3A_249] : memref<10112x80xf32, #tpu.memory_space<vmem_shared>> -> memref<10112x80xf32, #tpu.memory_space<vmem_shared>>
        tpu.enqueue_indirect_dma source(%dma_start3A_250 : memref<10112x80xf32, #tpu.memory_space<vmem_shared>>) target(%dma_start3A_244 : memref<80x80xf32, #tpu.memory_space<vmem>>) offsets(%dma_start3A_247 : memref<80xi32, #tpu.memory_space<vmem>>) semaphore(%arg13 : memref<!tpu.dma_semaphore, #tpu.memory_space<semaphore_mem>>)
        %dma_wait3A_251 = arith.constant 1 : i32
        %dma_wait3A_252 = arith.constant 0 : i32
        %dma_wait3A_253 = arith.constant 0 : i32
        %dma_wait3A_254 = tpu.memref_slice %arg10[%dma_wait3A_251, %dma_wait3A_252, %dma_wait3A_253] : memref<2x80x80xf32, #tpu.memory_space<vmem>> -> memref<1x80x80xf32, #tpu.memory_space<vmem>>
        %dma_wait3A_255 = tpu.memref_squeeze %dma_wait3A_254 : memref<1x80x80xf32, #tpu.memory_space<vmem>> -> memref<80x80xf32, #tpu.memory_space<vmem>>
        %dma_wait3A_256 = arith.constant 0 : i32
        %dma_wait3A_257 = arith.constant 0 : i32
        %dma_wait3A_258 = tpu.memref_slice %arg11[%dma_wait3A_256, %dma_wait3A_257] : memref<10112x80xf32, #tpu.memory_space<vmem_shared>> -> memref<80x80xf32, #tpu.memory_space<vmem_shared>>
        %dma_wait3A_259 = arith.constant 0 : i32
        %dma_wait3A_260 = arith.constant 0 : i32
        %dma_wait3A_261 = tpu.memref_slice %arg11[%dma_wait3A_259, %dma_wait3A_260] : memref<10112x80xf32, #tpu.memory_space<vmem_shared>> -> memref<80x80xf32, #tpu.memory_space<vmem_shared>>
        %dma_wait3A_262 = arith.constant 0 : i32
        %dma_wait3A_263 = arith.constant 0 : i32
        %dma_wait3A_264 = tpu.memref_slice %arg10[%dma_wait3A_251, %dma_wait3A_262, %dma_wait3A_263] : memref<2x80x80xf32, #tpu.memory_space<vmem>> -> memref<1x80x80xf32, #tpu.memory_space<vmem>>
        %dma_wait3A_265 = tpu.memref_squeeze %dma_wait3A_264 : memref<1x80x80xf32, #tpu.memory_space<vmem>> -> memref<80x80xf32, #tpu.memory_space<vmem>>
        tpu.wait_dma2 semaphore(%arg16 : memref<!tpu.dma_semaphore, #tpu.memory_space<semaphore_mem>>) src(%dma_wait3A_265 : memref<80x80xf32, #tpu.memory_space<vmem>>) dst(%dma_wait3A_261 : memref<80x80xf32, #tpu.memory_space<vmem_shared>>)
        %add3A_266 = arith.constant 1 : i32
        %add3A_267 = arith.addi %add3A_134, %add3A_266 : i32
        %mul3A_268 = arith.constant 2 : i32
        %mul3A_269 = arith.muli %add3A_267, %mul3A_268 : i32
        %add3A_270 = arith.constant 1 : i32
        %add3A_271 = arith.addi %mul3A_269, %add3A_270 : i32
        %dma_start3A_272 = arith.constant 1 : i32
        %dma_start3A_273 = arith.constant 0 : i32
        %dma_start3A_274 = tpu.memref_slice %arg9[%dma_start3A_272, %dma_start3A_273] : memref<2x80xi32, #tpu.memory_space<vmem>> -> memref<1x80xi32, #tpu.memory_space<vmem>>
        %dma_start3A_275 = tpu.memref_squeeze %dma_start3A_274 : memref<1x80xi32, #tpu.memory_space<vmem>> -> memref<80xi32, #tpu.memory_space<vmem>>
        %dma_start3A_276 = arith.constant 0 : i32
        %dma_start3A_277 = tpu.memref_slice %arg5[%add3A, %add3A_271, %dma_start3A_276] : memref<32x128x80xi32, #tpu.memory_space<hbm>> -> memref<1x1x80xi32, #tpu.memory_space<hbm>>
        %dma_start3A_278 = tpu.memref_squeeze %dma_start3A_277 : memref<1x1x80xi32, #tpu.memory_space<hbm>> -> memref<80xi32, #tpu.memory_space<hbm>>
        %dma_start3A_279 = arith.constant 0 : i32
        %dma_start3A_280 = tpu.memref_slice %arg9[%dma_start3A_272, %dma_start3A_279] : memref<2x80xi32, #tpu.memory_space<vmem>> -> memref<1x80xi32, #tpu.memory_space<vmem>>
        %dma_start3A_281 = tpu.memref_squeeze %dma_start3A_280 : memref<1x80xi32, #tpu.memory_space<vmem>> -> memref<80xi32, #tpu.memory_space<vmem>>
        %dma_start3A_282 = arith.constant 0 : i32
        %dma_start3A_283 = tpu.memref_slice %arg5[%add3A, %add3A_271, %dma_start3A_282] : memref<32x128x80xi32, #tpu.memory_space<hbm>> -> memref<1x1x80xi32, #tpu.memory_space<hbm>>
        %dma_start3A_284 = tpu.memref_squeeze %dma_start3A_283 : memref<1x1x80xi32, #tpu.memory_space<hbm>> -> memref<80xi32, #tpu.memory_space<hbm>>
        tpu.enqueue_dma source(%dma_start3A_284 : memref<80xi32, #tpu.memory_space<hbm>>) target(%dma_start3A_281 : memref<80xi32, #tpu.memory_space<vmem>>) target_semaphore(%arg18 : memref<!tpu.dma_semaphore, #tpu.memory_space<semaphore_mem>>)
        %add3A_285 = arith.constant 1 : i32
        %add3A_286 = arith.addi %add3A_134, %add3A_285 : i32
        %mul3A_287 = arith.constant 2 : i32
        %mul3A_288 = arith.muli %add3A_286, %mul3A_287 : i32
        %add3A_289 = arith.constant 1 : i32
        %add3A_290 = arith.addi %mul3A_288, %add3A_289 : i32
        %dma_start3A_291 = arith.constant 1 : i32
        %dma_start3A_292 = arith.constant 0 : i32
        %dma_start3A_293 = arith.constant 0 : i32
        %dma_start3A_294 = tpu.memref_slice %arg10[%dma_start3A_291, %dma_start3A_292, %dma_start3A_293] : memref<2x80x80xf32, #tpu.memory_space<vmem>> -> memref<1x80x80xf32, #tpu.memory_space<vmem>>
        %dma_start3A_295 = tpu.memref_squeeze %dma_start3A_294 : memref<1x80x80xf32, #tpu.memory_space<vmem>> -> memref<80x80xf32, #tpu.memory_space<vmem>>
        %dma_start3A_296 = arith.constant 0 : i32
        %dma_start3A_297 = tpu.memref_slice %arg8[%add3A_290, %dma_start3A_296] : memref<128x80xi32, #tpu.memory_space<vmem>> -> memref<1x80xi32, #tpu.memory_space<vmem>>
        %dma_start3A_298 = tpu.memref_squeeze %dma_start3A_297 : memref<1x80xi32, #tpu.memory_space<vmem>> -> memref<80xi32, #tpu.memory_space<vmem>>
        %dma_start3A_299 = arith.constant 0 : i32
        %dma_start3A_300 = arith.constant 0 : i32
        %dma_start3A_301 = tpu.memref_slice %arg12[%dma_start3A_299, %dma_start3A_300] : memref<10112x80xf32, #tpu.memory_space<vmem_shared>> -> memref<10112x80xf32, #tpu.memory_space<vmem_shared>>
        tpu.enqueue_indirect_dma source(%dma_start3A_301 : memref<10112x80xf32, #tpu.memory_space<vmem_shared>>) target(%dma_start3A_295 : memref<80x80xf32, #tpu.memory_space<vmem>>) offsets(%dma_start3A_298 : memref<80xi32, #tpu.memory_space<vmem>>) semaphore(%arg14 : memref<!tpu.dma_semaphore, #tpu.memory_space<semaphore_mem>>)
      } else {
      }
    }
    %scan3A_32 = arith.constant 64 : i32
    %dma_wait3A = arith.constant 0 : i32
    %dma_wait3A_33 = arith.constant 0 : i32
    %dma_wait3A_34 = arith.constant 0 : i32
    %dma_wait3A_35 = tpu.memref_slice %arg10[%dma_wait3A, %dma_wait3A_33, %dma_wait3A_34] : memref<2x80x80xf32, #tpu.memory_space<vmem>> -> memref<1x80x80xf32, #tpu.memory_space<vmem>>
    %dma_wait3A_36 = tpu.memref_squeeze %dma_wait3A_35 : memref<1x80x80xf32, #tpu.memory_space<vmem>> -> memref<80x80xf32, #tpu.memory_space<vmem>>
    %dma_wait3A_37 = arith.constant 0 : i32
    %dma_wait3A_38 = arith.constant 0 : i32
    %dma_wait3A_39 = tpu.memref_slice %arg11[%dma_wait3A_37, %dma_wait3A_38] : memref<10112x80xf32, #tpu.memory_space<vmem_shared>> -> memref<80x80xf32, #tpu.memory_space<vmem_shared>>
    %dma_wait3A_40 = arith.constant 0 : i32
    %dma_wait3A_41 = arith.constant 0 : i32
    %dma_wait3A_42 = tpu.memref_slice %arg11[%dma_wait3A_40, %dma_wait3A_41] : memref<10112x80xf32, #tpu.memory_space<vmem_shared>> -> memref<80x80xf32, #tpu.memory_space<vmem_shared>>
    %dma_wait3A_43 = arith.constant 0 : i32
    %dma_wait3A_44 = arith.constant 0 : i32
    %dma_wait3A_45 = tpu.memref_slice %arg10[%dma_wait3A, %dma_wait3A_43, %dma_wait3A_44] : memref<2x80x80xf32, #tpu.memory_space<vmem>> -> memref<1x80x80xf32, #tpu.memory_space<vmem>>
    %dma_wait3A_46 = tpu.memref_squeeze %dma_wait3A_45 : memref<1x80x80xf32, #tpu.memory_space<vmem>> -> memref<80x80xf32, #tpu.memory_space<vmem>>
    tpu.wait_dma2 semaphore(%arg15 : memref<!tpu.dma_semaphore, #tpu.memory_space<semaphore_mem>>) src(%dma_wait3A_46 : memref<80x80xf32, #tpu.memory_space<vmem>>) dst(%dma_wait3A_42 : memref<80x80xf32, #tpu.memory_space<vmem_shared>>)
    %dma_wait3A_47 = arith.constant 1 : i32
    %dma_wait3A_48 = arith.constant 0 : i32
    %dma_wait3A_49 = arith.constant 0 : i32
    %dma_wait3A_50 = tpu.memref_slice %arg10[%dma_wait3A_47, %dma_wait3A_48, %dma_wait3A_49] : memref<2x80x80xf32, #tpu.memory_space<vmem>> -> memref<1x80x80xf32, #tpu.memory_space<vmem>>
    %dma_wait3A_51 = tpu.memref_squeeze %dma_wait3A_50 : memref<1x80x80xf32, #tpu.memory_space<vmem>> -> memref<80x80xf32, #tpu.memory_space<vmem>>
    %dma_wait3A_52 = arith.constant 0 : i32
    %dma_wait3A_53 = arith.constant 0 : i32
    %dma_wait3A_54 = tpu.memref_slice %arg11[%dma_wait3A_52, %dma_wait3A_53] : memref<10112x80xf32, #tpu.memory_space<vmem_shared>> -> memref<80x80xf32, #tpu.memory_space<vmem_shared>>
    %dma_wait3A_55 = arith.constant 0 : i32
    %dma_wait3A_56 = arith.constant 0 : i32
    %dma_wait3A_57 = tpu.memref_slice %arg11[%dma_wait3A_55, %dma_wait3A_56] : memref<10112x80xf32, #tpu.memory_space<vmem_shared>> -> memref<80x80xf32, #tpu.memory_space<vmem_shared>>
    %dma_wait3A_58 = arith.constant 0 : i32
    %dma_wait3A_59 = arith.constant 0 : i32
    %dma_wait3A_60 = tpu.memref_slice %arg10[%dma_wait3A_47, %dma_wait3A_58, %dma_wait3A_59] : memref<2x80x80xf32, #tpu.memory_space<vmem>> -> memref<1x80x80xf32, #tpu.memory_space<vmem>>
    %dma_wait3A_61 = tpu.memref_squeeze %dma_wait3A_60 : memref<1x80x80xf32, #tpu.memory_space<vmem>> -> memref<80x80xf32, #tpu.memory_space<vmem>>
    tpu.wait_dma2 semaphore(%arg16 : memref<!tpu.dma_semaphore, #tpu.memory_space<semaphore_mem>>) src(%dma_wait3A_61 : memref<80x80xf32, #tpu.memory_space<vmem>>) dst(%dma_wait3A_57 : memref<80x80xf32, #tpu.memory_space<vmem_shared>>)
    %barrier3A_62 = arith.constant 0 : index
    tpu.barrier barrier_id(%barrier3A_62)
    %run_scoped3A_63 = arith.constant 0 : i32
    "tpu.region"() ({
      %run_scoped3A_130 = tpu.sem_alloc : memref<!tpu.dma_semaphore, #tpu.memory_space<semaphore_mem>>
      %dma_start3A_131 = arith.constant 0 : i32
      %dma_start3A_132 = tpu.memref_slice %arg7[%run_scoped3A_63, %arg0, %mul3A_2, %dma_start3A_131] : memref<2x2x10112x80xf32, #tpu.memory_space<hbm>> -> memref<1x1x632x80xf32, #tpu.memory_space<hbm>>
      %dma_start3A_133 = tpu.memref_squeeze %dma_start3A_132 : memref<1x1x632x80xf32, #tpu.memory_space<hbm>> -> memref<632x80xf32, #tpu.memory_space<hbm>>
      %dma_start3A_134 = arith.constant 0 : i32
      %dma_start3A_135 = tpu.memref_slice %arg11[%mul3A_2, %dma_start3A_134] : memref<10112x80xf32, #tpu.memory_space<vmem_shared>> -> memref<632x80xf32, #tpu.memory_space<vmem_shared>>
      tpu.enqueue_dma source(%dma_start3A_135 : memref<632x80xf32, #tpu.memory_space<vmem_shared>>) target(%dma_start3A_133 : memref<632x80xf32, #tpu.memory_space<hbm>>) target_semaphore(%run_scoped3A_130 : memref<!tpu.dma_semaphore, #tpu.memory_space<semaphore_mem>>)
      %dma_wait3A_136 = arith.constant 0 : i32
      %dma_wait3A_137 = tpu.memref_slice %arg7[%run_scoped3A_63, %arg0, %mul3A_2, %dma_wait3A_136] : memref<2x2x10112x80xf32, #tpu.memory_space<hbm>> -> memref<1x1x632x80xf32, #tpu.memory_space<hbm>>
      %dma_wait3A_138 = tpu.memref_squeeze %dma_wait3A_137 : memref<1x1x632x80xf32, #tpu.memory_space<hbm>> -> memref<632x80xf32, #tpu.memory_space<hbm>>
      %dma_wait3A_139 = arith.constant 0 : i32
      %dma_wait3A_140 = tpu.memref_slice %arg11[%mul3A_2, %dma_wait3A_139] : memref<10112x80xf32, #tpu.memory_space<vmem_shared>> -> memref<632x80xf32, #tpu.memory_space<vmem_shared>>
      tpu.wait_dma2 semaphore(%run_scoped3A_130 : memref<!tpu.dma_semaphore, #tpu.memory_space<semaphore_mem>>) src(%dma_wait3A_140 : memref<632x80xf32, #tpu.memory_space<vmem_shared>>) dst(%dma_wait3A_138 : memref<632x80xf32, #tpu.memory_space<hbm>>)
      tpu.yield
    }) : () -> ()
    "tpu.region"() ({
      %run_scoped3A_130 = tpu.sem_alloc : memref<!tpu.dma_semaphore, #tpu.memory_space<semaphore_mem>>
      %dma_start3A_131 = arith.constant 0 : i32
      %dma_start3A_132 = tpu.memref_slice %arg12[%mul3A_2, %dma_start3A_131] : memref<10112x80xf32, #tpu.memory_space<vmem_shared>> -> memref<632x80xf32, #tpu.memory_space<vmem_shared>>
      %dma_start3A_133 = arith.constant 0 : i32
      %dma_start3A_134 = tpu.memref_slice %arg3[%mul3A_2, %dma_start3A_133] : memref<10112x80xf32, #tpu.memory_space<hbm>> -> memref<632x80xf32, #tpu.memory_space<hbm>>
      tpu.enqueue_dma source(%dma_start3A_134 : memref<632x80xf32, #tpu.memory_space<hbm>>) target(%dma_start3A_132 : memref<632x80xf32, #tpu.memory_space<vmem_shared>>) target_semaphore(%run_scoped3A_130 : memref<!tpu.dma_semaphore, #tpu.memory_space<semaphore_mem>>)
      %dma_wait3A_135 = arith.constant 0 : i32
      %dma_wait3A_136 = tpu.memref_slice %arg12[%mul3A_2, %dma_wait3A_135] : memref<10112x80xf32, #tpu.memory_space<vmem_shared>> -> memref<632x80xf32, #tpu.memory_space<vmem_shared>>
      %dma_wait3A_137 = arith.constant 0 : i32
      %dma_wait3A_138 = tpu.memref_slice %arg3[%mul3A_2, %dma_wait3A_137] : memref<10112x80xf32, #tpu.memory_space<hbm>> -> memref<632x80xf32, #tpu.memory_space<hbm>>
      tpu.wait_dma2 semaphore(%run_scoped3A_130 : memref<!tpu.dma_semaphore, #tpu.memory_space<semaphore_mem>>) src(%dma_wait3A_138 : memref<632x80xf32, #tpu.memory_space<hbm>>) dst(%dma_wait3A_136 : memref<632x80xf32, #tpu.memory_space<vmem_shared>>)
      tpu.yield
    }) : () -> ()
    "tpu.region"() ({
      %run_scoped3A_130 = tpu.sem_alloc : memref<!tpu.dma_semaphore, #tpu.memory_space<semaphore_mem>>
      %dma_start3A_131 = arith.constant 0 : i32
      %dma_start3A_132 = tpu.memref_slice %arg11[%mul3A_2, %dma_start3A_131] : memref<10112x80xf32, #tpu.memory_space<vmem_shared>> -> memref<632x80xf32, #tpu.memory_space<vmem_shared>>
      %dma_start3A_133 = arith.constant 0 : i32
      %dma_start3A_134 = tpu.memref_slice %arg6[%mul3A_2, %dma_start3A_133] : memref<10112x80xf32, #tpu.memory_space<hbm>> -> memref<632x80xf32, #tpu.memory_space<hbm>>
      tpu.enqueue_dma source(%dma_start3A_134 : memref<632x80xf32, #tpu.memory_space<hbm>>) target(%dma_start3A_132 : memref<632x80xf32, #tpu.memory_space<vmem_shared>>) target_semaphore(%run_scoped3A_130 : memref<!tpu.dma_semaphore, #tpu.memory_space<semaphore_mem>>)
      %dma_wait3A_135 = arith.constant 0 : i32
      %dma_wait3A_136 = tpu.memref_slice %arg11[%mul3A_2, %dma_wait3A_135] : memref<10112x80xf32, #tpu.memory_space<vmem_shared>> -> memref<632x80xf32, #tpu.memory_space<vmem_shared>>
      %dma_wait3A_137 = arith.constant 0 : i32
      %dma_wait3A_138 = tpu.memref_slice %arg6[%mul3A_2, %dma_wait3A_137] : memref<10112x80xf32, #tpu.memory_space<hbm>> -> memref<632x80xf32, #tpu.memory_space<hbm>>
      tpu.wait_dma2 semaphore(%run_scoped3A_130 : memref<!tpu.dma_semaphore, #tpu.memory_space<semaphore_mem>>) src(%dma_wait3A_138 : memref<632x80xf32, #tpu.memory_space<hbm>>) dst(%dma_wait3A_136 : memref<632x80xf32, #tpu.memory_space<vmem_shared>>)
      tpu.yield
    }) : () -> ()
    %barrier3A_64 = arith.constant 0 : index
    tpu.barrier barrier_id(%barrier3A_64)
    %run_scoped3A_65 = arith.constant 0 : i32
    %run_scoped3A_66 = arith.constant 0 : i32
    "tpu.region"() ({
      %run_scoped3A_130 = tpu.sem_alloc : memref<!tpu.dma_semaphore, #tpu.memory_space<semaphore_mem>>
      %dma_start3A_131 = arith.constant 0 : i32
      %dma_start3A_132 = tpu.memref_slice %arg9[%run_scoped3A_66, %dma_start3A_131] : memref<2x80xi32, #tpu.memory_space<vmem>> -> memref<1x80xi32, #tpu.memory_space<vmem>>
      %dma_start3A_133 = tpu.memref_squeeze %dma_start3A_132 : memref<1x80xi32, #tpu.memory_space<vmem>> -> memref<80xi32, #tpu.memory_space<vmem>>
      %dma_start3A_134 = arith.constant 0 : i32
      %dma_start3A_135 = tpu.memref_slice %arg5[%add3A, %run_scoped3A_65, %dma_start3A_134] : memref<32x128x80xi32, #tpu.memory_space<hbm>> -> memref<1x1x80xi32, #tpu.memory_space<hbm>>
      %dma_start3A_136 = tpu.memref_squeeze %dma_start3A_135 : memref<1x1x80xi32, #tpu.memory_space<hbm>> -> memref<80xi32, #tpu.memory_space<hbm>>
      %dma_start3A_137 = arith.constant 0 : i32
      %dma_start3A_138 = tpu.memref_slice %arg9[%run_scoped3A_66, %dma_start3A_137] : memref<2x80xi32, #tpu.memory_space<vmem>> -> memref<1x80xi32, #tpu.memory_space<vmem>>
      %dma_start3A_139 = tpu.memref_squeeze %dma_start3A_138 : memref<1x80xi32, #tpu.memory_space<vmem>> -> memref<80xi32, #tpu.memory_space<vmem>>
      %dma_start3A_140 = arith.constant 0 : i32
      %dma_start3A_141 = tpu.memref_slice %arg5[%add3A, %run_scoped3A_65, %dma_start3A_140] : memref<32x128x80xi32, #tpu.memory_space<hbm>> -> memref<1x1x80xi32, #tpu.memory_space<hbm>>
      %dma_start3A_142 = tpu.memref_squeeze %dma_start3A_141 : memref<1x1x80xi32, #tpu.memory_space<hbm>> -> memref<80xi32, #tpu.memory_space<hbm>>
      tpu.enqueue_dma source(%dma_start3A_142 : memref<80xi32, #tpu.memory_space<hbm>>) target(%dma_start3A_139 : memref<80xi32, #tpu.memory_space<vmem>>) target_semaphore(%run_scoped3A_130 : memref<!tpu.dma_semaphore, #tpu.memory_space<semaphore_mem>>)
      %dma_wait3A_143 = arith.constant 0 : i32
      %dma_wait3A_144 = tpu.memref_slice %arg9[%run_scoped3A_66, %dma_wait3A_143] : memref<2x80xi32, #tpu.memory_space<vmem>> -> memref<1x80xi32, #tpu.memory_space<vmem>>
      %dma_wait3A_145 = tpu.memref_squeeze %dma_wait3A_144 : memref<1x80xi32, #tpu.memory_space<vmem>> -> memref<80xi32, #tpu.memory_space<vmem>>
      %dma_wait3A_146 = arith.constant 0 : i32
      %dma_wait3A_147 = tpu.memref_slice %arg5[%add3A, %run_scoped3A_65, %dma_wait3A_146] : memref<32x128x80xi32, #tpu.memory_space<hbm>> -> memref<1x1x80xi32, #tpu.memory_space<hbm>>
      %dma_wait3A_148 = tpu.memref_squeeze %dma_wait3A_147 : memref<1x1x80xi32, #tpu.memory_space<hbm>> -> memref<80xi32, #tpu.memory_space<hbm>>
      %dma_wait3A_149 = arith.constant 0 : i32
      %dma_wait3A_150 = tpu.memref_slice %arg9[%run_scoped3A_66, %dma_wait3A_149] : memref<2x80xi32, #tpu.memory_space<vmem>> -> memref<1x80xi32, #tpu.memory_space<vmem>>
      %dma_wait3A_151 = tpu.memref_squeeze %dma_wait3A_150 : memref<1x80xi32, #tpu.memory_space<vmem>> -> memref<80xi32, #tpu.memory_space<vmem>>
      %dma_wait3A_152 = arith.constant 0 : i32
      %dma_wait3A_153 = tpu.memref_slice %arg5[%add3A, %run_scoped3A_65, %dma_wait3A_152] : memref<32x128x80xi32, #tpu.memory_space<hbm>> -> memref<1x1x80xi32, #tpu.memory_space<hbm>>
      %dma_wait3A_154 = tpu.memref_squeeze %dma_wait3A_153 : memref<1x1x80xi32, #tpu.memory_space<hbm>> -> memref<80xi32, #tpu.memory_space<hbm>>
      tpu.wait_dma2 semaphore(%run_scoped3A_130 : memref<!tpu.dma_semaphore, #tpu.memory_space<semaphore_mem>>) src(%dma_wait3A_154 : memref<80xi32, #tpu.memory_space<hbm>>) dst(%dma_wait3A_151 : memref<80xi32, #tpu.memory_space<vmem>>)
      tpu.yield
    }) : () -> ()
    %dma_start3A_67 = arith.constant 0 : i32
    %dma_start3A_68 = arith.constant 0 : i32
    %dma_start3A_69 = arith.constant 0 : i32
    %dma_start3A_70 = arith.constant 0 : i32
    %dma_start3A_71 = tpu.memref_slice %arg10[%dma_start3A_68, %dma_start3A_69, %dma_start3A_70] : memref<2x80x80xf32, #tpu.memory_space<vmem>> -> memref<1x80x80xf32, #tpu.memory_space<vmem>>
    %dma_start3A_72 = tpu.memref_squeeze %dma_start3A_71 : memref<1x80x80xf32, #tpu.memory_space<vmem>> -> memref<80x80xf32, #tpu.memory_space<vmem>>
    %dma_start3A_73 = arith.constant 0 : i32
    %dma_start3A_74 = tpu.memref_slice %arg8[%dma_start3A_67, %dma_start3A_73] : memref<128x80xi32, #tpu.memory_space<vmem>> -> memref<1x80xi32, #tpu.memory_space<vmem>>
    %dma_start3A_75 = tpu.memref_squeeze %dma_start3A_74 : memref<1x80xi32, #tpu.memory_space<vmem>> -> memref<80xi32, #tpu.memory_space<vmem>>
    %dma_start3A_76 = arith.constant 0 : i32
    %dma_start3A_77 = arith.constant 0 : i32
    %dma_start3A_78 = tpu.memref_slice %arg12[%dma_start3A_76, %dma_start3A_77] : memref<10112x80xf32, #tpu.memory_space<vmem_shared>> -> memref<10112x80xf32, #tpu.memory_space<vmem_shared>>
    tpu.enqueue_indirect_dma source(%dma_start3A_78 : memref<10112x80xf32, #tpu.memory_space<vmem_shared>>) target(%dma_start3A_72 : memref<80x80xf32, #tpu.memory_space<vmem>>) offsets(%dma_start3A_75 : memref<80xi32, #tpu.memory_space<vmem>>) semaphore(%arg13 : memref<!tpu.dma_semaphore, #tpu.memory_space<semaphore_mem>>)
    %run_scoped3A_79 = arith.constant 1 : i32
    %run_scoped3A_80 = arith.constant 1 : i32
    "tpu.region"() ({
      %run_scoped3A_130 = tpu.sem_alloc : memref<!tpu.dma_semaphore, #tpu.memory_space<semaphore_mem>>
      %dma_start3A_131 = arith.constant 0 : i32
      %dma_start3A_132 = tpu.memref_slice %arg9[%run_scoped3A_80, %dma_start3A_131] : memref<2x80xi32, #tpu.memory_space<vmem>> -> memref<1x80xi32, #tpu.memory_space<vmem>>
      %dma_start3A_133 = tpu.memref_squeeze %dma_start3A_132 : memref<1x80xi32, #tpu.memory_space<vmem>> -> memref<80xi32, #tpu.memory_space<vmem>>
      %dma_start3A_134 = arith.constant 0 : i32
      %dma_start3A_135 = tpu.memref_slice %arg5[%add3A, %run_scoped3A_79, %dma_start3A_134] : memref<32x128x80xi32, #tpu.memory_space<hbm>> -> memref<1x1x80xi32, #tpu.memory_space<hbm>>
      %dma_start3A_136 = tpu.memref_squeeze %dma_start3A_135 : memref<1x1x80xi32, #tpu.memory_space<hbm>> -> memref<80xi32, #tpu.memory_space<hbm>>
      %dma_start3A_137 = arith.constant 0 : i32
      %dma_start3A_138 = tpu.memref_slice %arg9[%run_scoped3A_80, %dma_start3A_137] : memref<2x80xi32, #tpu.memory_space<vmem>> -> memref<1x80xi32, #tpu.memory_space<vmem>>
      %dma_start3A_139 = tpu.memref_squeeze %dma_start3A_138 : memref<1x80xi32, #tpu.memory_space<vmem>> -> memref<80xi32, #tpu.memory_space<vmem>>
      %dma_start3A_140 = arith.constant 0 : i32
      %dma_start3A_141 = tpu.memref_slice %arg5[%add3A, %run_scoped3A_79, %dma_start3A_140] : memref<32x128x80xi32, #tpu.memory_space<hbm>> -> memref<1x1x80xi32, #tpu.memory_space<hbm>>
      %dma_start3A_142 = tpu.memref_squeeze %dma_start3A_141 : memref<1x1x80xi32, #tpu.memory_space<hbm>> -> memref<80xi32, #tpu.memory_space<hbm>>
      tpu.enqueue_dma source(%dma_start3A_142 : memref<80xi32, #tpu.memory_space<hbm>>) target(%dma_start3A_139 : memref<80xi32, #tpu.memory_space<vmem>>) target_semaphore(%run_scoped3A_130 : memref<!tpu.dma_semaphore, #tpu.memory_space<semaphore_mem>>)
      %dma_wait3A_143 = arith.constant 0 : i32
      %dma_wait3A_144 = tpu.memref_slice %arg9[%run_scoped3A_80, %dma_wait3A_143] : memref<2x80xi32, #tpu.memory_space<vmem>> -> memref<1x80xi32, #tpu.memory_space<vmem>>
      %dma_wait3A_145 = tpu.memref_squeeze %dma_wait3A_144 : memref<1x80xi32, #tpu.memory_space<vmem>> -> memref<80xi32, #tpu.memory_space<vmem>>
      %dma_wait3A_146 = arith.constant 0 : i32
      %dma_wait3A_147 = tpu.memref_slice %arg5[%add3A, %run_scoped3A_79, %dma_wait3A_146] : memref<32x128x80xi32, #tpu.memory_space<hbm>> -> memref<1x1x80xi32, #tpu.memory_space<hbm>>
      %dma_wait3A_148 = tpu.memref_squeeze %dma_wait3A_147 : memref<1x1x80xi32, #tpu.memory_space<hbm>> -> memref<80xi32, #tpu.memory_space<hbm>>
      %dma_wait3A_149 = arith.constant 0 : i32
      %dma_wait3A_150 = tpu.memref_slice %arg9[%run_scoped3A_80, %dma_wait3A_149] : memref<2x80xi32, #tpu.memory_space<vmem>> -> memref<1x80xi32, #tpu.memory_space<vmem>>
      %dma_wait3A_151 = tpu.memref_squeeze %dma_wait3A_150 : memref<1x80xi32, #tpu.memory_space<vmem>> -> memref<80xi32, #tpu.memory_space<vmem>>
      %dma_wait3A_152 = arith.constant 0 : i32
      %dma_wait3A_153 = tpu.memref_slice %arg5[%add3A, %run_scoped3A_79, %dma_wait3A_152] : memref<32x128x80xi32, #tpu.memory_space<hbm>> -> memref<1x1x80xi32, #tpu.memory_space<hbm>>
      %dma_wait3A_154 = tpu.memref_squeeze %dma_wait3A_153 : memref<1x1x80xi32, #tpu.memory_space<hbm>> -> memref<80xi32, #tpu.memory_space<hbm>>
      tpu.wait_dma2 semaphore(%run_scoped3A_130 : memref<!tpu.dma_semaphore, #tpu.memory_space<semaphore_mem>>) src(%dma_wait3A_154 : memref<80xi32, #tpu.memory_space<hbm>>) dst(%dma_wait3A_151 : memref<80xi32, #tpu.memory_space<vmem>>)
      tpu.yield
    }) : () -> ()
    %dma_start3A_81 = arith.constant 1 : i32
    %dma_start3A_82 = arith.constant 1 : i32
    %dma_start3A_83 = arith.constant 0 : i32
    %dma_start3A_84 = arith.constant 0 : i32
    %dma_start3A_85 = tpu.memref_slice %arg10[%dma_start3A_82, %dma_start3A_83, %dma_start3A_84] : memref<2x80x80xf32, #tpu.memory_space<vmem>> -> memref<1x80x80xf32, #tpu.memory_space<vmem>>
    %dma_start3A_86 = tpu.memref_squeeze %dma_start3A_85 : memref<1x80x80xf32, #tpu.memory_space<vmem>> -> memref<80x80xf32, #tpu.memory_space<vmem>>
    %dma_start3A_87 = arith.constant 0 : i32
    %dma_start3A_88 = tpu.memref_slice %arg8[%dma_start3A_81, %dma_start3A_87] : memref<128x80xi32, #tpu.memory_space<vmem>> -> memref<1x80xi32, #tpu.memory_space<vmem>>
    %dma_start3A_89 = tpu.memref_squeeze %dma_start3A_88 : memref<1x80xi32, #tpu.memory_space<vmem>> -> memref<80xi32, #tpu.memory_space<vmem>>
    %dma_start3A_90 = arith.constant 0 : i32
    %dma_start3A_91 = arith.constant 0 : i32
    %dma_start3A_92 = tpu.memref_slice %arg12[%dma_start3A_90, %dma_start3A_91] : memref<10112x80xf32, #tpu.memory_space<vmem_shared>> -> memref<10112x80xf32, #tpu.memory_space<vmem_shared>>
    tpu.enqueue_indirect_dma source(%dma_start3A_92 : memref<10112x80xf32, #tpu.memory_space<vmem_shared>>) target(%dma_start3A_86 : memref<80x80xf32, #tpu.memory_space<vmem>>) offsets(%dma_start3A_89 : memref<80xi32, #tpu.memory_space<vmem>>) semaphore(%arg14 : memref<!tpu.dma_semaphore, #tpu.memory_space<semaphore_mem>>)
    %scan3A_93 = arith.constant 0 : i32
    %scan3A_94 = arith.constant 64 : i32
    %scan3A_95 = arith.addi %scan3A_93, %scan3A_94 : i32
    %scan3A_96 = arith.constant 1 : i32
    scf.for %scan3A_130 = %scan3A_93 to %scan3A_95 step %scan3A_96  : i32 {
      %mul3A_131 = arith.constant 1 : i32
      %mul3A_132 = arith.muli %scan3A_130, %mul3A_131 : i32
      %add3A_133 = arith.constant 0 : i32
      %add3A_134 = arith.addi %add3A_133, %mul3A_132 : i32
      %dma_wait3A_135 = arith.constant 0 : i32
      %dma_wait3A_136 = arith.constant 0 : i32
      %dma_wait3A_137 = arith.constant 0 : i32
      %dma_wait3A_138 = tpu.memref_slice %arg10[%dma_wait3A_135, %dma_wait3A_136, %dma_wait3A_137] : memref<2x80x80xf32, #tpu.memory_space<vmem>> -> memref<1x80x80xf32, #tpu.memory_space<vmem>>
      %dma_wait3A_139 = tpu.memref_squeeze %dma_wait3A_138 : memref<1x80x80xf32, #tpu.memory_space<vmem>> -> memref<80x80xf32, #tpu.memory_space<vmem>>
      %dma_wait3A_140 = arith.constant 0 : i32
      %dma_wait3A_141 = arith.constant 0 : i32
      %dma_wait3A_142 = tpu.memref_slice %arg6[%dma_wait3A_140, %dma_wait3A_141] : memref<10112x80xf32, #tpu.memory_space<hbm>> -> memref<80x80xf32, #tpu.memory_space<hbm>>
      %dma_wait3A_143 = arith.constant 0 : i32
      %dma_wait3A_144 = arith.constant 0 : i32
      %dma_wait3A_145 = tpu.memref_slice %arg10[%dma_wait3A_135, %dma_wait3A_143, %dma_wait3A_144] : memref<2x80x80xf32, #tpu.memory_space<vmem>> -> memref<1x80x80xf32, #tpu.memory_space<vmem>>
      %dma_wait3A_146 = tpu.memref_squeeze %dma_wait3A_145 : memref<1x80x80xf32, #tpu.memory_space<vmem>> -> memref<80x80xf32, #tpu.memory_space<vmem>>
      %dma_wait3A_147 = arith.constant 0 : i32
      %dma_wait3A_148 = arith.constant 0 : i32
      %dma_wait3A_149 = tpu.memref_slice %arg6[%dma_wait3A_147, %dma_wait3A_148] : memref<10112x80xf32, #tpu.memory_space<hbm>> -> memref<80x80xf32, #tpu.memory_space<hbm>>
      tpu.wait_dma2 semaphore(%arg13 : memref<!tpu.dma_semaphore, #tpu.memory_space<semaphore_mem>>) src(%dma_wait3A_149 : memref<80x80xf32, #tpu.memory_space<hbm>>) dst(%dma_wait3A_146 : memref<80x80xf32, #tpu.memory_space<vmem>>)
      %gt3A = arith.constant 0 : i32
      %gt3A_150 = arith.cmpi sgt, %add3A_134, %gt3A : i32
      %convert_element_type3A = arith.extui %gt3A_150 : i1 to i32
      %cond3A = arith.constant 0 : i32
      %cond3A_151 = arith.cmpi ne, %convert_element_type3A, %cond3A : i32
      scf.if %cond3A_151 {
        %dma_wait3A_200 = arith.constant 0 : i32
        %dma_wait3A_201 = arith.constant 0 : i32
        %dma_wait3A_202 = arith.constant 0 : i32
        %dma_wait3A_203 = tpu.memref_slice %arg9[%dma_wait3A_201, %dma_wait3A_202] : memref<2x80xi32, #tpu.memory_space<vmem>> -> memref<1x80xi32, #tpu.memory_space<vmem>>
        %dma_wait3A_204 = tpu.memref_squeeze %dma_wait3A_203 : memref<1x80xi32, #tpu.memory_space<vmem>> -> memref<80xi32, #tpu.memory_space<vmem>>
        %dma_wait3A_205 = arith.constant 0 : i32
        %dma_wait3A_206 = tpu.memref_slice %arg5[%add3A, %dma_wait3A_200, %dma_wait3A_205] : memref<32x128x80xi32, #tpu.memory_space<hbm>> -> memref<1x1x80xi32, #tpu.memory_space<hbm>>
        %dma_wait3A_207 = tpu.memref_squeeze %dma_wait3A_206 : memref<1x1x80xi32, #tpu.memory_space<hbm>> -> memref<80xi32, #tpu.memory_space<hbm>>
        %dma_wait3A_208 = arith.constant 0 : i32
        %dma_wait3A_209 = tpu.memref_slice %arg9[%dma_wait3A_201, %dma_wait3A_208] : memref<2x80xi32, #tpu.memory_space<vmem>> -> memref<1x80xi32, #tpu.memory_space<vmem>>
        %dma_wait3A_210 = tpu.memref_squeeze %dma_wait3A_209 : memref<1x80xi32, #tpu.memory_space<vmem>> -> memref<80xi32, #tpu.memory_space<vmem>>
        %dma_wait3A_211 = arith.constant 0 : i32
        %dma_wait3A_212 = tpu.memref_slice %arg5[%add3A, %dma_wait3A_200, %dma_wait3A_211] : memref<32x128x80xi32, #tpu.memory_space<hbm>> -> memref<1x1x80xi32, #tpu.memory_space<hbm>>
        %dma_wait3A_213 = tpu.memref_squeeze %dma_wait3A_212 : memref<1x1x80xi32, #tpu.memory_space<hbm>> -> memref<80xi32, #tpu.memory_space<hbm>>
        tpu.wait_dma2 semaphore(%arg17 : memref<!tpu.dma_semaphore, #tpu.memory_space<semaphore_mem>>) src(%dma_wait3A_213 : memref<80xi32, #tpu.memory_space<hbm>>) dst(%dma_wait3A_210 : memref<80xi32, #tpu.memory_space<vmem>>)
      } else {
      }
      %dma_start3A_152 = arith.constant 0 : i32
      %dma_start3A_153 = arith.constant 0 : i32
      %dma_start3A_154 = arith.constant 0 : i32
      %dma_start3A_155 = arith.constant 0 : i32
      %dma_start3A_156 = tpu.memref_slice %arg10[%dma_start3A_152, %dma_start3A_154, %dma_start3A_155] : memref<2x80x80xf32, #tpu.memory_space<vmem>> -> memref<1x80x80xf32, #tpu.memory_space<vmem>>
      %dma_start3A_157 = tpu.memref_squeeze %dma_start3A_156 : memref<1x80x80xf32, #tpu.memory_space<vmem>> -> memref<80x80xf32, #tpu.memory_space<vmem>>
      %dma_start3A_158 = arith.constant 0 : i32
      %dma_start3A_159 = tpu.memref_slice %arg9[%dma_start3A_153, %dma_start3A_158] : memref<2x80xi32, #tpu.memory_space<vmem>> -> memref<1x80xi32, #tpu.memory_space<vmem>>
      %dma_start3A_160 = tpu.memref_squeeze %dma_start3A_159 : memref<1x80xi32, #tpu.memory_space<vmem>> -> memref<80xi32, #tpu.memory_space<vmem>>
      %dma_start3A_161 = arith.constant 0 : i32
      %dma_start3A_162 = arith.constant 0 : i32
      %dma_start3A_163 = tpu.memref_slice %arg11[%dma_start3A_161, %dma_start3A_162] : memref<10112x80xf32, #tpu.memory_space<vmem_shared>> -> memref<10112x80xf32, #tpu.memory_space<vmem_shared>>
      tpu.enqueue_indirect_dma source(%dma_start3A_157 : memref<80x80xf32, #tpu.memory_space<vmem>>) target(%dma_start3A_163 : memref<10112x80xf32, #tpu.memory_space<vmem_shared>>) offsets(%dma_start3A_160 : memref<80xi32, #tpu.memory_space<vmem>>) semaphore(%arg15 : memref<!tpu.dma_semaphore, #tpu.memory_space<semaphore_mem>>) {add = true}
      %dma_wait3A_164 = arith.constant 1 : i32
      %dma_wait3A_165 = arith.constant 0 : i32
      %dma_wait3A_166 = arith.constant 0 : i32
      %dma_wait3A_167 = tpu.memref_slice %arg10[%dma_wait3A_164, %dma_wait3A_165, %dma_wait3A_166] : memref<2x80x80xf32, #tpu.memory_space<vmem>> -> memref<1x80x80xf32, #tpu.memory_space<vmem>>
      %dma_wait3A_168 = tpu.memref_squeeze %dma_wait3A_167 : memref<1x80x80xf32, #tpu.memory_space<vmem>> -> memref<80x80xf32, #tpu.memory_space<vmem>>
      %dma_wait3A_169 = arith.constant 0 : i32
      %dma_wait3A_170 = arith.constant 0 : i32
      %dma_wait3A_171 = tpu.memref_slice %arg6[%dma_wait3A_169, %dma_wait3A_170] : memref<10112x80xf32, #tpu.memory_space<hbm>> -> memref<80x80xf32, #tpu.memory_space<hbm>>
      %dma_wait3A_172 = arith.constant 0 : i32
      %dma_wait3A_173 = arith.constant 0 : i32
      %dma_wait3A_174 = tpu.memref_slice %arg10[%dma_wait3A_164, %dma_wait3A_172, %dma_wait3A_173] : memref<2x80x80xf32, #tpu.memory_space<vmem>> -> memref<1x80x80xf32, #tpu.memory_space<vmem>>
      %dma_wait3A_175 = tpu.memref_squeeze %dma_wait3A_174 : memref<1x80x80xf32, #tpu.memory_space<vmem>> -> memref<80x80xf32, #tpu.memory_space<vmem>>
      %dma_wait3A_176 = arith.constant 0 : i32
      %dma_wait3A_177 = arith.constant 0 : i32
      %dma_wait3A_178 = tpu.memref_slice %arg6[%dma_wait3A_176, %dma_wait3A_177] : memref<10112x80xf32, #tpu.memory_space<hbm>> -> memref<80x80xf32, #tpu.memory_space<hbm>>
      tpu.wait_dma2 semaphore(%arg14 : memref<!tpu.dma_semaphore, #tpu.memory_space<semaphore_mem>>) src(%dma_wait3A_178 : memref<80x80xf32, #tpu.memory_space<hbm>>) dst(%dma_wait3A_175 : memref<80x80xf32, #tpu.memory_space<vmem>>)
      %gt3A_179 = arith.constant 0 : i32
      %gt3A_180 = arith.cmpi sgt, %add3A_134, %gt3A_179 : i32
      %convert_element_type3A_181 = arith.extui %gt3A_180 : i1 to i32
      %cond3A_182 = arith.constant 0 : i32
      %cond3A_183 = arith.cmpi ne, %convert_element_type3A_181, %cond3A_182 : i32
      scf.if %cond3A_183 {
        %dma_wait3A_200 = arith.constant 0 : i32
        %dma_wait3A_201 = arith.constant 1 : i32
        %dma_wait3A_202 = arith.constant 0 : i32
        %dma_wait3A_203 = tpu.memref_slice %arg9[%dma_wait3A_201, %dma_wait3A_202] : memref<2x80xi32, #tpu.memory_space<vmem>> -> memref<1x80xi32, #tpu.memory_space<vmem>>
        %dma_wait3A_204 = tpu.memref_squeeze %dma_wait3A_203 : memref<1x80xi32, #tpu.memory_space<vmem>> -> memref<80xi32, #tpu.memory_space<vmem>>
        %dma_wait3A_205 = arith.constant 0 : i32
        %dma_wait3A_206 = tpu.memref_slice %arg5[%add3A, %dma_wait3A_200, %dma_wait3A_205] : memref<32x128x80xi32, #tpu.memory_space<hbm>> -> memref<1x1x80xi32, #tpu.memory_space<hbm>>
        %dma_wait3A_207 = tpu.memref_squeeze %dma_wait3A_206 : memref<1x1x80xi32, #tpu.memory_space<hbm>> -> memref<80xi32, #tpu.memory_space<hbm>>
        %dma_wait3A_208 = arith.constant 0 : i32
        %dma_wait3A_209 = tpu.memref_slice %arg9[%dma_wait3A_201, %dma_wait3A_208] : memref<2x80xi32, #tpu.memory_space<vmem>> -> memref<1x80xi32, #tpu.memory_space<vmem>>
        %dma_wait3A_210 = tpu.memref_squeeze %dma_wait3A_209 : memref<1x80xi32, #tpu.memory_space<vmem>> -> memref<80xi32, #tpu.memory_space<vmem>>
        %dma_wait3A_211 = arith.constant 0 : i32
        %dma_wait3A_212 = tpu.memref_slice %arg5[%add3A, %dma_wait3A_200, %dma_wait3A_211] : memref<32x128x80xi32, #tpu.memory_space<hbm>> -> memref<1x1x80xi32, #tpu.memory_space<hbm>>
        %dma_wait3A_213 = tpu.memref_squeeze %dma_wait3A_212 : memref<1x1x80xi32, #tpu.memory_space<hbm>> -> memref<80xi32, #tpu.memory_space<hbm>>
        tpu.wait_dma2 semaphore(%arg18 : memref<!tpu.dma_semaphore, #tpu.memory_space<semaphore_mem>>) src(%dma_wait3A_213 : memref<80xi32, #tpu.memory_space<hbm>>) dst(%dma_wait3A_210 : memref<80xi32, #tpu.memory_space<vmem>>)
      } else {
      }
      %dma_start3A_184 = arith.constant 1 : i32
      %dma_start3A_185 = arith.constant 1 : i32
      %dma_start3A_186 = arith.constant 0 : i32
      %dma_start3A_187 = arith.constant 0 : i32
      %dma_start3A_188 = tpu.memref_slice %arg10[%dma_start3A_184, %dma_start3A_186, %dma_start3A_187] : memref<2x80x80xf32, #tpu.memory_space<vmem>> -> memref<1x80x80xf32, #tpu.memory_space<vmem>>
      %dma_start3A_189 = tpu.memref_squeeze %dma_start3A_188 : memref<1x80x80xf32, #tpu.memory_space<vmem>> -> memref<80x80xf32, #tpu.memory_space<vmem>>
      %dma_start3A_190 = arith.constant 0 : i32
      %dma_start3A_191 = tpu.memref_slice %arg9[%dma_start3A_185, %dma_start3A_190] : memref<2x80xi32, #tpu.memory_space<vmem>> -> memref<1x80xi32, #tpu.memory_space<vmem>>
      %dma_start3A_192 = tpu.memref_squeeze %dma_start3A_191 : memref<1x80xi32, #tpu.memory_space<vmem>> -> memref<80xi32, #tpu.memory_space<vmem>>
      %dma_start3A_193 = arith.constant 0 : i32
      %dma_start3A_194 = arith.constant 0 : i32
      %dma_start3A_195 = tpu.memref_slice %arg11[%dma_start3A_193, %dma_start3A_194] : memref<10112x80xf32, #tpu.memory_space<vmem_shared>> -> memref<10112x80xf32, #tpu.memory_space<vmem_shared>>
      tpu.enqueue_indirect_dma source(%dma_start3A_189 : memref<80x80xf32, #tpu.memory_space<vmem>>) target(%dma_start3A_195 : memref<10112x80xf32, #tpu.memory_space<vmem_shared>>) offsets(%dma_start3A_192 : memref<80xi32, #tpu.memory_space<vmem>>) semaphore(%arg16 : memref<!tpu.dma_semaphore, #tpu.memory_space<semaphore_mem>>) {add = true}
      %lt3A = arith.constant 63 : i32
      %lt3A_196 = arith.cmpi slt, %add3A_134, %lt3A : i32
      %convert_element_type3A_197 = arith.extui %lt3A_196 : i1 to i32
      %cond3A_198 = arith.constant 0 : i32
      %cond3A_199 = arith.cmpi ne, %convert_element_type3A_197, %cond3A_198 : i32
      scf.if %cond3A_199 {
        %dma_wait3A_200 = arith.constant 0 : i32
        %dma_wait3A_201 = arith.constant 0 : i32
        %dma_wait3A_202 = arith.constant 0 : i32
        %dma_wait3A_203 = tpu.memref_slice %arg10[%dma_wait3A_200, %dma_wait3A_201, %dma_wait3A_202] : memref<2x80x80xf32, #tpu.memory_space<vmem>> -> memref<1x80x80xf32, #tpu.memory_space<vmem>>
        %dma_wait3A_204 = tpu.memref_squeeze %dma_wait3A_203 : memref<1x80x80xf32, #tpu.memory_space<vmem>> -> memref<80x80xf32, #tpu.memory_space<vmem>>
        %dma_wait3A_205 = arith.constant 0 : i32
        %dma_wait3A_206 = arith.constant 0 : i32
        %dma_wait3A_207 = tpu.memref_slice %arg11[%dma_wait3A_205, %dma_wait3A_206] : memref<10112x80xf32, #tpu.memory_space<vmem_shared>> -> memref<80x80xf32, #tpu.memory_space<vmem_shared>>
        %dma_wait3A_208 = arith.constant 0 : i32
        %dma_wait3A_209 = arith.constant 0 : i32
        %dma_wait3A_210 = tpu.memref_slice %arg11[%dma_wait3A_208, %dma_wait3A_209] : memref<10112x80xf32, #tpu.memory_space<vmem_shared>> -> memref<80x80xf32, #tpu.memory_space<vmem_shared>>
        %dma_wait3A_211 = arith.constant 0 : i32
        %dma_wait3A_212 = arith.constant 0 : i32
        %dma_wait3A_213 = tpu.memref_slice %arg10[%dma_wait3A_200, %dma_wait3A_211, %dma_wait3A_212] : memref<2x80x80xf32, #tpu.memory_space<vmem>> -> memref<1x80x80xf32, #tpu.memory_space<vmem>>
        %dma_wait3A_214 = tpu.memref_squeeze %dma_wait3A_213 : memref<1x80x80xf32, #tpu.memory_space<vmem>> -> memref<80x80xf32, #tpu.memory_space<vmem>>
        tpu.wait_dma2 semaphore(%arg15 : memref<!tpu.dma_semaphore, #tpu.memory_space<semaphore_mem>>) src(%dma_wait3A_214 : memref<80x80xf32, #tpu.memory_space<vmem>>) dst(%dma_wait3A_210 : memref<80x80xf32, #tpu.memory_space<vmem_shared>>)
        %add3A_215 = arith.constant 1 : i32
        %add3A_216 = arith.addi %add3A_134, %add3A_215 : i32
        %mul3A_217 = arith.constant 2 : i32
        %mul3A_218 = arith.muli %add3A_216, %mul3A_217 : i32
        %add3A_219 = arith.constant 0 : i32
        %add3A_220 = arith.addi %mul3A_218, %add3A_219 : i32
        %dma_start3A_221 = arith.constant 0 : i32
        %dma_start3A_222 = arith.constant 0 : i32
        %dma_start3A_223 = tpu.memref_slice %arg9[%dma_start3A_221, %dma_start3A_222] : memref<2x80xi32, #tpu.memory_space<vmem>> -> memref<1x80xi32, #tpu.memory_space<vmem>>
        %dma_start3A_224 = tpu.memref_squeeze %dma_start3A_223 : memref<1x80xi32, #tpu.memory_space<vmem>> -> memref<80xi32, #tpu.memory_space<vmem>>
        %dma_start3A_225 = arith.constant 0 : i32
        %dma_start3A_226 = tpu.memref_slice %arg5[%add3A, %add3A_220, %dma_start3A_225] : memref<32x128x80xi32, #tpu.memory_space<hbm>> -> memref<1x1x80xi32, #tpu.memory_space<hbm>>
        %dma_start3A_227 = tpu.memref_squeeze %dma_start3A_226 : memref<1x1x80xi32, #tpu.memory_space<hbm>> -> memref<80xi32, #tpu.memory_space<hbm>>
        %dma_start3A_228 = arith.constant 0 : i32
        %dma_start3A_229 = tpu.memref_slice %arg9[%dma_start3A_221, %dma_start3A_228] : memref<2x80xi32, #tpu.memory_space<vmem>> -> memref<1x80xi32, #tpu.memory_space<vmem>>
        %dma_start3A_230 = tpu.memref_squeeze %dma_start3A_229 : memref<1x80xi32, #tpu.memory_space<vmem>> -> memref<80xi32, #tpu.memory_space<vmem>>
        %dma_start3A_231 = arith.constant 0 : i32
        %dma_start3A_232 = tpu.memref_slice %arg5[%add3A, %add3A_220, %dma_start3A_231] : memref<32x128x80xi32, #tpu.memory_space<hbm>> -> memref<1x1x80xi32, #tpu.memory_space<hbm>>
        %dma_start3A_233 = tpu.memref_squeeze %dma_start3A_232 : memref<1x1x80xi32, #tpu.memory_space<hbm>> -> memref<80xi32, #tpu.memory_space<hbm>>
        tpu.enqueue_dma source(%dma_start3A_233 : memref<80xi32, #tpu.memory_space<hbm>>) target(%dma_start3A_230 : memref<80xi32, #tpu.memory_space<vmem>>) target_semaphore(%arg17 : memref<!tpu.dma_semaphore, #tpu.memory_space<semaphore_mem>>)
        %add3A_234 = arith.constant 1 : i32
        %add3A_235 = arith.addi %add3A_134, %add3A_234 : i32
        %mul3A_236 = arith.constant 2 : i32
        %mul3A_237 = arith.muli %add3A_235, %mul3A_236 : i32
        %add3A_238 = arith.constant 0 : i32
        %add3A_239 = arith.addi %mul3A_237, %add3A_238 : i32
        %dma_start3A_240 = arith.constant 0 : i32
        %dma_start3A_241 = arith.constant 0 : i32
        %dma_start3A_242 = arith.constant 0 : i32
        %dma_start3A_243 = tpu.memref_slice %arg10[%dma_start3A_240, %dma_start3A_241, %dma_start3A_242] : memref<2x80x80xf32, #tpu.memory_space<vmem>> -> memref<1x80x80xf32, #tpu.memory_space<vmem>>
        %dma_start3A_244 = tpu.memref_squeeze %dma_start3A_243 : memref<1x80x80xf32, #tpu.memory_space<vmem>> -> memref<80x80xf32, #tpu.memory_space<vmem>>
        %dma_start3A_245 = arith.constant 0 : i32
        %dma_start3A_246 = tpu.memref_slice %arg8[%add3A_239, %dma_start3A_245] : memref<128x80xi32, #tpu.memory_space<vmem>> -> memref<1x80xi32, #tpu.memory_space<vmem>>
        %dma_start3A_247 = tpu.memref_squeeze %dma_start3A_246 : memref<1x80xi32, #tpu.memory_space<vmem>> -> memref<80xi32, #tpu.memory_space<vmem>>
        %dma_start3A_248 = arith.constant 0 : i32
        %dma_start3A_249 = arith.constant 0 : i32
        %dma_start3A_250 = tpu.memref_slice %arg12[%dma_start3A_248, %dma_start3A_249] : memref<10112x80xf32, #tpu.memory_space<vmem_shared>> -> memref<10112x80xf32, #tpu.memory_space<vmem_shared>>
        tpu.enqueue_indirect_dma source(%dma_start3A_250 : memref<10112x80xf32, #tpu.memory_space<vmem_shared>>) target(%dma_start3A_244 : memref<80x80xf32, #tpu.memory_space<vmem>>) offsets(%dma_start3A_247 : memref<80xi32, #tpu.memory_space<vmem>>) semaphore(%arg13 : memref<!tpu.dma_semaphore, #tpu.memory_space<semaphore_mem>>)
        %dma_wait3A_251 = arith.constant 1 : i32
        %dma_wait3A_252 = arith.constant 0 : i32
        %dma_wait3A_253 = arith.constant 0 : i32
        %dma_wait3A_254 = tpu.memref_slice %arg10[%dma_wait3A_251, %dma_wait3A_252, %dma_wait3A_253] : memref<2x80x80xf32, #tpu.memory_space<vmem>> -> memref<1x80x80xf32, #tpu.memory_space<vmem>>
        %dma_wait3A_255 = tpu.memref_squeeze %dma_wait3A_254 : memref<1x80x80xf32, #tpu.memory_space<vmem>> -> memref<80x80xf32, #tpu.memory_space<vmem>>
        %dma_wait3A_256 = arith.constant 0 : i32
        %dma_wait3A_257 = arith.constant 0 : i32
        %dma_wait3A_258 = tpu.memref_slice %arg11[%dma_wait3A_256, %dma_wait3A_257] : memref<10112x80xf32, #tpu.memory_space<vmem_shared>> -> memref<80x80xf32, #tpu.memory_space<vmem_shared>>
        %dma_wait3A_259 = arith.constant 0 : i32
        %dma_wait3A_260 = arith.constant 0 : i32
        %dma_wait3A_261 = tpu.memref_slice %arg11[%dma_wait3A_259, %dma_wait3A_260] : memref<10112x80xf32, #tpu.memory_space<vmem_shared>> -> memref<80x80xf32, #tpu.memory_space<vmem_shared>>
        %dma_wait3A_262 = arith.constant 0 : i32
        %dma_wait3A_263 = arith.constant 0 : i32
        %dma_wait3A_264 = tpu.memref_slice %arg10[%dma_wait3A_251, %dma_wait3A_262, %dma_wait3A_263] : memref<2x80x80xf32, #tpu.memory_space<vmem>> -> memref<1x80x80xf32, #tpu.memory_space<vmem>>
        %dma_wait3A_265 = tpu.memref_squeeze %dma_wait3A_264 : memref<1x80x80xf32, #tpu.memory_space<vmem>> -> memref<80x80xf32, #tpu.memory_space<vmem>>
        tpu.wait_dma2 semaphore(%arg16 : memref<!tpu.dma_semaphore, #tpu.memory_space<semaphore_mem>>) src(%dma_wait3A_265 : memref<80x80xf32, #tpu.memory_space<vmem>>) dst(%dma_wait3A_261 : memref<80x80xf32, #tpu.memory_space<vmem_shared>>)
        %add3A_266 = arith.constant 1 : i32
        %add3A_267 = arith.addi %add3A_134, %add3A_266 : i32
        %mul3A_268 = arith.constant 2 : i32
        %mul3A_269 = arith.muli %add3A_267, %mul3A_268 : i32
        %add3A_270 = arith.constant 1 : i32
        %add3A_271 = arith.addi %mul3A_269, %add3A_270 : i32
        %dma_start3A_272 = arith.constant 1 : i32
        %dma_start3A_273 = arith.constant 0 : i32
        %dma_start3A_274 = tpu.memref_slice %arg9[%dma_start3A_272, %dma_start3A_273] : memref<2x80xi32, #tpu.memory_space<vmem>> -> memref<1x80xi32, #tpu.memory_space<vmem>>
        %dma_start3A_275 = tpu.memref_squeeze %dma_start3A_274 : memref<1x80xi32, #tpu.memory_space<vmem>> -> memref<80xi32, #tpu.memory_space<vmem>>
        %dma_start3A_276 = arith.constant 0 : i32
        %dma_start3A_277 = tpu.memref_slice %arg5[%add3A, %add3A_271, %dma_start3A_276] : memref<32x128x80xi32, #tpu.memory_space<hbm>> -> memref<1x1x80xi32, #tpu.memory_space<hbm>>
        %dma_start3A_278 = tpu.memref_squeeze %dma_start3A_277 : memref<1x1x80xi32, #tpu.memory_space<hbm>> -> memref<80xi32, #tpu.memory_space<hbm>>
        %dma_start3A_279 = arith.constant 0 : i32
        %dma_start3A_280 = tpu.memref_slice %arg9[%dma_start3A_272, %dma_start3A_279] : memref<2x80xi32, #tpu.memory_space<vmem>> -> memref<1x80xi32, #tpu.memory_space<vmem>>
        %dma_start3A_281 = tpu.memref_squeeze %dma_start3A_280 : memref<1x80xi32, #tpu.memory_space<vmem>> -> memref<80xi32, #tpu.memory_space<vmem>>
        %dma_start3A_282 = arith.constant 0 : i32
        %dma_start3A_283 = tpu.memref_slice %arg5[%add3A, %add3A_271, %dma_start3A_282] : memref<32x128x80xi32, #tpu.memory_space<hbm>> -> memref<1x1x80xi32, #tpu.memory_space<hbm>>
        %dma_start3A_284 = tpu.memref_squeeze %dma_start3A_283 : memref<1x1x80xi32, #tpu.memory_space<hbm>> -> memref<80xi32, #tpu.memory_space<hbm>>
        tpu.enqueue_dma source(%dma_start3A_284 : memref<80xi32, #tpu.memory_space<hbm>>) target(%dma_start3A_281 : memref<80xi32, #tpu.memory_space<vmem>>) target_semaphore(%arg18 : memref<!tpu.dma_semaphore, #tpu.memory_space<semaphore_mem>>)
        %add3A_285 = arith.constant 1 : i32
        %add3A_286 = arith.addi %add3A_134, %add3A_285 : i32
        %mul3A_287 = arith.constant 2 : i32
        %mul3A_288 = arith.muli %add3A_286, %mul3A_287 : i32
        %add3A_289 = arith.constant 1 : i32
        %add3A_290 = arith.addi %mul3A_288, %add3A_289 : i32
        %dma_start3A_291 = arith.constant 1 : i32
        %dma_start3A_292 = arith.constant 0 : i32
        %dma_start3A_293 = arith.constant 0 : i32
        %dma_start3A_294 = tpu.memref_slice %arg10[%dma_start3A_291, %dma_start3A_292, %dma_start3A_293] : memref<2x80x80xf32, #tpu.memory_space<vmem>> -> memref<1x80x80xf32, #tpu.memory_space<vmem>>
        %dma_start3A_295 = tpu.memref_squeeze %dma_start3A_294 : memref<1x80x80xf32, #tpu.memory_space<vmem>> -> memref<80x80xf32, #tpu.memory_space<vmem>>
        %dma_start3A_296 = arith.constant 0 : i32
        %dma_start3A_297 = tpu.memref_slice %arg8[%add3A_290, %dma_start3A_296] : memref<128x80xi32, #tpu.memory_space<vmem>> -> memref<1x80xi32, #tpu.memory_space<vmem>>
        %dma_start3A_298 = tpu.memref_squeeze %dma_start3A_297 : memref<1x80xi32, #tpu.memory_space<vmem>> -> memref<80xi32, #tpu.memory_space<vmem>>
        %dma_start3A_299 = arith.constant 0 : i32
        %dma_start3A_300 = arith.constant 0 : i32
        %dma_start3A_301 = tpu.memref_slice %arg12[%dma_start3A_299, %dma_start3A_300] : memref<10112x80xf32, #tpu.memory_space<vmem_shared>> -> memref<10112x80xf32, #tpu.memory_space<vmem_shared>>
        tpu.enqueue_indirect_dma source(%dma_start3A_301 : memref<10112x80xf32, #tpu.memory_space<vmem_shared>>) target(%dma_start3A_295 : memref<80x80xf32, #tpu.memory_space<vmem>>) offsets(%dma_start3A_298 : memref<80xi32, #tpu.memory_space<vmem>>) semaphore(%arg14 : memref<!tpu.dma_semaphore, #tpu.memory_space<semaphore_mem>>)
      } else {
      }
    }
    %scan3A_97 = arith.constant 64 : i32
    %dma_wait3A_98 = arith.constant 0 : i32
    %dma_wait3A_99 = arith.constant 0 : i32
    %dma_wait3A_100 = arith.constant 0 : i32
    %dma_wait3A_101 = tpu.memref_slice %arg10[%dma_wait3A_98, %dma_wait3A_99, %dma_wait3A_100] : memref<2x80x80xf32, #tpu.memory_space<vmem>> -> memref<1x80x80xf32, #tpu.memory_space<vmem>>
    %dma_wait3A_102 = tpu.memref_squeeze %dma_wait3A_101 : memref<1x80x80xf32, #tpu.memory_space<vmem>> -> memref<80x80xf32, #tpu.memory_space<vmem>>
    %dma_wait3A_103 = arith.constant 0 : i32
    %dma_wait3A_104 = arith.constant 0 : i32
    %dma_wait3A_105 = tpu.memref_slice %arg11[%dma_wait3A_103, %dma_wait3A_104] : memref<10112x80xf32, #tpu.memory_space<vmem_shared>> -> memref<80x80xf32, #tpu.memory_space<vmem_shared>>
    %dma_wait3A_106 = arith.constant 0 : i32
    %dma_wait3A_107 = arith.constant 0 : i32
    %dma_wait3A_108 = tpu.memref_slice %arg11[%dma_wait3A_106, %dma_wait3A_107] : memref<10112x80xf32, #tpu.memory_space<vmem_shared>> -> memref<80x80xf32, #tpu.memory_space<vmem_shared>>
    %dma_wait3A_109 = arith.constant 0 : i32
    %dma_wait3A_110 = arith.constant 0 : i32
    %dma_wait3A_111 = tpu.memref_slice %arg10[%dma_wait3A_98, %dma_wait3A_109, %dma_wait3A_110] : memref<2x80x80xf32, #tpu.memory_space<vmem>> -> memref<1x80x80xf32, #tpu.memory_space<vmem>>
    %dma_wait3A_112 = tpu.memref_squeeze %dma_wait3A_111 : memref<1x80x80xf32, #tpu.memory_space<vmem>> -> memref<80x80xf32, #tpu.memory_space<vmem>>
    tpu.wait_dma2 semaphore(%arg15 : memref<!tpu.dma_semaphore, #tpu.memory_space<semaphore_mem>>) src(%dma_wait3A_112 : memref<80x80xf32, #tpu.memory_space<vmem>>) dst(%dma_wait3A_108 : memref<80x80xf32, #tpu.memory_space<vmem_shared>>)
    %dma_wait3A_113 = arith.constant 1 : i32
    %dma_wait3A_114 = arith.constant 0 : i32
    %dma_wait3A_115 = arith.constant 0 : i32
    %dma_wait3A_116 = tpu.memref_slice %arg10[%dma_wait3A_113, %dma_wait3A_114, %dma_wait3A_115] : memref<2x80x80xf32, #tpu.memory_space<vmem>> -> memref<1x80x80xf32, #tpu.memory_space<vmem>>
    %dma_wait3A_117 = tpu.memref_squeeze %dma_wait3A_116 : memref<1x80x80xf32, #tpu.memory_space<vmem>> -> memref<80x80xf32, #tpu.memory_space<vmem>>
    %dma_wait3A_118 = arith.constant 0 : i32
    %dma_wait3A_119 = arith.constant 0 : i32
    %dma_wait3A_120 = tpu.memref_slice %arg11[%dma_wait3A_118, %dma_wait3A_119] : memref<10112x80xf32, #tpu.memory_space<vmem_shared>> -> memref<80x80xf32, #tpu.memory_space<vmem_shared>>
    %dma_wait3A_121 = arith.constant 0 : i32
    %dma_wait3A_122 = arith.constant 0 : i32
    %dma_wait3A_123 = tpu.memref_slice %arg11[%dma_wait3A_121, %dma_wait3A_122] : memref<10112x80xf32, #tpu.memory_space<vmem_shared>> -> memref<80x80xf32, #tpu.memory_space<vmem_shared>>
    %dma_wait3A_124 = arith.constant 0 : i32
    %dma_wait3A_125 = arith.constant 0 : i32
    %dma_wait3A_126 = tpu.memref_slice %arg10[%dma_wait3A_113, %dma_wait3A_124, %dma_wait3A_125] : memref<2x80x80xf32, #tpu.memory_space<vmem>> -> memref<1x80x80xf32, #tpu.memory_space<vmem>>
    %dma_wait3A_127 = tpu.memref_squeeze %dma_wait3A_126 : memref<1x80x80xf32, #tpu.memory_space<vmem>> -> memref<80x80xf32, #tpu.memory_space<vmem>>
    tpu.wait_dma2 semaphore(%arg16 : memref<!tpu.dma_semaphore, #tpu.memory_space<semaphore_mem>>) src(%dma_wait3A_127 : memref<80x80xf32, #tpu.memory_space<vmem>>) dst(%dma_wait3A_123 : memref<80x80xf32, #tpu.memory_space<vmem_shared>>)
    %barrier3A_128 = arith.constant 0 : index
    tpu.barrier barrier_id(%barrier3A_128)
    %run_scoped3A_129 = arith.constant 1 : i32
    "tpu.region"() ({
      %run_scoped3A_130 = tpu.sem_alloc : memref<!tpu.dma_semaphore, #tpu.memory_space<semaphore_mem>>
      %dma_start3A_131 = arith.constant 0 : i32
      %dma_start3A_132 = tpu.memref_slice %arg7[%run_scoped3A_129, %arg0, %mul3A_2, %dma_start3A_131] : memref<2x2x10112x80xf32, #tpu.memory_space<hbm>> -> memref<1x1x632x80xf32, #tpu.memory_space<hbm>>
      %dma_start3A_133 = tpu.memref_squeeze %dma_start3A_132 : memref<1x1x632x80xf32, #tpu.memory_space<hbm>> -> memref<632x80xf32, #tpu.memory_space<hbm>>
      %dma_start3A_134 = arith.constant 0 : i32
      %dma_start3A_135 = tpu.memref_slice %arg11[%mul3A_2, %dma_start3A_134] : memref<10112x80xf32, #tpu.memory_space<vmem_shared>> -> memref<632x80xf32, #tpu.memory_space<vmem_shared>>
      tpu.enqueue_dma source(%dma_start3A_135 : memref<632x80xf32, #tpu.memory_space<vmem_shared>>) target(%dma_start3A_133 : memref<632x80xf32, #tpu.memory_space<hbm>>) target_semaphore(%run_scoped3A_130 : memref<!tpu.dma_semaphore, #tpu.memory_space<semaphore_mem>>)
      %dma_wait3A_136 = arith.constant 0 : i32
      %dma_wait3A_137 = tpu.memref_slice %arg7[%run_scoped3A_129, %arg0, %mul3A_2, %dma_wait3A_136] : memref<2x2x10112x80xf32, #tpu.memory_space<hbm>> -> memref<1x1x632x80xf32, #tpu.memory_space<hbm>>
      %dma_wait3A_138 = tpu.memref_squeeze %dma_wait3A_137 : memref<1x1x632x80xf32, #tpu.memory_space<hbm>> -> memref<632x80xf32, #tpu.memory_space<hbm>>
      %dma_wait3A_139 = arith.constant 0 : i32
      %dma_wait3A_140 = tpu.memref_slice %arg11[%mul3A_2, %dma_wait3A_139] : memref<10112x80xf32, #tpu.memory_space<vmem_shared>> -> memref<632x80xf32, #tpu.memory_space<vmem_shared>>
      tpu.wait_dma2 semaphore(%run_scoped3A_130 : memref<!tpu.dma_semaphore, #tpu.memory_space<semaphore_mem>>) src(%dma_wait3A_140 : memref<632x80xf32, #tpu.memory_space<vmem_shared>>) dst(%dma_wait3A_138 : memref<632x80xf32, #tpu.memory_space<hbm>>)
      tpu.yield
    }) : () -> ()
    return
  }
}

#map = affine_map<(d0, d1) -> (0, 0)>
#map1 = affine_map<(d0, d1) -> (0, 0, 0)>
#map2 = affine_map<(d0, d1) -> (0, 0, 0, 0)>
module attributes {stable_mosaic.version = 14 : i64} {
  func.func @spmm(%arg0: i32, %arg1: i32, %arg2: memref<320000x16xf32, #tpu.memory_space<hbm>>, %arg3: memref<80x16xf32, #tpu.memory_space<hbm>>, %arg4: memref<32x128x80xi32, #tpu.memory_space<hbm>>, %arg5: memref<32x128x80xi32, #tpu.memory_space<hbm>>, %arg6: memref<10112x16xf32, #tpu.memory_space<hbm>>, %arg7: memref<2x2x10112x16xf32, #tpu.memory_space<hbm>>, %arg8: memref<128x80xi32, #tpu.memory_space<vmem>>, %arg9: memref<2x80xi32, #tpu.memory_space<vmem>>, %arg10: memref<2x80x16xf32, #tpu.memory_space<vmem>>, %arg11: memref<10112x16xf32, #tpu.memory_space<vmem_shared>>, %arg12: memref<!tpu.dma_semaphore, #tpu.memory_space<semaphore_mem>>, %arg13: memref<!tpu.dma_semaphore, #tpu.memory_space<semaphore_mem>>, %arg14: memref<!tpu.dma_semaphore, #tpu.memory_space<semaphore_mem>>, %arg15: memref<!tpu.dma_semaphore, #tpu.memory_space<semaphore_mem>>, %arg16: memref<!tpu.dma_semaphore, #tpu.memory_space<semaphore_mem>>, %arg17: memref<!tpu.dma_semaphore, #tpu.memory_space<semaphore_mem>>) attributes {dimension_semantics = [#tpu.dimension_semantics<core_parallel>, #tpu.dimension_semantics<subcore_parallel>], iteration_bounds = array<i64: 2, 16>, scalar_prefetch = 0 : i64, scratch_operands = 10 : i64, tpu.core_type = #tpu.core_type<sc_vector_subcore>, window_params = [{transform_indices = #map}, {transform_indices = #map}, {transform_indices = #map1}, {transform_indices = #map1}, {transform_indices = #map}, {transform_indices = #map2}]} {
    %mul3A = arith.constant 2 : i32
    %mul3A_0 = arith.muli %arg1, %mul3A : i32
    %add3A = arith.addi %mul3A_0, %arg0 : i32
    %mul3A_1 = arith.constant 632 : i32
    %mul3A_2 = arith.muli %arg1, %mul3A_1 : i32
    "tpu.region"() ({
      %run_scoped3A_108 = tpu.sem_alloc : memref<!tpu.dma_semaphore, #tpu.memory_space<semaphore_mem>>
      %dma_start3A_109 = arith.constant 0 : i32
      %dma_start3A_110 = arith.constant 0 : i32
      %dma_start3A_111 = tpu.memref_slice %arg4[%add3A, %dma_start3A_109, %dma_start3A_110] : memref<32x128x80xi32, #tpu.memory_space<hbm>> -> memref<1x128x80xi32, #tpu.memory_space<hbm>>
      %dma_start3A_112 = tpu.memref_squeeze %dma_start3A_111 : memref<1x128x80xi32, #tpu.memory_space<hbm>> -> memref<128x80xi32, #tpu.memory_space<hbm>>
      %dma_start3A_113 = arith.constant 0 : i32
      %dma_start3A_114 = arith.constant 0 : i32
      %dma_start3A_115 = tpu.memref_slice %arg4[%add3A, %dma_start3A_113, %dma_start3A_114] : memref<32x128x80xi32, #tpu.memory_space<hbm>> -> memref<1x128x80xi32, #tpu.memory_space<hbm>>
      %dma_start3A_116 = tpu.memref_squeeze %dma_start3A_115 : memref<1x128x80xi32, #tpu.memory_space<hbm>> -> memref<128x80xi32, #tpu.memory_space<hbm>>
      tpu.enqueue_dma source(%dma_start3A_116 : memref<128x80xi32, #tpu.memory_space<hbm>>) target(%arg8 : memref<128x80xi32, #tpu.memory_space<vmem>>) target_semaphore(%run_scoped3A_108 : memref<!tpu.dma_semaphore, #tpu.memory_space<semaphore_mem>>)
      %dma_wait3A_117 = arith.constant 0 : i32
      %dma_wait3A_118 = arith.constant 0 : i32
      %dma_wait3A_119 = tpu.memref_slice %arg4[%add3A, %dma_wait3A_117, %dma_wait3A_118] : memref<32x128x80xi32, #tpu.memory_space<hbm>> -> memref<1x128x80xi32, #tpu.memory_space<hbm>>
      %dma_wait3A_120 = tpu.memref_squeeze %dma_wait3A_119 : memref<1x128x80xi32, #tpu.memory_space<hbm>> -> memref<128x80xi32, #tpu.memory_space<hbm>>
      %dma_wait3A_121 = arith.constant 0 : i32
      %dma_wait3A_122 = arith.constant 0 : i32
      %dma_wait3A_123 = tpu.memref_slice %arg4[%add3A, %dma_wait3A_121, %dma_wait3A_122] : memref<32x128x80xi32, #tpu.memory_space<hbm>> -> memref<1x128x80xi32, #tpu.memory_space<hbm>>
      %dma_wait3A_124 = tpu.memref_squeeze %dma_wait3A_123 : memref<1x128x80xi32, #tpu.memory_space<hbm>> -> memref<128x80xi32, #tpu.memory_space<hbm>>
      tpu.wait_dma2 semaphore(%run_scoped3A_108 : memref<!tpu.dma_semaphore, #tpu.memory_space<semaphore_mem>>) src(%dma_wait3A_124 : memref<128x80xi32, #tpu.memory_space<hbm>>) dst(%arg8 : memref<128x80xi32, #tpu.memory_space<vmem>>)
      tpu.yield
    }) : () -> ()
    "tpu.region"() ({
      %run_scoped3A_108 = tpu.sem_alloc : memref<!tpu.dma_semaphore, #tpu.memory_space<semaphore_mem>>
      %dma_start3A_109 = arith.constant 0 : i32
      %dma_start3A_110 = tpu.memref_slice %arg11[%mul3A_2, %dma_start3A_109] : memref<10112x16xf32, #tpu.memory_space<vmem_shared>> -> memref<632x16xf32, #tpu.memory_space<vmem_shared>>
      %dma_start3A_111 = arith.constant 0 : i32
      %dma_start3A_112 = tpu.memref_slice %arg6[%mul3A_2, %dma_start3A_111] : memref<10112x16xf32, #tpu.memory_space<hbm>> -> memref<632x16xf32, #tpu.memory_space<hbm>>
      tpu.enqueue_dma source(%dma_start3A_112 : memref<632x16xf32, #tpu.memory_space<hbm>>) target(%dma_start3A_110 : memref<632x16xf32, #tpu.memory_space<vmem_shared>>) target_semaphore(%run_scoped3A_108 : memref<!tpu.dma_semaphore, #tpu.memory_space<semaphore_mem>>)
      %dma_wait3A_113 = arith.constant 0 : i32
      %dma_wait3A_114 = tpu.memref_slice %arg11[%mul3A_2, %dma_wait3A_113] : memref<10112x16xf32, #tpu.memory_space<vmem_shared>> -> memref<632x16xf32, #tpu.memory_space<vmem_shared>>
      %dma_wait3A_115 = arith.constant 0 : i32
      %dma_wait3A_116 = tpu.memref_slice %arg6[%mul3A_2, %dma_wait3A_115] : memref<10112x16xf32, #tpu.memory_space<hbm>> -> memref<632x16xf32, #tpu.memory_space<hbm>>
      tpu.wait_dma2 semaphore(%run_scoped3A_108 : memref<!tpu.dma_semaphore, #tpu.memory_space<semaphore_mem>>) src(%dma_wait3A_116 : memref<632x16xf32, #tpu.memory_space<hbm>>) dst(%dma_wait3A_114 : memref<632x16xf32, #tpu.memory_space<vmem_shared>>)
      tpu.yield
    }) : () -> ()
    %barrier3A = arith.constant 0 : index
    tpu.barrier barrier_id(%barrier3A)
    %run_scoped3A = arith.constant 0 : i32
    %run_scoped3A_3 = arith.constant 0 : i32
    "tpu.region"() ({
      %run_scoped3A_108 = tpu.sem_alloc : memref<!tpu.dma_semaphore, #tpu.memory_space<semaphore_mem>>
      %dma_start3A_109 = arith.constant 0 : i32
      %dma_start3A_110 = tpu.memref_slice %arg9[%run_scoped3A_3, %dma_start3A_109] : memref<2x80xi32, #tpu.memory_space<vmem>> -> memref<1x80xi32, #tpu.memory_space<vmem>>
      %dma_start3A_111 = tpu.memref_squeeze %dma_start3A_110 : memref<1x80xi32, #tpu.memory_space<vmem>> -> memref<80xi32, #tpu.memory_space<vmem>>
      %dma_start3A_112 = arith.constant 0 : i32
      %dma_start3A_113 = tpu.memref_slice %arg5[%add3A, %run_scoped3A, %dma_start3A_112] : memref<32x128x80xi32, #tpu.memory_space<hbm>> -> memref<1x1x80xi32, #tpu.memory_space<hbm>>
      %dma_start3A_114 = tpu.memref_squeeze %dma_start3A_113 : memref<1x1x80xi32, #tpu.memory_space<hbm>> -> memref<80xi32, #tpu.memory_space<hbm>>
      %dma_start3A_115 = arith.constant 0 : i32
      %dma_start3A_116 = tpu.memref_slice %arg9[%run_scoped3A_3, %dma_start3A_115] : memref<2x80xi32, #tpu.memory_space<vmem>> -> memref<1x80xi32, #tpu.memory_space<vmem>>
      %dma_start3A_117 = tpu.memref_squeeze %dma_start3A_116 : memref<1x80xi32, #tpu.memory_space<vmem>> -> memref<80xi32, #tpu.memory_space<vmem>>
      %dma_start3A_118 = arith.constant 0 : i32
      %dma_start3A_119 = tpu.memref_slice %arg5[%add3A, %run_scoped3A, %dma_start3A_118] : memref<32x128x80xi32, #tpu.memory_space<hbm>> -> memref<1x1x80xi32, #tpu.memory_space<hbm>>
      %dma_start3A_120 = tpu.memref_squeeze %dma_start3A_119 : memref<1x1x80xi32, #tpu.memory_space<hbm>> -> memref<80xi32, #tpu.memory_space<hbm>>
      tpu.enqueue_dma source(%dma_start3A_120 : memref<80xi32, #tpu.memory_space<hbm>>) target(%dma_start3A_117 : memref<80xi32, #tpu.memory_space<vmem>>) target_semaphore(%run_scoped3A_108 : memref<!tpu.dma_semaphore, #tpu.memory_space<semaphore_mem>>)
      %dma_wait3A_121 = arith.constant 0 : i32
      %dma_wait3A_122 = tpu.memref_slice %arg9[%run_scoped3A_3, %dma_wait3A_121] : memref<2x80xi32, #tpu.memory_space<vmem>> -> memref<1x80xi32, #tpu.memory_space<vmem>>
      %dma_wait3A_123 = tpu.memref_squeeze %dma_wait3A_122 : memref<1x80xi32, #tpu.memory_space<vmem>> -> memref<80xi32, #tpu.memory_space<vmem>>
      %dma_wait3A_124 = arith.constant 0 : i32
      %dma_wait3A_125 = tpu.memref_slice %arg5[%add3A, %run_scoped3A, %dma_wait3A_124] : memref<32x128x80xi32, #tpu.memory_space<hbm>> -> memref<1x1x80xi32, #tpu.memory_space<hbm>>
      %dma_wait3A_126 = tpu.memref_squeeze %dma_wait3A_125 : memref<1x1x80xi32, #tpu.memory_space<hbm>> -> memref<80xi32, #tpu.memory_space<hbm>>
      %dma_wait3A_127 = arith.constant 0 : i32
      %dma_wait3A_128 = tpu.memref_slice %arg9[%run_scoped3A_3, %dma_wait3A_127] : memref<2x80xi32, #tpu.memory_space<vmem>> -> memref<1x80xi32, #tpu.memory_space<vmem>>
      %dma_wait3A_129 = tpu.memref_squeeze %dma_wait3A_128 : memref<1x80xi32, #tpu.memory_space<vmem>> -> memref<80xi32, #tpu.memory_space<vmem>>
      %dma_wait3A_130 = arith.constant 0 : i32
      %dma_wait3A_131 = tpu.memref_slice %arg5[%add3A, %run_scoped3A, %dma_wait3A_130] : memref<32x128x80xi32, #tpu.memory_space<hbm>> -> memref<1x1x80xi32, #tpu.memory_space<hbm>>
      %dma_wait3A_132 = tpu.memref_squeeze %dma_wait3A_131 : memref<1x1x80xi32, #tpu.memory_space<hbm>> -> memref<80xi32, #tpu.memory_space<hbm>>
      tpu.wait_dma2 semaphore(%run_scoped3A_108 : memref<!tpu.dma_semaphore, #tpu.memory_space<semaphore_mem>>) src(%dma_wait3A_132 : memref<80xi32, #tpu.memory_space<hbm>>) dst(%dma_wait3A_129 : memref<80xi32, #tpu.memory_space<vmem>>)
      tpu.yield
    }) : () -> ()
    %dma_start3A = arith.constant 0 : i32
    %dma_start3A_4 = arith.constant 0 : i32
    %dma_start3A_5 = arith.constant 0 : i32
    %dma_start3A_6 = arith.constant 0 : i32
    %dma_start3A_7 = tpu.memref_slice %arg10[%dma_start3A_4, %dma_start3A_5, %dma_start3A_6] : memref<2x80x16xf32, #tpu.memory_space<vmem>> -> memref<1x80x16xf32, #tpu.memory_space<vmem>>
    %dma_start3A_8 = tpu.memref_squeeze %dma_start3A_7 : memref<1x80x16xf32, #tpu.memory_space<vmem>> -> memref<80x16xf32, #tpu.memory_space<vmem>>
    %dma_start3A_9 = arith.constant 0 : i32
    %dma_start3A_10 = tpu.memref_slice %arg8[%dma_start3A, %dma_start3A_9] : memref<128x80xi32, #tpu.memory_space<vmem>> -> memref<1x80xi32, #tpu.memory_space<vmem>>
    %dma_start3A_11 = tpu.memref_squeeze %dma_start3A_10 : memref<1x80xi32, #tpu.memory_space<vmem>> -> memref<80xi32, #tpu.memory_space<vmem>>
    %dma_start3A_12 = arith.constant 0 : i32
    %dma_start3A_13 = arith.constant 0 : i32
    %dma_start3A_14 = tpu.memref_slice %arg2[%dma_start3A_12, %dma_start3A_13] : memref<320000x16xf32, #tpu.memory_space<hbm>> -> memref<320000x16xf32, #tpu.memory_space<hbm>>
    tpu.enqueue_indirect_dma source(%dma_start3A_14 : memref<320000x16xf32, #tpu.memory_space<hbm>>) target(%dma_start3A_8 : memref<80x16xf32, #tpu.memory_space<vmem>>) offsets(%dma_start3A_11 : memref<80xi32, #tpu.memory_space<vmem>>) semaphore(%arg12 : memref<!tpu.dma_semaphore, #tpu.memory_space<semaphore_mem>>)
    %run_scoped3A_15 = arith.constant 1 : i32
    %run_scoped3A_16 = arith.constant 1 : i32
    "tpu.region"() ({
      %run_scoped3A_108 = tpu.sem_alloc : memref<!tpu.dma_semaphore, #tpu.memory_space<semaphore_mem>>
      %dma_start3A_109 = arith.constant 0 : i32
      %dma_start3A_110 = tpu.memref_slice %arg9[%run_scoped3A_16, %dma_start3A_109] : memref<2x80xi32, #tpu.memory_space<vmem>> -> memref<1x80xi32, #tpu.memory_space<vmem>>
      %dma_start3A_111 = tpu.memref_squeeze %dma_start3A_110 : memref<1x80xi32, #tpu.memory_space<vmem>> -> memref<80xi32, #tpu.memory_space<vmem>>
      %dma_start3A_112 = arith.constant 0 : i32
      %dma_start3A_113 = tpu.memref_slice %arg5[%add3A, %run_scoped3A_15, %dma_start3A_112] : memref<32x128x80xi32, #tpu.memory_space<hbm>> -> memref<1x1x80xi32, #tpu.memory_space<hbm>>
      %dma_start3A_114 = tpu.memref_squeeze %dma_start3A_113 : memref<1x1x80xi32, #tpu.memory_space<hbm>> -> memref<80xi32, #tpu.memory_space<hbm>>
      %dma_start3A_115 = arith.constant 0 : i32
      %dma_start3A_116 = tpu.memref_slice %arg9[%run_scoped3A_16, %dma_start3A_115] : memref<2x80xi32, #tpu.memory_space<vmem>> -> memref<1x80xi32, #tpu.memory_space<vmem>>
      %dma_start3A_117 = tpu.memref_squeeze %dma_start3A_116 : memref<1x80xi32, #tpu.memory_space<vmem>> -> memref<80xi32, #tpu.memory_space<vmem>>
      %dma_start3A_118 = arith.constant 0 : i32
      %dma_start3A_119 = tpu.memref_slice %arg5[%add3A, %run_scoped3A_15, %dma_start3A_118] : memref<32x128x80xi32, #tpu.memory_space<hbm>> -> memref<1x1x80xi32, #tpu.memory_space<hbm>>
      %dma_start3A_120 = tpu.memref_squeeze %dma_start3A_119 : memref<1x1x80xi32, #tpu.memory_space<hbm>> -> memref<80xi32, #tpu.memory_space<hbm>>
      tpu.enqueue_dma source(%dma_start3A_120 : memref<80xi32, #tpu.memory_space<hbm>>) target(%dma_start3A_117 : memref<80xi32, #tpu.memory_space<vmem>>) target_semaphore(%run_scoped3A_108 : memref<!tpu.dma_semaphore, #tpu.memory_space<semaphore_mem>>)
      %dma_wait3A_121 = arith.constant 0 : i32
      %dma_wait3A_122 = tpu.memref_slice %arg9[%run_scoped3A_16, %dma_wait3A_121] : memref<2x80xi32, #tpu.memory_space<vmem>> -> memref<1x80xi32, #tpu.memory_space<vmem>>
      %dma_wait3A_123 = tpu.memref_squeeze %dma_wait3A_122 : memref<1x80xi32, #tpu.memory_space<vmem>> -> memref<80xi32, #tpu.memory_space<vmem>>
      %dma_wait3A_124 = arith.constant 0 : i32
      %dma_wait3A_125 = tpu.memref_slice %arg5[%add3A, %run_scoped3A_15, %dma_wait3A_124] : memref<32x128x80xi32, #tpu.memory_space<hbm>> -> memref<1x1x80xi32, #tpu.memory_space<hbm>>
      %dma_wait3A_126 = tpu.memref_squeeze %dma_wait3A_125 : memref<1x1x80xi32, #tpu.memory_space<hbm>> -> memref<80xi32, #tpu.memory_space<hbm>>
      %dma_wait3A_127 = arith.constant 0 : i32
      %dma_wait3A_128 = tpu.memref_slice %arg9[%run_scoped3A_16, %dma_wait3A_127] : memref<2x80xi32, #tpu.memory_space<vmem>> -> memref<1x80xi32, #tpu.memory_space<vmem>>
      %dma_wait3A_129 = tpu.memref_squeeze %dma_wait3A_128 : memref<1x80xi32, #tpu.memory_space<vmem>> -> memref<80xi32, #tpu.memory_space<vmem>>
      %dma_wait3A_130 = arith.constant 0 : i32
      %dma_wait3A_131 = tpu.memref_slice %arg5[%add3A, %run_scoped3A_15, %dma_wait3A_130] : memref<32x128x80xi32, #tpu.memory_space<hbm>> -> memref<1x1x80xi32, #tpu.memory_space<hbm>>
      %dma_wait3A_132 = tpu.memref_squeeze %dma_wait3A_131 : memref<1x1x80xi32, #tpu.memory_space<hbm>> -> memref<80xi32, #tpu.memory_space<hbm>>
      tpu.wait_dma2 semaphore(%run_scoped3A_108 : memref<!tpu.dma_semaphore, #tpu.memory_space<semaphore_mem>>) src(%dma_wait3A_132 : memref<80xi32, #tpu.memory_space<hbm>>) dst(%dma_wait3A_129 : memref<80xi32, #tpu.memory_space<vmem>>)
      tpu.yield
    }) : () -> ()
    %dma_start3A_17 = arith.constant 1 : i32
    %dma_start3A_18 = arith.constant 1 : i32
    %dma_start3A_19 = arith.constant 0 : i32
    %dma_start3A_20 = arith.constant 0 : i32
    %dma_start3A_21 = tpu.memref_slice %arg10[%dma_start3A_18, %dma_start3A_19, %dma_start3A_20] : memref<2x80x16xf32, #tpu.memory_space<vmem>> -> memref<1x80x16xf32, #tpu.memory_space<vmem>>
    %dma_start3A_22 = tpu.memref_squeeze %dma_start3A_21 : memref<1x80x16xf32, #tpu.memory_space<vmem>> -> memref<80x16xf32, #tpu.memory_space<vmem>>
    %dma_start3A_23 = arith.constant 0 : i32
    %dma_start3A_24 = tpu.memref_slice %arg8[%dma_start3A_17, %dma_start3A_23] : memref<128x80xi32, #tpu.memory_space<vmem>> -> memref<1x80xi32, #tpu.memory_space<vmem>>
    %dma_start3A_25 = tpu.memref_squeeze %dma_start3A_24 : memref<1x80xi32, #tpu.memory_space<vmem>> -> memref<80xi32, #tpu.memory_space<vmem>>
    %dma_start3A_26 = arith.constant 0 : i32
    %dma_start3A_27 = arith.constant 0 : i32
    %dma_start3A_28 = tpu.memref_slice %arg2[%dma_start3A_26, %dma_start3A_27] : memref<320000x16xf32, #tpu.memory_space<hbm>> -> memref<320000x16xf32, #tpu.memory_space<hbm>>
    tpu.enqueue_indirect_dma source(%dma_start3A_28 : memref<320000x16xf32, #tpu.memory_space<hbm>>) target(%dma_start3A_22 : memref<80x16xf32, #tpu.memory_space<vmem>>) offsets(%dma_start3A_25 : memref<80xi32, #tpu.memory_space<vmem>>) semaphore(%arg13 : memref<!tpu.dma_semaphore, #tpu.memory_space<semaphore_mem>>)
    %scan3A = arith.constant 0 : i32
    %scan3A_29 = arith.constant 64 : i32
    %scan3A_30 = arith.addi %scan3A, %scan3A_29 : i32
    %scan3A_31 = arith.constant 1 : i32
    scf.for %scan3A_108 = %scan3A to %scan3A_30 step %scan3A_31  : i32 {
      %mul3A_109 = arith.constant 1 : i32
      %mul3A_110 = arith.muli %scan3A_108, %mul3A_109 : i32
      %add3A_111 = arith.constant 0 : i32
      %add3A_112 = arith.addi %add3A_111, %mul3A_110 : i32
      %dma_wait3A_113 = arith.constant 0 : i32
      %dma_wait3A_114 = arith.constant 0 : i32
      %dma_wait3A_115 = arith.constant 0 : i32
      %dma_wait3A_116 = tpu.memref_slice %arg10[%dma_wait3A_113, %dma_wait3A_114, %dma_wait3A_115] : memref<2x80x16xf32, #tpu.memory_space<vmem>> -> memref<1x80x16xf32, #tpu.memory_space<vmem>>
      %dma_wait3A_117 = tpu.memref_squeeze %dma_wait3A_116 : memref<1x80x16xf32, #tpu.memory_space<vmem>> -> memref<80x16xf32, #tpu.memory_space<vmem>>
      %dma_wait3A_118 = arith.constant 0 : i32
      %dma_wait3A_119 = arith.constant 0 : i32
      %dma_wait3A_120 = tpu.memref_slice %arg6[%dma_wait3A_118, %dma_wait3A_119] : memref<10112x16xf32, #tpu.memory_space<hbm>> -> memref<80x16xf32, #tpu.memory_space<hbm>>
      %dma_wait3A_121 = arith.constant 0 : i32
      %dma_wait3A_122 = arith.constant 0 : i32
      %dma_wait3A_123 = tpu.memref_slice %arg10[%dma_wait3A_113, %dma_wait3A_121, %dma_wait3A_122] : memref<2x80x16xf32, #tpu.memory_space<vmem>> -> memref<1x80x16xf32, #tpu.memory_space<vmem>>
      %dma_wait3A_124 = tpu.memref_squeeze %dma_wait3A_123 : memref<1x80x16xf32, #tpu.memory_space<vmem>> -> memref<80x16xf32, #tpu.memory_space<vmem>>
      %dma_wait3A_125 = arith.constant 0 : i32
      %dma_wait3A_126 = arith.constant 0 : i32
      %dma_wait3A_127 = tpu.memref_slice %arg6[%dma_wait3A_125, %dma_wait3A_126] : memref<10112x16xf32, #tpu.memory_space<hbm>> -> memref<80x16xf32, #tpu.memory_space<hbm>>
      tpu.wait_dma2 semaphore(%arg12 : memref<!tpu.dma_semaphore, #tpu.memory_space<semaphore_mem>>) src(%dma_wait3A_127 : memref<80x16xf32, #tpu.memory_space<hbm>>) dst(%dma_wait3A_124 : memref<80x16xf32, #tpu.memory_space<vmem>>)
      %gt3A = arith.constant 0 : i32
      %gt3A_128 = arith.cmpi sgt, %add3A_112, %gt3A : i32
      %convert_element_type3A = arith.extui %gt3A_128 : i1 to i32
      %cond3A = arith.constant 0 : i32
      %cond3A_129 = arith.cmpi ne, %convert_element_type3A, %cond3A : i32
      scf.if %cond3A_129 {
        %dma_wait3A_178 = arith.constant 0 : i32
        %dma_wait3A_179 = arith.constant 0 : i32
        %dma_wait3A_180 = arith.constant 0 : i32
        %dma_wait3A_181 = tpu.memref_slice %arg9[%dma_wait3A_179, %dma_wait3A_180] : memref<2x80xi32, #tpu.memory_space<vmem>> -> memref<1x80xi32, #tpu.memory_space<vmem>>
        %dma_wait3A_182 = tpu.memref_squeeze %dma_wait3A_181 : memref<1x80xi32, #tpu.memory_space<vmem>> -> memref<80xi32, #tpu.memory_space<vmem>>
        %dma_wait3A_183 = arith.constant 0 : i32
        %dma_wait3A_184 = tpu.memref_slice %arg5[%add3A, %dma_wait3A_178, %dma_wait3A_183] : memref<32x128x80xi32, #tpu.memory_space<hbm>> -> memref<1x1x80xi32, #tpu.memory_space<hbm>>
        %dma_wait3A_185 = tpu.memref_squeeze %dma_wait3A_184 : memref<1x1x80xi32, #tpu.memory_space<hbm>> -> memref<80xi32, #tpu.memory_space<hbm>>
        %dma_wait3A_186 = arith.constant 0 : i32
        %dma_wait3A_187 = tpu.memref_slice %arg9[%dma_wait3A_179, %dma_wait3A_186] : memref<2x80xi32, #tpu.memory_space<vmem>> -> memref<1x80xi32, #tpu.memory_space<vmem>>
        %dma_wait3A_188 = tpu.memref_squeeze %dma_wait3A_187 : memref<1x80xi32, #tpu.memory_space<vmem>> -> memref<80xi32, #tpu.memory_space<vmem>>
        %dma_wait3A_189 = arith.constant 0 : i32
        %dma_wait3A_190 = tpu.memref_slice %arg5[%add3A, %dma_wait3A_178, %dma_wait3A_189] : memref<32x128x80xi32, #tpu.memory_space<hbm>> -> memref<1x1x80xi32, #tpu.memory_space<hbm>>
        %dma_wait3A_191 = tpu.memref_squeeze %dma_wait3A_190 : memref<1x1x80xi32, #tpu.memory_space<hbm>> -> memref<80xi32, #tpu.memory_space<hbm>>
        tpu.wait_dma2 semaphore(%arg16 : memref<!tpu.dma_semaphore, #tpu.memory_space<semaphore_mem>>) src(%dma_wait3A_191 : memref<80xi32, #tpu.memory_space<hbm>>) dst(%dma_wait3A_188 : memref<80xi32, #tpu.memory_space<vmem>>)
      } else {
      }
      %dma_start3A_130 = arith.constant 0 : i32
      %dma_start3A_131 = arith.constant 0 : i32
      %dma_start3A_132 = arith.constant 0 : i32
      %dma_start3A_133 = arith.constant 0 : i32
      %dma_start3A_134 = tpu.memref_slice %arg10[%dma_start3A_130, %dma_start3A_132, %dma_start3A_133] : memref<2x80x16xf32, #tpu.memory_space<vmem>> -> memref<1x80x16xf32, #tpu.memory_space<vmem>>
      %dma_start3A_135 = tpu.memref_squeeze %dma_start3A_134 : memref<1x80x16xf32, #tpu.memory_space<vmem>> -> memref<80x16xf32, #tpu.memory_space<vmem>>
      %dma_start3A_136 = arith.constant 0 : i32
      %dma_start3A_137 = tpu.memref_slice %arg9[%dma_start3A_131, %dma_start3A_136] : memref<2x80xi32, #tpu.memory_space<vmem>> -> memref<1x80xi32, #tpu.memory_space<vmem>>
      %dma_start3A_138 = tpu.memref_squeeze %dma_start3A_137 : memref<1x80xi32, #tpu.memory_space<vmem>> -> memref<80xi32, #tpu.memory_space<vmem>>
      %dma_start3A_139 = arith.constant 0 : i32
      %dma_start3A_140 = arith.constant 0 : i32
      %dma_start3A_141 = tpu.memref_slice %arg11[%dma_start3A_139, %dma_start3A_140] : memref<10112x16xf32, #tpu.memory_space<vmem_shared>> -> memref<10112x16xf32, #tpu.memory_space<vmem_shared>>
      tpu.enqueue_indirect_dma source(%dma_start3A_135 : memref<80x16xf32, #tpu.memory_space<vmem>>) target(%dma_start3A_141 : memref<10112x16xf32, #tpu.memory_space<vmem_shared>>) offsets(%dma_start3A_138 : memref<80xi32, #tpu.memory_space<vmem>>) semaphore(%arg14 : memref<!tpu.dma_semaphore, #tpu.memory_space<semaphore_mem>>) {add = true}
      %dma_wait3A_142 = arith.constant 1 : i32
      %dma_wait3A_143 = arith.constant 0 : i32
      %dma_wait3A_144 = arith.constant 0 : i32
      %dma_wait3A_145 = tpu.memref_slice %arg10[%dma_wait3A_142, %dma_wait3A_143, %dma_wait3A_144] : memref<2x80x16xf32, #tpu.memory_space<vmem>> -> memref<1x80x16xf32, #tpu.memory_space<vmem>>
      %dma_wait3A_146 = tpu.memref_squeeze %dma_wait3A_145 : memref<1x80x16xf32, #tpu.memory_space<vmem>> -> memref<80x16xf32, #tpu.memory_space<vmem>>
      %dma_wait3A_147 = arith.constant 0 : i32
      %dma_wait3A_148 = arith.constant 0 : i32
      %dma_wait3A_149 = tpu.memref_slice %arg6[%dma_wait3A_147, %dma_wait3A_148] : memref<10112x16xf32, #tpu.memory_space<hbm>> -> memref<80x16xf32, #tpu.memory_space<hbm>>
      %dma_wait3A_150 = arith.constant 0 : i32
      %dma_wait3A_151 = arith.constant 0 : i32
      %dma_wait3A_152 = tpu.memref_slice %arg10[%dma_wait3A_142, %dma_wait3A_150, %dma_wait3A_151] : memref<2x80x16xf32, #tpu.memory_space<vmem>> -> memref<1x80x16xf32, #tpu.memory_space<vmem>>
      %dma_wait3A_153 = tpu.memref_squeeze %dma_wait3A_152 : memref<1x80x16xf32, #tpu.memory_space<vmem>> -> memref<80x16xf32, #tpu.memory_space<vmem>>
      %dma_wait3A_154 = arith.constant 0 : i32
      %dma_wait3A_155 = arith.constant 0 : i32
      %dma_wait3A_156 = tpu.memref_slice %arg6[%dma_wait3A_154, %dma_wait3A_155] : memref<10112x16xf32, #tpu.memory_space<hbm>> -> memref<80x16xf32, #tpu.memory_space<hbm>>
      tpu.wait_dma2 semaphore(%arg13 : memref<!tpu.dma_semaphore, #tpu.memory_space<semaphore_mem>>) src(%dma_wait3A_156 : memref<80x16xf32, #tpu.memory_space<hbm>>) dst(%dma_wait3A_153 : memref<80x16xf32, #tpu.memory_space<vmem>>)
      %gt3A_157 = arith.constant 0 : i32
      %gt3A_158 = arith.cmpi sgt, %add3A_112, %gt3A_157 : i32
      %convert_element_type3A_159 = arith.extui %gt3A_158 : i1 to i32
      %cond3A_160 = arith.constant 0 : i32
      %cond3A_161 = arith.cmpi ne, %convert_element_type3A_159, %cond3A_160 : i32
      scf.if %cond3A_161 {
        %dma_wait3A_178 = arith.constant 0 : i32
        %dma_wait3A_179 = arith.constant 1 : i32
        %dma_wait3A_180 = arith.constant 0 : i32
        %dma_wait3A_181 = tpu.memref_slice %arg9[%dma_wait3A_179, %dma_wait3A_180] : memref<2x80xi32, #tpu.memory_space<vmem>> -> memref<1x80xi32, #tpu.memory_space<vmem>>
        %dma_wait3A_182 = tpu.memref_squeeze %dma_wait3A_181 : memref<1x80xi32, #tpu.memory_space<vmem>> -> memref<80xi32, #tpu.memory_space<vmem>>
        %dma_wait3A_183 = arith.constant 0 : i32
        %dma_wait3A_184 = tpu.memref_slice %arg5[%add3A, %dma_wait3A_178, %dma_wait3A_183] : memref<32x128x80xi32, #tpu.memory_space<hbm>> -> memref<1x1x80xi32, #tpu.memory_space<hbm>>
        %dma_wait3A_185 = tpu.memref_squeeze %dma_wait3A_184 : memref<1x1x80xi32, #tpu.memory_space<hbm>> -> memref<80xi32, #tpu.memory_space<hbm>>
        %dma_wait3A_186 = arith.constant 0 : i32
        %dma_wait3A_187 = tpu.memref_slice %arg9[%dma_wait3A_179, %dma_wait3A_186] : memref<2x80xi32, #tpu.memory_space<vmem>> -> memref<1x80xi32, #tpu.memory_space<vmem>>
        %dma_wait3A_188 = tpu.memref_squeeze %dma_wait3A_187 : memref<1x80xi32, #tpu.memory_space<vmem>> -> memref<80xi32, #tpu.memory_space<vmem>>
        %dma_wait3A_189 = arith.constant 0 : i32
        %dma_wait3A_190 = tpu.memref_slice %arg5[%add3A, %dma_wait3A_178, %dma_wait3A_189] : memref<32x128x80xi32, #tpu.memory_space<hbm>> -> memref<1x1x80xi32, #tpu.memory_space<hbm>>
        %dma_wait3A_191 = tpu.memref_squeeze %dma_wait3A_190 : memref<1x1x80xi32, #tpu.memory_space<hbm>> -> memref<80xi32, #tpu.memory_space<hbm>>
        tpu.wait_dma2 semaphore(%arg17 : memref<!tpu.dma_semaphore, #tpu.memory_space<semaphore_mem>>) src(%dma_wait3A_191 : memref<80xi32, #tpu.memory_space<hbm>>) dst(%dma_wait3A_188 : memref<80xi32, #tpu.memory_space<vmem>>)
      } else {
      }
      %dma_start3A_162 = arith.constant 1 : i32
      %dma_start3A_163 = arith.constant 1 : i32
      %dma_start3A_164 = arith.constant 0 : i32
      %dma_start3A_165 = arith.constant 0 : i32
      %dma_start3A_166 = tpu.memref_slice %arg10[%dma_start3A_162, %dma_start3A_164, %dma_start3A_165] : memref<2x80x16xf32, #tpu.memory_space<vmem>> -> memref<1x80x16xf32, #tpu.memory_space<vmem>>
      %dma_start3A_167 = tpu.memref_squeeze %dma_start3A_166 : memref<1x80x16xf32, #tpu.memory_space<vmem>> -> memref<80x16xf32, #tpu.memory_space<vmem>>
      %dma_start3A_168 = arith.constant 0 : i32
      %dma_start3A_169 = tpu.memref_slice %arg9[%dma_start3A_163, %dma_start3A_168] : memref<2x80xi32, #tpu.memory_space<vmem>> -> memref<1x80xi32, #tpu.memory_space<vmem>>
      %dma_start3A_170 = tpu.memref_squeeze %dma_start3A_169 : memref<1x80xi32, #tpu.memory_space<vmem>> -> memref<80xi32, #tpu.memory_space<vmem>>
      %dma_start3A_171 = arith.constant 0 : i32
      %dma_start3A_172 = arith.constant 0 : i32
      %dma_start3A_173 = tpu.memref_slice %arg11[%dma_start3A_171, %dma_start3A_172] : memref<10112x16xf32, #tpu.memory_space<vmem_shared>> -> memref<10112x16xf32, #tpu.memory_space<vmem_shared>>
      tpu.enqueue_indirect_dma source(%dma_start3A_167 : memref<80x16xf32, #tpu.memory_space<vmem>>) target(%dma_start3A_173 : memref<10112x16xf32, #tpu.memory_space<vmem_shared>>) offsets(%dma_start3A_170 : memref<80xi32, #tpu.memory_space<vmem>>) semaphore(%arg15 : memref<!tpu.dma_semaphore, #tpu.memory_space<semaphore_mem>>) {add = true}
      %lt3A = arith.constant 63 : i32
      %lt3A_174 = arith.cmpi slt, %add3A_112, %lt3A : i32
      %convert_element_type3A_175 = arith.extui %lt3A_174 : i1 to i32
      %cond3A_176 = arith.constant 0 : i32
      %cond3A_177 = arith.cmpi ne, %convert_element_type3A_175, %cond3A_176 : i32
      scf.if %cond3A_177 {
        %dma_wait3A_178 = arith.constant 0 : i32
        %dma_wait3A_179 = arith.constant 0 : i32
        %dma_wait3A_180 = arith.constant 0 : i32
        %dma_wait3A_181 = tpu.memref_slice %arg10[%dma_wait3A_178, %dma_wait3A_179, %dma_wait3A_180] : memref<2x80x16xf32, #tpu.memory_space<vmem>> -> memref<1x80x16xf32, #tpu.memory_space<vmem>>
        %dma_wait3A_182 = tpu.memref_squeeze %dma_wait3A_181 : memref<1x80x16xf32, #tpu.memory_space<vmem>> -> memref<80x16xf32, #tpu.memory_space<vmem>>
        %dma_wait3A_183 = arith.constant 0 : i32
        %dma_wait3A_184 = arith.constant 0 : i32
        %dma_wait3A_185 = tpu.memref_slice %arg11[%dma_wait3A_183, %dma_wait3A_184] : memref<10112x16xf32, #tpu.memory_space<vmem_shared>> -> memref<80x16xf32, #tpu.memory_space<vmem_shared>>
        %dma_wait3A_186 = arith.constant 0 : i32
        %dma_wait3A_187 = arith.constant 0 : i32
        %dma_wait3A_188 = tpu.memref_slice %arg11[%dma_wait3A_186, %dma_wait3A_187] : memref<10112x16xf32, #tpu.memory_space<vmem_shared>> -> memref<80x16xf32, #tpu.memory_space<vmem_shared>>
        %dma_wait3A_189 = arith.constant 0 : i32
        %dma_wait3A_190 = arith.constant 0 : i32
        %dma_wait3A_191 = tpu.memref_slice %arg10[%dma_wait3A_178, %dma_wait3A_189, %dma_wait3A_190] : memref<2x80x16xf32, #tpu.memory_space<vmem>> -> memref<1x80x16xf32, #tpu.memory_space<vmem>>
        %dma_wait3A_192 = tpu.memref_squeeze %dma_wait3A_191 : memref<1x80x16xf32, #tpu.memory_space<vmem>> -> memref<80x16xf32, #tpu.memory_space<vmem>>
        tpu.wait_dma2 semaphore(%arg14 : memref<!tpu.dma_semaphore, #tpu.memory_space<semaphore_mem>>) src(%dma_wait3A_192 : memref<80x16xf32, #tpu.memory_space<vmem>>) dst(%dma_wait3A_188 : memref<80x16xf32, #tpu.memory_space<vmem_shared>>)
        %add3A_193 = arith.constant 1 : i32
        %add3A_194 = arith.addi %add3A_112, %add3A_193 : i32
        %mul3A_195 = arith.constant 2 : i32
        %mul3A_196 = arith.muli %add3A_194, %mul3A_195 : i32
        %add3A_197 = arith.constant 0 : i32
        %add3A_198 = arith.addi %mul3A_196, %add3A_197 : i32
        %dma_start3A_199 = arith.constant 0 : i32
        %dma_start3A_200 = arith.constant 0 : i32
        %dma_start3A_201 = tpu.memref_slice %arg9[%dma_start3A_199, %dma_start3A_200] : memref<2x80xi32, #tpu.memory_space<vmem>> -> memref<1x80xi32, #tpu.memory_space<vmem>>
        %dma_start3A_202 = tpu.memref_squeeze %dma_start3A_201 : memref<1x80xi32, #tpu.memory_space<vmem>> -> memref<80xi32, #tpu.memory_space<vmem>>
        %dma_start3A_203 = arith.constant 0 : i32
        %dma_start3A_204 = tpu.memref_slice %arg5[%add3A, %add3A_198, %dma_start3A_203] : memref<32x128x80xi32, #tpu.memory_space<hbm>> -> memref<1x1x80xi32, #tpu.memory_space<hbm>>
        %dma_start3A_205 = tpu.memref_squeeze %dma_start3A_204 : memref<1x1x80xi32, #tpu.memory_space<hbm>> -> memref<80xi32, #tpu.memory_space<hbm>>
        %dma_start3A_206 = arith.constant 0 : i32
        %dma_start3A_207 = tpu.memref_slice %arg9[%dma_start3A_199, %dma_start3A_206] : memref<2x80xi32, #tpu.memory_space<vmem>> -> memref<1x80xi32, #tpu.memory_space<vmem>>
        %dma_start3A_208 = tpu.memref_squeeze %dma_start3A_207 : memref<1x80xi32, #tpu.memory_space<vmem>> -> memref<80xi32, #tpu.memory_space<vmem>>
        %dma_start3A_209 = arith.constant 0 : i32
        %dma_start3A_210 = tpu.memref_slice %arg5[%add3A, %add3A_198, %dma_start3A_209] : memref<32x128x80xi32, #tpu.memory_space<hbm>> -> memref<1x1x80xi32, #tpu.memory_space<hbm>>
        %dma_start3A_211 = tpu.memref_squeeze %dma_start3A_210 : memref<1x1x80xi32, #tpu.memory_space<hbm>> -> memref<80xi32, #tpu.memory_space<hbm>>
        tpu.enqueue_dma source(%dma_start3A_211 : memref<80xi32, #tpu.memory_space<hbm>>) target(%dma_start3A_208 : memref<80xi32, #tpu.memory_space<vmem>>) target_semaphore(%arg16 : memref<!tpu.dma_semaphore, #tpu.memory_space<semaphore_mem>>)
        %add3A_212 = arith.constant 1 : i32
        %add3A_213 = arith.addi %add3A_112, %add3A_212 : i32
        %mul3A_214 = arith.constant 2 : i32
        %mul3A_215 = arith.muli %add3A_213, %mul3A_214 : i32
        %add3A_216 = arith.constant 0 : i32
        %add3A_217 = arith.addi %mul3A_215, %add3A_216 : i32
        %dma_start3A_218 = arith.constant 0 : i32
        %dma_start3A_219 = arith.constant 0 : i32
        %dma_start3A_220 = arith.constant 0 : i32
        %dma_start3A_221 = tpu.memref_slice %arg10[%dma_start3A_218, %dma_start3A_219, %dma_start3A_220] : memref<2x80x16xf32, #tpu.memory_space<vmem>> -> memref<1x80x16xf32, #tpu.memory_space<vmem>>
        %dma_start3A_222 = tpu.memref_squeeze %dma_start3A_221 : memref<1x80x16xf32, #tpu.memory_space<vmem>> -> memref<80x16xf32, #tpu.memory_space<vmem>>
        %dma_start3A_223 = arith.constant 0 : i32
        %dma_start3A_224 = tpu.memref_slice %arg8[%add3A_217, %dma_start3A_223] : memref<128x80xi32, #tpu.memory_space<vmem>> -> memref<1x80xi32, #tpu.memory_space<vmem>>
        %dma_start3A_225 = tpu.memref_squeeze %dma_start3A_224 : memref<1x80xi32, #tpu.memory_space<vmem>> -> memref<80xi32, #tpu.memory_space<vmem>>
        %dma_start3A_226 = arith.constant 0 : i32
        %dma_start3A_227 = arith.constant 0 : i32
        %dma_start3A_228 = tpu.memref_slice %arg2[%dma_start3A_226, %dma_start3A_227] : memref<320000x16xf32, #tpu.memory_space<hbm>> -> memref<320000x16xf32, #tpu.memory_space<hbm>>
        tpu.enqueue_indirect_dma source(%dma_start3A_228 : memref<320000x16xf32, #tpu.memory_space<hbm>>) target(%dma_start3A_222 : memref<80x16xf32, #tpu.memory_space<vmem>>) offsets(%dma_start3A_225 : memref<80xi32, #tpu.memory_space<vmem>>) semaphore(%arg12 : memref<!tpu.dma_semaphore, #tpu.memory_space<semaphore_mem>>)
        %dma_wait3A_229 = arith.constant 1 : i32
        %dma_wait3A_230 = arith.constant 0 : i32
        %dma_wait3A_231 = arith.constant 0 : i32
        %dma_wait3A_232 = tpu.memref_slice %arg10[%dma_wait3A_229, %dma_wait3A_230, %dma_wait3A_231] : memref<2x80x16xf32, #tpu.memory_space<vmem>> -> memref<1x80x16xf32, #tpu.memory_space<vmem>>
        %dma_wait3A_233 = tpu.memref_squeeze %dma_wait3A_232 : memref<1x80x16xf32, #tpu.memory_space<vmem>> -> memref<80x16xf32, #tpu.memory_space<vmem>>
        %dma_wait3A_234 = arith.constant 0 : i32
        %dma_wait3A_235 = arith.constant 0 : i32
        %dma_wait3A_236 = tpu.memref_slice %arg11[%dma_wait3A_234, %dma_wait3A_235] : memref<10112x16xf32, #tpu.memory_space<vmem_shared>> -> memref<80x16xf32, #tpu.memory_space<vmem_shared>>
        %dma_wait3A_237 = arith.constant 0 : i32
        %dma_wait3A_238 = arith.constant 0 : i32
        %dma_wait3A_239 = tpu.memref_slice %arg11[%dma_wait3A_237, %dma_wait3A_238] : memref<10112x16xf32, #tpu.memory_space<vmem_shared>> -> memref<80x16xf32, #tpu.memory_space<vmem_shared>>
        %dma_wait3A_240 = arith.constant 0 : i32
        %dma_wait3A_241 = arith.constant 0 : i32
        %dma_wait3A_242 = tpu.memref_slice %arg10[%dma_wait3A_229, %dma_wait3A_240, %dma_wait3A_241] : memref<2x80x16xf32, #tpu.memory_space<vmem>> -> memref<1x80x16xf32, #tpu.memory_space<vmem>>
        %dma_wait3A_243 = tpu.memref_squeeze %dma_wait3A_242 : memref<1x80x16xf32, #tpu.memory_space<vmem>> -> memref<80x16xf32, #tpu.memory_space<vmem>>
        tpu.wait_dma2 semaphore(%arg15 : memref<!tpu.dma_semaphore, #tpu.memory_space<semaphore_mem>>) src(%dma_wait3A_243 : memref<80x16xf32, #tpu.memory_space<vmem>>) dst(%dma_wait3A_239 : memref<80x16xf32, #tpu.memory_space<vmem_shared>>)
        %add3A_244 = arith.constant 1 : i32
        %add3A_245 = arith.addi %add3A_112, %add3A_244 : i32
        %mul3A_246 = arith.constant 2 : i32
        %mul3A_247 = arith.muli %add3A_245, %mul3A_246 : i32
        %add3A_248 = arith.constant 1 : i32
        %add3A_249 = arith.addi %mul3A_247, %add3A_248 : i32
        %dma_start3A_250 = arith.constant 1 : i32
        %dma_start3A_251 = arith.constant 0 : i32
        %dma_start3A_252 = tpu.memref_slice %arg9[%dma_start3A_250, %dma_start3A_251] : memref<2x80xi32, #tpu.memory_space<vmem>> -> memref<1x80xi32, #tpu.memory_space<vmem>>
        %dma_start3A_253 = tpu.memref_squeeze %dma_start3A_252 : memref<1x80xi32, #tpu.memory_space<vmem>> -> memref<80xi32, #tpu.memory_space<vmem>>
        %dma_start3A_254 = arith.constant 0 : i32
        %dma_start3A_255 = tpu.memref_slice %arg5[%add3A, %add3A_249, %dma_start3A_254] : memref<32x128x80xi32, #tpu.memory_space<hbm>> -> memref<1x1x80xi32, #tpu.memory_space<hbm>>
        %dma_start3A_256 = tpu.memref_squeeze %dma_start3A_255 : memref<1x1x80xi32, #tpu.memory_space<hbm>> -> memref<80xi32, #tpu.memory_space<hbm>>
        %dma_start3A_257 = arith.constant 0 : i32
        %dma_start3A_258 = tpu.memref_slice %arg9[%dma_start3A_250, %dma_start3A_257] : memref<2x80xi32, #tpu.memory_space<vmem>> -> memref<1x80xi32, #tpu.memory_space<vmem>>
        %dma_start3A_259 = tpu.memref_squeeze %dma_start3A_258 : memref<1x80xi32, #tpu.memory_space<vmem>> -> memref<80xi32, #tpu.memory_space<vmem>>
        %dma_start3A_260 = arith.constant 0 : i32
        %dma_start3A_261 = tpu.memref_slice %arg5[%add3A, %add3A_249, %dma_start3A_260] : memref<32x128x80xi32, #tpu.memory_space<hbm>> -> memref<1x1x80xi32, #tpu.memory_space<hbm>>
        %dma_start3A_262 = tpu.memref_squeeze %dma_start3A_261 : memref<1x1x80xi32, #tpu.memory_space<hbm>> -> memref<80xi32, #tpu.memory_space<hbm>>
        tpu.enqueue_dma source(%dma_start3A_262 : memref<80xi32, #tpu.memory_space<hbm>>) target(%dma_start3A_259 : memref<80xi32, #tpu.memory_space<vmem>>) target_semaphore(%arg17 : memref<!tpu.dma_semaphore, #tpu.memory_space<semaphore_mem>>)
        %add3A_263 = arith.constant 1 : i32
        %add3A_264 = arith.addi %add3A_112, %add3A_263 : i32
        %mul3A_265 = arith.constant 2 : i32
        %mul3A_266 = arith.muli %add3A_264, %mul3A_265 : i32
        %add3A_267 = arith.constant 1 : i32
        %add3A_268 = arith.addi %mul3A_266, %add3A_267 : i32
        %dma_start3A_269 = arith.constant 1 : i32
        %dma_start3A_270 = arith.constant 0 : i32
        %dma_start3A_271 = arith.constant 0 : i32
        %dma_start3A_272 = tpu.memref_slice %arg10[%dma_start3A_269, %dma_start3A_270, %dma_start3A_271] : memref<2x80x16xf32, #tpu.memory_space<vmem>> -> memref<1x80x16xf32, #tpu.memory_space<vmem>>
        %dma_start3A_273 = tpu.memref_squeeze %dma_start3A_272 : memref<1x80x16xf32, #tpu.memory_space<vmem>> -> memref<80x16xf32, #tpu.memory_space<vmem>>
        %dma_start3A_274 = arith.constant 0 : i32
        %dma_start3A_275 = tpu.memref_slice %arg8[%add3A_268, %dma_start3A_274] : memref<128x80xi32, #tpu.memory_space<vmem>> -> memref<1x80xi32, #tpu.memory_space<vmem>>
        %dma_start3A_276 = tpu.memref_squeeze %dma_start3A_275 : memref<1x80xi32, #tpu.memory_space<vmem>> -> memref<80xi32, #tpu.memory_space<vmem>>
        %dma_start3A_277 = arith.constant 0 : i32
        %dma_start3A_278 = arith.constant 0 : i32
        %dma_start3A_279 = tpu.memref_slice %arg2[%dma_start3A_277, %dma_start3A_278] : memref<320000x16xf32, #tpu.memory_space<hbm>> -> memref<320000x16xf32, #tpu.memory_space<hbm>>
        tpu.enqueue_indirect_dma source(%dma_start3A_279 : memref<320000x16xf32, #tpu.memory_space<hbm>>) target(%dma_start3A_273 : memref<80x16xf32, #tpu.memory_space<vmem>>) offsets(%dma_start3A_276 : memref<80xi32, #tpu.memory_space<vmem>>) semaphore(%arg13 : memref<!tpu.dma_semaphore, #tpu.memory_space<semaphore_mem>>)
      } else {
      }
    }
    %scan3A_32 = arith.constant 64 : i32
    %dma_wait3A = arith.constant 0 : i32
    %dma_wait3A_33 = arith.constant 0 : i32
    %dma_wait3A_34 = arith.constant 0 : i32
    %dma_wait3A_35 = tpu.memref_slice %arg10[%dma_wait3A, %dma_wait3A_33, %dma_wait3A_34] : memref<2x80x16xf32, #tpu.memory_space<vmem>> -> memref<1x80x16xf32, #tpu.memory_space<vmem>>
    %dma_wait3A_36 = tpu.memref_squeeze %dma_wait3A_35 : memref<1x80x16xf32, #tpu.memory_space<vmem>> -> memref<80x16xf32, #tpu.memory_space<vmem>>
    %dma_wait3A_37 = arith.constant 0 : i32
    %dma_wait3A_38 = arith.constant 0 : i32
    %dma_wait3A_39 = tpu.memref_slice %arg11[%dma_wait3A_37, %dma_wait3A_38] : memref<10112x16xf32, #tpu.memory_space<vmem_shared>> -> memref<80x16xf32, #tpu.memory_space<vmem_shared>>
    %dma_wait3A_40 = arith.constant 0 : i32
    %dma_wait3A_41 = arith.constant 0 : i32
    %dma_wait3A_42 = tpu.memref_slice %arg11[%dma_wait3A_40, %dma_wait3A_41] : memref<10112x16xf32, #tpu.memory_space<vmem_shared>> -> memref<80x16xf32, #tpu.memory_space<vmem_shared>>
    %dma_wait3A_43 = arith.constant 0 : i32
    %dma_wait3A_44 = arith.constant 0 : i32
    %dma_wait3A_45 = tpu.memref_slice %arg10[%dma_wait3A, %dma_wait3A_43, %dma_wait3A_44] : memref<2x80x16xf32, #tpu.memory_space<vmem>> -> memref<1x80x16xf32, #tpu.memory_space<vmem>>
    %dma_wait3A_46 = tpu.memref_squeeze %dma_wait3A_45 : memref<1x80x16xf32, #tpu.memory_space<vmem>> -> memref<80x16xf32, #tpu.memory_space<vmem>>
    tpu.wait_dma2 semaphore(%arg14 : memref<!tpu.dma_semaphore, #tpu.memory_space<semaphore_mem>>) src(%dma_wait3A_46 : memref<80x16xf32, #tpu.memory_space<vmem>>) dst(%dma_wait3A_42 : memref<80x16xf32, #tpu.memory_space<vmem_shared>>)
    %dma_wait3A_47 = arith.constant 1 : i32
    %dma_wait3A_48 = arith.constant 0 : i32
    %dma_wait3A_49 = arith.constant 0 : i32
    %dma_wait3A_50 = tpu.memref_slice %arg10[%dma_wait3A_47, %dma_wait3A_48, %dma_wait3A_49] : memref<2x80x16xf32, #tpu.memory_space<vmem>> -> memref<1x80x16xf32, #tpu.memory_space<vmem>>
    %dma_wait3A_51 = tpu.memref_squeeze %dma_wait3A_50 : memref<1x80x16xf32, #tpu.memory_space<vmem>> -> memref<80x16xf32, #tpu.memory_space<vmem>>
    %dma_wait3A_52 = arith.constant 0 : i32
    %dma_wait3A_53 = arith.constant 0 : i32
    %dma_wait3A_54 = tpu.memref_slice %arg11[%dma_wait3A_52, %dma_wait3A_53] : memref<10112x16xf32, #tpu.memory_space<vmem_shared>> -> memref<80x16xf32, #tpu.memory_space<vmem_shared>>
    %dma_wait3A_55 = arith.constant 0 : i32
    %dma_wait3A_56 = arith.constant 0 : i32
    %dma_wait3A_57 = tpu.memref_slice %arg11[%dma_wait3A_55, %dma_wait3A_56] : memref<10112x16xf32, #tpu.memory_space<vmem_shared>> -> memref<80x16xf32, #tpu.memory_space<vmem_shared>>
    %dma_wait3A_58 = arith.constant 0 : i32
    %dma_wait3A_59 = arith.constant 0 : i32
    %dma_wait3A_60 = tpu.memref_slice %arg10[%dma_wait3A_47, %dma_wait3A_58, %dma_wait3A_59] : memref<2x80x16xf32, #tpu.memory_space<vmem>> -> memref<1x80x16xf32, #tpu.memory_space<vmem>>
    %dma_wait3A_61 = tpu.memref_squeeze %dma_wait3A_60 : memref<1x80x16xf32, #tpu.memory_space<vmem>> -> memref<80x16xf32, #tpu.memory_space<vmem>>
    tpu.wait_dma2 semaphore(%arg15 : memref<!tpu.dma_semaphore, #tpu.memory_space<semaphore_mem>>) src(%dma_wait3A_61 : memref<80x16xf32, #tpu.memory_space<vmem>>) dst(%dma_wait3A_57 : memref<80x16xf32, #tpu.memory_space<vmem_shared>>)
    %barrier3A_62 = arith.constant 0 : index
    tpu.barrier barrier_id(%barrier3A_62)
    %run_scoped3A_63 = arith.constant 0 : i32
    "tpu.region"() ({
      %run_scoped3A_108 = tpu.sem_alloc : memref<!tpu.dma_semaphore, #tpu.memory_space<semaphore_mem>>
      %dma_start3A_109 = arith.constant 0 : i32
      %dma_start3A_110 = tpu.memref_slice %arg7[%run_scoped3A_63, %arg0, %mul3A_2, %dma_start3A_109] : memref<2x2x10112x16xf32, #tpu.memory_space<hbm>> -> memref<1x1x632x16xf32, #tpu.memory_space<hbm>>
      %dma_start3A_111 = tpu.memref_squeeze %dma_start3A_110 : memref<1x1x632x16xf32, #tpu.memory_space<hbm>> -> memref<632x16xf32, #tpu.memory_space<hbm>>
      %dma_start3A_112 = arith.constant 0 : i32
      %dma_start3A_113 = tpu.memref_slice %arg11[%mul3A_2, %dma_start3A_112] : memref<10112x16xf32, #tpu.memory_space<vmem_shared>> -> memref<632x16xf32, #tpu.memory_space<vmem_shared>>
      tpu.enqueue_dma source(%dma_start3A_113 : memref<632x16xf32, #tpu.memory_space<vmem_shared>>) target(%dma_start3A_111 : memref<632x16xf32, #tpu.memory_space<hbm>>) target_semaphore(%run_scoped3A_108 : memref<!tpu.dma_semaphore, #tpu.memory_space<semaphore_mem>>)
      %dma_wait3A_114 = arith.constant 0 : i32
      %dma_wait3A_115 = tpu.memref_slice %arg7[%run_scoped3A_63, %arg0, %mul3A_2, %dma_wait3A_114] : memref<2x2x10112x16xf32, #tpu.memory_space<hbm>> -> memref<1x1x632x16xf32, #tpu.memory_space<hbm>>
      %dma_wait3A_116 = tpu.memref_squeeze %dma_wait3A_115 : memref<1x1x632x16xf32, #tpu.memory_space<hbm>> -> memref<632x16xf32, #tpu.memory_space<hbm>>
      %dma_wait3A_117 = arith.constant 0 : i32
      %dma_wait3A_118 = tpu.memref_slice %arg11[%mul3A_2, %dma_wait3A_117] : memref<10112x16xf32, #tpu.memory_space<vmem_shared>> -> memref<632x16xf32, #tpu.memory_space<vmem_shared>>
      tpu.wait_dma2 semaphore(%run_scoped3A_108 : memref<!tpu.dma_semaphore, #tpu.memory_space<semaphore_mem>>) src(%dma_wait3A_118 : memref<632x16xf32, #tpu.memory_space<vmem_shared>>) dst(%dma_wait3A_116 : memref<632x16xf32, #tpu.memory_space<hbm>>)
      tpu.yield
    }) : () -> ()
    %run_scoped3A_64 = arith.constant 0 : i32
    "tpu.region"() ({
      %run_scoped3A_108 = tpu.sem_alloc : memref<!tpu.dma_semaphore, #tpu.memory_space<semaphore_mem>>
      %dma_start3A_109 = arith.constant 0 : i32
      %dma_start3A_110 = arith.constant 0 : i32
      %dma_start3A_111 = tpu.memref_slice %arg10[%run_scoped3A_64, %dma_start3A_109, %dma_start3A_110] : memref<2x80x16xf32, #tpu.memory_space<vmem>> -> memref<1x80x16xf32, #tpu.memory_space<vmem>>
      %dma_start3A_112 = tpu.memref_squeeze %dma_start3A_111 : memref<1x80x16xf32, #tpu.memory_space<vmem>> -> memref<80x16xf32, #tpu.memory_space<vmem>>
      %dma_start3A_113 = arith.constant 0 : i32
      %dma_start3A_114 = arith.constant 0 : i32
      %dma_start3A_115 = tpu.memref_slice %arg10[%run_scoped3A_64, %dma_start3A_113, %dma_start3A_114] : memref<2x80x16xf32, #tpu.memory_space<vmem>> -> memref<1x80x16xf32, #tpu.memory_space<vmem>>
      %dma_start3A_116 = tpu.memref_squeeze %dma_start3A_115 : memref<1x80x16xf32, #tpu.memory_space<vmem>> -> memref<80x16xf32, #tpu.memory_space<vmem>>
      tpu.enqueue_dma source(%arg3 : memref<80x16xf32, #tpu.memory_space<hbm>>) target(%dma_start3A_116 : memref<80x16xf32, #tpu.memory_space<vmem>>) target_semaphore(%run_scoped3A_108 : memref<!tpu.dma_semaphore, #tpu.memory_space<semaphore_mem>>)
      %dma_wait3A_117 = arith.constant 0 : i32
      %dma_wait3A_118 = arith.constant 0 : i32
      %dma_wait3A_119 = tpu.memref_slice %arg10[%run_scoped3A_64, %dma_wait3A_117, %dma_wait3A_118] : memref<2x80x16xf32, #tpu.memory_space<vmem>> -> memref<1x80x16xf32, #tpu.memory_space<vmem>>
      %dma_wait3A_120 = tpu.memref_squeeze %dma_wait3A_119 : memref<1x80x16xf32, #tpu.memory_space<vmem>> -> memref<80x16xf32, #tpu.memory_space<vmem>>
      %dma_wait3A_121 = arith.constant 0 : i32
      %dma_wait3A_122 = arith.constant 0 : i32
      %dma_wait3A_123 = tpu.memref_slice %arg10[%run_scoped3A_64, %dma_wait3A_121, %dma_wait3A_122] : memref<2x80x16xf32, #tpu.memory_space<vmem>> -> memref<1x80x16xf32, #tpu.memory_space<vmem>>
      %dma_wait3A_124 = tpu.memref_squeeze %dma_wait3A_123 : memref<1x80x16xf32, #tpu.memory_space<vmem>> -> memref<80x16xf32, #tpu.memory_space<vmem>>
      tpu.wait_dma2 semaphore(%run_scoped3A_108 : memref<!tpu.dma_semaphore, #tpu.memory_space<semaphore_mem>>) src(%arg3 : memref<80x16xf32, #tpu.memory_space<hbm>>) dst(%dma_wait3A_124 : memref<80x16xf32, #tpu.memory_space<vmem>>)
      tpu.yield
    }) : () -> ()
    %run_scoped3A_65 = arith.constant 1 : i32
    "tpu.region"() ({
      %run_scoped3A_108 = tpu.sem_alloc : memref<!tpu.dma_semaphore, #tpu.memory_space<semaphore_mem>>
      %dma_start3A_109 = arith.constant 0 : i32
      %dma_start3A_110 = arith.constant 0 : i32
      %dma_start3A_111 = tpu.memref_slice %arg10[%run_scoped3A_65, %dma_start3A_109, %dma_start3A_110] : memref<2x80x16xf32, #tpu.memory_space<vmem>> -> memref<1x80x16xf32, #tpu.memory_space<vmem>>
      %dma_start3A_112 = tpu.memref_squeeze %dma_start3A_111 : memref<1x80x16xf32, #tpu.memory_space<vmem>> -> memref<80x16xf32, #tpu.memory_space<vmem>>
      %dma_start3A_113 = arith.constant 0 : i32
      %dma_start3A_114 = arith.constant 0 : i32
      %dma_start3A_115 = tpu.memref_slice %arg10[%run_scoped3A_65, %dma_start3A_113, %dma_start3A_114] : memref<2x80x16xf32, #tpu.memory_space<vmem>> -> memref<1x80x16xf32, #tpu.memory_space<vmem>>
      %dma_start3A_116 = tpu.memref_squeeze %dma_start3A_115 : memref<1x80x16xf32, #tpu.memory_space<vmem>> -> memref<80x16xf32, #tpu.memory_space<vmem>>
      tpu.enqueue_dma source(%arg3 : memref<80x16xf32, #tpu.memory_space<hbm>>) target(%dma_start3A_116 : memref<80x16xf32, #tpu.memory_space<vmem>>) target_semaphore(%run_scoped3A_108 : memref<!tpu.dma_semaphore, #tpu.memory_space<semaphore_mem>>)
      %dma_wait3A_117 = arith.constant 0 : i32
      %dma_wait3A_118 = arith.constant 0 : i32
      %dma_wait3A_119 = tpu.memref_slice %arg10[%run_scoped3A_65, %dma_wait3A_117, %dma_wait3A_118] : memref<2x80x16xf32, #tpu.memory_space<vmem>> -> memref<1x80x16xf32, #tpu.memory_space<vmem>>
      %dma_wait3A_120 = tpu.memref_squeeze %dma_wait3A_119 : memref<1x80x16xf32, #tpu.memory_space<vmem>> -> memref<80x16xf32, #tpu.memory_space<vmem>>
      %dma_wait3A_121 = arith.constant 0 : i32
      %dma_wait3A_122 = arith.constant 0 : i32
      %dma_wait3A_123 = tpu.memref_slice %arg10[%run_scoped3A_65, %dma_wait3A_121, %dma_wait3A_122] : memref<2x80x16xf32, #tpu.memory_space<vmem>> -> memref<1x80x16xf32, #tpu.memory_space<vmem>>
      %dma_wait3A_124 = tpu.memref_squeeze %dma_wait3A_123 : memref<1x80x16xf32, #tpu.memory_space<vmem>> -> memref<80x16xf32, #tpu.memory_space<vmem>>
      tpu.wait_dma2 semaphore(%run_scoped3A_108 : memref<!tpu.dma_semaphore, #tpu.memory_space<semaphore_mem>>) src(%arg3 : memref<80x16xf32, #tpu.memory_space<hbm>>) dst(%dma_wait3A_124 : memref<80x16xf32, #tpu.memory_space<vmem>>)
      tpu.yield
    }) : () -> ()
    "tpu.region"() ({
      %run_scoped3A_108 = tpu.sem_alloc : memref<!tpu.dma_semaphore, #tpu.memory_space<semaphore_mem>>
      %dma_start3A_109 = arith.constant 0 : i32
      %dma_start3A_110 = tpu.memref_slice %arg11[%mul3A_2, %dma_start3A_109] : memref<10112x16xf32, #tpu.memory_space<vmem_shared>> -> memref<632x16xf32, #tpu.memory_space<vmem_shared>>
      %dma_start3A_111 = arith.constant 0 : i32
      %dma_start3A_112 = tpu.memref_slice %arg6[%mul3A_2, %dma_start3A_111] : memref<10112x16xf32, #tpu.memory_space<hbm>> -> memref<632x16xf32, #tpu.memory_space<hbm>>
      tpu.enqueue_dma source(%dma_start3A_112 : memref<632x16xf32, #tpu.memory_space<hbm>>) target(%dma_start3A_110 : memref<632x16xf32, #tpu.memory_space<vmem_shared>>) target_semaphore(%run_scoped3A_108 : memref<!tpu.dma_semaphore, #tpu.memory_space<semaphore_mem>>)
      %dma_wait3A_113 = arith.constant 0 : i32
      %dma_wait3A_114 = tpu.memref_slice %arg11[%mul3A_2, %dma_wait3A_113] : memref<10112x16xf32, #tpu.memory_space<vmem_shared>> -> memref<632x16xf32, #tpu.memory_space<vmem_shared>>
      %dma_wait3A_115 = arith.constant 0 : i32
      %dma_wait3A_116 = tpu.memref_slice %arg6[%mul3A_2, %dma_wait3A_115] : memref<10112x16xf32, #tpu.memory_space<hbm>> -> memref<632x16xf32, #tpu.memory_space<hbm>>
      tpu.wait_dma2 semaphore(%run_scoped3A_108 : memref<!tpu.dma_semaphore, #tpu.memory_space<semaphore_mem>>) src(%dma_wait3A_116 : memref<632x16xf32, #tpu.memory_space<hbm>>) dst(%dma_wait3A_114 : memref<632x16xf32, #tpu.memory_space<vmem_shared>>)
      tpu.yield
    }) : () -> ()
    %barrier3A_66 = arith.constant 0 : index
    tpu.barrier barrier_id(%barrier3A_66)
    %run_scoped3A_67 = arith.constant 0 : i32
    %run_scoped3A_68 = arith.constant 0 : i32
    "tpu.region"() ({
      %run_scoped3A_108 = tpu.sem_alloc : memref<!tpu.dma_semaphore, #tpu.memory_space<semaphore_mem>>
      %dma_start3A_109 = arith.constant 0 : i32
      %dma_start3A_110 = tpu.memref_slice %arg9[%run_scoped3A_68, %dma_start3A_109] : memref<2x80xi32, #tpu.memory_space<vmem>> -> memref<1x80xi32, #tpu.memory_space<vmem>>
      %dma_start3A_111 = tpu.memref_squeeze %dma_start3A_110 : memref<1x80xi32, #tpu.memory_space<vmem>> -> memref<80xi32, #tpu.memory_space<vmem>>
      %dma_start3A_112 = arith.constant 0 : i32
      %dma_start3A_113 = tpu.memref_slice %arg5[%add3A, %run_scoped3A_67, %dma_start3A_112] : memref<32x128x80xi32, #tpu.memory_space<hbm>> -> memref<1x1x80xi32, #tpu.memory_space<hbm>>
      %dma_start3A_114 = tpu.memref_squeeze %dma_start3A_113 : memref<1x1x80xi32, #tpu.memory_space<hbm>> -> memref<80xi32, #tpu.memory_space<hbm>>
      %dma_start3A_115 = arith.constant 0 : i32
      %dma_start3A_116 = tpu.memref_slice %arg9[%run_scoped3A_68, %dma_start3A_115] : memref<2x80xi32, #tpu.memory_space<vmem>> -> memref<1x80xi32, #tpu.memory_space<vmem>>
      %dma_start3A_117 = tpu.memref_squeeze %dma_start3A_116 : memref<1x80xi32, #tpu.memory_space<vmem>> -> memref<80xi32, #tpu.memory_space<vmem>>
      %dma_start3A_118 = arith.constant 0 : i32
      %dma_start3A_119 = tpu.memref_slice %arg5[%add3A, %run_scoped3A_67, %dma_start3A_118] : memref<32x128x80xi32, #tpu.memory_space<hbm>> -> memref<1x1x80xi32, #tpu.memory_space<hbm>>
      %dma_start3A_120 = tpu.memref_squeeze %dma_start3A_119 : memref<1x1x80xi32, #tpu.memory_space<hbm>> -> memref<80xi32, #tpu.memory_space<hbm>>
      tpu.enqueue_dma source(%dma_start3A_120 : memref<80xi32, #tpu.memory_space<hbm>>) target(%dma_start3A_117 : memref<80xi32, #tpu.memory_space<vmem>>) target_semaphore(%run_scoped3A_108 : memref<!tpu.dma_semaphore, #tpu.memory_space<semaphore_mem>>)
      %dma_wait3A_121 = arith.constant 0 : i32
      %dma_wait3A_122 = tpu.memref_slice %arg9[%run_scoped3A_68, %dma_wait3A_121] : memref<2x80xi32, #tpu.memory_space<vmem>> -> memref<1x80xi32, #tpu.memory_space<vmem>>
      %dma_wait3A_123 = tpu.memref_squeeze %dma_wait3A_122 : memref<1x80xi32, #tpu.memory_space<vmem>> -> memref<80xi32, #tpu.memory_space<vmem>>
      %dma_wait3A_124 = arith.constant 0 : i32
      %dma_wait3A_125 = tpu.memref_slice %arg5[%add3A, %run_scoped3A_67, %dma_wait3A_124] : memref<32x128x80xi32, #tpu.memory_space<hbm>> -> memref<1x1x80xi32, #tpu.memory_space<hbm>>
      %dma_wait3A_126 = tpu.memref_squeeze %dma_wait3A_125 : memref<1x1x80xi32, #tpu.memory_space<hbm>> -> memref<80xi32, #tpu.memory_space<hbm>>
      %dma_wait3A_127 = arith.constant 0 : i32
      %dma_wait3A_128 = tpu.memref_slice %arg9[%run_scoped3A_68, %dma_wait3A_127] : memref<2x80xi32, #tpu.memory_space<vmem>> -> memref<1x80xi32, #tpu.memory_space<vmem>>
      %dma_wait3A_129 = tpu.memref_squeeze %dma_wait3A_128 : memref<1x80xi32, #tpu.memory_space<vmem>> -> memref<80xi32, #tpu.memory_space<vmem>>
      %dma_wait3A_130 = arith.constant 0 : i32
      %dma_wait3A_131 = tpu.memref_slice %arg5[%add3A, %run_scoped3A_67, %dma_wait3A_130] : memref<32x128x80xi32, #tpu.memory_space<hbm>> -> memref<1x1x80xi32, #tpu.memory_space<hbm>>
      %dma_wait3A_132 = tpu.memref_squeeze %dma_wait3A_131 : memref<1x1x80xi32, #tpu.memory_space<hbm>> -> memref<80xi32, #tpu.memory_space<hbm>>
      tpu.wait_dma2 semaphore(%run_scoped3A_108 : memref<!tpu.dma_semaphore, #tpu.memory_space<semaphore_mem>>) src(%dma_wait3A_132 : memref<80xi32, #tpu.memory_space<hbm>>) dst(%dma_wait3A_129 : memref<80xi32, #tpu.memory_space<vmem>>)
      tpu.yield
    }) : () -> ()
    %run_scoped3A_69 = arith.constant 1 : i32
    %run_scoped3A_70 = arith.constant 1 : i32
    "tpu.region"() ({
      %run_scoped3A_108 = tpu.sem_alloc : memref<!tpu.dma_semaphore, #tpu.memory_space<semaphore_mem>>
      %dma_start3A_109 = arith.constant 0 : i32
      %dma_start3A_110 = tpu.memref_slice %arg9[%run_scoped3A_70, %dma_start3A_109] : memref<2x80xi32, #tpu.memory_space<vmem>> -> memref<1x80xi32, #tpu.memory_space<vmem>>
      %dma_start3A_111 = tpu.memref_squeeze %dma_start3A_110 : memref<1x80xi32, #tpu.memory_space<vmem>> -> memref<80xi32, #tpu.memory_space<vmem>>
      %dma_start3A_112 = arith.constant 0 : i32
      %dma_start3A_113 = tpu.memref_slice %arg5[%add3A, %run_scoped3A_69, %dma_start3A_112] : memref<32x128x80xi32, #tpu.memory_space<hbm>> -> memref<1x1x80xi32, #tpu.memory_space<hbm>>
      %dma_start3A_114 = tpu.memref_squeeze %dma_start3A_113 : memref<1x1x80xi32, #tpu.memory_space<hbm>> -> memref<80xi32, #tpu.memory_space<hbm>>
      %dma_start3A_115 = arith.constant 0 : i32
      %dma_start3A_116 = tpu.memref_slice %arg9[%run_scoped3A_70, %dma_start3A_115] : memref<2x80xi32, #tpu.memory_space<vmem>> -> memref<1x80xi32, #tpu.memory_space<vmem>>
      %dma_start3A_117 = tpu.memref_squeeze %dma_start3A_116 : memref<1x80xi32, #tpu.memory_space<vmem>> -> memref<80xi32, #tpu.memory_space<vmem>>
      %dma_start3A_118 = arith.constant 0 : i32
      %dma_start3A_119 = tpu.memref_slice %arg5[%add3A, %run_scoped3A_69, %dma_start3A_118] : memref<32x128x80xi32, #tpu.memory_space<hbm>> -> memref<1x1x80xi32, #tpu.memory_space<hbm>>
      %dma_start3A_120 = tpu.memref_squeeze %dma_start3A_119 : memref<1x1x80xi32, #tpu.memory_space<hbm>> -> memref<80xi32, #tpu.memory_space<hbm>>
      tpu.enqueue_dma source(%dma_start3A_120 : memref<80xi32, #tpu.memory_space<hbm>>) target(%dma_start3A_117 : memref<80xi32, #tpu.memory_space<vmem>>) target_semaphore(%run_scoped3A_108 : memref<!tpu.dma_semaphore, #tpu.memory_space<semaphore_mem>>)
      %dma_wait3A_121 = arith.constant 0 : i32
      %dma_wait3A_122 = tpu.memref_slice %arg9[%run_scoped3A_70, %dma_wait3A_121] : memref<2x80xi32, #tpu.memory_space<vmem>> -> memref<1x80xi32, #tpu.memory_space<vmem>>
      %dma_wait3A_123 = tpu.memref_squeeze %dma_wait3A_122 : memref<1x80xi32, #tpu.memory_space<vmem>> -> memref<80xi32, #tpu.memory_space<vmem>>
      %dma_wait3A_124 = arith.constant 0 : i32
      %dma_wait3A_125 = tpu.memref_slice %arg5[%add3A, %run_scoped3A_69, %dma_wait3A_124] : memref<32x128x80xi32, #tpu.memory_space<hbm>> -> memref<1x1x80xi32, #tpu.memory_space<hbm>>
      %dma_wait3A_126 = tpu.memref_squeeze %dma_wait3A_125 : memref<1x1x80xi32, #tpu.memory_space<hbm>> -> memref<80xi32, #tpu.memory_space<hbm>>
      %dma_wait3A_127 = arith.constant 0 : i32
      %dma_wait3A_128 = tpu.memref_slice %arg9[%run_scoped3A_70, %dma_wait3A_127] : memref<2x80xi32, #tpu.memory_space<vmem>> -> memref<1x80xi32, #tpu.memory_space<vmem>>
      %dma_wait3A_129 = tpu.memref_squeeze %dma_wait3A_128 : memref<1x80xi32, #tpu.memory_space<vmem>> -> memref<80xi32, #tpu.memory_space<vmem>>
      %dma_wait3A_130 = arith.constant 0 : i32
      %dma_wait3A_131 = tpu.memref_slice %arg5[%add3A, %run_scoped3A_69, %dma_wait3A_130] : memref<32x128x80xi32, #tpu.memory_space<hbm>> -> memref<1x1x80xi32, #tpu.memory_space<hbm>>
      %dma_wait3A_132 = tpu.memref_squeeze %dma_wait3A_131 : memref<1x1x80xi32, #tpu.memory_space<hbm>> -> memref<80xi32, #tpu.memory_space<hbm>>
      tpu.wait_dma2 semaphore(%run_scoped3A_108 : memref<!tpu.dma_semaphore, #tpu.memory_space<semaphore_mem>>) src(%dma_wait3A_132 : memref<80xi32, #tpu.memory_space<hbm>>) dst(%dma_wait3A_129 : memref<80xi32, #tpu.memory_space<vmem>>)
      tpu.yield
    }) : () -> ()
    %scan3A_71 = arith.constant 0 : i32
    %scan3A_72 = arith.constant 64 : i32
    %scan3A_73 = arith.addi %scan3A_71, %scan3A_72 : i32
    %scan3A_74 = arith.constant 1 : i32
    scf.for %scan3A_108 = %scan3A_71 to %scan3A_73 step %scan3A_74  : i32 {
      %mul3A_109 = arith.constant 1 : i32
      %mul3A_110 = arith.muli %scan3A_108, %mul3A_109 : i32
      %add3A_111 = arith.constant 0 : i32
      %add3A_112 = arith.addi %add3A_111, %mul3A_110 : i32
      %gt3A = arith.constant 0 : i32
      %gt3A_113 = arith.cmpi sgt, %add3A_112, %gt3A : i32
      %convert_element_type3A = arith.extui %gt3A_113 : i1 to i32
      %cond3A = arith.constant 0 : i32
      %cond3A_114 = arith.cmpi ne, %convert_element_type3A, %cond3A : i32
      scf.if %cond3A_114 {
        %dma_wait3A_148 = arith.constant 0 : i32
        %dma_wait3A_149 = arith.constant 0 : i32
        %dma_wait3A_150 = arith.constant 0 : i32
        %dma_wait3A_151 = tpu.memref_slice %arg9[%dma_wait3A_149, %dma_wait3A_150] : memref<2x80xi32, #tpu.memory_space<vmem>> -> memref<1x80xi32, #tpu.memory_space<vmem>>
        %dma_wait3A_152 = tpu.memref_squeeze %dma_wait3A_151 : memref<1x80xi32, #tpu.memory_space<vmem>> -> memref<80xi32, #tpu.memory_space<vmem>>
        %dma_wait3A_153 = arith.constant 0 : i32
        %dma_wait3A_154 = tpu.memref_slice %arg5[%add3A, %dma_wait3A_148, %dma_wait3A_153] : memref<32x128x80xi32, #tpu.memory_space<hbm>> -> memref<1x1x80xi32, #tpu.memory_space<hbm>>
        %dma_wait3A_155 = tpu.memref_squeeze %dma_wait3A_154 : memref<1x1x80xi32, #tpu.memory_space<hbm>> -> memref<80xi32, #tpu.memory_space<hbm>>
        %dma_wait3A_156 = arith.constant 0 : i32
        %dma_wait3A_157 = tpu.memref_slice %arg9[%dma_wait3A_149, %dma_wait3A_156] : memref<2x80xi32, #tpu.memory_space<vmem>> -> memref<1x80xi32, #tpu.memory_space<vmem>>
        %dma_wait3A_158 = tpu.memref_squeeze %dma_wait3A_157 : memref<1x80xi32, #tpu.memory_space<vmem>> -> memref<80xi32, #tpu.memory_space<vmem>>
        %dma_wait3A_159 = arith.constant 0 : i32
        %dma_wait3A_160 = tpu.memref_slice %arg5[%add3A, %dma_wait3A_148, %dma_wait3A_159] : memref<32x128x80xi32, #tpu.memory_space<hbm>> -> memref<1x1x80xi32, #tpu.memory_space<hbm>>
        %dma_wait3A_161 = tpu.memref_squeeze %dma_wait3A_160 : memref<1x1x80xi32, #tpu.memory_space<hbm>> -> memref<80xi32, #tpu.memory_space<hbm>>
        tpu.wait_dma2 semaphore(%arg16 : memref<!tpu.dma_semaphore, #tpu.memory_space<semaphore_mem>>) src(%dma_wait3A_161 : memref<80xi32, #tpu.memory_space<hbm>>) dst(%dma_wait3A_158 : memref<80xi32, #tpu.memory_space<vmem>>)
      } else {
      }
      %dma_start3A_115 = arith.constant 0 : i32
      %dma_start3A_116 = arith.constant 0 : i32
      %dma_start3A_117 = arith.constant 0 : i32
      %dma_start3A_118 = arith.constant 0 : i32
      %dma_start3A_119 = tpu.memref_slice %arg10[%dma_start3A_115, %dma_start3A_117, %dma_start3A_118] : memref<2x80x16xf32, #tpu.memory_space<vmem>> -> memref<1x80x16xf32, #tpu.memory_space<vmem>>
      %dma_start3A_120 = tpu.memref_squeeze %dma_start3A_119 : memref<1x80x16xf32, #tpu.memory_space<vmem>> -> memref<80x16xf32, #tpu.memory_space<vmem>>
      %dma_start3A_121 = arith.constant 0 : i32
      %dma_start3A_122 = tpu.memref_slice %arg9[%dma_start3A_116, %dma_start3A_121] : memref<2x80xi32, #tpu.memory_space<vmem>> -> memref<1x80xi32, #tpu.memory_space<vmem>>
      %dma_start3A_123 = tpu.memref_squeeze %dma_start3A_122 : memref<1x80xi32, #tpu.memory_space<vmem>> -> memref<80xi32, #tpu.memory_space<vmem>>
      %dma_start3A_124 = arith.constant 0 : i32
      %dma_start3A_125 = arith.constant 0 : i32
      %dma_start3A_126 = tpu.memref_slice %arg11[%dma_start3A_124, %dma_start3A_125] : memref<10112x16xf32, #tpu.memory_space<vmem_shared>> -> memref<10112x16xf32, #tpu.memory_space<vmem_shared>>
      tpu.enqueue_indirect_dma source(%dma_start3A_120 : memref<80x16xf32, #tpu.memory_space<vmem>>) target(%dma_start3A_126 : memref<10112x16xf32, #tpu.memory_space<vmem_shared>>) offsets(%dma_start3A_123 : memref<80xi32, #tpu.memory_space<vmem>>) semaphore(%arg14 : memref<!tpu.dma_semaphore, #tpu.memory_space<semaphore_mem>>) {add = true}
      %gt3A_127 = arith.constant 0 : i32
      %gt3A_128 = arith.cmpi sgt, %add3A_112, %gt3A_127 : i32
      %convert_element_type3A_129 = arith.extui %gt3A_128 : i1 to i32
      %cond3A_130 = arith.constant 0 : i32
      %cond3A_131 = arith.cmpi ne, %convert_element_type3A_129, %cond3A_130 : i32
      scf.if %cond3A_131 {
        %dma_wait3A_148 = arith.constant 0 : i32
        %dma_wait3A_149 = arith.constant 1 : i32
        %dma_wait3A_150 = arith.constant 0 : i32
        %dma_wait3A_151 = tpu.memref_slice %arg9[%dma_wait3A_149, %dma_wait3A_150] : memref<2x80xi32, #tpu.memory_space<vmem>> -> memref<1x80xi32, #tpu.memory_space<vmem>>
        %dma_wait3A_152 = tpu.memref_squeeze %dma_wait3A_151 : memref<1x80xi32, #tpu.memory_space<vmem>> -> memref<80xi32, #tpu.memory_space<vmem>>
        %dma_wait3A_153 = arith.constant 0 : i32
        %dma_wait3A_154 = tpu.memref_slice %arg5[%add3A, %dma_wait3A_148, %dma_wait3A_153] : memref<32x128x80xi32, #tpu.memory_space<hbm>> -> memref<1x1x80xi32, #tpu.memory_space<hbm>>
        %dma_wait3A_155 = tpu.memref_squeeze %dma_wait3A_154 : memref<1x1x80xi32, #tpu.memory_space<hbm>> -> memref<80xi32, #tpu.memory_space<hbm>>
        %dma_wait3A_156 = arith.constant 0 : i32
        %dma_wait3A_157 = tpu.memref_slice %arg9[%dma_wait3A_149, %dma_wait3A_156] : memref<2x80xi32, #tpu.memory_space<vmem>> -> memref<1x80xi32, #tpu.memory_space<vmem>>
        %dma_wait3A_158 = tpu.memref_squeeze %dma_wait3A_157 : memref<1x80xi32, #tpu.memory_space<vmem>> -> memref<80xi32, #tpu.memory_space<vmem>>
        %dma_wait3A_159 = arith.constant 0 : i32
        %dma_wait3A_160 = tpu.memref_slice %arg5[%add3A, %dma_wait3A_148, %dma_wait3A_159] : memref<32x128x80xi32, #tpu.memory_space<hbm>> -> memref<1x1x80xi32, #tpu.memory_space<hbm>>
        %dma_wait3A_161 = tpu.memref_squeeze %dma_wait3A_160 : memref<1x1x80xi32, #tpu.memory_space<hbm>> -> memref<80xi32, #tpu.memory_space<hbm>>
        tpu.wait_dma2 semaphore(%arg17 : memref<!tpu.dma_semaphore, #tpu.memory_space<semaphore_mem>>) src(%dma_wait3A_161 : memref<80xi32, #tpu.memory_space<hbm>>) dst(%dma_wait3A_158 : memref<80xi32, #tpu.memory_space<vmem>>)
      } else {
      }
      %dma_start3A_132 = arith.constant 1 : i32
      %dma_start3A_133 = arith.constant 1 : i32
      %dma_start3A_134 = arith.constant 0 : i32
      %dma_start3A_135 = arith.constant 0 : i32
      %dma_start3A_136 = tpu.memref_slice %arg10[%dma_start3A_132, %dma_start3A_134, %dma_start3A_135] : memref<2x80x16xf32, #tpu.memory_space<vmem>> -> memref<1x80x16xf32, #tpu.memory_space<vmem>>
      %dma_start3A_137 = tpu.memref_squeeze %dma_start3A_136 : memref<1x80x16xf32, #tpu.memory_space<vmem>> -> memref<80x16xf32, #tpu.memory_space<vmem>>
      %dma_start3A_138 = arith.constant 0 : i32
      %dma_start3A_139 = tpu.memref_slice %arg9[%dma_start3A_133, %dma_start3A_138] : memref<2x80xi32, #tpu.memory_space<vmem>> -> memref<1x80xi32, #tpu.memory_space<vmem>>
      %dma_start3A_140 = tpu.memref_squeeze %dma_start3A_139 : memref<1x80xi32, #tpu.memory_space<vmem>> -> memref<80xi32, #tpu.memory_space<vmem>>
      %dma_start3A_141 = arith.constant 0 : i32
      %dma_start3A_142 = arith.constant 0 : i32
      %dma_start3A_143 = tpu.memref_slice %arg11[%dma_start3A_141, %dma_start3A_142] : memref<10112x16xf32, #tpu.memory_space<vmem_shared>> -> memref<10112x16xf32, #tpu.memory_space<vmem_shared>>
      tpu.enqueue_indirect_dma source(%dma_start3A_137 : memref<80x16xf32, #tpu.memory_space<vmem>>) target(%dma_start3A_143 : memref<10112x16xf32, #tpu.memory_space<vmem_shared>>) offsets(%dma_start3A_140 : memref<80xi32, #tpu.memory_space<vmem>>) semaphore(%arg15 : memref<!tpu.dma_semaphore, #tpu.memory_space<semaphore_mem>>) {add = true}
      %lt3A = arith.constant 63 : i32
      %lt3A_144 = arith.cmpi slt, %add3A_112, %lt3A : i32
      %convert_element_type3A_145 = arith.extui %lt3A_144 : i1 to i32
      %cond3A_146 = arith.constant 0 : i32
      %cond3A_147 = arith.cmpi ne, %convert_element_type3A_145, %cond3A_146 : i32
      scf.if %cond3A_147 {
        %dma_wait3A_148 = arith.constant 0 : i32
        %dma_wait3A_149 = arith.constant 0 : i32
        %dma_wait3A_150 = arith.constant 0 : i32
        %dma_wait3A_151 = tpu.memref_slice %arg10[%dma_wait3A_148, %dma_wait3A_149, %dma_wait3A_150] : memref<2x80x16xf32, #tpu.memory_space<vmem>> -> memref<1x80x16xf32, #tpu.memory_space<vmem>>
        %dma_wait3A_152 = tpu.memref_squeeze %dma_wait3A_151 : memref<1x80x16xf32, #tpu.memory_space<vmem>> -> memref<80x16xf32, #tpu.memory_space<vmem>>
        %dma_wait3A_153 = arith.constant 0 : i32
        %dma_wait3A_154 = arith.constant 0 : i32
        %dma_wait3A_155 = tpu.memref_slice %arg11[%dma_wait3A_153, %dma_wait3A_154] : memref<10112x16xf32, #tpu.memory_space<vmem_shared>> -> memref<80x16xf32, #tpu.memory_space<vmem_shared>>
        %dma_wait3A_156 = arith.constant 0 : i32
        %dma_wait3A_157 = arith.constant 0 : i32
        %dma_wait3A_158 = tpu.memref_slice %arg11[%dma_wait3A_156, %dma_wait3A_157] : memref<10112x16xf32, #tpu.memory_space<vmem_shared>> -> memref<80x16xf32, #tpu.memory_space<vmem_shared>>
        %dma_wait3A_159 = arith.constant 0 : i32
        %dma_wait3A_160 = arith.constant 0 : i32
        %dma_wait3A_161 = tpu.memref_slice %arg10[%dma_wait3A_148, %dma_wait3A_159, %dma_wait3A_160] : memref<2x80x16xf32, #tpu.memory_space<vmem>> -> memref<1x80x16xf32, #tpu.memory_space<vmem>>
        %dma_wait3A_162 = tpu.memref_squeeze %dma_wait3A_161 : memref<1x80x16xf32, #tpu.memory_space<vmem>> -> memref<80x16xf32, #tpu.memory_space<vmem>>
        tpu.wait_dma2 semaphore(%arg14 : memref<!tpu.dma_semaphore, #tpu.memory_space<semaphore_mem>>) src(%dma_wait3A_162 : memref<80x16xf32, #tpu.memory_space<vmem>>) dst(%dma_wait3A_158 : memref<80x16xf32, #tpu.memory_space<vmem_shared>>)
        %add3A_163 = arith.constant 1 : i32
        %add3A_164 = arith.addi %add3A_112, %add3A_163 : i32
        %mul3A_165 = arith.constant 2 : i32
        %mul3A_166 = arith.muli %add3A_164, %mul3A_165 : i32
        %add3A_167 = arith.constant 0 : i32
        %add3A_168 = arith.addi %mul3A_166, %add3A_167 : i32
        %dma_start3A_169 = arith.constant 0 : i32
        %dma_start3A_170 = arith.constant 0 : i32
        %dma_start3A_171 = tpu.memref_slice %arg9[%dma_start3A_169, %dma_start3A_170] : memref<2x80xi32, #tpu.memory_space<vmem>> -> memref<1x80xi32, #tpu.memory_space<vmem>>
        %dma_start3A_172 = tpu.memref_squeeze %dma_start3A_171 : memref<1x80xi32, #tpu.memory_space<vmem>> -> memref<80xi32, #tpu.memory_space<vmem>>
        %dma_start3A_173 = arith.constant 0 : i32
        %dma_start3A_174 = tpu.memref_slice %arg5[%add3A, %add3A_168, %dma_start3A_173] : memref<32x128x80xi32, #tpu.memory_space<hbm>> -> memref<1x1x80xi32, #tpu.memory_space<hbm>>
        %dma_start3A_175 = tpu.memref_squeeze %dma_start3A_174 : memref<1x1x80xi32, #tpu.memory_space<hbm>> -> memref<80xi32, #tpu.memory_space<hbm>>
        %dma_start3A_176 = arith.constant 0 : i32
        %dma_start3A_177 = tpu.memref_slice %arg9[%dma_start3A_169, %dma_start3A_176] : memref<2x80xi32, #tpu.memory_space<vmem>> -> memref<1x80xi32, #tpu.memory_space<vmem>>
        %dma_start3A_178 = tpu.memref_squeeze %dma_start3A_177 : memref<1x80xi32, #tpu.memory_space<vmem>> -> memref<80xi32, #tpu.memory_space<vmem>>
        %dma_start3A_179 = arith.constant 0 : i32
        %dma_start3A_180 = tpu.memref_slice %arg5[%add3A, %add3A_168, %dma_start3A_179] : memref<32x128x80xi32, #tpu.memory_space<hbm>> -> memref<1x1x80xi32, #tpu.memory_space<hbm>>
        %dma_start3A_181 = tpu.memref_squeeze %dma_start3A_180 : memref<1x1x80xi32, #tpu.memory_space<hbm>> -> memref<80xi32, #tpu.memory_space<hbm>>
        tpu.enqueue_dma source(%dma_start3A_181 : memref<80xi32, #tpu.memory_space<hbm>>) target(%dma_start3A_178 : memref<80xi32, #tpu.memory_space<vmem>>) target_semaphore(%arg16 : memref<!tpu.dma_semaphore, #tpu.memory_space<semaphore_mem>>)
        %dma_wait3A_182 = arith.constant 1 : i32
        %dma_wait3A_183 = arith.constant 0 : i32
        %dma_wait3A_184 = arith.constant 0 : i32
        %dma_wait3A_185 = tpu.memref_slice %arg10[%dma_wait3A_182, %dma_wait3A_183, %dma_wait3A_184] : memref<2x80x16xf32, #tpu.memory_space<vmem>> -> memref<1x80x16xf32, #tpu.memory_space<vmem>>
        %dma_wait3A_186 = tpu.memref_squeeze %dma_wait3A_185 : memref<1x80x16xf32, #tpu.memory_space<vmem>> -> memref<80x16xf32, #tpu.memory_space<vmem>>
        %dma_wait3A_187 = arith.constant 0 : i32
        %dma_wait3A_188 = arith.constant 0 : i32
        %dma_wait3A_189 = tpu.memref_slice %arg11[%dma_wait3A_187, %dma_wait3A_188] : memref<10112x16xf32, #tpu.memory_space<vmem_shared>> -> memref<80x16xf32, #tpu.memory_space<vmem_shared>>
        %dma_wait3A_190 = arith.constant 0 : i32
        %dma_wait3A_191 = arith.constant 0 : i32
        %dma_wait3A_192 = tpu.memref_slice %arg11[%dma_wait3A_190, %dma_wait3A_191] : memref<10112x16xf32, #tpu.memory_space<vmem_shared>> -> memref<80x16xf32, #tpu.memory_space<vmem_shared>>
        %dma_wait3A_193 = arith.constant 0 : i32
        %dma_wait3A_194 = arith.constant 0 : i32
        %dma_wait3A_195 = tpu.memref_slice %arg10[%dma_wait3A_182, %dma_wait3A_193, %dma_wait3A_194] : memref<2x80x16xf32, #tpu.memory_space<vmem>> -> memref<1x80x16xf32, #tpu.memory_space<vmem>>
        %dma_wait3A_196 = tpu.memref_squeeze %dma_wait3A_195 : memref<1x80x16xf32, #tpu.memory_space<vmem>> -> memref<80x16xf32, #tpu.memory_space<vmem>>
        tpu.wait_dma2 semaphore(%arg15 : memref<!tpu.dma_semaphore, #tpu.memory_space<semaphore_mem>>) src(%dma_wait3A_196 : memref<80x16xf32, #tpu.memory_space<vmem>>) dst(%dma_wait3A_192 : memref<80x16xf32, #tpu.memory_space<vmem_shared>>)
        %add3A_197 = arith.constant 1 : i32
        %add3A_198 = arith.addi %add3A_112, %add3A_197 : i32
        %mul3A_199 = arith.constant 2 : i32
        %mul3A_200 = arith.muli %add3A_198, %mul3A_199 : i32
        %add3A_201 = arith.constant 1 : i32
        %add3A_202 = arith.addi %mul3A_200, %add3A_201 : i32
        %dma_start3A_203 = arith.constant 1 : i32
        %dma_start3A_204 = arith.constant 0 : i32
        %dma_start3A_205 = tpu.memref_slice %arg9[%dma_start3A_203, %dma_start3A_204] : memref<2x80xi32, #tpu.memory_space<vmem>> -> memref<1x80xi32, #tpu.memory_space<vmem>>
        %dma_start3A_206 = tpu.memref_squeeze %dma_start3A_205 : memref<1x80xi32, #tpu.memory_space<vmem>> -> memref<80xi32, #tpu.memory_space<vmem>>
        %dma_start3A_207 = arith.constant 0 : i32
        %dma_start3A_208 = tpu.memref_slice %arg5[%add3A, %add3A_202, %dma_start3A_207] : memref<32x128x80xi32, #tpu.memory_space<hbm>> -> memref<1x1x80xi32, #tpu.memory_space<hbm>>
        %dma_start3A_209 = tpu.memref_squeeze %dma_start3A_208 : memref<1x1x80xi32, #tpu.memory_space<hbm>> -> memref<80xi32, #tpu.memory_space<hbm>>
        %dma_start3A_210 = arith.constant 0 : i32
        %dma_start3A_211 = tpu.memref_slice %arg9[%dma_start3A_203, %dma_start3A_210] : memref<2x80xi32, #tpu.memory_space<vmem>> -> memref<1x80xi32, #tpu.memory_space<vmem>>
        %dma_start3A_212 = tpu.memref_squeeze %dma_start3A_211 : memref<1x80xi32, #tpu.memory_space<vmem>> -> memref<80xi32, #tpu.memory_space<vmem>>
        %dma_start3A_213 = arith.constant 0 : i32
        %dma_start3A_214 = tpu.memref_slice %arg5[%add3A, %add3A_202, %dma_start3A_213] : memref<32x128x80xi32, #tpu.memory_space<hbm>> -> memref<1x1x80xi32, #tpu.memory_space<hbm>>
        %dma_start3A_215 = tpu.memref_squeeze %dma_start3A_214 : memref<1x1x80xi32, #tpu.memory_space<hbm>> -> memref<80xi32, #tpu.memory_space<hbm>>
        tpu.enqueue_dma source(%dma_start3A_215 : memref<80xi32, #tpu.memory_space<hbm>>) target(%dma_start3A_212 : memref<80xi32, #tpu.memory_space<vmem>>) target_semaphore(%arg17 : memref<!tpu.dma_semaphore, #tpu.memory_space<semaphore_mem>>)
      } else {
      }
    }
    %scan3A_75 = arith.constant 64 : i32
    %dma_wait3A_76 = arith.constant 0 : i32
    %dma_wait3A_77 = arith.constant 0 : i32
    %dma_wait3A_78 = arith.constant 0 : i32
    %dma_wait3A_79 = tpu.memref_slice %arg10[%dma_wait3A_76, %dma_wait3A_77, %dma_wait3A_78] : memref<2x80x16xf32, #tpu.memory_space<vmem>> -> memref<1x80x16xf32, #tpu.memory_space<vmem>>
    %dma_wait3A_80 = tpu.memref_squeeze %dma_wait3A_79 : memref<1x80x16xf32, #tpu.memory_space<vmem>> -> memref<80x16xf32, #tpu.memory_space<vmem>>
    %dma_wait3A_81 = arith.constant 0 : i32
    %dma_wait3A_82 = arith.constant 0 : i32
    %dma_wait3A_83 = tpu.memref_slice %arg11[%dma_wait3A_81, %dma_wait3A_82] : memref<10112x16xf32, #tpu.memory_space<vmem_shared>> -> memref<80x16xf32, #tpu.memory_space<vmem_shared>>
    %dma_wait3A_84 = arith.constant 0 : i32
    %dma_wait3A_85 = arith.constant 0 : i32
    %dma_wait3A_86 = tpu.memref_slice %arg11[%dma_wait3A_84, %dma_wait3A_85] : memref<10112x16xf32, #tpu.memory_space<vmem_shared>> -> memref<80x16xf32, #tpu.memory_space<vmem_shared>>
    %dma_wait3A_87 = arith.constant 0 : i32
    %dma_wait3A_88 = arith.constant 0 : i32
    %dma_wait3A_89 = tpu.memref_slice %arg10[%dma_wait3A_76, %dma_wait3A_87, %dma_wait3A_88] : memref<2x80x16xf32, #tpu.memory_space<vmem>> -> memref<1x80x16xf32, #tpu.memory_space<vmem>>
    %dma_wait3A_90 = tpu.memref_squeeze %dma_wait3A_89 : memref<1x80x16xf32, #tpu.memory_space<vmem>> -> memref<80x16xf32, #tpu.memory_space<vmem>>
    tpu.wait_dma2 semaphore(%arg14 : memref<!tpu.dma_semaphore, #tpu.memory_space<semaphore_mem>>) src(%dma_wait3A_90 : memref<80x16xf32, #tpu.memory_space<vmem>>) dst(%dma_wait3A_86 : memref<80x16xf32, #tpu.memory_space<vmem_shared>>)
    %dma_wait3A_91 = arith.constant 1 : i32
    %dma_wait3A_92 = arith.constant 0 : i32
    %dma_wait3A_93 = arith.constant 0 : i32
    %dma_wait3A_94 = tpu.memref_slice %arg10[%dma_wait3A_91, %dma_wait3A_92, %dma_wait3A_93] : memref<2x80x16xf32, #tpu.memory_space<vmem>> -> memref<1x80x16xf32, #tpu.memory_space<vmem>>
    %dma_wait3A_95 = tpu.memref_squeeze %dma_wait3A_94 : memref<1x80x16xf32, #tpu.memory_space<vmem>> -> memref<80x16xf32, #tpu.memory_space<vmem>>
    %dma_wait3A_96 = arith.constant 0 : i32
    %dma_wait3A_97 = arith.constant 0 : i32
    %dma_wait3A_98 = tpu.memref_slice %arg11[%dma_wait3A_96, %dma_wait3A_97] : memref<10112x16xf32, #tpu.memory_space<vmem_shared>> -> memref<80x16xf32, #tpu.memory_space<vmem_shared>>
    %dma_wait3A_99 = arith.constant 0 : i32
    %dma_wait3A_100 = arith.constant 0 : i32
    %dma_wait3A_101 = tpu.memref_slice %arg11[%dma_wait3A_99, %dma_wait3A_100] : memref<10112x16xf32, #tpu.memory_space<vmem_shared>> -> memref<80x16xf32, #tpu.memory_space<vmem_shared>>
    %dma_wait3A_102 = arith.constant 0 : i32
    %dma_wait3A_103 = arith.constant 0 : i32
    %dma_wait3A_104 = tpu.memref_slice %arg10[%dma_wait3A_91, %dma_wait3A_102, %dma_wait3A_103] : memref<2x80x16xf32, #tpu.memory_space<vmem>> -> memref<1x80x16xf32, #tpu.memory_space<vmem>>
    %dma_wait3A_105 = tpu.memref_squeeze %dma_wait3A_104 : memref<1x80x16xf32, #tpu.memory_space<vmem>> -> memref<80x16xf32, #tpu.memory_space<vmem>>
    tpu.wait_dma2 semaphore(%arg15 : memref<!tpu.dma_semaphore, #tpu.memory_space<semaphore_mem>>) src(%dma_wait3A_105 : memref<80x16xf32, #tpu.memory_space<vmem>>) dst(%dma_wait3A_101 : memref<80x16xf32, #tpu.memory_space<vmem_shared>>)
    %barrier3A_106 = arith.constant 0 : index
    tpu.barrier barrier_id(%barrier3A_106)
    %run_scoped3A_107 = arith.constant 1 : i32
    "tpu.region"() ({
      %run_scoped3A_108 = tpu.sem_alloc : memref<!tpu.dma_semaphore, #tpu.memory_space<semaphore_mem>>
      %dma_start3A_109 = arith.constant 0 : i32
      %dma_start3A_110 = tpu.memref_slice %arg7[%run_scoped3A_107, %arg0, %mul3A_2, %dma_start3A_109] : memref<2x2x10112x16xf32, #tpu.memory_space<hbm>> -> memref<1x1x632x16xf32, #tpu.memory_space<hbm>>
      %dma_start3A_111 = tpu.memref_squeeze %dma_start3A_110 : memref<1x1x632x16xf32, #tpu.memory_space<hbm>> -> memref<632x16xf32, #tpu.memory_space<hbm>>
      %dma_start3A_112 = arith.constant 0 : i32
      %dma_start3A_113 = tpu.memref_slice %arg11[%mul3A_2, %dma_start3A_112] : memref<10112x16xf32, #tpu.memory_space<vmem_shared>> -> memref<632x16xf32, #tpu.memory_space<vmem_shared>>
      tpu.enqueue_dma source(%dma_start3A_113 : memref<632x16xf32, #tpu.memory_space<vmem_shared>>) target(%dma_start3A_111 : memref<632x16xf32, #tpu.memory_space<hbm>>) target_semaphore(%run_scoped3A_108 : memref<!tpu.dma_semaphore, #tpu.memory_space<semaphore_mem>>)
      %dma_wait3A_114 = arith.constant 0 : i32
      %dma_wait3A_115 = tpu.memref_slice %arg7[%run_scoped3A_107, %arg0, %mul3A_2, %dma_wait3A_114] : memref<2x2x10112x16xf32, #tpu.memory_space<hbm>> -> memref<1x1x632x16xf32, #tpu.memory_space<hbm>>
      %dma_wait3A_116 = tpu.memref_squeeze %dma_wait3A_115 : memref<1x1x632x16xf32, #tpu.memory_space<hbm>> -> memref<632x16xf32, #tpu.memory_space<hbm>>
      %dma_wait3A_117 = arith.constant 0 : i32
      %dma_wait3A_118 = tpu.memref_slice %arg11[%mul3A_2, %dma_wait3A_117] : memref<10112x16xf32, #tpu.memory_space<vmem_shared>> -> memref<632x16xf32, #tpu.memory_space<vmem_shared>>
      tpu.wait_dma2 semaphore(%run_scoped3A_108 : memref<!tpu.dma_semaphore, #tpu.memory_space<semaphore_mem>>) src(%dma_wait3A_118 : memref<632x16xf32, #tpu.memory_space<vmem_shared>>) dst(%dma_wait3A_116 : memref<632x16xf32, #tpu.memory_space<hbm>>)
      tpu.yield
    }) : () -> ()
    return
  }
}

#map = affine_map<(d0, d1) -> (0, 0)>
#map1 = affine_map<(d0, d1) -> (0, 0, 0)>
#map2 = affine_map<(d0, d1) -> (0, 0, 0, 0)>
module attributes {stable_mosaic.version = 14 : i64} {
  func.func @spmm(%arg0: i32, %arg1: i32, %arg2: memref<10112x80xf32, #tpu.memory_space<hbm>>, %arg3: memref<10112x80xf32, #tpu.memory_space<hbm>>, %arg4: memref<32x128x80xi32, #tpu.memory_space<hbm>>, %arg5: memref<32x128x80xi32, #tpu.memory_space<hbm>>, %arg6: memref<10112x80xf32, #tpu.memory_space<hbm>>, %arg7: memref<2x2x10112x80xf32, #tpu.memory_space<hbm>>, %arg8: memref<128x80xi32, #tpu.memory_space<vmem>>, %arg9: memref<2x80xi32, #tpu.memory_space<vmem>>, %arg10: memref<2x80x80xf32, #tpu.memory_space<vmem>>, %arg11: memref<10112x80xf32, #tpu.memory_space<vmem_shared>>, %arg12: memref<10112x80xf32, #tpu.memory_space<vmem_shared>>, %arg13: memref<!tpu.dma_semaphore, #tpu.memory_space<semaphore_mem>>, %arg14: memref<!tpu.dma_semaphore, #tpu.memory_space<semaphore_mem>>, %arg15: memref<!tpu.dma_semaphore, #tpu.memory_space<semaphore_mem>>, %arg16: memref<!tpu.dma_semaphore, #tpu.memory_space<semaphore_mem>>, %arg17: memref<!tpu.dma_semaphore, #tpu.memory_space<semaphore_mem>>, %arg18: memref<!tpu.dma_semaphore, #tpu.memory_space<semaphore_mem>>) attributes {dimension_semantics = [#tpu.dimension_semantics<core_parallel>, #tpu.dimension_semantics<subcore_parallel>], iteration_bounds = array<i64: 2, 16>, scalar_prefetch = 0 : i64, scratch_operands = 11 : i64, tpu.core_type = #tpu.core_type<sc_vector_subcore>, window_params = [{transform_indices = #map}, {transform_indices = #map}, {transform_indices = #map1}, {transform_indices = #map1}, {transform_indices = #map}, {transform_indices = #map2}]} {
    %mul3A = arith.constant 2 : i32
    %mul3A_0 = arith.muli %arg1, %mul3A : i32
    %add3A = arith.addi %mul3A_0, %arg0 : i32
    %mul3A_1 = arith.constant 632 : i32
    %mul3A_2 = arith.muli %arg1, %mul3A_1 : i32
    "tpu.region"() ({
      %run_scoped3A_130 = tpu.sem_alloc : memref<!tpu.dma_semaphore, #tpu.memory_space<semaphore_mem>>
      %dma_start3A_131 = arith.constant 0 : i32
      %dma_start3A_132 = arith.constant 0 : i32
      %dma_start3A_133 = tpu.memref_slice %arg4[%add3A, %dma_start3A_131, %dma_start3A_132] : memref<32x128x80xi32, #tpu.memory_space<hbm>> -> memref<1x128x80xi32, #tpu.memory_space<hbm>>
      %dma_start3A_134 = tpu.memref_squeeze %dma_start3A_133 : memref<1x128x80xi32, #tpu.memory_space<hbm>> -> memref<128x80xi32, #tpu.memory_space<hbm>>
      %dma_start3A_135 = arith.constant 0 : i32
      %dma_start3A_136 = arith.constant 0 : i32
      %dma_start3A_137 = tpu.memref_slice %arg4[%add3A, %dma_start3A_135, %dma_start3A_136] : memref<32x128x80xi32, #tpu.memory_space<hbm>> -> memref<1x128x80xi32, #tpu.memory_space<hbm>>
      %dma_start3A_138 = tpu.memref_squeeze %dma_start3A_137 : memref<1x128x80xi32, #tpu.memory_space<hbm>> -> memref<128x80xi32, #tpu.memory_space<hbm>>
      tpu.enqueue_dma source(%dma_start3A_138 : memref<128x80xi32, #tpu.memory_space<hbm>>) target(%arg8 : memref<128x80xi32, #tpu.memory_space<vmem>>) target_semaphore(%run_scoped3A_130 : memref<!tpu.dma_semaphore, #tpu.memory_space<semaphore_mem>>)
      %dma_wait3A_139 = arith.constant 0 : i32
      %dma_wait3A_140 = arith.constant 0 : i32
      %dma_wait3A_141 = tpu.memref_slice %arg4[%add3A, %dma_wait3A_139, %dma_wait3A_140] : memref<32x128x80xi32, #tpu.memory_space<hbm>> -> memref<1x128x80xi32, #tpu.memory_space<hbm>>
      %dma_wait3A_142 = tpu.memref_squeeze %dma_wait3A_141 : memref<1x128x80xi32, #tpu.memory_space<hbm>> -> memref<128x80xi32, #tpu.memory_space<hbm>>
      %dma_wait3A_143 = arith.constant 0 : i32
      %dma_wait3A_144 = arith.constant 0 : i32
      %dma_wait3A_145 = tpu.memref_slice %arg4[%add3A, %dma_wait3A_143, %dma_wait3A_144] : memref<32x128x80xi32, #tpu.memory_space<hbm>> -> memref<1x128x80xi32, #tpu.memory_space<hbm>>
      %dma_wait3A_146 = tpu.memref_squeeze %dma_wait3A_145 : memref<1x128x80xi32, #tpu.memory_space<hbm>> -> memref<128x80xi32, #tpu.memory_space<hbm>>
      tpu.wait_dma2 semaphore(%run_scoped3A_130 : memref<!tpu.dma_semaphore, #tpu.memory_space<semaphore_mem>>) src(%dma_wait3A_146 : memref<128x80xi32, #tpu.memory_space<hbm>>) dst(%arg8 : memref<128x80xi32, #tpu.memory_space<vmem>>)
      tpu.yield
    }) : () -> ()
    "tpu.region"() ({
      %run_scoped3A_130 = tpu.sem_alloc : memref<!tpu.dma_semaphore, #tpu.memory_space<semaphore_mem>>
      %dma_start3A_131 = arith.constant 0 : i32
      %dma_start3A_132 = tpu.memref_slice %arg12[%mul3A_2, %dma_start3A_131] : memref<10112x80xf32, #tpu.memory_space<vmem_shared>> -> memref<632x80xf32, #tpu.memory_space<vmem_shared>>
      %dma_start3A_133 = arith.constant 0 : i32
      %dma_start3A_134 = tpu.memref_slice %arg2[%mul3A_2, %dma_start3A_133] : memref<10112x80xf32, #tpu.memory_space<hbm>> -> memref<632x80xf32, #tpu.memory_space<hbm>>
      tpu.enqueue_dma source(%dma_start3A_134 : memref<632x80xf32, #tpu.memory_space<hbm>>) target(%dma_start3A_132 : memref<632x80xf32, #tpu.memory_space<vmem_shared>>) target_semaphore(%run_scoped3A_130 : memref<!tpu.dma_semaphore, #tpu.memory_space<semaphore_mem>>)
      %dma_wait3A_135 = arith.constant 0 : i32
      %dma_wait3A_136 = tpu.memref_slice %arg12[%mul3A_2, %dma_wait3A_135] : memref<10112x80xf32, #tpu.memory_space<vmem_shared>> -> memref<632x80xf32, #tpu.memory_space<vmem_shared>>
      %dma_wait3A_137 = arith.constant 0 : i32
      %dma_wait3A_138 = tpu.memref_slice %arg2[%mul3A_2, %dma_wait3A_137] : memref<10112x80xf32, #tpu.memory_space<hbm>> -> memref<632x80xf32, #tpu.memory_space<hbm>>
      tpu.wait_dma2 semaphore(%run_scoped3A_130 : memref<!tpu.dma_semaphore, #tpu.memory_space<semaphore_mem>>) src(%dma_wait3A_138 : memref<632x80xf32, #tpu.memory_space<hbm>>) dst(%dma_wait3A_136 : memref<632x80xf32, #tpu.memory_space<vmem_shared>>)
      tpu.yield
    }) : () -> ()
    "tpu.region"() ({
      %run_scoped3A_130 = tpu.sem_alloc : memref<!tpu.dma_semaphore, #tpu.memory_space<semaphore_mem>>
      %dma_start3A_131 = arith.constant 0 : i32
      %dma_start3A_132 = tpu.memref_slice %arg11[%mul3A_2, %dma_start3A_131] : memref<10112x80xf32, #tpu.memory_space<vmem_shared>> -> memref<632x80xf32, #tpu.memory_space<vmem_shared>>
      %dma_start3A_133 = arith.constant 0 : i32
      %dma_start3A_134 = tpu.memref_slice %arg6[%mul3A_2, %dma_start3A_133] : memref<10112x80xf32, #tpu.memory_space<hbm>> -> memref<632x80xf32, #tpu.memory_space<hbm>>
      tpu.enqueue_dma source(%dma_start3A_134 : memref<632x80xf32, #tpu.memory_space<hbm>>) target(%dma_start3A_132 : memref<632x80xf32, #tpu.memory_space<vmem_shared>>) target_semaphore(%run_scoped3A_130 : memref<!tpu.dma_semaphore, #tpu.memory_space<semaphore_mem>>)
      %dma_wait3A_135 = arith.constant 0 : i32
      %dma_wait3A_136 = tpu.memref_slice %arg11[%mul3A_2, %dma_wait3A_135] : memref<10112x80xf32, #tpu.memory_space<vmem_shared>> -> memref<632x80xf32, #tpu.memory_space<vmem_shared>>
      %dma_wait3A_137 = arith.constant 0 : i32
      %dma_wait3A_138 = tpu.memref_slice %arg6[%mul3A_2, %dma_wait3A_137] : memref<10112x80xf32, #tpu.memory_space<hbm>> -> memref<632x80xf32, #tpu.memory_space<hbm>>
      tpu.wait_dma2 semaphore(%run_scoped3A_130 : memref<!tpu.dma_semaphore, #tpu.memory_space<semaphore_mem>>) src(%dma_wait3A_138 : memref<632x80xf32, #tpu.memory_space<hbm>>) dst(%dma_wait3A_136 : memref<632x80xf32, #tpu.memory_space<vmem_shared>>)
      tpu.yield
    }) : () -> ()
    %barrier3A = arith.constant 0 : index
    tpu.barrier barrier_id(%barrier3A)
    %run_scoped3A = arith.constant 0 : i32
    %run_scoped3A_3 = arith.constant 0 : i32
    "tpu.region"() ({
      %run_scoped3A_130 = tpu.sem_alloc : memref<!tpu.dma_semaphore, #tpu.memory_space<semaphore_mem>>
      %dma_start3A_131 = arith.constant 0 : i32
      %dma_start3A_132 = tpu.memref_slice %arg9[%run_scoped3A_3, %dma_start3A_131] : memref<2x80xi32, #tpu.memory_space<vmem>> -> memref<1x80xi32, #tpu.memory_space<vmem>>
      %dma_start3A_133 = tpu.memref_squeeze %dma_start3A_132 : memref<1x80xi32, #tpu.memory_space<vmem>> -> memref<80xi32, #tpu.memory_space<vmem>>
      %dma_start3A_134 = arith.constant 0 : i32
      %dma_start3A_135 = tpu.memref_slice %arg5[%add3A, %run_scoped3A, %dma_start3A_134] : memref<32x128x80xi32, #tpu.memory_space<hbm>> -> memref<1x1x80xi32, #tpu.memory_space<hbm>>
      %dma_start3A_136 = tpu.memref_squeeze %dma_start3A_135 : memref<1x1x80xi32, #tpu.memory_space<hbm>> -> memref<80xi32, #tpu.memory_space<hbm>>
      %dma_start3A_137 = arith.constant 0 : i32
      %dma_start3A_138 = tpu.memref_slice %arg9[%run_scoped3A_3, %dma_start3A_137] : memref<2x80xi32, #tpu.memory_space<vmem>> -> memref<1x80xi32, #tpu.memory_space<vmem>>
      %dma_start3A_139 = tpu.memref_squeeze %dma_start3A_138 : memref<1x80xi32, #tpu.memory_space<vmem>> -> memref<80xi32, #tpu.memory_space<vmem>>
      %dma_start3A_140 = arith.constant 0 : i32
      %dma_start3A_141 = tpu.memref_slice %arg5[%add3A, %run_scoped3A, %dma_start3A_140] : memref<32x128x80xi32, #tpu.memory_space<hbm>> -> memref<1x1x80xi32, #tpu.memory_space<hbm>>
      %dma_start3A_142 = tpu.memref_squeeze %dma_start3A_141 : memref<1x1x80xi32, #tpu.memory_space<hbm>> -> memref<80xi32, #tpu.memory_space<hbm>>
      tpu.enqueue_dma source(%dma_start3A_142 : memref<80xi32, #tpu.memory_space<hbm>>) target(%dma_start3A_139 : memref<80xi32, #tpu.memory_space<vmem>>) target_semaphore(%run_scoped3A_130 : memref<!tpu.dma_semaphore, #tpu.memory_space<semaphore_mem>>)
      %dma_wait3A_143 = arith.constant 0 : i32
      %dma_wait3A_144 = tpu.memref_slice %arg9[%run_scoped3A_3, %dma_wait3A_143] : memref<2x80xi32, #tpu.memory_space<vmem>> -> memref<1x80xi32, #tpu.memory_space<vmem>>
      %dma_wait3A_145 = tpu.memref_squeeze %dma_wait3A_144 : memref<1x80xi32, #tpu.memory_space<vmem>> -> memref<80xi32, #tpu.memory_space<vmem>>
      %dma_wait3A_146 = arith.constant 0 : i32
      %dma_wait3A_147 = tpu.memref_slice %arg5[%add3A, %run_scoped3A, %dma_wait3A_146] : memref<32x128x80xi32, #tpu.memory_space<hbm>> -> memref<1x1x80xi32, #tpu.memory_space<hbm>>
      %dma_wait3A_148 = tpu.memref_squeeze %dma_wait3A_147 : memref<1x1x80xi32, #tpu.memory_space<hbm>> -> memref<80xi32, #tpu.memory_space<hbm>>
      %dma_wait3A_149 = arith.constant 0 : i32
      %dma_wait3A_150 = tpu.memref_slice %arg9[%run_scoped3A_3, %dma_wait3A_149] : memref<2x80xi32, #tpu.memory_space<vmem>> -> memref<1x80xi32, #tpu.memory_space<vmem>>
      %dma_wait3A_151 = tpu.memref_squeeze %dma_wait3A_150 : memref<1x80xi32, #tpu.memory_space<vmem>> -> memref<80xi32, #tpu.memory_space<vmem>>
      %dma_wait3A_152 = arith.constant 0 : i32
      %dma_wait3A_153 = tpu.memref_slice %arg5[%add3A, %run_scoped3A, %dma_wait3A_152] : memref<32x128x80xi32, #tpu.memory_space<hbm>> -> memref<1x1x80xi32, #tpu.memory_space<hbm>>
      %dma_wait3A_154 = tpu.memref_squeeze %dma_wait3A_153 : memref<1x1x80xi32, #tpu.memory_space<hbm>> -> memref<80xi32, #tpu.memory_space<hbm>>
      tpu.wait_dma2 semaphore(%run_scoped3A_130 : memref<!tpu.dma_semaphore, #tpu.memory_space<semaphore_mem>>) src(%dma_wait3A_154 : memref<80xi32, #tpu.memory_space<hbm>>) dst(%dma_wait3A_151 : memref<80xi32, #tpu.memory_space<vmem>>)
      tpu.yield
    }) : () -> ()
    %dma_start3A = arith.constant 0 : i32
    %dma_start3A_4 = arith.constant 0 : i32
    %dma_start3A_5 = arith.constant 0 : i32
    %dma_start3A_6 = arith.constant 0 : i32
    %dma_start3A_7 = tpu.memref_slice %arg10[%dma_start3A_4, %dma_start3A_5, %dma_start3A_6] : memref<2x80x80xf32, #tpu.memory_space<vmem>> -> memref<1x80x80xf32, #tpu.memory_space<vmem>>
    %dma_start3A_8 = tpu.memref_squeeze %dma_start3A_7 : memref<1x80x80xf32, #tpu.memory_space<vmem>> -> memref<80x80xf32, #tpu.memory_space<vmem>>
    %dma_start3A_9 = arith.constant 0 : i32
    %dma_start3A_10 = tpu.memref_slice %arg8[%dma_start3A, %dma_start3A_9] : memref<128x80xi32, #tpu.memory_space<vmem>> -> memref<1x80xi32, #tpu.memory_space<vmem>>
    %dma_start3A_11 = tpu.memref_squeeze %dma_start3A_10 : memref<1x80xi32, #tpu.memory_space<vmem>> -> memref<80xi32, #tpu.memory_space<vmem>>
    %dma_start3A_12 = arith.constant 0 : i32
    %dma_start3A_13 = arith.constant 0 : i32
    %dma_start3A_14 = tpu.memref_slice %arg12[%dma_start3A_12, %dma_start3A_13] : memref<10112x80xf32, #tpu.memory_space<vmem_shared>> -> memref<10112x80xf32, #tpu.memory_space<vmem_shared>>
    tpu.enqueue_indirect_dma source(%dma_start3A_14 : memref<10112x80xf32, #tpu.memory_space<vmem_shared>>) target(%dma_start3A_8 : memref<80x80xf32, #tpu.memory_space<vmem>>) offsets(%dma_start3A_11 : memref<80xi32, #tpu.memory_space<vmem>>) semaphore(%arg13 : memref<!tpu.dma_semaphore, #tpu.memory_space<semaphore_mem>>)
    %run_scoped3A_15 = arith.constant 1 : i32
    %run_scoped3A_16 = arith.constant 1 : i32
    "tpu.region"() ({
      %run_scoped3A_130 = tpu.sem_alloc : memref<!tpu.dma_semaphore, #tpu.memory_space<semaphore_mem>>
      %dma_start3A_131 = arith.constant 0 : i32
      %dma_start3A_132 = tpu.memref_slice %arg9[%run_scoped3A_16, %dma_start3A_131] : memref<2x80xi32, #tpu.memory_space<vmem>> -> memref<1x80xi32, #tpu.memory_space<vmem>>
      %dma_start3A_133 = tpu.memref_squeeze %dma_start3A_132 : memref<1x80xi32, #tpu.memory_space<vmem>> -> memref<80xi32, #tpu.memory_space<vmem>>
      %dma_start3A_134 = arith.constant 0 : i32
      %dma_start3A_135 = tpu.memref_slice %arg5[%add3A, %run_scoped3A_15, %dma_start3A_134] : memref<32x128x80xi32, #tpu.memory_space<hbm>> -> memref<1x1x80xi32, #tpu.memory_space<hbm>>
      %dma_start3A_136 = tpu.memref_squeeze %dma_start3A_135 : memref<1x1x80xi32, #tpu.memory_space<hbm>> -> memref<80xi32, #tpu.memory_space<hbm>>
      %dma_start3A_137 = arith.constant 0 : i32
      %dma_start3A_138 = tpu.memref_slice %arg9[%run_scoped3A_16, %dma_start3A_137] : memref<2x80xi32, #tpu.memory_space<vmem>> -> memref<1x80xi32, #tpu.memory_space<vmem>>
      %dma_start3A_139 = tpu.memref_squeeze %dma_start3A_138 : memref<1x80xi32, #tpu.memory_space<vmem>> -> memref<80xi32, #tpu.memory_space<vmem>>
      %dma_start3A_140 = arith.constant 0 : i32
      %dma_start3A_141 = tpu.memref_slice %arg5[%add3A, %run_scoped3A_15, %dma_start3A_140] : memref<32x128x80xi32, #tpu.memory_space<hbm>> -> memref<1x1x80xi32, #tpu.memory_space<hbm>>
      %dma_start3A_142 = tpu.memref_squeeze %dma_start3A_141 : memref<1x1x80xi32, #tpu.memory_space<hbm>> -> memref<80xi32, #tpu.memory_space<hbm>>
      tpu.enqueue_dma source(%dma_start3A_142 : memref<80xi32, #tpu.memory_space<hbm>>) target(%dma_start3A_139 : memref<80xi32, #tpu.memory_space<vmem>>) target_semaphore(%run_scoped3A_130 : memref<!tpu.dma_semaphore, #tpu.memory_space<semaphore_mem>>)
      %dma_wait3A_143 = arith.constant 0 : i32
      %dma_wait3A_144 = tpu.memref_slice %arg9[%run_scoped3A_16, %dma_wait3A_143] : memref<2x80xi32, #tpu.memory_space<vmem>> -> memref<1x80xi32, #tpu.memory_space<vmem>>
      %dma_wait3A_145 = tpu.memref_squeeze %dma_wait3A_144 : memref<1x80xi32, #tpu.memory_space<vmem>> -> memref<80xi32, #tpu.memory_space<vmem>>
      %dma_wait3A_146 = arith.constant 0 : i32
      %dma_wait3A_147 = tpu.memref_slice %arg5[%add3A, %run_scoped3A_15, %dma_wait3A_146] : memref<32x128x80xi32, #tpu.memory_space<hbm>> -> memref<1x1x80xi32, #tpu.memory_space<hbm>>
      %dma_wait3A_148 = tpu.memref_squeeze %dma_wait3A_147 : memref<1x1x80xi32, #tpu.memory_space<hbm>> -> memref<80xi32, #tpu.memory_space<hbm>>
      %dma_wait3A_149 = arith.constant 0 : i32
      %dma_wait3A_150 = tpu.memref_slice %arg9[%run_scoped3A_16, %dma_wait3A_149] : memref<2x80xi32, #tpu.memory_space<vmem>> -> memref<1x80xi32, #tpu.memory_space<vmem>>
      %dma_wait3A_151 = tpu.memref_squeeze %dma_wait3A_150 : memref<1x80xi32, #tpu.memory_space<vmem>> -> memref<80xi32, #tpu.memory_space<vmem>>
      %dma_wait3A_152 = arith.constant 0 : i32
      %dma_wait3A_153 = tpu.memref_slice %arg5[%add3A, %run_scoped3A_15, %dma_wait3A_152] : memref<32x128x80xi32, #tpu.memory_space<hbm>> -> memref<1x1x80xi32, #tpu.memory_space<hbm>>
      %dma_wait3A_154 = tpu.memref_squeeze %dma_wait3A_153 : memref<1x1x80xi32, #tpu.memory_space<hbm>> -> memref<80xi32, #tpu.memory_space<hbm>>
      tpu.wait_dma2 semaphore(%run_scoped3A_130 : memref<!tpu.dma_semaphore, #tpu.memory_space<semaphore_mem>>) src(%dma_wait3A_154 : memref<80xi32, #tpu.memory_space<hbm>>) dst(%dma_wait3A_151 : memref<80xi32, #tpu.memory_space<vmem>>)
      tpu.yield
    }) : () -> ()
    %dma_start3A_17 = arith.constant 1 : i32
    %dma_start3A_18 = arith.constant 1 : i32
    %dma_start3A_19 = arith.constant 0 : i32
    %dma_start3A_20 = arith.constant 0 : i32
    %dma_start3A_21 = tpu.memref_slice %arg10[%dma_start3A_18, %dma_start3A_19, %dma_start3A_20] : memref<2x80x80xf32, #tpu.memory_space<vmem>> -> memref<1x80x80xf32, #tpu.memory_space<vmem>>
    %dma_start3A_22 = tpu.memref_squeeze %dma_start3A_21 : memref<1x80x80xf32, #tpu.memory_space<vmem>> -> memref<80x80xf32, #tpu.memory_space<vmem>>
    %dma_start3A_23 = arith.constant 0 : i32
    %dma_start3A_24 = tpu.memref_slice %arg8[%dma_start3A_17, %dma_start3A_23] : memref<128x80xi32, #tpu.memory_space<vmem>> -> memref<1x80xi32, #tpu.memory_space<vmem>>
    %dma_start3A_25 = tpu.memref_squeeze %dma_start3A_24 : memref<1x80xi32, #tpu.memory_space<vmem>> -> memref<80xi32, #tpu.memory_space<vmem>>
    %dma_start3A_26 = arith.constant 0 : i32
    %dma_start3A_27 = arith.constant 0 : i32
    %dma_start3A_28 = tpu.memref_slice %arg12[%dma_start3A_26, %dma_start3A_27] : memref<10112x80xf32, #tpu.memory_space<vmem_shared>> -> memref<10112x80xf32, #tpu.memory_space<vmem_shared>>
    tpu.enqueue_indirect_dma source(%dma_start3A_28 : memref<10112x80xf32, #tpu.memory_space<vmem_shared>>) target(%dma_start3A_22 : memref<80x80xf32, #tpu.memory_space<vmem>>) offsets(%dma_start3A_25 : memref<80xi32, #tpu.memory_space<vmem>>) semaphore(%arg14 : memref<!tpu.dma_semaphore, #tpu.memory_space<semaphore_mem>>)
    %scan3A = arith.constant 0 : i32
    %scan3A_29 = arith.constant 64 : i32
    %scan3A_30 = arith.addi %scan3A, %scan3A_29 : i32
    %scan3A_31 = arith.constant 1 : i32
    scf.for %scan3A_130 = %scan3A to %scan3A_30 step %scan3A_31  : i32 {
      %mul3A_131 = arith.constant 1 : i32
      %mul3A_132 = arith.muli %scan3A_130, %mul3A_131 : i32
      %add3A_133 = arith.constant 0 : i32
      %add3A_134 = arith.addi %add3A_133, %mul3A_132 : i32
      %dma_wait3A_135 = arith.constant 0 : i32
      %dma_wait3A_136 = arith.constant 0 : i32
      %dma_wait3A_137 = arith.constant 0 : i32
      %dma_wait3A_138 = tpu.memref_slice %arg10[%dma_wait3A_135, %dma_wait3A_136, %dma_wait3A_137] : memref<2x80x80xf32, #tpu.memory_space<vmem>> -> memref<1x80x80xf32, #tpu.memory_space<vmem>>
      %dma_wait3A_139 = tpu.memref_squeeze %dma_wait3A_138 : memref<1x80x80xf32, #tpu.memory_space<vmem>> -> memref<80x80xf32, #tpu.memory_space<vmem>>
      %dma_wait3A_140 = arith.constant 0 : i32
      %dma_wait3A_141 = arith.constant 0 : i32
      %dma_wait3A_142 = tpu.memref_slice %arg6[%dma_wait3A_140, %dma_wait3A_141] : memref<10112x80xf32, #tpu.memory_space<hbm>> -> memref<80x80xf32, #tpu.memory_space<hbm>>
      %dma_wait3A_143 = arith.constant 0 : i32
      %dma_wait3A_144 = arith.constant 0 : i32
      %dma_wait3A_145 = tpu.memref_slice %arg10[%dma_wait3A_135, %dma_wait3A_143, %dma_wait3A_144] : memref<2x80x80xf32, #tpu.memory_space<vmem>> -> memref<1x80x80xf32, #tpu.memory_space<vmem>>
      %dma_wait3A_146 = tpu.memref_squeeze %dma_wait3A_145 : memref<1x80x80xf32, #tpu.memory_space<vmem>> -> memref<80x80xf32, #tpu.memory_space<vmem>>
      %dma_wait3A_147 = arith.constant 0 : i32
      %dma_wait3A_148 = arith.constant 0 : i32
      %dma_wait3A_149 = tpu.memref_slice %arg6[%dma_wait3A_147, %dma_wait3A_148] : memref<10112x80xf32, #tpu.memory_space<hbm>> -> memref<80x80xf32, #tpu.memory_space<hbm>>
      tpu.wait_dma2 semaphore(%arg13 : memref<!tpu.dma_semaphore, #tpu.memory_space<semaphore_mem>>) src(%dma_wait3A_149 : memref<80x80xf32, #tpu.memory_space<hbm>>) dst(%dma_wait3A_146 : memref<80x80xf32, #tpu.memory_space<vmem>>)
      %gt3A = arith.constant 0 : i32
      %gt3A_150 = arith.cmpi sgt, %add3A_134, %gt3A : i32
      %convert_element_type3A = arith.extui %gt3A_150 : i1 to i32
      %cond3A = arith.constant 0 : i32
      %cond3A_151 = arith.cmpi ne, %convert_element_type3A, %cond3A : i32
      scf.if %cond3A_151 {
        %dma_wait3A_200 = arith.constant 0 : i32
        %dma_wait3A_201 = arith.constant 0 : i32
        %dma_wait3A_202 = arith.constant 0 : i32
        %dma_wait3A_203 = tpu.memref_slice %arg9[%dma_wait3A_201, %dma_wait3A_202] : memref<2x80xi32, #tpu.memory_space<vmem>> -> memref<1x80xi32, #tpu.memory_space<vmem>>
        %dma_wait3A_204 = tpu.memref_squeeze %dma_wait3A_203 : memref<1x80xi32, #tpu.memory_space<vmem>> -> memref<80xi32, #tpu.memory_space<vmem>>
        %dma_wait3A_205 = arith.constant 0 : i32
        %dma_wait3A_206 = tpu.memref_slice %arg5[%add3A, %dma_wait3A_200, %dma_wait3A_205] : memref<32x128x80xi32, #tpu.memory_space<hbm>> -> memref<1x1x80xi32, #tpu.memory_space<hbm>>
        %dma_wait3A_207 = tpu.memref_squeeze %dma_wait3A_206 : memref<1x1x80xi32, #tpu.memory_space<hbm>> -> memref<80xi32, #tpu.memory_space<hbm>>
        %dma_wait3A_208 = arith.constant 0 : i32
        %dma_wait3A_209 = tpu.memref_slice %arg9[%dma_wait3A_201, %dma_wait3A_208] : memref<2x80xi32, #tpu.memory_space<vmem>> -> memref<1x80xi32, #tpu.memory_space<vmem>>
        %dma_wait3A_210 = tpu.memref_squeeze %dma_wait3A_209 : memref<1x80xi32, #tpu.memory_space<vmem>> -> memref<80xi32, #tpu.memory_space<vmem>>
        %dma_wait3A_211 = arith.constant 0 : i32
        %dma_wait3A_212 = tpu.memref_slice %arg5[%add3A, %dma_wait3A_200, %dma_wait3A_211] : memref<32x128x80xi32, #tpu.memory_space<hbm>> -> memref<1x1x80xi32, #tpu.memory_space<hbm>>
        %dma_wait3A_213 = tpu.memref_squeeze %dma_wait3A_212 : memref<1x1x80xi32, #tpu.memory_space<hbm>> -> memref<80xi32, #tpu.memory_space<hbm>>
        tpu.wait_dma2 semaphore(%arg17 : memref<!tpu.dma_semaphore, #tpu.memory_space<semaphore_mem>>) src(%dma_wait3A_213 : memref<80xi32, #tpu.memory_space<hbm>>) dst(%dma_wait3A_210 : memref<80xi32, #tpu.memory_space<vmem>>)
      } else {
      }
      %dma_start3A_152 = arith.constant 0 : i32
      %dma_start3A_153 = arith.constant 0 : i32
      %dma_start3A_154 = arith.constant 0 : i32
      %dma_start3A_155 = arith.constant 0 : i32
      %dma_start3A_156 = tpu.memref_slice %arg10[%dma_start3A_152, %dma_start3A_154, %dma_start3A_155] : memref<2x80x80xf32, #tpu.memory_space<vmem>> -> memref<1x80x80xf32, #tpu.memory_space<vmem>>
      %dma_start3A_157 = tpu.memref_squeeze %dma_start3A_156 : memref<1x80x80xf32, #tpu.memory_space<vmem>> -> memref<80x80xf32, #tpu.memory_space<vmem>>
      %dma_start3A_158 = arith.constant 0 : i32
      %dma_start3A_159 = tpu.memref_slice %arg9[%dma_start3A_153, %dma_start3A_158] : memref<2x80xi32, #tpu.memory_space<vmem>> -> memref<1x80xi32, #tpu.memory_space<vmem>>
      %dma_start3A_160 = tpu.memref_squeeze %dma_start3A_159 : memref<1x80xi32, #tpu.memory_space<vmem>> -> memref<80xi32, #tpu.memory_space<vmem>>
      %dma_start3A_161 = arith.constant 0 : i32
      %dma_start3A_162 = arith.constant 0 : i32
      %dma_start3A_163 = tpu.memref_slice %arg11[%dma_start3A_161, %dma_start3A_162] : memref<10112x80xf32, #tpu.memory_space<vmem_shared>> -> memref<10112x80xf32, #tpu.memory_space<vmem_shared>>
      tpu.enqueue_indirect_dma source(%dma_start3A_157 : memref<80x80xf32, #tpu.memory_space<vmem>>) target(%dma_start3A_163 : memref<10112x80xf32, #tpu.memory_space<vmem_shared>>) offsets(%dma_start3A_160 : memref<80xi32, #tpu.memory_space<vmem>>) semaphore(%arg15 : memref<!tpu.dma_semaphore, #tpu.memory_space<semaphore_mem>>) {add = true}
      %dma_wait3A_164 = arith.constant 1 : i32
      %dma_wait3A_165 = arith.constant 0 : i32
      %dma_wait3A_166 = arith.constant 0 : i32
      %dma_wait3A_167 = tpu.memref_slice %arg10[%dma_wait3A_164, %dma_wait3A_165, %dma_wait3A_166] : memref<2x80x80xf32, #tpu.memory_space<vmem>> -> memref<1x80x80xf32, #tpu.memory_space<vmem>>
      %dma_wait3A_168 = tpu.memref_squeeze %dma_wait3A_167 : memref<1x80x80xf32, #tpu.memory_space<vmem>> -> memref<80x80xf32, #tpu.memory_space<vmem>>
      %dma_wait3A_169 = arith.constant 0 : i32
      %dma_wait3A_170 = arith.constant 0 : i32
      %dma_wait3A_171 = tpu.memref_slice %arg6[%dma_wait3A_169, %dma_wait3A_170] : memref<10112x80xf32, #tpu.memory_space<hbm>> -> memref<80x80xf32, #tpu.memory_space<hbm>>
      %dma_wait3A_172 = arith.constant 0 : i32
      %dma_wait3A_173 = arith.constant 0 : i32
      %dma_wait3A_174 = tpu.memref_slice %arg10[%dma_wait3A_164, %dma_wait3A_172, %dma_wait3A_173] : memref<2x80x80xf32, #tpu.memory_space<vmem>> -> memref<1x80x80xf32, #tpu.memory_space<vmem>>
      %dma_wait3A_175 = tpu.memref_squeeze %dma_wait3A_174 : memref<1x80x80xf32, #tpu.memory_space<vmem>> -> memref<80x80xf32, #tpu.memory_space<vmem>>
      %dma_wait3A_176 = arith.constant 0 : i32
      %dma_wait3A_177 = arith.constant 0 : i32
      %dma_wait3A_178 = tpu.memref_slice %arg6[%dma_wait3A_176, %dma_wait3A_177] : memref<10112x80xf32, #tpu.memory_space<hbm>> -> memref<80x80xf32, #tpu.memory_space<hbm>>
      tpu.wait_dma2 semaphore(%arg14 : memref<!tpu.dma_semaphore, #tpu.memory_space<semaphore_mem>>) src(%dma_wait3A_178 : memref<80x80xf32, #tpu.memory_space<hbm>>) dst(%dma_wait3A_175 : memref<80x80xf32, #tpu.memory_space<vmem>>)
      %gt3A_179 = arith.constant 0 : i32
      %gt3A_180 = arith.cmpi sgt, %add3A_134, %gt3A_179 : i32
      %convert_element_type3A_181 = arith.extui %gt3A_180 : i1 to i32
      %cond3A_182 = arith.constant 0 : i32
      %cond3A_183 = arith.cmpi ne, %convert_element_type3A_181, %cond3A_182 : i32
      scf.if %cond3A_183 {
        %dma_wait3A_200 = arith.constant 0 : i32
        %dma_wait3A_201 = arith.constant 1 : i32
        %dma_wait3A_202 = arith.constant 0 : i32
        %dma_wait3A_203 = tpu.memref_slice %arg9[%dma_wait3A_201, %dma_wait3A_202] : memref<2x80xi32, #tpu.memory_space<vmem>> -> memref<1x80xi32, #tpu.memory_space<vmem>>
        %dma_wait3A_204 = tpu.memref_squeeze %dma_wait3A_203 : memref<1x80xi32, #tpu.memory_space<vmem>> -> memref<80xi32, #tpu.memory_space<vmem>>
        %dma_wait3A_205 = arith.constant 0 : i32
        %dma_wait3A_206 = tpu.memref_slice %arg5[%add3A, %dma_wait3A_200, %dma_wait3A_205] : memref<32x128x80xi32, #tpu.memory_space<hbm>> -> memref<1x1x80xi32, #tpu.memory_space<hbm>>
        %dma_wait3A_207 = tpu.memref_squeeze %dma_wait3A_206 : memref<1x1x80xi32, #tpu.memory_space<hbm>> -> memref<80xi32, #tpu.memory_space<hbm>>
        %dma_wait3A_208 = arith.constant 0 : i32
        %dma_wait3A_209 = tpu.memref_slice %arg9[%dma_wait3A_201, %dma_wait3A_208] : memref<2x80xi32, #tpu.memory_space<vmem>> -> memref<1x80xi32, #tpu.memory_space<vmem>>
        %dma_wait3A_210 = tpu.memref_squeeze %dma_wait3A_209 : memref<1x80xi32, #tpu.memory_space<vmem>> -> memref<80xi32, #tpu.memory_space<vmem>>
        %dma_wait3A_211 = arith.constant 0 : i32
        %dma_wait3A_212 = tpu.memref_slice %arg5[%add3A, %dma_wait3A_200, %dma_wait3A_211] : memref<32x128x80xi32, #tpu.memory_space<hbm>> -> memref<1x1x80xi32, #tpu.memory_space<hbm>>
        %dma_wait3A_213 = tpu.memref_squeeze %dma_wait3A_212 : memref<1x1x80xi32, #tpu.memory_space<hbm>> -> memref<80xi32, #tpu.memory_space<hbm>>
        tpu.wait_dma2 semaphore(%arg18 : memref<!tpu.dma_semaphore, #tpu.memory_space<semaphore_mem>>) src(%dma_wait3A_213 : memref<80xi32, #tpu.memory_space<hbm>>) dst(%dma_wait3A_210 : memref<80xi32, #tpu.memory_space<vmem>>)
      } else {
      }
      %dma_start3A_184 = arith.constant 1 : i32
      %dma_start3A_185 = arith.constant 1 : i32
      %dma_start3A_186 = arith.constant 0 : i32
      %dma_start3A_187 = arith.constant 0 : i32
      %dma_start3A_188 = tpu.memref_slice %arg10[%dma_start3A_184, %dma_start3A_186, %dma_start3A_187] : memref<2x80x80xf32, #tpu.memory_space<vmem>> -> memref<1x80x80xf32, #tpu.memory_space<vmem>>
      %dma_start3A_189 = tpu.memref_squeeze %dma_start3A_188 : memref<1x80x80xf32, #tpu.memory_space<vmem>> -> memref<80x80xf32, #tpu.memory_space<vmem>>
      %dma_start3A_190 = arith.constant 0 : i32
      %dma_start3A_191 = tpu.memref_slice %arg9[%dma_start3A_185, %dma_start3A_190] : memref<2x80xi32, #tpu.memory_space<vmem>> -> memref<1x80xi32, #tpu.memory_space<vmem>>
      %dma_start3A_192 = tpu.memref_squeeze %dma_start3A_191 : memref<1x80xi32, #tpu.memory_space<vmem>> -> memref<80xi32, #tpu.memory_space<vmem>>
      %dma_start3A_193 = arith.constant 0 : i32
      %dma_start3A_194 = arith.constant 0 : i32
      %dma_start3A_195 = tpu.memref_slice %arg11[%dma_start3A_193, %dma_start3A_194] : memref<10112x80xf32, #tpu.memory_space<vmem_shared>> -> memref<10112x80xf32, #tpu.memory_space<vmem_shared>>
      tpu.enqueue_indirect_dma source(%dma_start3A_189 : memref<80x80xf32, #tpu.memory_space<vmem>>) target(%dma_start3A_195 : memref<10112x80xf32, #tpu.memory_space<vmem_shared>>) offsets(%dma_start3A_192 : memref<80xi32, #tpu.memory_space<vmem>>) semaphore(%arg16 : memref<!tpu.dma_semaphore, #tpu.memory_space<semaphore_mem>>) {add = true}
      %lt3A = arith.constant 63 : i32
      %lt3A_196 = arith.cmpi slt, %add3A_134, %lt3A : i32
      %convert_element_type3A_197 = arith.extui %lt3A_196 : i1 to i32
      %cond3A_198 = arith.constant 0 : i32
      %cond3A_199 = arith.cmpi ne, %convert_element_type3A_197, %cond3A_198 : i32
      scf.if %cond3A_199 {
        %dma_wait3A_200 = arith.constant 0 : i32
        %dma_wait3A_201 = arith.constant 0 : i32
        %dma_wait3A_202 = arith.constant 0 : i32
        %dma_wait3A_203 = tpu.memref_slice %arg10[%dma_wait3A_200, %dma_wait3A_201, %dma_wait3A_202] : memref<2x80x80xf32, #tpu.memory_space<vmem>> -> memref<1x80x80xf32, #tpu.memory_space<vmem>>
        %dma_wait3A_204 = tpu.memref_squeeze %dma_wait3A_203 : memref<1x80x80xf32, #tpu.memory_space<vmem>> -> memref<80x80xf32, #tpu.memory_space<vmem>>
        %dma_wait3A_205 = arith.constant 0 : i32
        %dma_wait3A_206 = arith.constant 0 : i32
        %dma_wait3A_207 = tpu.memref_slice %arg11[%dma_wait3A_205, %dma_wait3A_206] : memref<10112x80xf32, #tpu.memory_space<vmem_shared>> -> memref<80x80xf32, #tpu.memory_space<vmem_shared>>
        %dma_wait3A_208 = arith.constant 0 : i32
        %dma_wait3A_209 = arith.constant 0 : i32
        %dma_wait3A_210 = tpu.memref_slice %arg11[%dma_wait3A_208, %dma_wait3A_209] : memref<10112x80xf32, #tpu.memory_space<vmem_shared>> -> memref<80x80xf32, #tpu.memory_space<vmem_shared>>
        %dma_wait3A_211 = arith.constant 0 : i32
        %dma_wait3A_212 = arith.constant 0 : i32
        %dma_wait3A_213 = tpu.memref_slice %arg10[%dma_wait3A_200, %dma_wait3A_211, %dma_wait3A_212] : memref<2x80x80xf32, #tpu.memory_space<vmem>> -> memref<1x80x80xf32, #tpu.memory_space<vmem>>
        %dma_wait3A_214 = tpu.memref_squeeze %dma_wait3A_213 : memref<1x80x80xf32, #tpu.memory_space<vmem>> -> memref<80x80xf32, #tpu.memory_space<vmem>>
        tpu.wait_dma2 semaphore(%arg15 : memref<!tpu.dma_semaphore, #tpu.memory_space<semaphore_mem>>) src(%dma_wait3A_214 : memref<80x80xf32, #tpu.memory_space<vmem>>) dst(%dma_wait3A_210 : memref<80x80xf32, #tpu.memory_space<vmem_shared>>)
        %add3A_215 = arith.constant 1 : i32
        %add3A_216 = arith.addi %add3A_134, %add3A_215 : i32
        %mul3A_217 = arith.constant 2 : i32
        %mul3A_218 = arith.muli %add3A_216, %mul3A_217 : i32
        %add3A_219 = arith.constant 0 : i32
        %add3A_220 = arith.addi %mul3A_218, %add3A_219 : i32
        %dma_start3A_221 = arith.constant 0 : i32
        %dma_start3A_222 = arith.constant 0 : i32
        %dma_start3A_223 = tpu.memref_slice %arg9[%dma_start3A_221, %dma_start3A_222] : memref<2x80xi32, #tpu.memory_space<vmem>> -> memref<1x80xi32, #tpu.memory_space<vmem>>
        %dma_start3A_224 = tpu.memref_squeeze %dma_start3A_223 : memref<1x80xi32, #tpu.memory_space<vmem>> -> memref<80xi32, #tpu.memory_space<vmem>>
        %dma_start3A_225 = arith.constant 0 : i32
        %dma_start3A_226 = tpu.memref_slice %arg5[%add3A, %add3A_220, %dma_start3A_225] : memref<32x128x80xi32, #tpu.memory_space<hbm>> -> memref<1x1x80xi32, #tpu.memory_space<hbm>>
        %dma_start3A_227 = tpu.memref_squeeze %dma_start3A_226 : memref<1x1x80xi32, #tpu.memory_space<hbm>> -> memref<80xi32, #tpu.memory_space<hbm>>
        %dma_start3A_228 = arith.constant 0 : i32
        %dma_start3A_229 = tpu.memref_slice %arg9[%dma_start3A_221, %dma_start3A_228] : memref<2x80xi32, #tpu.memory_space<vmem>> -> memref<1x80xi32, #tpu.memory_space<vmem>>
        %dma_start3A_230 = tpu.memref_squeeze %dma_start3A_229 : memref<1x80xi32, #tpu.memory_space<vmem>> -> memref<80xi32, #tpu.memory_space<vmem>>
        %dma_start3A_231 = arith.constant 0 : i32
        %dma_start3A_232 = tpu.memref_slice %arg5[%add3A, %add3A_220, %dma_start3A_231] : memref<32x128x80xi32, #tpu.memory_space<hbm>> -> memref<1x1x80xi32, #tpu.memory_space<hbm>>
        %dma_start3A_233 = tpu.memref_squeeze %dma_start3A_232 : memref<1x1x80xi32, #tpu.memory_space<hbm>> -> memref<80xi32, #tpu.memory_space<hbm>>
        tpu.enqueue_dma source(%dma_start3A_233 : memref<80xi32, #tpu.memory_space<hbm>>) target(%dma_start3A_230 : memref<80xi32, #tpu.memory_space<vmem>>) target_semaphore(%arg17 : memref<!tpu.dma_semaphore, #tpu.memory_space<semaphore_mem>>)
        %add3A_234 = arith.constant 1 : i32
        %add3A_235 = arith.addi %add3A_134, %add3A_234 : i32
        %mul3A_236 = arith.constant 2 : i32
        %mul3A_237 = arith.muli %add3A_235, %mul3A_236 : i32
        %add3A_238 = arith.constant 0 : i32
        %add3A_239 = arith.addi %mul3A_237, %add3A_238 : i32
        %dma_start3A_240 = arith.constant 0 : i32
        %dma_start3A_241 = arith.constant 0 : i32
        %dma_start3A_242 = arith.constant 0 : i32
        %dma_start3A_243 = tpu.memref_slice %arg10[%dma_start3A_240, %dma_start3A_241, %dma_start3A_242] : memref<2x80x80xf32, #tpu.memory_space<vmem>> -> memref<1x80x80xf32, #tpu.memory_space<vmem>>
        %dma_start3A_244 = tpu.memref_squeeze %dma_start3A_243 : memref<1x80x80xf32, #tpu.memory_space<vmem>> -> memref<80x80xf32, #tpu.memory_space<vmem>>
        %dma_start3A_245 = arith.constant 0 : i32
        %dma_start3A_246 = tpu.memref_slice %arg8[%add3A_239, %dma_start3A_245] : memref<128x80xi32, #tpu.memory_space<vmem>> -> memref<1x80xi32, #tpu.memory_space<vmem>>
        %dma_start3A_247 = tpu.memref_squeeze %dma_start3A_246 : memref<1x80xi32, #tpu.memory_space<vmem>> -> memref<80xi32, #tpu.memory_space<vmem>>
        %dma_start3A_248 = arith.constant 0 : i32
        %dma_start3A_249 = arith.constant 0 : i32
        %dma_start3A_250 = tpu.memref_slice %arg12[%dma_start3A_248, %dma_start3A_249] : memref<10112x80xf32, #tpu.memory_space<vmem_shared>> -> memref<10112x80xf32, #tpu.memory_space<vmem_shared>>
        tpu.enqueue_indirect_dma source(%dma_start3A_250 : memref<10112x80xf32, #tpu.memory_space<vmem_shared>>) target(%dma_start3A_244 : memref<80x80xf32, #tpu.memory_space<vmem>>) offsets(%dma_start3A_247 : memref<80xi32, #tpu.memory_space<vmem>>) semaphore(%arg13 : memref<!tpu.dma_semaphore, #tpu.memory_space<semaphore_mem>>)
        %dma_wait3A_251 = arith.constant 1 : i32
        %dma_wait3A_252 = arith.constant 0 : i32
        %dma_wait3A_253 = arith.constant 0 : i32
        %dma_wait3A_254 = tpu.memref_slice %arg10[%dma_wait3A_251, %dma_wait3A_252, %dma_wait3A_253] : memref<2x80x80xf32, #tpu.memory_space<vmem>> -> memref<1x80x80xf32, #tpu.memory_space<vmem>>
        %dma_wait3A_255 = tpu.memref_squeeze %dma_wait3A_254 : memref<1x80x80xf32, #tpu.memory_space<vmem>> -> memref<80x80xf32, #tpu.memory_space<vmem>>
        %dma_wait3A_256 = arith.constant 0 : i32
        %dma_wait3A_257 = arith.constant 0 : i32
        %dma_wait3A_258 = tpu.memref_slice %arg11[%dma_wait3A_256, %dma_wait3A_257] : memref<10112x80xf32, #tpu.memory_space<vmem_shared>> -> memref<80x80xf32, #tpu.memory_space<vmem_shared>>
        %dma_wait3A_259 = arith.constant 0 : i32
        %dma_wait3A_260 = arith.constant 0 : i32
        %dma_wait3A_261 = tpu.memref_slice %arg11[%dma_wait3A_259, %dma_wait3A_260] : memref<10112x80xf32, #tpu.memory_space<vmem_shared>> -> memref<80x80xf32, #tpu.memory_space<vmem_shared>>
        %dma_wait3A_262 = arith.constant 0 : i32
        %dma_wait3A_263 = arith.constant 0 : i32
        %dma_wait3A_264 = tpu.memref_slice %arg10[%dma_wait3A_251, %dma_wait3A_262, %dma_wait3A_263] : memref<2x80x80xf32, #tpu.memory_space<vmem>> -> memref<1x80x80xf32, #tpu.memory_space<vmem>>
        %dma_wait3A_265 = tpu.memref_squeeze %dma_wait3A_264 : memref<1x80x80xf32, #tpu.memory_space<vmem>> -> memref<80x80xf32, #tpu.memory_space<vmem>>
        tpu.wait_dma2 semaphore(%arg16 : memref<!tpu.dma_semaphore, #tpu.memory_space<semaphore_mem>>) src(%dma_wait3A_265 : memref<80x80xf32, #tpu.memory_space<vmem>>) dst(%dma_wait3A_261 : memref<80x80xf32, #tpu.memory_space<vmem_shared>>)
        %add3A_266 = arith.constant 1 : i32
        %add3A_267 = arith.addi %add3A_134, %add3A_266 : i32
        %mul3A_268 = arith.constant 2 : i32
        %mul3A_269 = arith.muli %add3A_267, %mul3A_268 : i32
        %add3A_270 = arith.constant 1 : i32
        %add3A_271 = arith.addi %mul3A_269, %add3A_270 : i32
        %dma_start3A_272 = arith.constant 1 : i32
        %dma_start3A_273 = arith.constant 0 : i32
        %dma_start3A_274 = tpu.memref_slice %arg9[%dma_start3A_272, %dma_start3A_273] : memref<2x80xi32, #tpu.memory_space<vmem>> -> memref<1x80xi32, #tpu.memory_space<vmem>>
        %dma_start3A_275 = tpu.memref_squeeze %dma_start3A_274 : memref<1x80xi32, #tpu.memory_space<vmem>> -> memref<80xi32, #tpu.memory_space<vmem>>
        %dma_start3A_276 = arith.constant 0 : i32
        %dma_start3A_277 = tpu.memref_slice %arg5[%add3A, %add3A_271, %dma_start3A_276] : memref<32x128x80xi32, #tpu.memory_space<hbm>> -> memref<1x1x80xi32, #tpu.memory_space<hbm>>
        %dma_start3A_278 = tpu.memref_squeeze %dma_start3A_277 : memref<1x1x80xi32, #tpu.memory_space<hbm>> -> memref<80xi32, #tpu.memory_space<hbm>>
        %dma_start3A_279 = arith.constant 0 : i32
        %dma_start3A_280 = tpu.memref_slice %arg9[%dma_start3A_272, %dma_start3A_279] : memref<2x80xi32, #tpu.memory_space<vmem>> -> memref<1x80xi32, #tpu.memory_space<vmem>>
        %dma_start3A_281 = tpu.memref_squeeze %dma_start3A_280 : memref<1x80xi32, #tpu.memory_space<vmem>> -> memref<80xi32, #tpu.memory_space<vmem>>
        %dma_start3A_282 = arith.constant 0 : i32
        %dma_start3A_283 = tpu.memref_slice %arg5[%add3A, %add3A_271, %dma_start3A_282] : memref<32x128x80xi32, #tpu.memory_space<hbm>> -> memref<1x1x80xi32, #tpu.memory_space<hbm>>
        %dma_start3A_284 = tpu.memref_squeeze %dma_start3A_283 : memref<1x1x80xi32, #tpu.memory_space<hbm>> -> memref<80xi32, #tpu.memory_space<hbm>>
        tpu.enqueue_dma source(%dma_start3A_284 : memref<80xi32, #tpu.memory_space<hbm>>) target(%dma_start3A_281 : memref<80xi32, #tpu.memory_space<vmem>>) target_semaphore(%arg18 : memref<!tpu.dma_semaphore, #tpu.memory_space<semaphore_mem>>)
        %add3A_285 = arith.constant 1 : i32
        %add3A_286 = arith.addi %add3A_134, %add3A_285 : i32
        %mul3A_287 = arith.constant 2 : i32
        %mul3A_288 = arith.muli %add3A_286, %mul3A_287 : i32
        %add3A_289 = arith.constant 1 : i32
        %add3A_290 = arith.addi %mul3A_288, %add3A_289 : i32
        %dma_start3A_291 = arith.constant 1 : i32
        %dma_start3A_292 = arith.constant 0 : i32
        %dma_start3A_293 = arith.constant 0 : i32
        %dma_start3A_294 = tpu.memref_slice %arg10[%dma_start3A_291, %dma_start3A_292, %dma_start3A_293] : memref<2x80x80xf32, #tpu.memory_space<vmem>> -> memref<1x80x80xf32, #tpu.memory_space<vmem>>
        %dma_start3A_295 = tpu.memref_squeeze %dma_start3A_294 : memref<1x80x80xf32, #tpu.memory_space<vmem>> -> memref<80x80xf32, #tpu.memory_space<vmem>>
        %dma_start3A_296 = arith.constant 0 : i32
        %dma_start3A_297 = tpu.memref_slice %arg8[%add3A_290, %dma_start3A_296] : memref<128x80xi32, #tpu.memory_space<vmem>> -> memref<1x80xi32, #tpu.memory_space<vmem>>
        %dma_start3A_298 = tpu.memref_squeeze %dma_start3A_297 : memref<1x80xi32, #tpu.memory_space<vmem>> -> memref<80xi32, #tpu.memory_space<vmem>>
        %dma_start3A_299 = arith.constant 0 : i32
        %dma_start3A_300 = arith.constant 0 : i32
        %dma_start3A_301 = tpu.memref_slice %arg12[%dma_start3A_299, %dma_start3A_300] : memref<10112x80xf32, #tpu.memory_space<vmem_shared>> -> memref<10112x80xf32, #tpu.memory_space<vmem_shared>>
        tpu.enqueue_indirect_dma source(%dma_start3A_301 : memref<10112x80xf32, #tpu.memory_space<vmem_shared>>) target(%dma_start3A_295 : memref<80x80xf32, #tpu.memory_space<vmem>>) offsets(%dma_start3A_298 : memref<80xi32, #tpu.memory_space<vmem>>) semaphore(%arg14 : memref<!tpu.dma_semaphore, #tpu.memory_space<semaphore_mem>>)
      } else {
      }
    }
    %scan3A_32 = arith.constant 64 : i32
    %dma_wait3A = arith.constant 0 : i32
    %dma_wait3A_33 = arith.constant 0 : i32
    %dma_wait3A_34 = arith.constant 0 : i32
    %dma_wait3A_35 = tpu.memref_slice %arg10[%dma_wait3A, %dma_wait3A_33, %dma_wait3A_34] : memref<2x80x80xf32, #tpu.memory_space<vmem>> -> memref<1x80x80xf32, #tpu.memory_space<vmem>>
    %dma_wait3A_36 = tpu.memref_squeeze %dma_wait3A_35 : memref<1x80x80xf32, #tpu.memory_space<vmem>> -> memref<80x80xf32, #tpu.memory_space<vmem>>
    %dma_wait3A_37 = arith.constant 0 : i32
    %dma_wait3A_38 = arith.constant 0 : i32
    %dma_wait3A_39 = tpu.memref_slice %arg11[%dma_wait3A_37, %dma_wait3A_38] : memref<10112x80xf32, #tpu.memory_space<vmem_shared>> -> memref<80x80xf32, #tpu.memory_space<vmem_shared>>
    %dma_wait3A_40 = arith.constant 0 : i32
    %dma_wait3A_41 = arith.constant 0 : i32
    %dma_wait3A_42 = tpu.memref_slice %arg11[%dma_wait3A_40, %dma_wait3A_41] : memref<10112x80xf32, #tpu.memory_space<vmem_shared>> -> memref<80x80xf32, #tpu.memory_space<vmem_shared>>
    %dma_wait3A_43 = arith.constant 0 : i32
    %dma_wait3A_44 = arith.constant 0 : i32
    %dma_wait3A_45 = tpu.memref_slice %arg10[%dma_wait3A, %dma_wait3A_43, %dma_wait3A_44] : memref<2x80x80xf32, #tpu.memory_space<vmem>> -> memref<1x80x80xf32, #tpu.memory_space<vmem>>
    %dma_wait3A_46 = tpu.memref_squeeze %dma_wait3A_45 : memref<1x80x80xf32, #tpu.memory_space<vmem>> -> memref<80x80xf32, #tpu.memory_space<vmem>>
    tpu.wait_dma2 semaphore(%arg15 : memref<!tpu.dma_semaphore, #tpu.memory_space<semaphore_mem>>) src(%dma_wait3A_46 : memref<80x80xf32, #tpu.memory_space<vmem>>) dst(%dma_wait3A_42 : memref<80x80xf32, #tpu.memory_space<vmem_shared>>)
    %dma_wait3A_47 = arith.constant 1 : i32
    %dma_wait3A_48 = arith.constant 0 : i32
    %dma_wait3A_49 = arith.constant 0 : i32
    %dma_wait3A_50 = tpu.memref_slice %arg10[%dma_wait3A_47, %dma_wait3A_48, %dma_wait3A_49] : memref<2x80x80xf32, #tpu.memory_space<vmem>> -> memref<1x80x80xf32, #tpu.memory_space<vmem>>
    %dma_wait3A_51 = tpu.memref_squeeze %dma_wait3A_50 : memref<1x80x80xf32, #tpu.memory_space<vmem>> -> memref<80x80xf32, #tpu.memory_space<vmem>>
    %dma_wait3A_52 = arith.constant 0 : i32
    %dma_wait3A_53 = arith.constant 0 : i32
    %dma_wait3A_54 = tpu.memref_slice %arg11[%dma_wait3A_52, %dma_wait3A_53] : memref<10112x80xf32, #tpu.memory_space<vmem_shared>> -> memref<80x80xf32, #tpu.memory_space<vmem_shared>>
    %dma_wait3A_55 = arith.constant 0 : i32
    %dma_wait3A_56 = arith.constant 0 : i32
    %dma_wait3A_57 = tpu.memref_slice %arg11[%dma_wait3A_55, %dma_wait3A_56] : memref<10112x80xf32, #tpu.memory_space<vmem_shared>> -> memref<80x80xf32, #tpu.memory_space<vmem_shared>>
    %dma_wait3A_58 = arith.constant 0 : i32
    %dma_wait3A_59 = arith.constant 0 : i32
    %dma_wait3A_60 = tpu.memref_slice %arg10[%dma_wait3A_47, %dma_wait3A_58, %dma_wait3A_59] : memref<2x80x80xf32, #tpu.memory_space<vmem>> -> memref<1x80x80xf32, #tpu.memory_space<vmem>>
    %dma_wait3A_61 = tpu.memref_squeeze %dma_wait3A_60 : memref<1x80x80xf32, #tpu.memory_space<vmem>> -> memref<80x80xf32, #tpu.memory_space<vmem>>
    tpu.wait_dma2 semaphore(%arg16 : memref<!tpu.dma_semaphore, #tpu.memory_space<semaphore_mem>>) src(%dma_wait3A_61 : memref<80x80xf32, #tpu.memory_space<vmem>>) dst(%dma_wait3A_57 : memref<80x80xf32, #tpu.memory_space<vmem_shared>>)
    %barrier3A_62 = arith.constant 0 : index
    tpu.barrier barrier_id(%barrier3A_62)
    %run_scoped3A_63 = arith.constant 0 : i32
    "tpu.region"() ({
      %run_scoped3A_130 = tpu.sem_alloc : memref<!tpu.dma_semaphore, #tpu.memory_space<semaphore_mem>>
      %dma_start3A_131 = arith.constant 0 : i32
      %dma_start3A_132 = tpu.memref_slice %arg7[%run_scoped3A_63, %arg0, %mul3A_2, %dma_start3A_131] : memref<2x2x10112x80xf32, #tpu.memory_space<hbm>> -> memref<1x1x632x80xf32, #tpu.memory_space<hbm>>
      %dma_start3A_133 = tpu.memref_squeeze %dma_start3A_132 : memref<1x1x632x80xf32, #tpu.memory_space<hbm>> -> memref<632x80xf32, #tpu.memory_space<hbm>>
      %dma_start3A_134 = arith.constant 0 : i32
      %dma_start3A_135 = tpu.memref_slice %arg11[%mul3A_2, %dma_start3A_134] : memref<10112x80xf32, #tpu.memory_space<vmem_shared>> -> memref<632x80xf32, #tpu.memory_space<vmem_shared>>
      tpu.enqueue_dma source(%dma_start3A_135 : memref<632x80xf32, #tpu.memory_space<vmem_shared>>) target(%dma_start3A_133 : memref<632x80xf32, #tpu.memory_space<hbm>>) target_semaphore(%run_scoped3A_130 : memref<!tpu.dma_semaphore, #tpu.memory_space<semaphore_mem>>)
      %dma_wait3A_136 = arith.constant 0 : i32
      %dma_wait3A_137 = tpu.memref_slice %arg7[%run_scoped3A_63, %arg0, %mul3A_2, %dma_wait3A_136] : memref<2x2x10112x80xf32, #tpu.memory_space<hbm>> -> memref<1x1x632x80xf32, #tpu.memory_space<hbm>>
      %dma_wait3A_138 = tpu.memref_squeeze %dma_wait3A_137 : memref<1x1x632x80xf32, #tpu.memory_space<hbm>> -> memref<632x80xf32, #tpu.memory_space<hbm>>
      %dma_wait3A_139 = arith.constant 0 : i32
      %dma_wait3A_140 = tpu.memref_slice %arg11[%mul3A_2, %dma_wait3A_139] : memref<10112x80xf32, #tpu.memory_space<vmem_shared>> -> memref<632x80xf32, #tpu.memory_space<vmem_shared>>
      tpu.wait_dma2 semaphore(%run_scoped3A_130 : memref<!tpu.dma_semaphore, #tpu.memory_space<semaphore_mem>>) src(%dma_wait3A_140 : memref<632x80xf32, #tpu.memory_space<vmem_shared>>) dst(%dma_wait3A_138 : memref<632x80xf32, #tpu.memory_space<hbm>>)
      tpu.yield
    }) : () -> ()
    "tpu.region"() ({
      %run_scoped3A_130 = tpu.sem_alloc : memref<!tpu.dma_semaphore, #tpu.memory_space<semaphore_mem>>
      %dma_start3A_131 = arith.constant 0 : i32
      %dma_start3A_132 = tpu.memref_slice %arg12[%mul3A_2, %dma_start3A_131] : memref<10112x80xf32, #tpu.memory_space<vmem_shared>> -> memref<632x80xf32, #tpu.memory_space<vmem_shared>>
      %dma_start3A_133 = arith.constant 0 : i32
      %dma_start3A_134 = tpu.memref_slice %arg3[%mul3A_2, %dma_start3A_133] : memref<10112x80xf32, #tpu.memory_space<hbm>> -> memref<632x80xf32, #tpu.memory_space<hbm>>
      tpu.enqueue_dma source(%dma_start3A_134 : memref<632x80xf32, #tpu.memory_space<hbm>>) target(%dma_start3A_132 : memref<632x80xf32, #tpu.memory_space<vmem_shared>>) target_semaphore(%run_scoped3A_130 : memref<!tpu.dma_semaphore, #tpu.memory_space<semaphore_mem>>)
      %dma_wait3A_135 = arith.constant 0 : i32
      %dma_wait3A_136 = tpu.memref_slice %arg12[%mul3A_2, %dma_wait3A_135] : memref<10112x80xf32, #tpu.memory_space<vmem_shared>> -> memref<632x80xf32, #tpu.memory_space<vmem_shared>>
      %dma_wait3A_137 = arith.constant 0 : i32
      %dma_wait3A_138 = tpu.memref_slice %arg3[%mul3A_2, %dma_wait3A_137] : memref<10112x80xf32, #tpu.memory_space<hbm>> -> memref<632x80xf32, #tpu.memory_space<hbm>>
      tpu.wait_dma2 semaphore(%run_scoped3A_130 : memref<!tpu.dma_semaphore, #tpu.memory_space<semaphore_mem>>) src(%dma_wait3A_138 : memref<632x80xf32, #tpu.memory_space<hbm>>) dst(%dma_wait3A_136 : memref<632x80xf32, #tpu.memory_space<vmem_shared>>)
      tpu.yield
    }) : () -> ()
    "tpu.region"() ({
      %run_scoped3A_130 = tpu.sem_alloc : memref<!tpu.dma_semaphore, #tpu.memory_space<semaphore_mem>>
      %dma_start3A_131 = arith.constant 0 : i32
      %dma_start3A_132 = tpu.memref_slice %arg11[%mul3A_2, %dma_start3A_131] : memref<10112x80xf32, #tpu.memory_space<vmem_shared>> -> memref<632x80xf32, #tpu.memory_space<vmem_shared>>
      %dma_start3A_133 = arith.constant 0 : i32
      %dma_start3A_134 = tpu.memref_slice %arg6[%mul3A_2, %dma_start3A_133] : memref<10112x80xf32, #tpu.memory_space<hbm>> -> memref<632x80xf32, #tpu.memory_space<hbm>>
      tpu.enqueue_dma source(%dma_start3A_134 : memref<632x80xf32, #tpu.memory_space<hbm>>) target(%dma_start3A_132 : memref<632x80xf32, #tpu.memory_space<vmem_shared>>) target_semaphore(%run_scoped3A_130 : memref<!tpu.dma_semaphore, #tpu.memory_space<semaphore_mem>>)
      %dma_wait3A_135 = arith.constant 0 : i32
      %dma_wait3A_136 = tpu.memref_slice %arg11[%mul3A_2, %dma_wait3A_135] : memref<10112x80xf32, #tpu.memory_space<vmem_shared>> -> memref<632x80xf32, #tpu.memory_space<vmem_shared>>
      %dma_wait3A_137 = arith.constant 0 : i32
      %dma_wait3A_138 = tpu.memref_slice %arg6[%mul3A_2, %dma_wait3A_137] : memref<10112x80xf32, #tpu.memory_space<hbm>> -> memref<632x80xf32, #tpu.memory_space<hbm>>
      tpu.wait_dma2 semaphore(%run_scoped3A_130 : memref<!tpu.dma_semaphore, #tpu.memory_space<semaphore_mem>>) src(%dma_wait3A_138 : memref<632x80xf32, #tpu.memory_space<hbm>>) dst(%dma_wait3A_136 : memref<632x80xf32, #tpu.memory_space<vmem_shared>>)
      tpu.yield
    }) : () -> ()
    %barrier3A_64 = arith.constant 0 : index
    tpu.barrier barrier_id(%barrier3A_64)
    %run_scoped3A_65 = arith.constant 0 : i32
    %run_scoped3A_66 = arith.constant 0 : i32
    "tpu.region"() ({
      %run_scoped3A_130 = tpu.sem_alloc : memref<!tpu.dma_semaphore, #tpu.memory_space<semaphore_mem>>
      %dma_start3A_131 = arith.constant 0 : i32
      %dma_start3A_132 = tpu.memref_slice %arg9[%run_scoped3A_66, %dma_start3A_131] : memref<2x80xi32, #tpu.memory_space<vmem>> -> memref<1x80xi32, #tpu.memory_space<vmem>>
      %dma_start3A_133 = tpu.memref_squeeze %dma_start3A_132 : memref<1x80xi32, #tpu.memory_space<vmem>> -> memref<80xi32, #tpu.memory_space<vmem>>
      %dma_start3A_134 = arith.constant 0 : i32
      %dma_start3A_135 = tpu.memref_slice %arg5[%add3A, %run_scoped3A_65, %dma_start3A_134] : memref<32x128x80xi32, #tpu.memory_space<hbm>> -> memref<1x1x80xi32, #tpu.memory_space<hbm>>
      %dma_start3A_136 = tpu.memref_squeeze %dma_start3A_135 : memref<1x1x80xi32, #tpu.memory_space<hbm>> -> memref<80xi32, #tpu.memory_space<hbm>>
      %dma_start3A_137 = arith.constant 0 : i32
      %dma_start3A_138 = tpu.memref_slice %arg9[%run_scoped3A_66, %dma_start3A_137] : memref<2x80xi32, #tpu.memory_space<vmem>> -> memref<1x80xi32, #tpu.memory_space<vmem>>
      %dma_start3A_139 = tpu.memref_squeeze %dma_start3A_138 : memref<1x80xi32, #tpu.memory_space<vmem>> -> memref<80xi32, #tpu.memory_space<vmem>>
      %dma_start3A_140 = arith.constant 0 : i32
      %dma_start3A_141 = tpu.memref_slice %arg5[%add3A, %run_scoped3A_65, %dma_start3A_140] : memref<32x128x80xi32, #tpu.memory_space<hbm>> -> memref<1x1x80xi32, #tpu.memory_space<hbm>>
      %dma_start3A_142 = tpu.memref_squeeze %dma_start3A_141 : memref<1x1x80xi32, #tpu.memory_space<hbm>> -> memref<80xi32, #tpu.memory_space<hbm>>
      tpu.enqueue_dma source(%dma_start3A_142 : memref<80xi32, #tpu.memory_space<hbm>>) target(%dma_start3A_139 : memref<80xi32, #tpu.memory_space<vmem>>) target_semaphore(%run_scoped3A_130 : memref<!tpu.dma_semaphore, #tpu.memory_space<semaphore_mem>>)
      %dma_wait3A_143 = arith.constant 0 : i32
      %dma_wait3A_144 = tpu.memref_slice %arg9[%run_scoped3A_66, %dma_wait3A_143] : memref<2x80xi32, #tpu.memory_space<vmem>> -> memref<1x80xi32, #tpu.memory_space<vmem>>
      %dma_wait3A_145 = tpu.memref_squeeze %dma_wait3A_144 : memref<1x80xi32, #tpu.memory_space<vmem>> -> memref<80xi32, #tpu.memory_space<vmem>>
      %dma_wait3A_146 = arith.constant 0 : i32
      %dma_wait3A_147 = tpu.memref_slice %arg5[%add3A, %run_scoped3A_65, %dma_wait3A_146] : memref<32x128x80xi32, #tpu.memory_space<hbm>> -> memref<1x1x80xi32, #tpu.memory_space<hbm>>
      %dma_wait3A_148 = tpu.memref_squeeze %dma_wait3A_147 : memref<1x1x80xi32, #tpu.memory_space<hbm>> -> memref<80xi32, #tpu.memory_space<hbm>>
      %dma_wait3A_149 = arith.constant 0 : i32
      %dma_wait3A_150 = tpu.memref_slice %arg9[%run_scoped3A_66, %dma_wait3A_149] : memref<2x80xi32, #tpu.memory_space<vmem>> -> memref<1x80xi32, #tpu.memory_space<vmem>>
      %dma_wait3A_151 = tpu.memref_squeeze %dma_wait3A_150 : memref<1x80xi32, #tpu.memory_space<vmem>> -> memref<80xi32, #tpu.memory_space<vmem>>
      %dma_wait3A_152 = arith.constant 0 : i32
      %dma_wait3A_153 = tpu.memref_slice %arg5[%add3A, %run_scoped3A_65, %dma_wait3A_152] : memref<32x128x80xi32, #tpu.memory_space<hbm>> -> memref<1x1x80xi32, #tpu.memory_space<hbm>>
      %dma_wait3A_154 = tpu.memref_squeeze %dma_wait3A_153 : memref<1x1x80xi32, #tpu.memory_space<hbm>> -> memref<80xi32, #tpu.memory_space<hbm>>
      tpu.wait_dma2 semaphore(%run_scoped3A_130 : memref<!tpu.dma_semaphore, #tpu.memory_space<semaphore_mem>>) src(%dma_wait3A_154 : memref<80xi32, #tpu.memory_space<hbm>>) dst(%dma_wait3A_151 : memref<80xi32, #tpu.memory_space<vmem>>)
      tpu.yield
    }) : () -> ()
    %dma_start3A_67 = arith.constant 0 : i32
    %dma_start3A_68 = arith.constant 0 : i32
    %dma_start3A_69 = arith.constant 0 : i32
    %dma_start3A_70 = arith.constant 0 : i32
    %dma_start3A_71 = tpu.memref_slice %arg10[%dma_start3A_68, %dma_start3A_69, %dma_start3A_70] : memref<2x80x80xf32, #tpu.memory_space<vmem>> -> memref<1x80x80xf32, #tpu.memory_space<vmem>>
    %dma_start3A_72 = tpu.memref_squeeze %dma_start3A_71 : memref<1x80x80xf32, #tpu.memory_space<vmem>> -> memref<80x80xf32, #tpu.memory_space<vmem>>
    %dma_start3A_73 = arith.constant 0 : i32
    %dma_start3A_74 = tpu.memref_slice %arg8[%dma_start3A_67, %dma_start3A_73] : memref<128x80xi32, #tpu.memory_space<vmem>> -> memref<1x80xi32, #tpu.memory_space<vmem>>
    %dma_start3A_75 = tpu.memref_squeeze %dma_start3A_74 : memref<1x80xi32, #tpu.memory_space<vmem>> -> memref<80xi32, #tpu.memory_space<vmem>>
    %dma_start3A_76 = arith.constant 0 : i32
    %dma_start3A_77 = arith.constant 0 : i32
    %dma_start3A_78 = tpu.memref_slice %arg12[%dma_start3A_76, %dma_start3A_77] : memref<10112x80xf32, #tpu.memory_space<vmem_shared>> -> memref<10112x80xf32, #tpu.memory_space<vmem_shared>>
    tpu.enqueue_indirect_dma source(%dma_start3A_78 : memref<10112x80xf32, #tpu.memory_space<vmem_shared>>) target(%dma_start3A_72 : memref<80x80xf32, #tpu.memory_space<vmem>>) offsets(%dma_start3A_75 : memref<80xi32, #tpu.memory_space<vmem>>) semaphore(%arg13 : memref<!tpu.dma_semaphore, #tpu.memory_space<semaphore_mem>>)
    %run_scoped3A_79 = arith.constant 1 : i32
    %run_scoped3A_80 = arith.constant 1 : i32
    "tpu.region"() ({
      %run_scoped3A_130 = tpu.sem_alloc : memref<!tpu.dma_semaphore, #tpu.memory_space<semaphore_mem>>
      %dma_start3A_131 = arith.constant 0 : i32
      %dma_start3A_132 = tpu.memref_slice %arg9[%run_scoped3A_80, %dma_start3A_131] : memref<2x80xi32, #tpu.memory_space<vmem>> -> memref<1x80xi32, #tpu.memory_space<vmem>>
      %dma_start3A_133 = tpu.memref_squeeze %dma_start3A_132 : memref<1x80xi32, #tpu.memory_space<vmem>> -> memref<80xi32, #tpu.memory_space<vmem>>
      %dma_start3A_134 = arith.constant 0 : i32
      %dma_start3A_135 = tpu.memref_slice %arg5[%add3A, %run_scoped3A_79, %dma_start3A_134] : memref<32x128x80xi32, #tpu.memory_space<hbm>> -> memref<1x1x80xi32, #tpu.memory_space<hbm>>
      %dma_start3A_136 = tpu.memref_squeeze %dma_start3A_135 : memref<1x1x80xi32, #tpu.memory_space<hbm>> -> memref<80xi32, #tpu.memory_space<hbm>>
      %dma_start3A_137 = arith.constant 0 : i32
      %dma_start3A_138 = tpu.memref_slice %arg9[%run_scoped3A_80, %dma_start3A_137] : memref<2x80xi32, #tpu.memory_space<vmem>> -> memref<1x80xi32, #tpu.memory_space<vmem>>
      %dma_start3A_139 = tpu.memref_squeeze %dma_start3A_138 : memref<1x80xi32, #tpu.memory_space<vmem>> -> memref<80xi32, #tpu.memory_space<vmem>>
      %dma_start3A_140 = arith.constant 0 : i32
      %dma_start3A_141 = tpu.memref_slice %arg5[%add3A, %run_scoped3A_79, %dma_start3A_140] : memref<32x128x80xi32, #tpu.memory_space<hbm>> -> memref<1x1x80xi32, #tpu.memory_space<hbm>>
      %dma_start3A_142 = tpu.memref_squeeze %dma_start3A_141 : memref<1x1x80xi32, #tpu.memory_space<hbm>> -> memref<80xi32, #tpu.memory_space<hbm>>
      tpu.enqueue_dma source(%dma_start3A_142 : memref<80xi32, #tpu.memory_space<hbm>>) target(%dma_start3A_139 : memref<80xi32, #tpu.memory_space<vmem>>) target_semaphore(%run_scoped3A_130 : memref<!tpu.dma_semaphore, #tpu.memory_space<semaphore_mem>>)
      %dma_wait3A_143 = arith.constant 0 : i32
      %dma_wait3A_144 = tpu.memref_slice %arg9[%run_scoped3A_80, %dma_wait3A_143] : memref<2x80xi32, #tpu.memory_space<vmem>> -> memref<1x80xi32, #tpu.memory_space<vmem>>
      %dma_wait3A_145 = tpu.memref_squeeze %dma_wait3A_144 : memref<1x80xi32, #tpu.memory_space<vmem>> -> memref<80xi32, #tpu.memory_space<vmem>>
      %dma_wait3A_146 = arith.constant 0 : i32
      %dma_wait3A_147 = tpu.memref_slice %arg5[%add3A, %run_scoped3A_79, %dma_wait3A_146] : memref<32x128x80xi32, #tpu.memory_space<hbm>> -> memref<1x1x80xi32, #tpu.memory_space<hbm>>
      %dma_wait3A_148 = tpu.memref_squeeze %dma_wait3A_147 : memref<1x1x80xi32, #tpu.memory_space<hbm>> -> memref<80xi32, #tpu.memory_space<hbm>>
      %dma_wait3A_149 = arith.constant 0 : i32
      %dma_wait3A_150 = tpu.memref_slice %arg9[%run_scoped3A_80, %dma_wait3A_149] : memref<2x80xi32, #tpu.memory_space<vmem>> -> memref<1x80xi32, #tpu.memory_space<vmem>>
      %dma_wait3A_151 = tpu.memref_squeeze %dma_wait3A_150 : memref<1x80xi32, #tpu.memory_space<vmem>> -> memref<80xi32, #tpu.memory_space<vmem>>
      %dma_wait3A_152 = arith.constant 0 : i32
      %dma_wait3A_153 = tpu.memref_slice %arg5[%add3A, %run_scoped3A_79, %dma_wait3A_152] : memref<32x128x80xi32, #tpu.memory_space<hbm>> -> memref<1x1x80xi32, #tpu.memory_space<hbm>>
      %dma_wait3A_154 = tpu.memref_squeeze %dma_wait3A_153 : memref<1x1x80xi32, #tpu.memory_space<hbm>> -> memref<80xi32, #tpu.memory_space<hbm>>
      tpu.wait_dma2 semaphore(%run_scoped3A_130 : memref<!tpu.dma_semaphore, #tpu.memory_space<semaphore_mem>>) src(%dma_wait3A_154 : memref<80xi32, #tpu.memory_space<hbm>>) dst(%dma_wait3A_151 : memref<80xi32, #tpu.memory_space<vmem>>)
      tpu.yield
    }) : () -> ()
    %dma_start3A_81 = arith.constant 1 : i32
    %dma_start3A_82 = arith.constant 1 : i32
    %dma_start3A_83 = arith.constant 0 : i32
    %dma_start3A_84 = arith.constant 0 : i32
    %dma_start3A_85 = tpu.memref_slice %arg10[%dma_start3A_82, %dma_start3A_83, %dma_start3A_84] : memref<2x80x80xf32, #tpu.memory_space<vmem>> -> memref<1x80x80xf32, #tpu.memory_space<vmem>>
    %dma_start3A_86 = tpu.memref_squeeze %dma_start3A_85 : memref<1x80x80xf32, #tpu.memory_space<vmem>> -> memref<80x80xf32, #tpu.memory_space<vmem>>
    %dma_start3A_87 = arith.constant 0 : i32
    %dma_start3A_88 = tpu.memref_slice %arg8[%dma_start3A_81, %dma_start3A_87] : memref<128x80xi32, #tpu.memory_space<vmem>> -> memref<1x80xi32, #tpu.memory_space<vmem>>
    %dma_start3A_89 = tpu.memref_squeeze %dma_start3A_88 : memref<1x80xi32, #tpu.memory_space<vmem>> -> memref<80xi32, #tpu.memory_space<vmem>>
    %dma_start3A_90 = arith.constant 0 : i32
    %dma_start3A_91 = arith.constant 0 : i32
    %dma_start3A_92 = tpu.memref_slice %arg12[%dma_start3A_90, %dma_start3A_91] : memref<10112x80xf32, #tpu.memory_space<vmem_shared>> -> memref<10112x80xf32, #tpu.memory_space<vmem_shared>>
    tpu.enqueue_indirect_dma source(%dma_start3A_92 : memref<10112x80xf32, #tpu.memory_space<vmem_shared>>) target(%dma_start3A_86 : memref<80x80xf32, #tpu.memory_space<vmem>>) offsets(%dma_start3A_89 : memref<80xi32, #tpu.memory_space<vmem>>) semaphore(%arg14 : memref<!tpu.dma_semaphore, #tpu.memory_space<semaphore_mem>>)
    %scan3A_93 = arith.constant 0 : i32
    %scan3A_94 = arith.constant 64 : i32
    %scan3A_95 = arith.addi %scan3A_93, %scan3A_94 : i32
    %scan3A_96 = arith.constant 1 : i32
    scf.for %scan3A_130 = %scan3A_93 to %scan3A_95 step %scan3A_96  : i32 {
      %mul3A_131 = arith.constant 1 : i32
      %mul3A_132 = arith.muli %scan3A_130, %mul3A_131 : i32
      %add3A_133 = arith.constant 0 : i32
      %add3A_134 = arith.addi %add3A_133, %mul3A_132 : i32
      %dma_wait3A_135 = arith.constant 0 : i32
      %dma_wait3A_136 = arith.constant 0 : i32
      %dma_wait3A_137 = arith.constant 0 : i32
      %dma_wait3A_138 = tpu.memref_slice %arg10[%dma_wait3A_135, %dma_wait3A_136, %dma_wait3A_137] : memref<2x80x80xf32, #tpu.memory_space<vmem>> -> memref<1x80x80xf32, #tpu.memory_space<vmem>>
      %dma_wait3A_139 = tpu.memref_squeeze %dma_wait3A_138 : memref<1x80x80xf32, #tpu.memory_space<vmem>> -> memref<80x80xf32, #tpu.memory_space<vmem>>
      %dma_wait3A_140 = arith.constant 0 : i32
      %dma_wait3A_141 = arith.constant 0 : i32
      %dma_wait3A_142 = tpu.memref_slice %arg6[%dma_wait3A_140, %dma_wait3A_141] : memref<10112x80xf32, #tpu.memory_space<hbm>> -> memref<80x80xf32, #tpu.memory_space<hbm>>
      %dma_wait3A_143 = arith.constant 0 : i32
      %dma_wait3A_144 = arith.constant 0 : i32
      %dma_wait3A_145 = tpu.memref_slice %arg10[%dma_wait3A_135, %dma_wait3A_143, %dma_wait3A_144] : memref<2x80x80xf32, #tpu.memory_space<vmem>> -> memref<1x80x80xf32, #tpu.memory_space<vmem>>
      %dma_wait3A_146 = tpu.memref_squeeze %dma_wait3A_145 : memref<1x80x80xf32, #tpu.memory_space<vmem>> -> memref<80x80xf32, #tpu.memory_space<vmem>>
      %dma_wait3A_147 = arith.constant 0 : i32
      %dma_wait3A_148 = arith.constant 0 : i32
      %dma_wait3A_149 = tpu.memref_slice %arg6[%dma_wait3A_147, %dma_wait3A_148] : memref<10112x80xf32, #tpu.memory_space<hbm>> -> memref<80x80xf32, #tpu.memory_space<hbm>>
      tpu.wait_dma2 semaphore(%arg13 : memref<!tpu.dma_semaphore, #tpu.memory_space<semaphore_mem>>) src(%dma_wait3A_149 : memref<80x80xf32, #tpu.memory_space<hbm>>) dst(%dma_wait3A_146 : memref<80x80xf32, #tpu.memory_space<vmem>>)
      %gt3A = arith.constant 0 : i32
      %gt3A_150 = arith.cmpi sgt, %add3A_134, %gt3A : i32
      %convert_element_type3A = arith.extui %gt3A_150 : i1 to i32
      %cond3A = arith.constant 0 : i32
      %cond3A_151 = arith.cmpi ne, %convert_element_type3A, %cond3A : i32
      scf.if %cond3A_151 {
        %dma_wait3A_200 = arith.constant 0 : i32
        %dma_wait3A_201 = arith.constant 0 : i32
        %dma_wait3A_202 = arith.constant 0 : i32
        %dma_wait3A_203 = tpu.memref_slice %arg9[%dma_wait3A_201, %dma_wait3A_202] : memref<2x80xi32, #tpu.memory_space<vmem>> -> memref<1x80xi32, #tpu.memory_space<vmem>>
        %dma_wait3A_204 = tpu.memref_squeeze %dma_wait3A_203 : memref<1x80xi32, #tpu.memory_space<vmem>> -> memref<80xi32, #tpu.memory_space<vmem>>
        %dma_wait3A_205 = arith.constant 0 : i32
        %dma_wait3A_206 = tpu.memref_slice %arg5[%add3A, %dma_wait3A_200, %dma_wait3A_205] : memref<32x128x80xi32, #tpu.memory_space<hbm>> -> memref<1x1x80xi32, #tpu.memory_space<hbm>>
        %dma_wait3A_207 = tpu.memref_squeeze %dma_wait3A_206 : memref<1x1x80xi32, #tpu.memory_space<hbm>> -> memref<80xi32, #tpu.memory_space<hbm>>
        %dma_wait3A_208 = arith.constant 0 : i32
        %dma_wait3A_209 = tpu.memref_slice %arg9[%dma_wait3A_201, %dma_wait3A_208] : memref<2x80xi32, #tpu.memory_space<vmem>> -> memref<1x80xi32, #tpu.memory_space<vmem>>
        %dma_wait3A_210 = tpu.memref_squeeze %dma_wait3A_209 : memref<1x80xi32, #tpu.memory_space<vmem>> -> memref<80xi32, #tpu.memory_space<vmem>>
        %dma_wait3A_211 = arith.constant 0 : i32
        %dma_wait3A_212 = tpu.memref_slice %arg5[%add3A, %dma_wait3A_200, %dma_wait3A_211] : memref<32x128x80xi32, #tpu.memory_space<hbm>> -> memref<1x1x80xi32, #tpu.memory_space<hbm>>
        %dma_wait3A_213 = tpu.memref_squeeze %dma_wait3A_212 : memref<1x1x80xi32, #tpu.memory_space<hbm>> -> memref<80xi32, #tpu.memory_space<hbm>>
        tpu.wait_dma2 semaphore(%arg17 : memref<!tpu.dma_semaphore, #tpu.memory_space<semaphore_mem>>) src(%dma_wait3A_213 : memref<80xi32, #tpu.memory_space<hbm>>) dst(%dma_wait3A_210 : memref<80xi32, #tpu.memory_space<vmem>>)
      } else {
      }
      %dma_start3A_152 = arith.constant 0 : i32
      %dma_start3A_153 = arith.constant 0 : i32
      %dma_start3A_154 = arith.constant 0 : i32
      %dma_start3A_155 = arith.constant 0 : i32
      %dma_start3A_156 = tpu.memref_slice %arg10[%dma_start3A_152, %dma_start3A_154, %dma_start3A_155] : memref<2x80x80xf32, #tpu.memory_space<vmem>> -> memref<1x80x80xf32, #tpu.memory_space<vmem>>
      %dma_start3A_157 = tpu.memref_squeeze %dma_start3A_156 : memref<1x80x80xf32, #tpu.memory_space<vmem>> -> memref<80x80xf32, #tpu.memory_space<vmem>>
      %dma_start3A_158 = arith.constant 0 : i32
      %dma_start3A_159 = tpu.memref_slice %arg9[%dma_start3A_153, %dma_start3A_158] : memref<2x80xi32, #tpu.memory_space<vmem>> -> memref<1x80xi32, #tpu.memory_space<vmem>>
      %dma_start3A_160 = tpu.memref_squeeze %dma_start3A_159 : memref<1x80xi32, #tpu.memory_space<vmem>> -> memref<80xi32, #tpu.memory_space<vmem>>
      %dma_start3A_161 = arith.constant 0 : i32
      %dma_start3A_162 = arith.constant 0 : i32
      %dma_start3A_163 = tpu.memref_slice %arg11[%dma_start3A_161, %dma_start3A_162] : memref<10112x80xf32, #tpu.memory_space<vmem_shared>> -> memref<10112x80xf32, #tpu.memory_space<vmem_shared>>
      tpu.enqueue_indirect_dma source(%dma_start3A_157 : memref<80x80xf32, #tpu.memory_space<vmem>>) target(%dma_start3A_163 : memref<10112x80xf32, #tpu.memory_space<vmem_shared>>) offsets(%dma_start3A_160 : memref<80xi32, #tpu.memory_space<vmem>>) semaphore(%arg15 : memref<!tpu.dma_semaphore, #tpu.memory_space<semaphore_mem>>) {add = true}
      %dma_wait3A_164 = arith.constant 1 : i32
      %dma_wait3A_165 = arith.constant 0 : i32
      %dma_wait3A_166 = arith.constant 0 : i32
      %dma_wait3A_167 = tpu.memref_slice %arg10[%dma_wait3A_164, %dma_wait3A_165, %dma_wait3A_166] : memref<2x80x80xf32, #tpu.memory_space<vmem>> -> memref<1x80x80xf32, #tpu.memory_space<vmem>>
      %dma_wait3A_168 = tpu.memref_squeeze %dma_wait3A_167 : memref<1x80x80xf32, #tpu.memory_space<vmem>> -> memref<80x80xf32, #tpu.memory_space<vmem>>
      %dma_wait3A_169 = arith.constant 0 : i32
      %dma_wait3A_170 = arith.constant 0 : i32
      %dma_wait3A_171 = tpu.memref_slice %arg6[%dma_wait3A_169, %dma_wait3A_170] : memref<10112x80xf32, #tpu.memory_space<hbm>> -> memref<80x80xf32, #tpu.memory_space<hbm>>
      %dma_wait3A_172 = arith.constant 0 : i32
      %dma_wait3A_173 = arith.constant 0 : i32
      %dma_wait3A_174 = tpu.memref_slice %arg10[%dma_wait3A_164, %dma_wait3A_172, %dma_wait3A_173] : memref<2x80x80xf32, #tpu.memory_space<vmem>> -> memref<1x80x80xf32, #tpu.memory_space<vmem>>
      %dma_wait3A_175 = tpu.memref_squeeze %dma_wait3A_174 : memref<1x80x80xf32, #tpu.memory_space<vmem>> -> memref<80x80xf32, #tpu.memory_space<vmem>>
      %dma_wait3A_176 = arith.constant 0 : i32
      %dma_wait3A_177 = arith.constant 0 : i32
      %dma_wait3A_178 = tpu.memref_slice %arg6[%dma_wait3A_176, %dma_wait3A_177] : memref<10112x80xf32, #tpu.memory_space<hbm>> -> memref<80x80xf32, #tpu.memory_space<hbm>>
      tpu.wait_dma2 semaphore(%arg14 : memref<!tpu.dma_semaphore, #tpu.memory_space<semaphore_mem>>) src(%dma_wait3A_178 : memref<80x80xf32, #tpu.memory_space<hbm>>) dst(%dma_wait3A_175 : memref<80x80xf32, #tpu.memory_space<vmem>>)
      %gt3A_179 = arith.constant 0 : i32
      %gt3A_180 = arith.cmpi sgt, %add3A_134, %gt3A_179 : i32
      %convert_element_type3A_181 = arith.extui %gt3A_180 : i1 to i32
      %cond3A_182 = arith.constant 0 : i32
      %cond3A_183 = arith.cmpi ne, %convert_element_type3A_181, %cond3A_182 : i32
      scf.if %cond3A_183 {
        %dma_wait3A_200 = arith.constant 0 : i32
        %dma_wait3A_201 = arith.constant 1 : i32
        %dma_wait3A_202 = arith.constant 0 : i32
        %dma_wait3A_203 = tpu.memref_slice %arg9[%dma_wait3A_201, %dma_wait3A_202] : memref<2x80xi32, #tpu.memory_space<vmem>> -> memref<1x80xi32, #tpu.memory_space<vmem>>
        %dma_wait3A_204 = tpu.memref_squeeze %dma_wait3A_203 : memref<1x80xi32, #tpu.memory_space<vmem>> -> memref<80xi32, #tpu.memory_space<vmem>>
        %dma_wait3A_205 = arith.constant 0 : i32
        %dma_wait3A_206 = tpu.memref_slice %arg5[%add3A, %dma_wait3A_200, %dma_wait3A_205] : memref<32x128x80xi32, #tpu.memory_space<hbm>> -> memref<1x1x80xi32, #tpu.memory_space<hbm>>
        %dma_wait3A_207 = tpu.memref_squeeze %dma_wait3A_206 : memref<1x1x80xi32, #tpu.memory_space<hbm>> -> memref<80xi32, #tpu.memory_space<hbm>>
        %dma_wait3A_208 = arith.constant 0 : i32
        %dma_wait3A_209 = tpu.memref_slice %arg9[%dma_wait3A_201, %dma_wait3A_208] : memref<2x80xi32, #tpu.memory_space<vmem>> -> memref<1x80xi32, #tpu.memory_space<vmem>>
        %dma_wait3A_210 = tpu.memref_squeeze %dma_wait3A_209 : memref<1x80xi32, #tpu.memory_space<vmem>> -> memref<80xi32, #tpu.memory_space<vmem>>
        %dma_wait3A_211 = arith.constant 0 : i32
        %dma_wait3A_212 = tpu.memref_slice %arg5[%add3A, %dma_wait3A_200, %dma_wait3A_211] : memref<32x128x80xi32, #tpu.memory_space<hbm>> -> memref<1x1x80xi32, #tpu.memory_space<hbm>>
        %dma_wait3A_213 = tpu.memref_squeeze %dma_wait3A_212 : memref<1x1x80xi32, #tpu.memory_space<hbm>> -> memref<80xi32, #tpu.memory_space<hbm>>
        tpu.wait_dma2 semaphore(%arg18 : memref<!tpu.dma_semaphore, #tpu.memory_space<semaphore_mem>>) src(%dma_wait3A_213 : memref<80xi32, #tpu.memory_space<hbm>>) dst(%dma_wait3A_210 : memref<80xi32, #tpu.memory_space<vmem>>)
      } else {
      }
      %dma_start3A_184 = arith.constant 1 : i32
      %dma_start3A_185 = arith.constant 1 : i32
      %dma_start3A_186 = arith.constant 0 : i32
      %dma_start3A_187 = arith.constant 0 : i32
      %dma_start3A_188 = tpu.memref_slice %arg10[%dma_start3A_184, %dma_start3A_186, %dma_start3A_187] : memref<2x80x80xf32, #tpu.memory_space<vmem>> -> memref<1x80x80xf32, #tpu.memory_space<vmem>>
      %dma_start3A_189 = tpu.memref_squeeze %dma_start3A_188 : memref<1x80x80xf32, #tpu.memory_space<vmem>> -> memref<80x80xf32, #tpu.memory_space<vmem>>
      %dma_start3A_190 = arith.constant 0 : i32
      %dma_start3A_191 = tpu.memref_slice %arg9[%dma_start3A_185, %dma_start3A_190] : memref<2x80xi32, #tpu.memory_space<vmem>> -> memref<1x80xi32, #tpu.memory_space<vmem>>
      %dma_start3A_192 = tpu.memref_squeeze %dma_start3A_191 : memref<1x80xi32, #tpu.memory_space<vmem>> -> memref<80xi32, #tpu.memory_space<vmem>>
      %dma_start3A_193 = arith.constant 0 : i32
      %dma_start3A_194 = arith.constant 0 : i32
      %dma_start3A_195 = tpu.memref_slice %arg11[%dma_start3A_193, %dma_start3A_194] : memref<10112x80xf32, #tpu.memory_space<vmem_shared>> -> memref<10112x80xf32, #tpu.memory_space<vmem_shared>>
      tpu.enqueue_indirect_dma source(%dma_start3A_189 : memref<80x80xf32, #tpu.memory_space<vmem>>) target(%dma_start3A_195 : memref<10112x80xf32, #tpu.memory_space<vmem_shared>>) offsets(%dma_start3A_192 : memref<80xi32, #tpu.memory_space<vmem>>) semaphore(%arg16 : memref<!tpu.dma_semaphore, #tpu.memory_space<semaphore_mem>>) {add = true}
      %lt3A = arith.constant 63 : i32
      %lt3A_196 = arith.cmpi slt, %add3A_134, %lt3A : i32
      %convert_element_type3A_197 = arith.extui %lt3A_196 : i1 to i32
      %cond3A_198 = arith.constant 0 : i32
      %cond3A_199 = arith.cmpi ne, %convert_element_type3A_197, %cond3A_198 : i32
      scf.if %cond3A_199 {
        %dma_wait3A_200 = arith.constant 0 : i32
        %dma_wait3A_201 = arith.constant 0 : i32
        %dma_wait3A_202 = arith.constant 0 : i32
        %dma_wait3A_203 = tpu.memref_slice %arg10[%dma_wait3A_200, %dma_wait3A_201, %dma_wait3A_202] : memref<2x80x80xf32, #tpu.memory_space<vmem>> -> memref<1x80x80xf32, #tpu.memory_space<vmem>>
        %dma_wait3A_204 = tpu.memref_squeeze %dma_wait3A_203 : memref<1x80x80xf32, #tpu.memory_space<vmem>> -> memref<80x80xf32, #tpu.memory_space<vmem>>
        %dma_wait3A_205 = arith.constant 0 : i32
        %dma_wait3A_206 = arith.constant 0 : i32
        %dma_wait3A_207 = tpu.memref_slice %arg11[%dma_wait3A_205, %dma_wait3A_206] : memref<10112x80xf32, #tpu.memory_space<vmem_shared>> -> memref<80x80xf32, #tpu.memory_space<vmem_shared>>
        %dma_wait3A_208 = arith.constant 0 : i32
        %dma_wait3A_209 = arith.constant 0 : i32
        %dma_wait3A_210 = tpu.memref_slice %arg11[%dma_wait3A_208, %dma_wait3A_209] : memref<10112x80xf32, #tpu.memory_space<vmem_shared>> -> memref<80x80xf32, #tpu.memory_space<vmem_shared>>
        %dma_wait3A_211 = arith.constant 0 : i32
        %dma_wait3A_212 = arith.constant 0 : i32
        %dma_wait3A_213 = tpu.memref_slice %arg10[%dma_wait3A_200, %dma_wait3A_211, %dma_wait3A_212] : memref<2x80x80xf32, #tpu.memory_space<vmem>> -> memref<1x80x80xf32, #tpu.memory_space<vmem>>
        %dma_wait3A_214 = tpu.memref_squeeze %dma_wait3A_213 : memref<1x80x80xf32, #tpu.memory_space<vmem>> -> memref<80x80xf32, #tpu.memory_space<vmem>>
        tpu.wait_dma2 semaphore(%arg15 : memref<!tpu.dma_semaphore, #tpu.memory_space<semaphore_mem>>) src(%dma_wait3A_214 : memref<80x80xf32, #tpu.memory_space<vmem>>) dst(%dma_wait3A_210 : memref<80x80xf32, #tpu.memory_space<vmem_shared>>)
        %add3A_215 = arith.constant 1 : i32
        %add3A_216 = arith.addi %add3A_134, %add3A_215 : i32
        %mul3A_217 = arith.constant 2 : i32
        %mul3A_218 = arith.muli %add3A_216, %mul3A_217 : i32
        %add3A_219 = arith.constant 0 : i32
        %add3A_220 = arith.addi %mul3A_218, %add3A_219 : i32
        %dma_start3A_221 = arith.constant 0 : i32
        %dma_start3A_222 = arith.constant 0 : i32
        %dma_start3A_223 = tpu.memref_slice %arg9[%dma_start3A_221, %dma_start3A_222] : memref<2x80xi32, #tpu.memory_space<vmem>> -> memref<1x80xi32, #tpu.memory_space<vmem>>
        %dma_start3A_224 = tpu.memref_squeeze %dma_start3A_223 : memref<1x80xi32, #tpu.memory_space<vmem>> -> memref<80xi32, #tpu.memory_space<vmem>>
        %dma_start3A_225 = arith.constant 0 : i32
        %dma_start3A_226 = tpu.memref_slice %arg5[%add3A, %add3A_220, %dma_start3A_225] : memref<32x128x80xi32, #tpu.memory_space<hbm>> -> memref<1x1x80xi32, #tpu.memory_space<hbm>>
        %dma_start3A_227 = tpu.memref_squeeze %dma_start3A_226 : memref<1x1x80xi32, #tpu.memory_space<hbm>> -> memref<80xi32, #tpu.memory_space<hbm>>
        %dma_start3A_228 = arith.constant 0 : i32
        %dma_start3A_229 = tpu.memref_slice %arg9[%dma_start3A_221, %dma_start3A_228] : memref<2x80xi32, #tpu.memory_space<vmem>> -> memref<1x80xi32, #tpu.memory_space<vmem>>
        %dma_start3A_230 = tpu.memref_squeeze %dma_start3A_229 : memref<1x80xi32, #tpu.memory_space<vmem>> -> memref<80xi32, #tpu.memory_space<vmem>>
        %dma_start3A_231 = arith.constant 0 : i32
        %dma_start3A_232 = tpu.memref_slice %arg5[%add3A, %add3A_220, %dma_start3A_231] : memref<32x128x80xi32, #tpu.memory_space<hbm>> -> memref<1x1x80xi32, #tpu.memory_space<hbm>>
        %dma_start3A_233 = tpu.memref_squeeze %dma_start3A_232 : memref<1x1x80xi32, #tpu.memory_space<hbm>> -> memref<80xi32, #tpu.memory_space<hbm>>
        tpu.enqueue_dma source(%dma_start3A_233 : memref<80xi32, #tpu.memory_space<hbm>>) target(%dma_start3A_230 : memref<80xi32, #tpu.memory_space<vmem>>) target_semaphore(%arg17 : memref<!tpu.dma_semaphore, #tpu.memory_space<semaphore_mem>>)
        %add3A_234 = arith.constant 1 : i32
        %add3A_235 = arith.addi %add3A_134, %add3A_234 : i32
        %mul3A_236 = arith.constant 2 : i32
        %mul3A_237 = arith.muli %add3A_235, %mul3A_236 : i32
        %add3A_238 = arith.constant 0 : i32
        %add3A_239 = arith.addi %mul3A_237, %add3A_238 : i32
        %dma_start3A_240 = arith.constant 0 : i32
        %dma_start3A_241 = arith.constant 0 : i32
        %dma_start3A_242 = arith.constant 0 : i32
        %dma_start3A_243 = tpu.memref_slice %arg10[%dma_start3A_240, %dma_start3A_241, %dma_start3A_242] : memref<2x80x80xf32, #tpu.memory_space<vmem>> -> memref<1x80x80xf32, #tpu.memory_space<vmem>>
        %dma_start3A_244 = tpu.memref_squeeze %dma_start3A_243 : memref<1x80x80xf32, #tpu.memory_space<vmem>> -> memref<80x80xf32, #tpu.memory_space<vmem>>
        %dma_start3A_245 = arith.constant 0 : i32
        %dma_start3A_246 = tpu.memref_slice %arg8[%add3A_239, %dma_start3A_245] : memref<128x80xi32, #tpu.memory_space<vmem>> -> memref<1x80xi32, #tpu.memory_space<vmem>>
        %dma_start3A_247 = tpu.memref_squeeze %dma_start3A_246 : memref<1x80xi32, #tpu.memory_space<vmem>> -> memref<80xi32, #tpu.memory_space<vmem>>
        %dma_start3A_248 = arith.constant 0 : i32
        %dma_start3A_249 = arith.constant 0 : i32
        %dma_start3A_250 = tpu.memref_slice %arg12[%dma_start3A_248, %dma_start3A_249] : memref<10112x80xf32, #tpu.memory_space<vmem_shared>> -> memref<10112x80xf32, #tpu.memory_space<vmem_shared>>
        tpu.enqueue_indirect_dma source(%dma_start3A_250 : memref<10112x80xf32, #tpu.memory_space<vmem_shared>>) target(%dma_start3A_244 : memref<80x80xf32, #tpu.memory_space<vmem>>) offsets(%dma_start3A_247 : memref<80xi32, #tpu.memory_space<vmem>>) semaphore(%arg13 : memref<!tpu.dma_semaphore, #tpu.memory_space<semaphore_mem>>)
        %dma_wait3A_251 = arith.constant 1 : i32
        %dma_wait3A_252 = arith.constant 0 : i32
        %dma_wait3A_253 = arith.constant 0 : i32
        %dma_wait3A_254 = tpu.memref_slice %arg10[%dma_wait3A_251, %dma_wait3A_252, %dma_wait3A_253] : memref<2x80x80xf32, #tpu.memory_space<vmem>> -> memref<1x80x80xf32, #tpu.memory_space<vmem>>
        %dma_wait3A_255 = tpu.memref_squeeze %dma_wait3A_254 : memref<1x80x80xf32, #tpu.memory_space<vmem>> -> memref<80x80xf32, #tpu.memory_space<vmem>>
        %dma_wait3A_256 = arith.constant 0 : i32
        %dma_wait3A_257 = arith.constant 0 : i32
        %dma_wait3A_258 = tpu.memref_slice %arg11[%dma_wait3A_256, %dma_wait3A_257] : memref<10112x80xf32, #tpu.memory_space<vmem_shared>> -> memref<80x80xf32, #tpu.memory_space<vmem_shared>>
        %dma_wait3A_259 = arith.constant 0 : i32
        %dma_wait3A_260 = arith.constant 0 : i32
        %dma_wait3A_261 = tpu.memref_slice %arg11[%dma_wait3A_259, %dma_wait3A_260] : memref<10112x80xf32, #tpu.memory_space<vmem_shared>> -> memref<80x80xf32, #tpu.memory_space<vmem_shared>>
        %dma_wait3A_262 = arith.constant 0 : i32
        %dma_wait3A_263 = arith.constant 0 : i32
        %dma_wait3A_264 = tpu.memref_slice %arg10[%dma_wait3A_251, %dma_wait3A_262, %dma_wait3A_263] : memref<2x80x80xf32, #tpu.memory_space<vmem>> -> memref<1x80x80xf32, #tpu.memory_space<vmem>>
        %dma_wait3A_265 = tpu.memref_squeeze %dma_wait3A_264 : memref<1x80x80xf32, #tpu.memory_space<vmem>> -> memref<80x80xf32, #tpu.memory_space<vmem>>
        tpu.wait_dma2 semaphore(%arg16 : memref<!tpu.dma_semaphore, #tpu.memory_space<semaphore_mem>>) src(%dma_wait3A_265 : memref<80x80xf32, #tpu.memory_space<vmem>>) dst(%dma_wait3A_261 : memref<80x80xf32, #tpu.memory_space<vmem_shared>>)
        %add3A_266 = arith.constant 1 : i32
        %add3A_267 = arith.addi %add3A_134, %add3A_266 : i32
        %mul3A_268 = arith.constant 2 : i32
        %mul3A_269 = arith.muli %add3A_267, %mul3A_268 : i32
        %add3A_270 = arith.constant 1 : i32
        %add3A_271 = arith.addi %mul3A_269, %add3A_270 : i32
        %dma_start3A_272 = arith.constant 1 : i32
        %dma_start3A_273 = arith.constant 0 : i32
        %dma_start3A_274 = tpu.memref_slice %arg9[%dma_start3A_272, %dma_start3A_273] : memref<2x80xi32, #tpu.memory_space<vmem>> -> memref<1x80xi32, #tpu.memory_space<vmem>>
        %dma_start3A_275 = tpu.memref_squeeze %dma_start3A_274 : memref<1x80xi32, #tpu.memory_space<vmem>> -> memref<80xi32, #tpu.memory_space<vmem>>
        %dma_start3A_276 = arith.constant 0 : i32
        %dma_start3A_277 = tpu.memref_slice %arg5[%add3A, %add3A_271, %dma_start3A_276] : memref<32x128x80xi32, #tpu.memory_space<hbm>> -> memref<1x1x80xi32, #tpu.memory_space<hbm>>
        %dma_start3A_278 = tpu.memref_squeeze %dma_start3A_277 : memref<1x1x80xi32, #tpu.memory_space<hbm>> -> memref<80xi32, #tpu.memory_space<hbm>>
        %dma_start3A_279 = arith.constant 0 : i32
        %dma_start3A_280 = tpu.memref_slice %arg9[%dma_start3A_272, %dma_start3A_279] : memref<2x80xi32, #tpu.memory_space<vmem>> -> memref<1x80xi32, #tpu.memory_space<vmem>>
        %dma_start3A_281 = tpu.memref_squeeze %dma_start3A_280 : memref<1x80xi32, #tpu.memory_space<vmem>> -> memref<80xi32, #tpu.memory_space<vmem>>
        %dma_start3A_282 = arith.constant 0 : i32
        %dma_start3A_283 = tpu.memref_slice %arg5[%add3A, %add3A_271, %dma_start3A_282] : memref<32x128x80xi32, #tpu.memory_space<hbm>> -> memref<1x1x80xi32, #tpu.memory_space<hbm>>
        %dma_start3A_284 = tpu.memref_squeeze %dma_start3A_283 : memref<1x1x80xi32, #tpu.memory_space<hbm>> -> memref<80xi32, #tpu.memory_space<hbm>>
        tpu.enqueue_dma source(%dma_start3A_284 : memref<80xi32, #tpu.memory_space<hbm>>) target(%dma_start3A_281 : memref<80xi32, #tpu.memory_space<vmem>>) target_semaphore(%arg18 : memref<!tpu.dma_semaphore, #tpu.memory_space<semaphore_mem>>)
        %add3A_285 = arith.constant 1 : i32
        %add3A_286 = arith.addi %add3A_134, %add3A_285 : i32
        %mul3A_287 = arith.constant 2 : i32
        %mul3A_288 = arith.muli %add3A_286, %mul3A_287 : i32
        %add3A_289 = arith.constant 1 : i32
        %add3A_290 = arith.addi %mul3A_288, %add3A_289 : i32
        %dma_start3A_291 = arith.constant 1 : i32
        %dma_start3A_292 = arith.constant 0 : i32
        %dma_start3A_293 = arith.constant 0 : i32
        %dma_start3A_294 = tpu.memref_slice %arg10[%dma_start3A_291, %dma_start3A_292, %dma_start3A_293] : memref<2x80x80xf32, #tpu.memory_space<vmem>> -> memref<1x80x80xf32, #tpu.memory_space<vmem>>
        %dma_start3A_295 = tpu.memref_squeeze %dma_start3A_294 : memref<1x80x80xf32, #tpu.memory_space<vmem>> -> memref<80x80xf32, #tpu.memory_space<vmem>>
        %dma_start3A_296 = arith.constant 0 : i32
        %dma_start3A_297 = tpu.memref_slice %arg8[%add3A_290, %dma_start3A_296] : memref<128x80xi32, #tpu.memory_space<vmem>> -> memref<1x80xi32, #tpu.memory_space<vmem>>
        %dma_start3A_298 = tpu.memref_squeeze %dma_start3A_297 : memref<1x80xi32, #tpu.memory_space<vmem>> -> memref<80xi32, #tpu.memory_space<vmem>>
        %dma_start3A_299 = arith.constant 0 : i32
        %dma_start3A_300 = arith.constant 0 : i32
        %dma_start3A_301 = tpu.memref_slice %arg12[%dma_start3A_299, %dma_start3A_300] : memref<10112x80xf32, #tpu.memory_space<vmem_shared>> -> memref<10112x80xf32, #tpu.memory_space<vmem_shared>>
        tpu.enqueue_indirect_dma source(%dma_start3A_301 : memref<10112x80xf32, #tpu.memory_space<vmem_shared>>) target(%dma_start3A_295 : memref<80x80xf32, #tpu.memory_space<vmem>>) offsets(%dma_start3A_298 : memref<80xi32, #tpu.memory_space<vmem>>) semaphore(%arg14 : memref<!tpu.dma_semaphore, #tpu.memory_space<semaphore_mem>>)
      } else {
      }
    }
    %scan3A_97 = arith.constant 64 : i32
    %dma_wait3A_98 = arith.constant 0 : i32
    %dma_wait3A_99 = arith.constant 0 : i32
    %dma_wait3A_100 = arith.constant 0 : i32
    %dma_wait3A_101 = tpu.memref_slice %arg10[%dma_wait3A_98, %dma_wait3A_99, %dma_wait3A_100] : memref<2x80x80xf32, #tpu.memory_space<vmem>> -> memref<1x80x80xf32, #tpu.memory_space<vmem>>
    %dma_wait3A_102 = tpu.memref_squeeze %dma_wait3A_101 : memref<1x80x80xf32, #tpu.memory_space<vmem>> -> memref<80x80xf32, #tpu.memory_space<vmem>>
    %dma_wait3A_103 = arith.constant 0 : i32
    %dma_wait3A_104 = arith.constant 0 : i32
    %dma_wait3A_105 = tpu.memref_slice %arg11[%dma_wait3A_103, %dma_wait3A_104] : memref<10112x80xf32, #tpu.memory_space<vmem_shared>> -> memref<80x80xf32, #tpu.memory_space<vmem_shared>>
    %dma_wait3A_106 = arith.constant 0 : i32
    %dma_wait3A_107 = arith.constant 0 : i32
    %dma_wait3A_108 = tpu.memref_slice %arg11[%dma_wait3A_106, %dma_wait3A_107] : memref<10112x80xf32, #tpu.memory_space<vmem_shared>> -> memref<80x80xf32, #tpu.memory_space<vmem_shared>>
    %dma_wait3A_109 = arith.constant 0 : i32
    %dma_wait3A_110 = arith.constant 0 : i32
    %dma_wait3A_111 = tpu.memref_slice %arg10[%dma_wait3A_98, %dma_wait3A_109, %dma_wait3A_110] : memref<2x80x80xf32, #tpu.memory_space<vmem>> -> memref<1x80x80xf32, #tpu.memory_space<vmem>>
    %dma_wait3A_112 = tpu.memref_squeeze %dma_wait3A_111 : memref<1x80x80xf32, #tpu.memory_space<vmem>> -> memref<80x80xf32, #tpu.memory_space<vmem>>
    tpu.wait_dma2 semaphore(%arg15 : memref<!tpu.dma_semaphore, #tpu.memory_space<semaphore_mem>>) src(%dma_wait3A_112 : memref<80x80xf32, #tpu.memory_space<vmem>>) dst(%dma_wait3A_108 : memref<80x80xf32, #tpu.memory_space<vmem_shared>>)
    %dma_wait3A_113 = arith.constant 1 : i32
    %dma_wait3A_114 = arith.constant 0 : i32
    %dma_wait3A_115 = arith.constant 0 : i32
    %dma_wait3A_116 = tpu.memref_slice %arg10[%dma_wait3A_113, %dma_wait3A_114, %dma_wait3A_115] : memref<2x80x80xf32, #tpu.memory_space<vmem>> -> memref<1x80x80xf32, #tpu.memory_space<vmem>>
    %dma_wait3A_117 = tpu.memref_squeeze %dma_wait3A_116 : memref<1x80x80xf32, #tpu.memory_space<vmem>> -> memref<80x80xf32, #tpu.memory_space<vmem>>
    %dma_wait3A_118 = arith.constant 0 : i32
    %dma_wait3A_119 = arith.constant 0 : i32
    %dma_wait3A_120 = tpu.memref_slice %arg11[%dma_wait3A_118, %dma_wait3A_119] : memref<10112x80xf32, #tpu.memory_space<vmem_shared>> -> memref<80x80xf32, #tpu.memory_space<vmem_shared>>
    %dma_wait3A_121 = arith.constant 0 : i32
    %dma_wait3A_122 = arith.constant 0 : i32
    %dma_wait3A_123 = tpu.memref_slice %arg11[%dma_wait3A_121, %dma_wait3A_122] : memref<10112x80xf32, #tpu.memory_space<vmem_shared>> -> memref<80x80xf32, #tpu.memory_space<vmem_shared>>
    %dma_wait3A_124 = arith.constant 0 : i32
    %dma_wait3A_125 = arith.constant 0 : i32
    %dma_wait3A_126 = tpu.memref_slice %arg10[%dma_wait3A_113, %dma_wait3A_124, %dma_wait3A_125] : memref<2x80x80xf32, #tpu.memory_space<vmem>> -> memref<1x80x80xf32, #tpu.memory_space<vmem>>
    %dma_wait3A_127 = tpu.memref_squeeze %dma_wait3A_126 : memref<1x80x80xf32, #tpu.memory_space<vmem>> -> memref<80x80xf32, #tpu.memory_space<vmem>>
    tpu.wait_dma2 semaphore(%arg16 : memref<!tpu.dma_semaphore, #tpu.memory_space<semaphore_mem>>) src(%dma_wait3A_127 : memref<80x80xf32, #tpu.memory_space<vmem>>) dst(%dma_wait3A_123 : memref<80x80xf32, #tpu.memory_space<vmem_shared>>)
    %barrier3A_128 = arith.constant 0 : index
    tpu.barrier barrier_id(%barrier3A_128)
    %run_scoped3A_129 = arith.constant 1 : i32
    "tpu.region"() ({
      %run_scoped3A_130 = tpu.sem_alloc : memref<!tpu.dma_semaphore, #tpu.memory_space<semaphore_mem>>
      %dma_start3A_131 = arith.constant 0 : i32
      %dma_start3A_132 = tpu.memref_slice %arg7[%run_scoped3A_129, %arg0, %mul3A_2, %dma_start3A_131] : memref<2x2x10112x80xf32, #tpu.memory_space<hbm>> -> memref<1x1x632x80xf32, #tpu.memory_space<hbm>>
      %dma_start3A_133 = tpu.memref_squeeze %dma_start3A_132 : memref<1x1x632x80xf32, #tpu.memory_space<hbm>> -> memref<632x80xf32, #tpu.memory_space<hbm>>
      %dma_start3A_134 = arith.constant 0 : i32
      %dma_start3A_135 = tpu.memref_slice %arg11[%mul3A_2, %dma_start3A_134] : memref<10112x80xf32, #tpu.memory_space<vmem_shared>> -> memref<632x80xf32, #tpu.memory_space<vmem_shared>>
      tpu.enqueue_dma source(%dma_start3A_135 : memref<632x80xf32, #tpu.memory_space<vmem_shared>>) target(%dma_start3A_133 : memref<632x80xf32, #tpu.memory_space<hbm>>) target_semaphore(%run_scoped3A_130 : memref<!tpu.dma_semaphore, #tpu.memory_space<semaphore_mem>>)
      %dma_wait3A_136 = arith.constant 0 : i32
      %dma_wait3A_137 = tpu.memref_slice %arg7[%run_scoped3A_129, %arg0, %mul3A_2, %dma_wait3A_136] : memref<2x2x10112x80xf32, #tpu.memory_space<hbm>> -> memref<1x1x632x80xf32, #tpu.memory_space<hbm>>
      %dma_wait3A_138 = tpu.memref_squeeze %dma_wait3A_137 : memref<1x1x632x80xf32, #tpu.memory_space<hbm>> -> memref<632x80xf32, #tpu.memory_space<hbm>>
      %dma_wait3A_139 = arith.constant 0 : i32
      %dma_wait3A_140 = tpu.memref_slice %arg11[%mul3A_2, %dma_wait3A_139] : memref<10112x80xf32, #tpu.memory_space<vmem_shared>> -> memref<632x80xf32, #tpu.memory_space<vmem_shared>>
      tpu.wait_dma2 semaphore(%run_scoped3A_130 : memref<!tpu.dma_semaphore, #tpu.memory_space<semaphore_mem>>) src(%dma_wait3A_140 : memref<632x80xf32, #tpu.memory_space<vmem_shared>>) dst(%dma_wait3A_138 : memref<632x80xf32, #tpu.memory_space<hbm>>)
      tpu.yield
    }) : () -> ()
    return
  }
}

module attributes {stable_mosaic.version = 14 : i64} {
  func.func @body(%arg0: i32, %arg1: memref<632x128xf32, #tpu.memory_space<vmem>>, %arg2: memref<2x2x632x64xf32, #tpu.memory_space<vmem>>, %arg3: memref<2x2x632x16xf32, #tpu.memory_space<vmem>>, %arg4: memref<128x160xf32, #tpu.memory_space<vmem>>, %arg5: memref<16x160xf32, #tpu.memory_space<vmem>>, %arg6: memref<1x160xf32, #tpu.memory_space<vmem>>, %arg7: memref<128x160xf32, #tpu.memory_space<vmem>>, %arg8: memref<160x160xf32, #tpu.memory_space<vmem>>, %arg9: memref<1x160xf32, #tpu.memory_space<vmem>>, %arg10: memref<632x160xf32, #tpu.memory_space<vmem>>) attributes {dimension_semantics = [#tpu.dimension_semantics<arbitrary>], iteration_bounds = array<i64: 16>, scalar_prefetch = 0 : i64, scratch_operands = 0 : i64, tpu.core_type = #tpu.core_type<tc>, window_params = [{transform_indices = @transform_0, window_bounds = array<i64: 632, 128>}, {transform_indices = @transform_1, window_bounds = array<i64: 2, 2, 632, 64>}, {transform_indices = @transform_2, window_bounds = array<i64: 2, 2, 632, 16>}, {pipeline_mode = #tpu.pipeline_mode<synchronous>, transform_indices = @transform_3, window_bounds = array<i64: 128, 160>}, {pipeline_mode = #tpu.pipeline_mode<synchronous>, transform_indices = @transform_4, window_bounds = array<i64: 16, 160>}, {pipeline_mode = #tpu.pipeline_mode<synchronous>, transform_indices = @transform_5, window_bounds = array<i64: 1, 160>}, {pipeline_mode = #tpu.pipeline_mode<synchronous>, transform_indices = @transform_6, window_bounds = array<i64: 128, 160>}, {pipeline_mode = #tpu.pipeline_mode<synchronous>, transform_indices = @transform_7, window_bounds = array<i64: 160, 160>}, {pipeline_mode = #tpu.pipeline_mode<synchronous>, transform_indices = @transform_8, window_bounds = array<i64: 1, 160>}, {transform_indices = @transform_9, window_bounds = array<i64: 632, 160>}]} {
    %get3A = arith.constant 0 : index
    %get3A_0 = arith.constant 0 : index
    %get3A_1 = arith.constant 0 : index
    %get3A_2 = arith.constant 0 : index
    %get3A_3 = vector.load %arg2[%get3A, %get3A_0, %get3A_1, %get3A_2] : memref<2x2x632x64xf32, #tpu.memory_space<vmem>>, vector<1x1x632x64xf32>
    %get3A_4 = vector.shape_cast %get3A_3 : vector<1x1x632x64xf32> to vector<632x64xf32>
    %get3A_5 = arith.constant 0 : index
    %get3A_6 = arith.constant 1 : index
    %get3A_7 = arith.constant 0 : index
    %get3A_8 = arith.constant 0 : index
    %get3A_9 = vector.load %arg2[%get3A_5, %get3A_6, %get3A_7, %get3A_8] : memref<2x2x632x64xf32, #tpu.memory_space<vmem>>, vector<1x1x632x64xf32>
    %get3A_10 = vector.shape_cast %get3A_9 : vector<1x1x632x64xf32> to vector<632x64xf32>
    %add3A = arith.addf %get3A_4, %get3A_10 : vector<632x64xf32>
    %get3A_11 = arith.constant 1 : index
    %get3A_12 = arith.constant 0 : index
    %get3A_13 = arith.constant 0 : index
    %get3A_14 = arith.constant 0 : index
    %get3A_15 = vector.load %arg2[%get3A_11, %get3A_12, %get3A_13, %get3A_14] : memref<2x2x632x64xf32, #tpu.memory_space<vmem>>, vector<1x1x632x64xf32>
    %get3A_16 = vector.shape_cast %get3A_15 : vector<1x1x632x64xf32> to vector<632x64xf32>
    %get3A_17 = arith.constant 1 : index
    %get3A_18 = arith.constant 1 : index
    %get3A_19 = arith.constant 0 : index
    %get3A_20 = arith.constant 0 : index
    %get3A_21 = vector.load %arg2[%get3A_17, %get3A_18, %get3A_19, %get3A_20] : memref<2x2x632x64xf32, #tpu.memory_space<vmem>>, vector<1x1x632x64xf32>
    %get3A_22 = vector.shape_cast %get3A_21 : vector<1x1x632x64xf32> to vector<632x64xf32>
    %add3A_23 = arith.addf %get3A_16, %get3A_22 : vector<632x64xf32>
    %get3A_24 = arith.constant 0 : index
    %get3A_25 = arith.constant 0 : index
    %get3A_26 = arith.constant 0 : index
    %get3A_27 = arith.constant 0 : index
    %get3A_28 = vector.load %arg3[%get3A_24, %get3A_25, %get3A_26, %get3A_27] : memref<2x2x632x16xf32, #tpu.memory_space<vmem>>, vector<1x1x632x16xf32>
    %get3A_29 = vector.shape_cast %get3A_28 : vector<1x1x632x16xf32> to vector<632x16xf32>
    %get3A_30 = arith.constant 0 : index
    %get3A_31 = arith.constant 1 : index
    %get3A_32 = arith.constant 0 : index
    %get3A_33 = arith.constant 0 : index
    %get3A_34 = vector.load %arg3[%get3A_30, %get3A_31, %get3A_32, %get3A_33] : memref<2x2x632x16xf32, #tpu.memory_space<vmem>>, vector<1x1x632x16xf32>
    %get3A_35 = vector.shape_cast %get3A_34 : vector<1x1x632x16xf32> to vector<632x16xf32>
    %add3A_36 = arith.addf %get3A_29, %get3A_35 : vector<632x16xf32>
    %get3A_37 = arith.constant 1 : index
    %get3A_38 = arith.constant 0 : index
    %get3A_39 = arith.constant 0 : index
    %get3A_40 = arith.constant 0 : index
    %get3A_41 = vector.load %arg3[%get3A_37, %get3A_38, %get3A_39, %get3A_40] : memref<2x2x632x16xf32, #tpu.memory_space<vmem>>, vector<1x1x632x16xf32>
    %get3A_42 = vector.shape_cast %get3A_41 : vector<1x1x632x16xf32> to vector<632x16xf32>
    %get3A_43 = arith.constant 1 : index
    %get3A_44 = arith.constant 1 : index
    %get3A_45 = arith.constant 0 : index
    %get3A_46 = arith.constant 0 : index
    %get3A_47 = vector.load %arg3[%get3A_43, %get3A_44, %get3A_45, %get3A_46] : memref<2x2x632x16xf32, #tpu.memory_space<vmem>>, vector<1x1x632x16xf32>
    %get3A_48 = vector.shape_cast %get3A_47 : vector<1x1x632x16xf32> to vector<632x16xf32>
    %add3A_49 = arith.addf %get3A_42, %get3A_48 : vector<632x16xf32>
    %slice3A = vector.extract_strided_slice %add3A_49 {offsets = [0, 0], sizes = [632, 1], strides = [1, 1]} : vector<632x16xf32> to vector<632x1xf32>
    %max3A = arith.constant 1.000000e+00 : f32
    %max3A_50 = vector.broadcast %max3A : f32 to vector<632x1xf32>
    %max3A_51 = arith.maximumf %slice3A, %max3A_50 : vector<632x1xf32>
    %div3A = arith.constant 1.000000e+00 : f32
    %div3A_52 = vector.broadcast %div3A : f32 to vector<632x1xf32>
    %div3A_53 = arith.divf %div3A_52, %max3A_51 : vector<632x1xf32>
    %get3A_54 = arith.constant 0 : index
    %get3A_55 = arith.constant 0 : index
    %get3A_56 = vector.load %arg4[%get3A_54, %get3A_55] : memref<128x160xf32, #tpu.memory_space<vmem>>, vector<64x160xf32>
    %dot_general3A = arith.constant dense<0.000000e+00> : vector<632x160xf32>
    %dot_general3A_57 = tpu.matmul %add3A, %get3A_56, %dot_general3A {dimension_numbers = #tpu.dot_dimension_numbers<[1], [0], [0], [1], [0, 0, 1, 1], [], []>, transpose_lhs_hint = false} : vector<632x64xf32>, vector<64x160xf32>, vector<632x160xf32> -> vector<632x160xf32>
    %get3A_58 = arith.constant 64 : index
    %get3A_59 = arith.constant 0 : index
    %get3A_60 = vector.load %arg4[%get3A_58, %get3A_59] : memref<128x160xf32, #tpu.memory_space<vmem>>, vector<64x160xf32>
    %dot_general3A_61 = arith.constant dense<0.000000e+00> : vector<632x160xf32>
    %dot_general3A_62 = tpu.matmul %add3A_23, %get3A_60, %dot_general3A_61 {dimension_numbers = #tpu.dot_dimension_numbers<[1], [0], [0], [1], [0, 0, 1, 1], [], []>, transpose_lhs_hint = false} : vector<632x64xf32>, vector<64x160xf32>, vector<632x160xf32> -> vector<632x160xf32>
    %add3A_63 = arith.addf %dot_general3A_57, %dot_general3A_62 : vector<632x160xf32>
    %get3A_64 = arith.constant 0 : index
    %get3A_65 = arith.constant 0 : index
    %get3A_66 = vector.load %arg5[%get3A_64, %get3A_65] : memref<16x160xf32, #tpu.memory_space<vmem>>, vector<16x160xf32>
    %dot_general3A_67 = arith.constant dense<0.000000e+00> : vector<632x160xf32>
    %dot_general3A_68 = tpu.matmul %add3A_36, %get3A_66, %dot_general3A_67 {dimension_numbers = #tpu.dot_dimension_numbers<[1], [0], [0], [1], [0, 0, 1, 1], [], []>, transpose_lhs_hint = false} : vector<632x16xf32>, vector<16x160xf32>, vector<632x160xf32> -> vector<632x160xf32>
    %add3A_69 = arith.addf %add3A_63, %dot_general3A_68 : vector<632x160xf32>
    %get3A_70 = arith.constant 0 : index
    %get3A_71 = arith.constant 0 : index
    %get3A_72 = vector.load %arg6[%get3A_70, %get3A_71] : memref<1x160xf32, #tpu.memory_space<vmem>>, vector<1x160xf32>
    %mul3A = vector.broadcast %slice3A : vector<632x1xf32> to vector<632x160xf32>
    %mul3A_73 = vector.broadcast %get3A_72 : vector<1x160xf32> to vector<632x160xf32>
    %mul3A_74 = arith.mulf %mul3A, %mul3A_73 : vector<632x160xf32>
    %add3A_75 = arith.addf %add3A_69, %mul3A_74 : vector<632x160xf32>
    %mul3A_76 = vector.broadcast %div3A_53 : vector<632x1xf32> to vector<632x160xf32>
    %mul3A_77 = arith.mulf %add3A_75, %mul3A_76 : vector<632x160xf32>
    %get3A_78 = arith.constant 0 : index
    %get3A_79 = arith.constant 0 : index
    %get3A_80 = vector.load %arg1[%get3A_78, %get3A_79] : memref<632x128xf32, #tpu.memory_space<vmem>>, vector<632x128xf32>
    %get3A_81 = arith.constant 0 : index
    %get3A_82 = arith.constant 0 : index
    %get3A_83 = vector.load %arg7[%get3A_81, %get3A_82] : memref<128x160xf32, #tpu.memory_space<vmem>>, vector<128x160xf32>
    %dot_general3A_84 = arith.constant dense<0.000000e+00> : vector<632x160xf32>
    %dot_general3A_85 = tpu.matmul %get3A_80, %get3A_83, %dot_general3A_84 {dimension_numbers = #tpu.dot_dimension_numbers<[1], [0], [0], [1], [0, 0, 1, 1], [], []>, transpose_lhs_hint = false} : vector<632x128xf32>, vector<128x160xf32>, vector<632x160xf32> -> vector<632x160xf32>
    %get3A_86 = arith.constant 0 : index
    %get3A_87 = arith.constant 0 : index
    %get3A_88 = vector.load %arg8[%get3A_86, %get3A_87] : memref<160x160xf32, #tpu.memory_space<vmem>>, vector<160x160xf32>
    %dot_general3A_89 = arith.constant dense<0.000000e+00> : vector<632x160xf32>
    %dot_general3A_90 = tpu.matmul %mul3A_77, %get3A_88, %dot_general3A_89 {dimension_numbers = #tpu.dot_dimension_numbers<[1], [0], [0], [1], [0, 0, 1, 1], [], []>, transpose_lhs_hint = false} : vector<632x160xf32>, vector<160x160xf32>, vector<632x160xf32> -> vector<632x160xf32>
    %add3A_91 = arith.addf %dot_general3A_85, %dot_general3A_90 : vector<632x160xf32>
    %get3A_92 = arith.constant 0 : index
    %get3A_93 = arith.constant 0 : index
    %get3A_94 = vector.load %arg9[%get3A_92, %get3A_93] : memref<1x160xf32, #tpu.memory_space<vmem>>, vector<1x160xf32>
    %add3A_95 = vector.broadcast %get3A_94 : vector<1x160xf32> to vector<632x160xf32>
    %add3A_96 = arith.addf %add3A_91, %add3A_95 : vector<632x160xf32>
    %max3A_97 = arith.constant 0.000000e+00 : f32
    %max3A_98 = vector.broadcast %max3A_97 : f32 to vector<632x160xf32>
    %max3A_99 = arith.maximumf %add3A_96, %max3A_98 : vector<632x160xf32>
    %swap3A = arith.constant 0 : index
    %swap3A_100 = arith.constant 0 : index
    %swap3A_101 = vector.load %arg10[%swap3A, %swap3A_100] : memref<632x160xf32, #tpu.memory_space<vmem>>, vector<632x160xf32>
    tpu.vector_store %arg10[%swap3A, %swap3A_100], %max3A_99 {strides = array<i32>} : memref<632x160xf32, #tpu.memory_space<vmem>>, vector<632x160xf32>,
    return
  }
  func.func @transform_0(%arg0: i32) -> (i32, i32) {
    %c0_i32 = arith.constant 0 : i32
    %c0_i32_0 = arith.constant 0 : i32
    return %arg0, %c0_i32 : i32, i32
  }
  func.func @transform_1(%arg0: i32) -> (i32, i32, i32, i32) {
    %c0_i32 = arith.constant 0 : i32
    %c0_i32_0 = arith.constant 0 : i32
    %c0_i32_1 = arith.constant 0 : i32
    %c0_i32_2 = arith.constant 0 : i32
    return %c0_i32, %c0_i32_0, %arg0, %c0_i32_1 : i32, i32, i32, i32
  }
  func.func @transform_2(%arg0: i32) -> (i32, i32, i32, i32) {
    %c0_i32 = arith.constant 0 : i32
    %c0_i32_0 = arith.constant 0 : i32
    %c0_i32_1 = arith.constant 0 : i32
    %c0_i32_2 = arith.constant 0 : i32
    return %c0_i32, %c0_i32_0, %arg0, %c0_i32_1 : i32, i32, i32, i32
  }
  func.func @transform_3(%arg0: i32) -> (i32, i32) {
    %c0_i32 = arith.constant 0 : i32
    %c0_i32_0 = arith.constant 0 : i32
    %c0_i32_1 = arith.constant 0 : i32
    return %c0_i32, %c0_i32_0 : i32, i32
  }
  func.func @transform_4(%arg0: i32) -> (i32, i32) {
    %c0_i32 = arith.constant 0 : i32
    %c0_i32_0 = arith.constant 0 : i32
    %c0_i32_1 = arith.constant 0 : i32
    return %c0_i32, %c0_i32_0 : i32, i32
  }
  func.func @transform_5(%arg0: i32) -> (i32, i32) {
    %c0_i32 = arith.constant 0 : i32
    %c0_i32_0 = arith.constant 0 : i32
    %c0_i32_1 = arith.constant 0 : i32
    return %c0_i32, %c0_i32_0 : i32, i32
  }
  func.func @transform_6(%arg0: i32) -> (i32, i32) {
    %c0_i32 = arith.constant 0 : i32
    %c0_i32_0 = arith.constant 0 : i32
    %c0_i32_1 = arith.constant 0 : i32
    return %c0_i32, %c0_i32_0 : i32, i32
  }
  func.func @transform_7(%arg0: i32) -> (i32, i32) {
    %c0_i32 = arith.constant 0 : i32
    %c0_i32_0 = arith.constant 0 : i32
    %c0_i32_1 = arith.constant 0 : i32
    return %c0_i32, %c0_i32_0 : i32, i32
  }
  func.func @transform_8(%arg0: i32) -> (i32, i32) {
    %c0_i32 = arith.constant 0 : i32
    %c0_i32_0 = arith.constant 0 : i32
    %c0_i32_1 = arith.constant 0 : i32
    return %c0_i32, %c0_i32_0 : i32, i32
  }
  func.func @transform_9(%arg0: i32) -> (i32, i32) {
    %c0_i32 = arith.constant 0 : i32
    %c0_i32_0 = arith.constant 0 : i32
    return %arg0, %c0_i32 : i32, i32
  }
}

module attributes {stable_mosaic.version = 14 : i64} {
  func.func @body(%arg0: i32, %arg1: memref<632x160xf32, #tpu.memory_space<vmem>>, %arg2: memref<2x2x632x80xf32, #tpu.memory_space<vmem>>, %arg3: memref<2x2x632x16xf32, #tpu.memory_space<vmem>>, %arg4: memref<160x160xf32, #tpu.memory_space<vmem>>, %arg5: memref<16x160xf32, #tpu.memory_space<vmem>>, %arg6: memref<1x160xf32, #tpu.memory_space<vmem>>, %arg7: memref<160x160xf32, #tpu.memory_space<vmem>>, %arg8: memref<160x160xf32, #tpu.memory_space<vmem>>, %arg9: memref<1x160xf32, #tpu.memory_space<vmem>>, %arg10: memref<632x160xf32, #tpu.memory_space<vmem>>) attributes {dimension_semantics = [#tpu.dimension_semantics<arbitrary>], iteration_bounds = array<i64: 16>, scalar_prefetch = 0 : i64, scratch_operands = 0 : i64, tpu.core_type = #tpu.core_type<tc>, window_params = [{transform_indices = @transform_0, window_bounds = array<i64: 632, 160>}, {transform_indices = @transform_1, window_bounds = array<i64: 2, 2, 632, 80>}, {transform_indices = @transform_2, window_bounds = array<i64: 2, 2, 632, 16>}, {pipeline_mode = #tpu.pipeline_mode<synchronous>, transform_indices = @transform_3, window_bounds = array<i64: 160, 160>}, {pipeline_mode = #tpu.pipeline_mode<synchronous>, transform_indices = @transform_4, window_bounds = array<i64: 16, 160>}, {pipeline_mode = #tpu.pipeline_mode<synchronous>, transform_indices = @transform_5, window_bounds = array<i64: 1, 160>}, {pipeline_mode = #tpu.pipeline_mode<synchronous>, transform_indices = @transform_6, window_bounds = array<i64: 160, 160>}, {pipeline_mode = #tpu.pipeline_mode<synchronous>, transform_indices = @transform_7, window_bounds = array<i64: 160, 160>}, {pipeline_mode = #tpu.pipeline_mode<synchronous>, transform_indices = @transform_8, window_bounds = array<i64: 1, 160>}, {transform_indices = @transform_9, window_bounds = array<i64: 632, 160>}]} {
    %get3A = arith.constant 0 : index
    %get3A_0 = arith.constant 0 : index
    %get3A_1 = arith.constant 0 : index
    %get3A_2 = arith.constant 0 : index
    %get3A_3 = vector.load %arg2[%get3A, %get3A_0, %get3A_1, %get3A_2] : memref<2x2x632x80xf32, #tpu.memory_space<vmem>>, vector<1x1x632x80xf32>
    %get3A_4 = vector.shape_cast %get3A_3 : vector<1x1x632x80xf32> to vector<632x80xf32>
    %get3A_5 = arith.constant 0 : index
    %get3A_6 = arith.constant 1 : index
    %get3A_7 = arith.constant 0 : index
    %get3A_8 = arith.constant 0 : index
    %get3A_9 = vector.load %arg2[%get3A_5, %get3A_6, %get3A_7, %get3A_8] : memref<2x2x632x80xf32, #tpu.memory_space<vmem>>, vector<1x1x632x80xf32>
    %get3A_10 = vector.shape_cast %get3A_9 : vector<1x1x632x80xf32> to vector<632x80xf32>
    %add3A = arith.addf %get3A_4, %get3A_10 : vector<632x80xf32>
    %get3A_11 = arith.constant 1 : index
    %get3A_12 = arith.constant 0 : index
    %get3A_13 = arith.constant 0 : index
    %get3A_14 = arith.constant 0 : index
    %get3A_15 = vector.load %arg2[%get3A_11, %get3A_12, %get3A_13, %get3A_14] : memref<2x2x632x80xf32, #tpu.memory_space<vmem>>, vector<1x1x632x80xf32>
    %get3A_16 = vector.shape_cast %get3A_15 : vector<1x1x632x80xf32> to vector<632x80xf32>
    %get3A_17 = arith.constant 1 : index
    %get3A_18 = arith.constant 1 : index
    %get3A_19 = arith.constant 0 : index
    %get3A_20 = arith.constant 0 : index
    %get3A_21 = vector.load %arg2[%get3A_17, %get3A_18, %get3A_19, %get3A_20] : memref<2x2x632x80xf32, #tpu.memory_space<vmem>>, vector<1x1x632x80xf32>
    %get3A_22 = vector.shape_cast %get3A_21 : vector<1x1x632x80xf32> to vector<632x80xf32>
    %add3A_23 = arith.addf %get3A_16, %get3A_22 : vector<632x80xf32>
    %get3A_24 = arith.constant 0 : index
    %get3A_25 = arith.constant 0 : index
    %get3A_26 = arith.constant 0 : index
    %get3A_27 = arith.constant 0 : index
    %get3A_28 = vector.load %arg3[%get3A_24, %get3A_25, %get3A_26, %get3A_27] : memref<2x2x632x16xf32, #tpu.memory_space<vmem>>, vector<1x1x632x16xf32>
    %get3A_29 = vector.shape_cast %get3A_28 : vector<1x1x632x16xf32> to vector<632x16xf32>
    %get3A_30 = arith.constant 0 : index
    %get3A_31 = arith.constant 1 : index
    %get3A_32 = arith.constant 0 : index
    %get3A_33 = arith.constant 0 : index
    %get3A_34 = vector.load %arg3[%get3A_30, %get3A_31, %get3A_32, %get3A_33] : memref<2x2x632x16xf32, #tpu.memory_space<vmem>>, vector<1x1x632x16xf32>
    %get3A_35 = vector.shape_cast %get3A_34 : vector<1x1x632x16xf32> to vector<632x16xf32>
    %add3A_36 = arith.addf %get3A_29, %get3A_35 : vector<632x16xf32>
    %get3A_37 = arith.constant 1 : index
    %get3A_38 = arith.constant 0 : index
    %get3A_39 = arith.constant 0 : index
    %get3A_40 = arith.constant 0 : index
    %get3A_41 = vector.load %arg3[%get3A_37, %get3A_38, %get3A_39, %get3A_40] : memref<2x2x632x16xf32, #tpu.memory_space<vmem>>, vector<1x1x632x16xf32>
    %get3A_42 = vector.shape_cast %get3A_41 : vector<1x1x632x16xf32> to vector<632x16xf32>
    %get3A_43 = arith.constant 1 : index
    %get3A_44 = arith.constant 1 : index
    %get3A_45 = arith.constant 0 : index
    %get3A_46 = arith.constant 0 : index
    %get3A_47 = vector.load %arg3[%get3A_43, %get3A_44, %get3A_45, %get3A_46] : memref<2x2x632x16xf32, #tpu.memory_space<vmem>>, vector<1x1x632x16xf32>
    %get3A_48 = vector.shape_cast %get3A_47 : vector<1x1x632x16xf32> to vector<632x16xf32>
    %add3A_49 = arith.addf %get3A_42, %get3A_48 : vector<632x16xf32>
    %slice3A = vector.extract_strided_slice %add3A_49 {offsets = [0, 0], sizes = [632, 1], strides = [1, 1]} : vector<632x16xf32> to vector<632x1xf32>
    %max3A = arith.constant 1.000000e+00 : f32
    %max3A_50 = vector.broadcast %max3A : f32 to vector<632x1xf32>
    %max3A_51 = arith.maximumf %slice3A, %max3A_50 : vector<632x1xf32>
    %div3A = arith.constant 1.000000e+00 : f32
    %div3A_52 = vector.broadcast %div3A : f32 to vector<632x1xf32>
    %div3A_53 = arith.divf %div3A_52, %max3A_51 : vector<632x1xf32>
    %get3A_54 = arith.constant 0 : index
    %get3A_55 = arith.constant 0 : index
    %get3A_56 = vector.load %arg4[%get3A_54, %get3A_55] : memref<160x160xf32, #tpu.memory_space<vmem>>, vector<80x160xf32>
    %dot_general3A = arith.constant dense<0.000000e+00> : vector<632x160xf32>
    %dot_general3A_57 = tpu.matmul %add3A, %get3A_56, %dot_general3A {dimension_numbers = #tpu.dot_dimension_numbers<[1], [0], [0], [1], [0, 0, 1, 1], [], []>, transpose_lhs_hint = false} : vector<632x80xf32>, vector<80x160xf32>, vector<632x160xf32> -> vector<632x160xf32>
    %get3A_58 = arith.constant 80 : index
    %get3A_59 = arith.constant 0 : index
    %get3A_60 = vector.load %arg4[%get3A_58, %get3A_59] : memref<160x160xf32, #tpu.memory_space<vmem>>, vector<80x160xf32>
    %dot_general3A_61 = arith.constant dense<0.000000e+00> : vector<632x160xf32>
    %dot_general3A_62 = tpu.matmul %add3A_23, %get3A_60, %dot_general3A_61 {dimension_numbers = #tpu.dot_dimension_numbers<[1], [0], [0], [1], [0, 0, 1, 1], [], []>, transpose_lhs_hint = false} : vector<632x80xf32>, vector<80x160xf32>, vector<632x160xf32> -> vector<632x160xf32>
    %add3A_63 = arith.addf %dot_general3A_57, %dot_general3A_62 : vector<632x160xf32>
    %get3A_64 = arith.constant 0 : index
    %get3A_65 = arith.constant 0 : index
    %get3A_66 = vector.load %arg5[%get3A_64, %get3A_65] : memref<16x160xf32, #tpu.memory_space<vmem>>, vector<16x160xf32>
    %dot_general3A_67 = arith.constant dense<0.000000e+00> : vector<632x160xf32>
    %dot_general3A_68 = tpu.matmul %add3A_36, %get3A_66, %dot_general3A_67 {dimension_numbers = #tpu.dot_dimension_numbers<[1], [0], [0], [1], [0, 0, 1, 1], [], []>, transpose_lhs_hint = false} : vector<632x16xf32>, vector<16x160xf32>, vector<632x160xf32> -> vector<632x160xf32>
    %add3A_69 = arith.addf %add3A_63, %dot_general3A_68 : vector<632x160xf32>
    %get3A_70 = arith.constant 0 : index
    %get3A_71 = arith.constant 0 : index
    %get3A_72 = vector.load %arg6[%get3A_70, %get3A_71] : memref<1x160xf32, #tpu.memory_space<vmem>>, vector<1x160xf32>
    %mul3A = vector.broadcast %slice3A : vector<632x1xf32> to vector<632x160xf32>
    %mul3A_73 = vector.broadcast %get3A_72 : vector<1x160xf32> to vector<632x160xf32>
    %mul3A_74 = arith.mulf %mul3A, %mul3A_73 : vector<632x160xf32>
    %add3A_75 = arith.addf %add3A_69, %mul3A_74 : vector<632x160xf32>
    %mul3A_76 = vector.broadcast %div3A_53 : vector<632x1xf32> to vector<632x160xf32>
    %mul3A_77 = arith.mulf %add3A_75, %mul3A_76 : vector<632x160xf32>
    %get3A_78 = arith.constant 0 : index
    %get3A_79 = arith.constant 0 : index
    %get3A_80 = vector.load %arg1[%get3A_78, %get3A_79] : memref<632x160xf32, #tpu.memory_space<vmem>>, vector<632x160xf32>
    %get3A_81 = arith.constant 0 : index
    %get3A_82 = arith.constant 0 : index
    %get3A_83 = vector.load %arg7[%get3A_81, %get3A_82] : memref<160x160xf32, #tpu.memory_space<vmem>>, vector<160x160xf32>
    %dot_general3A_84 = arith.constant dense<0.000000e+00> : vector<632x160xf32>
    %dot_general3A_85 = tpu.matmul %get3A_80, %get3A_83, %dot_general3A_84 {dimension_numbers = #tpu.dot_dimension_numbers<[1], [0], [0], [1], [0, 0, 1, 1], [], []>, transpose_lhs_hint = false} : vector<632x160xf32>, vector<160x160xf32>, vector<632x160xf32> -> vector<632x160xf32>
    %get3A_86 = arith.constant 0 : index
    %get3A_87 = arith.constant 0 : index
    %get3A_88 = vector.load %arg8[%get3A_86, %get3A_87] : memref<160x160xf32, #tpu.memory_space<vmem>>, vector<160x160xf32>
    %dot_general3A_89 = arith.constant dense<0.000000e+00> : vector<632x160xf32>
    %dot_general3A_90 = tpu.matmul %mul3A_77, %get3A_88, %dot_general3A_89 {dimension_numbers = #tpu.dot_dimension_numbers<[1], [0], [0], [1], [0, 0, 1, 1], [], []>, transpose_lhs_hint = false} : vector<632x160xf32>, vector<160x160xf32>, vector<632x160xf32> -> vector<632x160xf32>
    %add3A_91 = arith.addf %dot_general3A_85, %dot_general3A_90 : vector<632x160xf32>
    %get3A_92 = arith.constant 0 : index
    %get3A_93 = arith.constant 0 : index
    %get3A_94 = vector.load %arg9[%get3A_92, %get3A_93] : memref<1x160xf32, #tpu.memory_space<vmem>>, vector<1x160xf32>
    %add3A_95 = vector.broadcast %get3A_94 : vector<1x160xf32> to vector<632x160xf32>
    %add3A_96 = arith.addf %add3A_91, %add3A_95 : vector<632x160xf32>
    %max3A_97 = arith.constant 0.000000e+00 : f32
    %max3A_98 = vector.broadcast %max3A_97 : f32 to vector<632x160xf32>
    %max3A_99 = arith.maximumf %add3A_96, %max3A_98 : vector<632x160xf32>
    %swap3A = arith.constant 0 : index
    %swap3A_100 = arith.constant 0 : index
    %swap3A_101 = vector.load %arg10[%swap3A, %swap3A_100] : memref<632x160xf32, #tpu.memory_space<vmem>>, vector<632x160xf32>
    tpu.vector_store %arg10[%swap3A, %swap3A_100], %max3A_99 {strides = array<i32>} : memref<632x160xf32, #tpu.memory_space<vmem>>, vector<632x160xf32>,
    return
  }
  func.func @transform_0(%arg0: i32) -> (i32, i32) {
    %c0_i32 = arith.constant 0 : i32
    %c0_i32_0 = arith.constant 0 : i32
    return %arg0, %c0_i32 : i32, i32
  }
  func.func @transform_1(%arg0: i32) -> (i32, i32, i32, i32) {
    %c0_i32 = arith.constant 0 : i32
    %c0_i32_0 = arith.constant 0 : i32
    %c0_i32_1 = arith.constant 0 : i32
    %c0_i32_2 = arith.constant 0 : i32
    return %c0_i32, %c0_i32_0, %arg0, %c0_i32_1 : i32, i32, i32, i32
  }
  func.func @transform_2(%arg0: i32) -> (i32, i32, i32, i32) {
    %c0_i32 = arith.constant 0 : i32
    %c0_i32_0 = arith.constant 0 : i32
    %c0_i32_1 = arith.constant 0 : i32
    %c0_i32_2 = arith.constant 0 : i32
    return %c0_i32, %c0_i32_0, %arg0, %c0_i32_1 : i32, i32, i32, i32
  }
  func.func @transform_3(%arg0: i32) -> (i32, i32) {
    %c0_i32 = arith.constant 0 : i32
    %c0_i32_0 = arith.constant 0 : i32
    %c0_i32_1 = arith.constant 0 : i32
    return %c0_i32, %c0_i32_0 : i32, i32
  }
  func.func @transform_4(%arg0: i32) -> (i32, i32) {
    %c0_i32 = arith.constant 0 : i32
    %c0_i32_0 = arith.constant 0 : i32
    %c0_i32_1 = arith.constant 0 : i32
    return %c0_i32, %c0_i32_0 : i32, i32
  }
  func.func @transform_5(%arg0: i32) -> (i32, i32) {
    %c0_i32 = arith.constant 0 : i32
    %c0_i32_0 = arith.constant 0 : i32
    %c0_i32_1 = arith.constant 0 : i32
    return %c0_i32, %c0_i32_0 : i32, i32
  }
  func.func @transform_6(%arg0: i32) -> (i32, i32) {
    %c0_i32 = arith.constant 0 : i32
    %c0_i32_0 = arith.constant 0 : i32
    %c0_i32_1 = arith.constant 0 : i32
    return %c0_i32, %c0_i32_0 : i32, i32
  }
  func.func @transform_7(%arg0: i32) -> (i32, i32) {
    %c0_i32 = arith.constant 0 : i32
    %c0_i32_0 = arith.constant 0 : i32
    %c0_i32_1 = arith.constant 0 : i32
    return %c0_i32, %c0_i32_0 : i32, i32
  }
  func.func @transform_8(%arg0: i32) -> (i32, i32) {
    %c0_i32 = arith.constant 0 : i32
    %c0_i32_0 = arith.constant 0 : i32
    %c0_i32_1 = arith.constant 0 : i32
    return %c0_i32, %c0_i32_0 : i32, i32
  }
  func.func @transform_9(%arg0: i32) -> (i32, i32) {
    %c0_i32 = arith.constant 0 : i32
    %c0_i32_0 = arith.constant 0 : i32
    return %arg0, %c0_i32 : i32, i32
  }
}

module attributes {stable_mosaic.version = 14 : i64} {
  func.func @body(%arg0: i32, %arg1: memref<632x160xf32, #tpu.memory_space<vmem>>, %arg2: memref<2x2x632x80xf32, #tpu.memory_space<vmem>>, %arg3: memref<2x2x632x16xf32, #tpu.memory_space<vmem>>, %arg4: memref<160x128xf32, #tpu.memory_space<vmem>>, %arg5: memref<16x128xf32, #tpu.memory_space<vmem>>, %arg6: memref<1x128xf32, #tpu.memory_space<vmem>>, %arg7: memref<160x128xf32, #tpu.memory_space<vmem>>, %arg8: memref<128x128xf32, #tpu.memory_space<vmem>>, %arg9: memref<1x128xf32, #tpu.memory_space<vmem>>, %arg10: memref<632x128xf32, #tpu.memory_space<vmem>>) attributes {dimension_semantics = [#tpu.dimension_semantics<arbitrary>], iteration_bounds = array<i64: 16>, scalar_prefetch = 0 : i64, scratch_operands = 0 : i64, tpu.core_type = #tpu.core_type<tc>, window_params = [{transform_indices = @transform_0, window_bounds = array<i64: 632, 160>}, {transform_indices = @transform_1, window_bounds = array<i64: 2, 2, 632, 80>}, {transform_indices = @transform_2, window_bounds = array<i64: 2, 2, 632, 16>}, {pipeline_mode = #tpu.pipeline_mode<synchronous>, transform_indices = @transform_3, window_bounds = array<i64: 160, 128>}, {pipeline_mode = #tpu.pipeline_mode<synchronous>, transform_indices = @transform_4, window_bounds = array<i64: 16, 128>}, {pipeline_mode = #tpu.pipeline_mode<synchronous>, transform_indices = @transform_5, window_bounds = array<i64: 1, 128>}, {pipeline_mode = #tpu.pipeline_mode<synchronous>, transform_indices = @transform_6, window_bounds = array<i64: 160, 128>}, {pipeline_mode = #tpu.pipeline_mode<synchronous>, transform_indices = @transform_7, window_bounds = array<i64: 128, 128>}, {pipeline_mode = #tpu.pipeline_mode<synchronous>, transform_indices = @transform_8, window_bounds = array<i64: 1, 128>}, {transform_indices = @transform_9, window_bounds = array<i64: 632, 128>}]} {
    %get3A = arith.constant 0 : index
    %get3A_0 = arith.constant 0 : index
    %get3A_1 = arith.constant 0 : index
    %get3A_2 = arith.constant 0 : index
    %get3A_3 = vector.load %arg2[%get3A, %get3A_0, %get3A_1, %get3A_2] : memref<2x2x632x80xf32, #tpu.memory_space<vmem>>, vector<1x1x632x80xf32>
    %get3A_4 = vector.shape_cast %get3A_3 : vector<1x1x632x80xf32> to vector<632x80xf32>
    %get3A_5 = arith.constant 0 : index
    %get3A_6 = arith.constant 1 : index
    %get3A_7 = arith.constant 0 : index
    %get3A_8 = arith.constant 0 : index
    %get3A_9 = vector.load %arg2[%get3A_5, %get3A_6, %get3A_7, %get3A_8] : memref<2x2x632x80xf32, #tpu.memory_space<vmem>>, vector<1x1x632x80xf32>
    %get3A_10 = vector.shape_cast %get3A_9 : vector<1x1x632x80xf32> to vector<632x80xf32>
    %add3A = arith.addf %get3A_4, %get3A_10 : vector<632x80xf32>
    %get3A_11 = arith.constant 1 : index
    %get3A_12 = arith.constant 0 : index
    %get3A_13 = arith.constant 0 : index
    %get3A_14 = arith.constant 0 : index
    %get3A_15 = vector.load %arg2[%get3A_11, %get3A_12, %get3A_13, %get3A_14] : memref<2x2x632x80xf32, #tpu.memory_space<vmem>>, vector<1x1x632x80xf32>
    %get3A_16 = vector.shape_cast %get3A_15 : vector<1x1x632x80xf32> to vector<632x80xf32>
    %get3A_17 = arith.constant 1 : index
    %get3A_18 = arith.constant 1 : index
    %get3A_19 = arith.constant 0 : index
    %get3A_20 = arith.constant 0 : index
    %get3A_21 = vector.load %arg2[%get3A_17, %get3A_18, %get3A_19, %get3A_20] : memref<2x2x632x80xf32, #tpu.memory_space<vmem>>, vector<1x1x632x80xf32>
    %get3A_22 = vector.shape_cast %get3A_21 : vector<1x1x632x80xf32> to vector<632x80xf32>
    %add3A_23 = arith.addf %get3A_16, %get3A_22 : vector<632x80xf32>
    %get3A_24 = arith.constant 0 : index
    %get3A_25 = arith.constant 0 : index
    %get3A_26 = arith.constant 0 : index
    %get3A_27 = arith.constant 0 : index
    %get3A_28 = vector.load %arg3[%get3A_24, %get3A_25, %get3A_26, %get3A_27] : memref<2x2x632x16xf32, #tpu.memory_space<vmem>>, vector<1x1x632x16xf32>
    %get3A_29 = vector.shape_cast %get3A_28 : vector<1x1x632x16xf32> to vector<632x16xf32>
    %get3A_30 = arith.constant 0 : index
    %get3A_31 = arith.constant 1 : index
    %get3A_32 = arith.constant 0 : index
    %get3A_33 = arith.constant 0 : index
    %get3A_34 = vector.load %arg3[%get3A_30, %get3A_31, %get3A_32, %get3A_33] : memref<2x2x632x16xf32, #tpu.memory_space<vmem>>, vector<1x1x632x16xf32>
    %get3A_35 = vector.shape_cast %get3A_34 : vector<1x1x632x16xf32> to vector<632x16xf32>
    %add3A_36 = arith.addf %get3A_29, %get3A_35 : vector<632x16xf32>
    %get3A_37 = arith.constant 1 : index
    %get3A_38 = arith.constant 0 : index
    %get3A_39 = arith.constant 0 : index
    %get3A_40 = arith.constant 0 : index
    %get3A_41 = vector.load %arg3[%get3A_37, %get3A_38, %get3A_39, %get3A_40] : memref<2x2x632x16xf32, #tpu.memory_space<vmem>>, vector<1x1x632x16xf32>
    %get3A_42 = vector.shape_cast %get3A_41 : vector<1x1x632x16xf32> to vector<632x16xf32>
    %get3A_43 = arith.constant 1 : index
    %get3A_44 = arith.constant 1 : index
    %get3A_45 = arith.constant 0 : index
    %get3A_46 = arith.constant 0 : index
    %get3A_47 = vector.load %arg3[%get3A_43, %get3A_44, %get3A_45, %get3A_46] : memref<2x2x632x16xf32, #tpu.memory_space<vmem>>, vector<1x1x632x16xf32>
    %get3A_48 = vector.shape_cast %get3A_47 : vector<1x1x632x16xf32> to vector<632x16xf32>
    %add3A_49 = arith.addf %get3A_42, %get3A_48 : vector<632x16xf32>
    %slice3A = vector.extract_strided_slice %add3A_49 {offsets = [0, 0], sizes = [632, 1], strides = [1, 1]} : vector<632x16xf32> to vector<632x1xf32>
    %max3A = arith.constant 1.000000e+00 : f32
    %max3A_50 = vector.broadcast %max3A : f32 to vector<632x1xf32>
    %max3A_51 = arith.maximumf %slice3A, %max3A_50 : vector<632x1xf32>
    %div3A = arith.constant 1.000000e+00 : f32
    %div3A_52 = vector.broadcast %div3A : f32 to vector<632x1xf32>
    %div3A_53 = arith.divf %div3A_52, %max3A_51 : vector<632x1xf32>
    %get3A_54 = arith.constant 0 : index
    %get3A_55 = arith.constant 0 : index
    %get3A_56 = vector.load %arg4[%get3A_54, %get3A_55] : memref<160x128xf32, #tpu.memory_space<vmem>>, vector<80x128xf32>
    %dot_general3A = arith.constant dense<0.000000e+00> : vector<632x128xf32>
    %dot_general3A_57 = tpu.matmul %add3A, %get3A_56, %dot_general3A {dimension_numbers = #tpu.dot_dimension_numbers<[1], [0], [0], [1], [0, 0, 1, 1], [], []>, transpose_lhs_hint = false} : vector<632x80xf32>, vector<80x128xf32>, vector<632x128xf32> -> vector<632x128xf32>
    %get3A_58 = arith.constant 80 : index
    %get3A_59 = arith.constant 0 : index
    %get3A_60 = vector.load %arg4[%get3A_58, %get3A_59] : memref<160x128xf32, #tpu.memory_space<vmem>>, vector<80x128xf32>
    %dot_general3A_61 = arith.constant dense<0.000000e+00> : vector<632x128xf32>
    %dot_general3A_62 = tpu.matmul %add3A_23, %get3A_60, %dot_general3A_61 {dimension_numbers = #tpu.dot_dimension_numbers<[1], [0], [0], [1], [0, 0, 1, 1], [], []>, transpose_lhs_hint = false} : vector<632x80xf32>, vector<80x128xf32>, vector<632x128xf32> -> vector<632x128xf32>
    %add3A_63 = arith.addf %dot_general3A_57, %dot_general3A_62 : vector<632x128xf32>
    %get3A_64 = arith.constant 0 : index
    %get3A_65 = arith.constant 0 : index
    %get3A_66 = vector.load %arg5[%get3A_64, %get3A_65] : memref<16x128xf32, #tpu.memory_space<vmem>>, vector<16x128xf32>
    %dot_general3A_67 = arith.constant dense<0.000000e+00> : vector<632x128xf32>
    %dot_general3A_68 = tpu.matmul %add3A_36, %get3A_66, %dot_general3A_67 {dimension_numbers = #tpu.dot_dimension_numbers<[1], [0], [0], [1], [0, 0, 1, 1], [], []>, transpose_lhs_hint = false} : vector<632x16xf32>, vector<16x128xf32>, vector<632x128xf32> -> vector<632x128xf32>
    %add3A_69 = arith.addf %add3A_63, %dot_general3A_68 : vector<632x128xf32>
    %get3A_70 = arith.constant 0 : index
    %get3A_71 = arith.constant 0 : index
    %get3A_72 = vector.load %arg6[%get3A_70, %get3A_71] : memref<1x128xf32, #tpu.memory_space<vmem>>, vector<1x128xf32>
    %mul3A = vector.broadcast %slice3A : vector<632x1xf32> to vector<632x128xf32>
    %mul3A_73 = vector.broadcast %get3A_72 : vector<1x128xf32> to vector<632x128xf32>
    %mul3A_74 = arith.mulf %mul3A, %mul3A_73 : vector<632x128xf32>
    %add3A_75 = arith.addf %add3A_69, %mul3A_74 : vector<632x128xf32>
    %mul3A_76 = vector.broadcast %div3A_53 : vector<632x1xf32> to vector<632x128xf32>
    %mul3A_77 = arith.mulf %add3A_75, %mul3A_76 : vector<632x128xf32>
    %get3A_78 = arith.constant 0 : index
    %get3A_79 = arith.constant 0 : index
    %get3A_80 = vector.load %arg1[%get3A_78, %get3A_79] : memref<632x160xf32, #tpu.memory_space<vmem>>, vector<632x160xf32>
    %get3A_81 = arith.constant 0 : index
    %get3A_82 = arith.constant 0 : index
    %get3A_83 = vector.load %arg7[%get3A_81, %get3A_82] : memref<160x128xf32, #tpu.memory_space<vmem>>, vector<160x128xf32>
    %dot_general3A_84 = arith.constant dense<0.000000e+00> : vector<632x128xf32>
    %dot_general3A_85 = tpu.matmul %get3A_80, %get3A_83, %dot_general3A_84 {dimension_numbers = #tpu.dot_dimension_numbers<[1], [0], [0], [1], [0, 0, 1, 1], [], []>, transpose_lhs_hint = false} : vector<632x160xf32>, vector<160x128xf32>, vector<632x128xf32> -> vector<632x128xf32>
    %get3A_86 = arith.constant 0 : index
    %get3A_87 = arith.constant 0 : index
    %get3A_88 = vector.load %arg8[%get3A_86, %get3A_87] : memref<128x128xf32, #tpu.memory_space<vmem>>, vector<128x128xf32>
    %dot_general3A_89 = arith.constant dense<0.000000e+00> : vector<632x128xf32>
    %dot_general3A_90 = tpu.matmul %mul3A_77, %get3A_88, %dot_general3A_89 {dimension_numbers = #tpu.dot_dimension_numbers<[1], [0], [0], [1], [0, 0, 1, 1], [], []>, transpose_lhs_hint = false} : vector<632x128xf32>, vector<128x128xf32>, vector<632x128xf32> -> vector<632x128xf32>
    %add3A_91 = arith.addf %dot_general3A_85, %dot_general3A_90 : vector<632x128xf32>
    %get3A_92 = arith.constant 0 : index
    %get3A_93 = arith.constant 0 : index
    %get3A_94 = vector.load %arg9[%get3A_92, %get3A_93] : memref<1x128xf32, #tpu.memory_space<vmem>>, vector<1x128xf32>
    %add3A_95 = vector.broadcast %get3A_94 : vector<1x128xf32> to vector<632x128xf32>
    %add3A_96 = arith.addf %add3A_91, %add3A_95 : vector<632x128xf32>
    %max3A_97 = arith.constant 0.000000e+00 : f32
    %max3A_98 = vector.broadcast %max3A_97 : f32 to vector<632x128xf32>
    %max3A_99 = arith.maximumf %add3A_96, %max3A_98 : vector<632x128xf32>
    %swap3A = arith.constant 0 : index
    %swap3A_100 = arith.constant 0 : index
    %swap3A_101 = vector.load %arg10[%swap3A, %swap3A_100] : memref<632x128xf32, #tpu.memory_space<vmem>>, vector<632x128xf32>
    tpu.vector_store %arg10[%swap3A, %swap3A_100], %max3A_99 {strides = array<i32>} : memref<632x128xf32, #tpu.memory_space<vmem>>, vector<632x128xf32>,
    return
  }
  func.func @transform_0(%arg0: i32) -> (i32, i32) {
    %c0_i32 = arith.constant 0 : i32
    %c0_i32_0 = arith.constant 0 : i32
    return %arg0, %c0_i32 : i32, i32
  }
  func.func @transform_1(%arg0: i32) -> (i32, i32, i32, i32) {
    %c0_i32 = arith.constant 0 : i32
    %c0_i32_0 = arith.constant 0 : i32
    %c0_i32_1 = arith.constant 0 : i32
    %c0_i32_2 = arith.constant 0 : i32
    return %c0_i32, %c0_i32_0, %arg0, %c0_i32_1 : i32, i32, i32, i32
  }
  func.func @transform_2(%arg0: i32) -> (i32, i32, i32, i32) {
    %c0_i32 = arith.constant 0 : i32
    %c0_i32_0 = arith.constant 0 : i32
    %c0_i32_1 = arith.constant 0 : i32
    %c0_i32_2 = arith.constant 0 : i32
    return %c0_i32, %c0_i32_0, %arg0, %c0_i32_1 : i32, i32, i32, i32
  }
  func.func @transform_3(%arg0: i32) -> (i32, i32) {
    %c0_i32 = arith.constant 0 : i32
    %c0_i32_0 = arith.constant 0 : i32
    %c0_i32_1 = arith.constant 0 : i32
    return %c0_i32, %c0_i32_0 : i32, i32
  }
  func.func @transform_4(%arg0: i32) -> (i32, i32) {
    %c0_i32 = arith.constant 0 : i32
    %c0_i32_0 = arith.constant 0 : i32
    %c0_i32_1 = arith.constant 0 : i32
    return %c0_i32, %c0_i32_0 : i32, i32
  }
  func.func @transform_5(%arg0: i32) -> (i32, i32) {
    %c0_i32 = arith.constant 0 : i32
    %c0_i32_0 = arith.constant 0 : i32
    %c0_i32_1 = arith.constant 0 : i32
    return %c0_i32, %c0_i32_0 : i32, i32
  }
  func.func @transform_6(%arg0: i32) -> (i32, i32) {
    %c0_i32 = arith.constant 0 : i32
    %c0_i32_0 = arith.constant 0 : i32
    %c0_i32_1 = arith.constant 0 : i32
    return %c0_i32, %c0_i32_0 : i32, i32
  }
  func.func @transform_7(%arg0: i32) -> (i32, i32) {
    %c0_i32 = arith.constant 0 : i32
    %c0_i32_0 = arith.constant 0 : i32
    %c0_i32_1 = arith.constant 0 : i32
    return %c0_i32, %c0_i32_0 : i32, i32
  }
  func.func @transform_8(%arg0: i32) -> (i32, i32) {
    %c0_i32 = arith.constant 0 : i32
    %c0_i32_0 = arith.constant 0 : i32
    %c0_i32_1 = arith.constant 0 : i32
    return %c0_i32, %c0_i32_0 : i32, i32
  }
  func.func @transform_9(%arg0: i32) -> (i32, i32) {
    %c0_i32 = arith.constant 0 : i32
    %c0_i32_0 = arith.constant 0 : i32
    return %arg0, %c0_i32 : i32, i32
  }
}

</mosaic_0001>

<sc_bundles>
// kernel: kernel.12.cloned.1.call-start
scs
__scs_entry_jumppad:
0x0: {  	(pc) =	sbr.rel $0x88, $3  }
0x1: {  	(tag) =	ssettag $0x0;
	lr =	simm.s32 $0x1  }
0x2: {  	[smem:$0x3F92] =	sst lr;
	_ =	strace $0xD0000000  }
0x3: {  	_ = 	snop  }
0x4: {  	_ = 	snop  }
0x5: {  	_ = 	snop  }
0x6: {  	_ = 	snop  }
0x7: {  	_ = 	snop  }
__scs_overlays_trampoline_lowered:
0x8: {  	[smem:$0x3FA1] =	sst s0  }
0x9: {  	[smem:$0x3FA2] =	sst s1  }
0xa: {  	[smem:$0x3FA3] =	sst s2  }
0xb: {  	[smem:$0x3FA4] =	sst s3  }
0xc: {  	[smem:$0x3FA5] =	sst s4  }
0xd: {  	[smem:$0x3FA6] =	sst s5  }
0xe: {  	[smem:$0x3FA7] =	sst s6  }
0xf: {  	[smem:$0x3FA8] =	sst s7  }
0x10: {  	[smem:$0x3FA9] =	sst s8  }
0x11: {  	[smem:$0x3FAA] =	sst s9;
	s0 =	simm.s32 @!p0 $0x0  }
0x12: {  	s1 =	sld [smem:$0x3F90];
	s0 =	simm.s32 @p0 $0x1  }
0x13: {  	[smem:$0x3FAB] =	sst s0;
	s0 =	simm.s32 @!p1 $0x0  }
0x14: {  	s2 =	sld [smem:$0x3F8F];
	s0 =	simm.s32 @p1 $0x1  }
0x15: {  	[smem:$0x3FAC] =	sst s0;
	s0 =	simm.s32 @!p2 $0x0  }
0x16: {  	s3 =	sld [smem:$0x3FDB];
	s0 =	simm.s32 @p2 $0x1  }
0x17: {  	s4 =	simm.s32 $0x1BF5;
	[smem:$0x3FAE] =	sst s0  }
0x18: {  	s0 =	sld [smem:$0x3F91];
	_ =	swait.ge [sflag:s4], $0x0  }
0x19: {  	s7 =	sld [smem:$0x3F92]  }
0x1a: {  	s8 =	sadd.s32 $0xFFFFE003, lr  }
0x1b: {  	s9 =	sadd.s32 $0xFFFFFEF7, lr;
	s5 =	simm.s32 $0xFFFFFFFF;
	p2 =	slt.u32 s8, $0xFFFFF086  }
0x1c: {  	p1 =	slt.u32 s9, $0xF7A;
	s5 =	simm.s32 @!p2 $0x0  }
0x1d: {  	s5 =	simm.s32 @p1 $0x1;
	p0 =	seq.s32 s7, s2  }
0x1e: {  	s7 =	smul.u32 @!p0 $0xF7A, s2;
	p2 =	seq.s32 @!p0 s5, $0x0  }
0x1f: {  	s9 =	smul.u32 $0xF7A, s1;
	s8 =	simm.s32 @!p0 $0x1BF5;
	p2 =	por !p2, p0  }
0x20: {  	[sflag:s8] =	ssyncset.s32 @!p0 $0xFFFFF086;
	s6 =	sadd.s32 @!p0 s3, s7;
	s7 =	simm.s32 @!p0 $0x108  }
0x21: {  	s3 =	sadd.s32 s3, s9;
	s6 =	sadd.s32 @!p0 $0x88, s6;
	s7 =	simm.s32 @p2 $0x1082  }
0x22: {  	[simem:s7], [sflag:s8] =	dma.local @!p0 [hbm:s6], $0xF7A  }
0x23: {  	s9 =	sor.u32 $0xD0000000, s2;
	s6 =	simm.s32 $0x108;
	_ =	swait.ge @!p0 [sflag:s8], $0x0  }
0x24: {  	s3 =	sadd.s32 $0x88, s3;
	s6 =	simm.s32 @!p1 $0x1082;
	[sflag:s4] =	ssyncset.s32 $0xFFFFF086  }
0x25: {  	[simem:s6], [sflag:s4] =	dma.local [hbm:s3], $0xF7A  }
0x26: {  	[smem:$0x3F92] =	sst s1;
	(tag) =	ssettag s2;
	_ =	strace s9  }
0x27: {  	s1 =	sld [smem:$0x3FA2]  }
0x28: {  	s2 =	sld [smem:$0x3FA3]  }
0x29: {  	s4 =	sld [smem:$0x3FA5]  }
0x2a: {  	p0 =	seq.s32 s5, $0x0;
	s5 =	sld [smem:$0x3FA6]  }
0x2b: {  	s6 =	sld [smem:$0x3FA7]  }
0x2c: {  	s7 =	sld [smem:$0x3FA8]  }
0x2d: {  	s3 =	simm.s32 $0x108;
	s8 =	sld [smem:$0x3FA9]  }
0x2e: {  	s3 =	simm.s32 @!p0 $0x1082;
	s9 =	sld [smem:$0x3FAA]  }
0x2f: {  	lr =	sadd.s32 s0, s3;
	s0 =	sld [smem:$0x3FA1]  }
0x30: {  	s3 =	sld [smem:$0x3FA4]  }
0x31: {  	[smem:$0x3FAD] =	sst s10  }
0x32: {  	s10 =	sld [smem:$0x3FAB];
	_ =	sdelay $0x3  }
0x33: {  	p0 =	seq.s32 s10, $0x1;
	s10 =	sld [smem:$0x3FAD];
	_ =	sdelay $0x3  }
0x34: {  	[smem:$0x3FAD] =	sst s10  }
0x35: {  	s10 =	sld [smem:$0x3FAC];
	_ =	sdelay $0x3  }
0x36: {  	p1 =	seq.s32 s10, $0x1;
	s10 =	sld [smem:$0x3FAD];
	_ =	sdelay $0x3  }
0x37: {  	[smem:$0x3FAD] =	sst s10  }
0x38: {  	s10 =	sld [smem:$0x3FAE]  }
0x39: {  	_ = 	snop;
	(pc) =	sbr.ind lr, $3  }
0x3a: {  	_ = 	snop  }
0x3b: {  	_ = 	snop  }
0x3c: {  	p2 =	seq.s32 s10, $0x1;
	s10 =	sld [smem:$0x3FAD]  }
0x3d: {  	_ =	shalt  }
0x3e: {  	_ =	shalt  }
0x3f: {  	_ =	shalt  }
0x40: {  	_ =	shalt  }
0x41: {  	_ =	shalt  }
0x42: {  	_ =	shalt  }
0x43: {  	_ =	shalt  }
0x44: {  	_ =	shalt  }
0x45: {  	_ =	shalt  }
0x46: {  	_ =	shalt  }
0x47: {  	_ =	shalt  }
0x48: {  	_ =	shalt  }
0x49: {  	_ =	shalt  }
0x4a: {  	_ =	shalt  }
0x4b: {  	_ =	shalt  }
0x4c: {  	_ =	shalt  }
0x4d: {  	_ =	shalt  }
0x4e: {  	_ =	shalt  }
0x4f: {  	_ =	shalt  }
0x50: {  	_ =	shalt  }
0x51: {  	_ =	shalt  }
0x52: {  	_ =	shalt  }
0x53: {  	_ =	shalt  }
0x54: {  	_ =	shalt  }
0x55: {  	_ =	shalt  }
0x56: {  	_ =	shalt  }
0x57: {  	_ =	shalt  }
0x58: {  	_ =	shalt  }
0x59: {  	_ =	shalt  }
0x5a: {  	_ =	shalt  }
0x5b: {  	_ =	shalt  }
0x5c: {  	_ =	shalt  }
0x5d: {  	_ =	shalt  }
0x5e: {  	_ =	shalt  }
0x5f: {  	_ =	shalt  }
0x60: {  	_ =	shalt  }
0x61: {  	_ =	shalt  }
0x62: {  	_ =	shalt  }
0x63: {  	_ =	shalt  }
0x64: {  	_ =	shalt  }
0x65: {  	_ =	shalt  }
0x66: {  	_ =	shalt  }
0x67: {  	_ =	shalt  }
0x68: {  	_ =	shalt  }
0x69: {  	_ =	shalt  }
0x6a: {  	_ =	shalt  }
0x6b: {  	_ =	shalt  }
0x6c: {  	_ =	shalt  }
0x6d: {  	_ =	shalt  }
0x6e: {  	_ =	shalt  }
0x6f: {  	_ =	shalt  }
0x70: {  	_ =	shalt  }
0x71: {  	_ =	shalt  }
0x72: {  	_ =	shalt  }
0x73: {  	_ =	shalt  }
0x74: {  	_ =	shalt  }
0x75: {  	_ =	shalt  }
0x76: {  	_ =	shalt  }
0x77: {  	_ =	shalt  }
0x78: {  	_ =	shalt  }
0x79: {  	_ =	shalt  }
0x7a: {  	_ =	shalt  }
0x7b: {  	_ =	shalt  }
0x7c: {  	_ =	shalt  }
0x7d: {  	_ =	shalt  }
0x7e: {  	_ =	shalt  }
0x7f: {  	_ =	shalt  }
0x80: {  	_ =	shalt  }
0x81: {  	_ =	shalt  }
0x82: {  	_ =	shalt  }
0x83: {  	_ =	shalt  }
0x84: {  	_ =	shalt  }
0x85: {  	_ =	shalt  }
0x86: {  	_ =	shalt  }
0x87: {  	_ =	shalt  }
.Lfunc_end0:
.L_simem_size_0:
called_computation.1_lowered:
.L_overlay_start_0:
0x88: {  	s2 =	sld [smem:$0x3FD9]  }
0x89: {  	s3 =	sld [smem:$0x3FFE];
	_ =	sdelay $0x1  }
0x8a: {  	s1 =	srdreg.scid  }
0x8b: {  	s0 =	sand.u32 $0x1, s1  }
0x8c: {  	s17 =	sshll.u32 s0, $0xA;
	s2 =	sadd.s32 s3, s2  }
0x8d: {  	s2 =	sadd.s32 s2, s17  }
0x8e: {  	[smem:$0x3FB9] =	sst s2  }
0x8f: {  	_ = 	snop  }
0x90: {  	s2 =	sld [smem:$0x3FD0];
	(tm) =	ssettm $0x1  }
0x91: {  	s18 =	sld [smem:$0x3FFB];
	_ =	sdelay $0x3  }
0x92: {  	_ =	strace s18  }
0x93: {  	s3 =	sld [smem:$0x3FFC];
	_ =	sdelay $0x3  }
0x94: {  	_ =	strace s3  }
0x95: {  	s3 =	sld [smem:$0x3FFD];
	_ =	sdelay $0x3  }
0x96: {  	_ =	strace s3  }
0x97: {  	_ =	strace $0x8FFFFFFF  }
0x98: {  	s19 =	sld [smem:$0x3FDB];
	_ =	sdelay $0x1  }
0x99: {  	s4 =	simm.s32 $_scs_section_size  }
0x9a: {  	s5 =	simm.s32 $_size__tile_overlayer_lowered;
	s6 =	simm.s32 $_tile_overlayer_lowered  }
0x9b: {  	s22 =	simm.s32 $0x1BFF;
	s21 =	sshll.u32 s6, $0x1;
	s3 =	sadd.s32 s4, s19  }
0x9c: {  	s7 =	simm.s32 $0x0;
	s20 =	sshll.u32 s5, $0x1;
	s5 =	sadd.s32 s21, s3  }
0x9d: {  	[timem:s7], [sflag:s22] =	dma.local [hbm:s5], s20  }
0x9e: {  	_ =	swait.ge [sflag:s22], s20  }
0x9f: {  	s4 =	ssub.s32 $0x0, s20;
	[sflag:s22] =	ssyncset.done $0x0  }
0xa0: {  	[sflag:s22] =	ssyncadd.s32 s4;
	_ =	sdelay $0x1  }
0xa1: {  	s23 =	simm.s32 $0x1B8B  }
0xa2: {  	_ =	swait.ge [sflag:s23], $0x1  }
0xa3: {  	[sflag:s23] =	ssyncset.done $0x0  }
0xa4: {  	s25 =	simm.s32 $0x1B8E;
	s24 =	sld [smem:$0x3FFE];
	[sflag:s23] =	ssyncadd.s32 $0xFFFFFFFF  }
0xa5: {  	s26 =	simm.s32 $execute0_lowered;
	[smem:$0x3FD2] =	sst s25  }
0xa6: {  	s5 =	sshll.u32 s26, $0x1;
	_ =	strace $0x80000046;
	[dreg:$0x1] =	wrdreg $0xFFFFFFFF  }
0xa7: {  	s28 =	simm.s32 $_size_execute0_lowered;
	s3 =	sadd.s32 s3, s5;
	[dreg:$0x0] =	wrdreg $0x0  }
0xa8: {  	s5 =	sshll.u32 s28, $0x1;
	[dreg:$0x2] =	wrdreg s3  }
0xa9: {  	[dreg:$0x3] =	wrdreg s5  }
0xaa: {  	[dreg:$0x4] =	wrdreg $0xC0  }
0xab: {  	_ =	task [dreg:s7], $0x5FFFF  }
0xac: {  	[dreg:$0x1] =	wrdreg $0xFFFFFFFF  }
0xad: {  	[dreg:$0x0] =	wrdreg $0x60  }
0xae: {  	[dreg:$0x2] =	wrdreg s2  }
0xaf: {  	[dreg:$0x3] =	wrdreg s24  }
0xb0: {  	[dreg:$0x4] =	wrdreg $0xEEA00  }
0xb1: {  	[dreg:$0x5] =	wrdreg $0x50A00  }
0xb2: {  	[dreg:$0x6] =	wrdreg $0xA  }
0xb3: {  	_ =	task.clear_ibuf [dreg:s7], $0x7FFFF;
	_ =	strace $0x90000046  }
0xb4: {  	s29 =	simm.s32 $0xA;
	_ =	strace $0x80000048  }
0xb5: {  	_ =	swait.ge [sflag:s29], $0x1  }
0xb6: {  	[sflag:s29] =	ssyncadd.s32 $0xFFFFFFFF  }
0xb7: {  	_ =	strace $0x90000048  }
0xb8: {  	_ =	sfence  }
0xb9: {  	s30 =	sld [smem:$0x0];
	_ =	sdelay $0x2  }
0xba: {  	s31 =	sshll.u32 s1, $0xD;
	s1 =	sshrl.u32 s1, $0x2  }
0xbb: {  	s3 =	sand.u32 $0x4000, s31;
	s1 =	sadd.s32 s1, s30  }
0xbc: {  	s0 =	sor.u32 s3, s0;
	s1 =	sshll.u32 s1, $0x11  }
0xbd: {  	s0 =	sor.u32 s1, s0  }
0xbe: {  	s0 =	sadd.s32 $0x8F2B, s0  }
0xbf: {  	[sflag:s0] =	ssyncadd.remote.s32 $0x1  }
0xc0: {  	_ =	sfence.sel $0xFFFF  }
0xc1: {  	[dreg:$0x0] =	wrdreg $0xFFFFFFFF;
	(pc) =	sbr.abs _section_cstart, $3  }
0xc2: {  	[dreg:$0x1] =	wrdreg $0xFFFFFFFF  }
0xc3: {  	_ =	task.clear_ibuf [dreg:s7], $0x2FFFF;
	_ =	strace $0x9FFFFFFF  }
0xc4: {  	(tm) =	ssettm $0x7FFFFFFF  }
0xc5: {  	_ =	shalt  }
tec
execute0_lowered:
.L_overlay_start_1:
0x0: {  	(tag) =	ssettag $0x1  }
0x1: {  	s0 =	rddreg [dreg:$0x0]  }
0x2: {  	s1 =	rddreg [dreg:$0x1];
	s15 =	stileid.u32  }
0x3: {  	s3 =	srdreg.scid;
	s2 =	rddreg [dreg:$0x2];
	s28 =	simm.s32 $0x2  }
0x4: {  	s29 =	simm.s32 $0x3;
	s30 =	simm.s32 $0xA0;
	s6 =	smul.u32 $0x9E00, s15  }
0x5: {  	s31 =	simm.s32 $0x4;
	s5 =	sand.u32 $0x1, s3;
	s22 =	smul.u32 $0x5000, s15  }
0x6: {  	s4 =	sshll.u32 s15, $0x1;
	s3 =	rddreg [dreg:$0x3];
	s9 =	smul.u32 $0x9E000, s5  }
0x7: {  	s7 =	sor.u32 s5, s4;
	s11 =	ssub.s32 $0x2, s5;
	s5 =	smul.u32 $0x2800, s5  }
0x8: {  	s13 =	sadd.s32 $0x18E00, s1;
	s4 =	simm.s32 $0x0;
	s7 =	smul.u32 $0x2800, s7  }
0x9: {  	[smem:$0x7FF] =	sst s4;
	s8 =	sshrl.u32 s6, $0x3;
	s14 =	sshrl.u32 s11, $0x1  }
0xa: {  	s21 =	sadd.s32 s6, s2;
	_ =	strace $0x80000047;
	s12 =	sadd.s32 s8, s1  }
0xb: {  	s9 =	sadd.s32 s6, s9;
	s14 =	ssub.s32 s11, s14;
	[dreg:$0x6] =	wrdreg s21  }
0xc: {  	s0 =	sadd.s32 s0, s8;
	s6 =	sadd.s32 s6, s3;
	s21 =	simm.s32 $0x2800  }
0xd: {  	s7 =	sshrl.u32 s7, $0x3;
	s9 =	sshrl.u32 s9, $0x3;
	[dreg:$0x7] =	wrdreg s0  }
0xe: {  	[dreg:$0x8] =	wrdreg s6;
	s24 =	sadd.s32 $0x5200, s12;
	s0 =	sadd.s32 s5, s22  }
0xf: {  	s25 =	smax.u32 s14, $0x1;
	s22 =	simm.s32 $0x50;
	s5 =	simm.s32 $0x6  }
0x10: {  	s6 =	simm.s32 $0x0;
	s10 =	sadd.s32 s7, s1;
	[dreg:$0xa] =	wrdreg s24  }
0x11: {  	s1 =	sadd.s32 s9, s1;
	s9 =	sadd.s32 s13, s7;
	[dreg:$0xc] =	wrdreg s25  }
0x12: {  	s26 =	sor.u32 $0x190, s0;
	s0 =	sor.u32 $0x140, s0;
	s24 =	simm.s32 $0x2850  }
0x13: {  	s25 =	simm.s32 $0x3CA0;
	s20 =	sadd.s32 $0x22E00, s10;
	s10 =	sadd.s32 $0x2CE00, s12  }
0x14: {  	s11 =	sadd.s32 $0xA, s9;
	s23 =	sadd.s32 $0x40A00, s1;
	s1 =	sadd.s32 $0x68200, s1  }
.Ltmp0:
0x15: {  	s16 =	sadd.s32 $0x14, s9;
	[dreg:$0x5] =	wrdreg s20;
	(pc) =	sbr.rel .LBB2_1-.Ltmp0, $4  }
0x16: {  	s0 =	sshrl.u32 s0, $0x3;
	s17 =	sadd.s32 $0x1E, s9;
	[dreg:$0x9] =	wrdreg s23  }
0x17: {  	[dreg:$0xb] =	wrdreg s1;
	s1 =	sshrl.u32 s26, $0x3;
	s19 =	sadd.s32 s0, s13  }
0x18: {  	s20 =	simm.s32 $0x7;
	s23 =	simm.s32 $0x28A0;
	s26 =	simm.s32 $0x1  }
0x19: {  	s0 =	simm.s32 $0x5;
	s18 =	sadd.s32 s1, s13;
	s1 =	simm.s32 $0xF0  }
.LBB2_7:
0x1a: {  	_ =	swait.ge [sflag:s31], $0x1400  }
0x1b: {  	[sflag:s31] =	ssyncset.done $0x0  }
0x1c: {  	[sflag:s31] =	ssyncadd.s32 $0xFFFFEC00  }
0x1d: {  	[bflag:$0x0] =	sbarrier.arrive $0xFFFF  }
0x1e: {  	s12 =	rddreg [dreg:$0xb]  }
0x1f: {  	[hbm:s12], [sflag:s7] =	dma.local [spmem:s8], $0x13C0  }
0x20: {  	_ =	swait.ge [sflag:s20], $0x13C0  }
0x21: {  	s6 =	sadd.s32 $0x1, s6;
	s15 =	rddreg [dreg:$0xc]  }
0x22: {  	p0 =	sne.s32 s6, s15  }
.Ltmp1:
0x23: {  	_ = 	snop;
	(pc) =	sbr.rel @!p0 .LBB2_8-.Ltmp1, $3  }
0x24: {  	_ =	sdelay $0x1  }
0x25: {  	[sflag:s20] =	ssyncset.done $0x0  }
0x26: {  	[sflag:s20] =	ssyncadd.s32 $0xFFFFEC40  }
.LBB2_1:
0x27: {  	s7 =	rddreg [dreg:$0x5];
	s13 =	stileid.u32  }
0x28: {  	[tilespmem:s4], [sflag:$0x7] =	stream.linear.gather [hbm4b:s7+s4], $0x2800, $0x38;
	[tilespmem:$0x18CA0] =	vst v63  }
0x29: {  	s7 =	sshll.u32 s13, $0x6;
	_ =	swait.ge [sflag:s20], $0x2800  }
0x2a: {  	s7 =	sor.u32 $0x1C07, s7;
	[sflag:s20] =	ssyncset.done $0x0;
	s8 =	rddreg [dreg:$0x6]  }
0x2b: {  	s14 =	rddreg [dreg:$0x7];
	[sflag:s20] =	ssyncadd.s32 $0xFFFFD800;
	s12 =	sshrl.u32 s8, $0x3  }
0x2c: {  	[spmem:s12], [sflag:s7] =	dma.local [hbm:s14], $0x13C0  }
0x2d: {  	_ =	swait.ge [sflag:s20], $0x13C0  }
0x2e: {  	[sflag:s20] =	ssyncset.done $0x0;
	s15 =	rddreg [dreg:$0x8]  }
0x2f: {  	[sflag:s20] =	ssyncadd.s32 $0xFFFFEC40;
	s8 =	sshrl.u32 s15, $0x3  }
0x30: {  	[spmem:s8], [sflag:s7] =	dma.local [hbm:s10], $0x13C0  }
0x31: {  	_ =	swait.ge [sflag:s20], $0x13C0  }
0x32: {  	[sflag:s20] =	ssyncset.done $0x0  }
0x33: {  	[sflag:s20] =	ssyncadd.s32 $0xFFFFEC40  }
0x34: {  	[bflag:$0x0] =	sbarrier.arrive $0xFFFF  }
0x35: {  	[tilespmem:s21], [sflag:$0x7] =	stream.linear.gather [hbm4b:s9+s4], $0x50, $0x38;
	[tilespmem:$0x18CA0] =	vst v63  }
0x36: {  	_ =	swait.ge [sflag:s20], $0x50  }
0x37: {  	[sflag:s20] =	ssyncset.done $0x0  }
0x38: {  	[sflag:s20] =	ssyncadd.s32 $0xFFFFFFB0  }
0x39: {  	[tilespmem:s23], [sflag:$0x1] =	stream.indirect.gather [spmem:s2], $0x40, s4, s22, $0xb8;
	[tilespmem:$0x18CA0] =	vst v63  }
0x3a: {  	_ = 	snop  }
0x3b: {  	[tilespmem:s24], [sflag:$0x7] =	stream.linear.gather [hbm4b:s11+s4], $0x50, $0x38;
	[tilespmem:$0x18CA0] =	vst v63  }
0x3c: {  	_ =	swait.ge [sflag:s20], $0x50  }
0x3d: {  	[sflag:s20] =	ssyncset.done $0x0  }
0x3e: {  	[sflag:s20] =	ssyncadd.s32 $0xFFFFFFB0  }
0x3f: {  	[tilespmem:s25], [sflag:$0x2] =	stream.indirect.gather [spmem:s2], $0x40, s22, s22, $0xb8;
	[tilespmem:$0x18CA0] =	vst v63  }
0x40: {  	_ =	swait.ge [sflag:s26], $0x1400  }
0x41: {  	[sflag:s26] =	ssyncset.done $0x0  }
0x42: {  	[sflag:s26] =	ssyncadd.s32 $0xFFFFEC00  }
0x43: {  	[spmem:s3] =	stream.indirect.scatter.add.f32 [tilespmem:s23], [sflag:$0x3], $0x40, s21, s22, $0xb8;
	[tilespmem:$0x18CA0] =	vst v63  }
0x44: {  	_ =	swait.ge [sflag:s28], $0x1400  }
0x45: {  	[sflag:s28] =	ssyncset.done $0x0  }
0x46: {  	[sflag:s28] =	ssyncadd.s32 $0xFFFFEC00  }
0x47: {  	[spmem:s3] =	stream.indirect.scatter.add.f32 [tilespmem:s25], [sflag:$0x4], $0x40, s24, s22, $0xb8;
	[tilespmem:$0x18CA0] =	vst v63  }
0x48: {  	_ =	swait.ge [sflag:s29], $0x1400  }
0x49: {  	[sflag:s29] =	ssyncset.done $0x0  }
0x4a: {  	[sflag:s29] =	ssyncadd.s32 $0xFFFFEC00  }
0x4b: {  	[tilespmem:s21], [sflag:$0x5] =	stream.linear.gather [hbm4b:s16+s4], $0x50, $0x38;
	[tilespmem:$0x18CA0] =	vst v63  }
0x4c: {  	_ = 	snop  }
0x4d: {  	[tilespmem:s23], [sflag:$0x1] =	stream.indirect.gather [spmem:s2], $0x40, s30, s22, $0xb8;
	[tilespmem:$0x18CA0] =	vst v63  }
0x4e: {  	_ =	swait.ge [sflag:s31], $0x1400  }
0x4f: {  	[sflag:s31] =	ssyncset.done $0x0  }
0x50: {  	[sflag:s31] =	ssyncadd.s32 $0xFFFFEC00  }
0x51: {  	[tilespmem:s24], [sflag:$0x6] =	stream.linear.gather [hbm4b:s17+s4], $0x50, $0x38;
	[tilespmem:$0x18CA0] =	vst v63  }
0x52: {  	s13 =	simm.s32 $0x190;
	s14 =	simm.s32 $0x0  }
0x53: {  	[tilespmem:s25], [sflag:$0x2] =	stream.indirect.gather [spmem:s2], $0x40, s1, s22, $0xb8;
	[tilespmem:$0x18CA0] =	vst v63  }
.LBB2_2:
0x54: {  	_ =	swait.ge [sflag:s26], $0x1400  }
0x55: {  	[sflag:s26] =	ssyncset.done $0x0  }
0x56: {  	[sflag:s26] =	ssyncadd.s32 $0xFFFFEC00  }
0x57: {  	_ =	swait.ge [sflag:s0], $0x50  }
0x58: {  	[sflag:s0] =	ssyncset.done $0x0  }
0x59: {  	[sflag:s0] =	ssyncadd.s32 $0xFFFFFFB0  }
0x5a: {  	[spmem:s3] =	stream.indirect.scatter.add.f32 [tilespmem:s23], [sflag:$0x3], $0x40, s21, s22, $0xb8;
	[tilespmem:$0x18CA0] =	vst v63  }
0x5b: {  	_ =	swait.ge [sflag:s28], $0x1400  }
0x5c: {  	[sflag:s28] =	ssyncset.done $0x0  }
0x5d: {  	[sflag:s28] =	ssyncadd.s32 $0xFFFFEC00  }
0x5e: {  	_ =	swait.ge [sflag:s5], $0x50  }
0x5f: {  	p0 =	seq.s32 s14, $0x4D8;
	[sflag:s5] =	ssyncset.done $0x0  }
.Ltmp2:
0x60: {  	[sflag:s5] =	ssyncadd.s32 $0xFFFFFFB0;
	(pc) =	sbr.rel @p0 .LBB2_4-.Ltmp2, $4  }
0x61: {  	[spmem:s3] =	stream.indirect.scatter.add.f32 [tilespmem:s25], [sflag:$0x4], $0x40, s24, s22, $0xb8;
	[tilespmem:$0x18CA0] =	vst v63  }
0x62: {  	_ =	swait.ge [sflag:s29], $0x1400  }
0x63: {  	[sflag:s29] =	ssyncset.done $0x0  }
0x64: {  	[sflag:s29] =	ssyncadd.s32 $0xFFFFEC00  }
0x65: {  	s15 =	sadd.s32 s14, s19  }
0x66: {  	[tilespmem:s21], [sflag:$0x5] =	stream.linear.gather [hbm4b:s15+s4], $0x50, $0x38;
	[tilespmem:$0x18CA0] =	vst v63  }
0x67: {  	s15 =	sadd.s32 $0xFFFFFFB0, s13  }
0x68: {  	[tilespmem:s23], [sflag:$0x1] =	stream.indirect.gather [spmem:s2], $0x40, s15, s22, $0xb8;
	[tilespmem:$0x18CA0] =	vst v63  }
0x69: {  	_ =	swait.ge [sflag:s31], $0x1400  }
0x6a: {  	[sflag:s31] =	ssyncset.done $0x0  }
.Ltmp3:
0x6b: {  	s15 =	sadd.s32 s14, s18;
	[sflag:s31] =	ssyncadd.s32 $0xFFFFEC00;
	(pc) =	sbr.rel .LBB2_2-.Ltmp3, $4  }
0x6c: {  	[tilespmem:s24], [sflag:$0x6] =	stream.linear.gather [hbm4b:s15+s4], $0x50, $0x38;
	[tilespmem:$0x18CA0] =	vst v63  }
0x6d: {  	_ = 	snop  }
0x6e: {  	[tilespmem:s25], [sflag:$0x2] =	stream.indirect.gather [spmem:s2], $0x40, s13, s22, $0xb8;
	[tilespmem:$0x18CA0] =	vst v63  }
0x6f: {  	s14 =	sadd.s32 $0x14, s14;
	s13 =	sadd.s32 $0xA0, s13  }
.LBB2_4:
0x70: {  	_ =	swait.ge [sflag:s31], $0x1400  }
0x71: {  	[sflag:s31] =	ssyncset.done $0x0  }
0x72: {  	[sflag:s31] =	ssyncadd.s32 $0xFFFFEC00  }
0x73: {  	[bflag:$0x0] =	sbarrier.arrive $0xFFFF  }
0x74: {  	s13 =	rddreg [dreg:$0x9]  }
0x75: {  	[hbm:s13], [sflag:s7] =	dma.local [spmem:s8], $0x13C0  }
0x76: {  	_ =	swait.ge [sflag:s20], $0x13C0  }
0x77: {  	[sflag:s20] =	ssyncset.done $0x0  }
0x78: {  	s15 =	rddreg [dreg:$0xa];
	[sflag:s20] =	ssyncadd.s32 $0xFFFFEC40  }
0x79: {  	[spmem:s12], [sflag:s7] =	dma.local [hbm:s15], $0x13C0  }
0x7a: {  	_ =	swait.ge [sflag:s20], $0x13C0  }
0x7b: {  	[sflag:s20] =	ssyncset.done $0x0  }
0x7c: {  	[sflag:s20] =	ssyncadd.s32 $0xFFFFEC40  }
0x7d: {  	[spmem:s8], [sflag:s7] =	dma.local [hbm:s10], $0x13C0  }
0x7e: {  	_ =	swait.ge [sflag:s20], $0x13C0  }
0x7f: {  	[sflag:s20] =	ssyncset.done $0x0  }
0x80: {  	[sflag:s20] =	ssyncadd.s32 $0xFFFFEC40  }
0x81: {  	s12 =	simm.s32 $0x0;
	[bflag:$0x0] =	sbarrier.arrive $0xFFFF  }
0x82: {  	[tilespmem:s21], [sflag:$0x7] =	stream.linear.gather [hbm4b:s9+s12], $0x50, $0x38;
	[tilespmem:$0x18CA0] =	vst v63  }
0x83: {  	_ =	swait.ge [sflag:s20], $0x50  }
0x84: {  	[sflag:s20] =	ssyncset.done $0x0  }
0x85: {  	[sflag:s20] =	ssyncadd.s32 $0xFFFFFFB0  }
0x86: {  	[tilespmem:s23], [sflag:$0x1] =	stream.indirect.gather [spmem:s2], $0x40, s12, s22, $0xb8;
	[tilespmem:$0x18CA0] =	vst v63  }
0x87: {  	_ = 	snop  }
0x88: {  	[tilespmem:s24], [sflag:$0x7] =	stream.linear.gather [hbm4b:s11+s12], $0x50, $0x38;
	[tilespmem:$0x18CA0] =	vst v63  }
0x89: {  	_ =	swait.ge [sflag:s20], $0x50  }
0x8a: {  	[sflag:s20] =	ssyncset.done $0x0  }
0x8b: {  	[sflag:s20] =	ssyncadd.s32 $0xFFFFFFB0  }
0x8c: {  	[tilespmem:s25], [sflag:$0x2] =	stream.indirect.gather [spmem:s2], $0x40, s22, s22, $0xb8;
	[tilespmem:$0x18CA0] =	vst v63  }
0x8d: {  	_ =	swait.ge [sflag:s26], $0x1400  }
0x8e: {  	[sflag:s26] =	ssyncset.done $0x0  }
0x8f: {  	[sflag:s26] =	ssyncadd.s32 $0xFFFFEC00  }
0x90: {  	[spmem:s3] =	stream.indirect.scatter.add.f32 [tilespmem:s23], [sflag:$0x3], $0x40, s21, s22, $0xb8;
	[tilespmem:$0x18CA0] =	vst v63  }
0x91: {  	_ =	swait.ge [sflag:s28], $0x1400  }
0x92: {  	[sflag:s28] =	ssyncset.done $0x0  }
0x93: {  	[sflag:s28] =	ssyncadd.s32 $0xFFFFEC00  }
0x94: {  	[spmem:s3] =	stream.indirect.scatter.add.f32 [tilespmem:s25], [sflag:$0x4], $0x40, s24, s22, $0xb8;
	[tilespmem:$0x18CA0] =	vst v63  }
0x95: {  	_ =	swait.ge [sflag:s29], $0x1400  }
0x96: {  	[sflag:s29] =	ssyncset.done $0x0  }
0x97: {  	[sflag:s29] =	ssyncadd.s32 $0xFFFFEC00  }
0x98: {  	[tilespmem:s21], [sflag:$0x5] =	stream.linear.gather [hbm4b:s16+s12], $0x50, $0x38;
	[tilespmem:$0x18CA0] =	vst v63  }
0x99: {  	_ = 	snop  }
0x9a: {  	[tilespmem:s23], [sflag:$0x1] =	stream.indirect.gather [spmem:s2], $0x40, s30, s22, $0xb8;
	[tilespmem:$0x18CA0] =	vst v63  }
0x9b: {  	_ =	swait.ge [sflag:s31], $0x1400  }
0x9c: {  	[sflag:s31] =	ssyncset.done $0x0  }
0x9d: {  	[sflag:s31] =	ssyncadd.s32 $0xFFFFEC00  }
0x9e: {  	[tilespmem:s24], [sflag:$0x6] =	stream.linear.gather [hbm4b:s17+s12], $0x50, $0x38;
	[tilespmem:$0x18CA0] =	vst v63  }
0x9f: {  	s13 =	simm.s32 $0x190  }
0xa0: {  	[tilespmem:s25], [sflag:$0x2] =	stream.indirect.gather [spmem:s2], $0x40, s1, s22, $0xb8;
	[tilespmem:$0x18CA0] =	vst v63  }
.LBB2_5:
0xa1: {  	_ =	swait.ge [sflag:s26], $0x1400  }
0xa2: {  	[sflag:s26] =	ssyncset.done $0x0  }
0xa3: {  	[sflag:s26] =	ssyncadd.s32 $0xFFFFEC00  }
0xa4: {  	_ =	swait.ge [sflag:s0], $0x50  }
0xa5: {  	[sflag:s0] =	ssyncset.done $0x0  }
0xa6: {  	[sflag:s0] =	ssyncadd.s32 $0xFFFFFFB0  }
0xa7: {  	[spmem:s3] =	stream.indirect.scatter.add.f32 [tilespmem:s23], [sflag:$0x3], $0x40, s21, s22, $0xb8;
	[tilespmem:$0x18CA0] =	vst v63  }
0xa8: {  	_ =	swait.ge [sflag:s28], $0x1400  }
0xa9: {  	[sflag:s28] =	ssyncset.done $0x0  }
0xaa: {  	[sflag:s28] =	ssyncadd.s32 $0xFFFFEC00  }
0xab: {  	_ =	swait.ge [sflag:s5], $0x50  }
0xac: {  	p0 =	seq.s32 s12, $0x4D8;
	[sflag:s5] =	ssyncset.done $0x0  }
.Ltmp4:
0xad: {  	[sflag:s5] =	ssyncadd.s32 $0xFFFFFFB0;
	(pc) =	sbr.rel @p0 .LBB2_7-.Ltmp4, $4  }
0xae: {  	[spmem:s3] =	stream.indirect.scatter.add.f32 [tilespmem:s25], [sflag:$0x4], $0x40, s24, s22, $0xb8;
	[tilespmem:$0x18CA0] =	vst v63  }
0xaf: {  	_ =	swait.ge [sflag:s29], $0x1400  }
0xb0: {  	[sflag:s29] =	ssyncset.done $0x0  }
0xb1: {  	[sflag:s29] =	ssyncadd.s32 $0xFFFFEC00  }
0xb2: {  	s14 =	sadd.s32 s12, s19  }
0xb3: {  	[tilespmem:s21], [sflag:$0x5] =	stream.linear.gather [hbm4b:s14+s4], $0x50, $0x38;
	[tilespmem:$0x18CA0] =	vst v63  }
0xb4: {  	s15 =	sadd.s32 $0xFFFFFFB0, s13  }
0xb5: {  	[tilespmem:s23], [sflag:$0x1] =	stream.indirect.gather [spmem:s2], $0x40, s15, s22, $0xb8;
	[tilespmem:$0x18CA0] =	vst v63  }
0xb6: {  	_ =	swait.ge [sflag:s31], $0x1400  }
0xb7: {  	[sflag:s31] =	ssyncset.done $0x0  }
.Ltmp5:
0xb8: {  	s15 =	sadd.s32 s12, s18;
	[sflag:s31] =	ssyncadd.s32 $0xFFFFEC00;
	(pc) =	sbr.rel .LBB2_5-.Ltmp5, $4  }
0xb9: {  	[tilespmem:s24], [sflag:$0x6] =	stream.linear.gather [hbm4b:s15+s4], $0x50, $0x38;
	[tilespmem:$0x18CA0] =	vst v63  }
0xba: {  	_ = 	snop  }
0xbb: {  	[tilespmem:s25], [sflag:$0x2] =	stream.indirect.gather [spmem:s2], $0x40, s13, s22, $0xb8;
	[tilespmem:$0x18CA0] =	vst v63  }
0xbc: {  	s12 =	sadd.s32 $0x14, s12;
	s13 =	sadd.s32 $0xA0, s13  }
.LBB2_8:
0xbd: {  	_ =	sfence.sel $0x180000  }
0xbe: {  	[bflag:$0x0] =	sbarrier.arrive $0xFFFF  }
0xbf: {  	_ =	strace $0x90000047  }
0xc0: {  	s0 =	stileid.u32;
	[bflag:$0x2] =	sbarrier.arrive $0xFFFF  }
0xc1: {  	p0 =	sne.s32 s0, $0x0;
	s0 =	rddreg [dreg:$0x4]  }
0xc2: {  	s0 =	sadd.s32 @!p0 $0x100000, s0  }
0xc3: {  	[sflag:s0] =	ssyncadd.tile.s32 @!p0 $0x1;
	_ =	shalt  }
.Lfunc_end2:
_tile_overlayer_lowered:
.L_overlay_start_2:
0xc4: {  	(tag) =	ssettag $0x2  }
0xc5: {  	s0 =	rddreg [dreg:$0x0];
	s2 =	stileid.u32  }
0xc6: {  	s1 =	rddreg [dreg:$0x1];
	p0 =	sne.s32 s2, $0x0  }
0xc7: {  	s3 =	rddreg [dreg:$0x2];
	[bflag:$0x3] =	sbarrier.arrive $0xFFFF;
	s2 =	simm.s32 @!p0 $0x1C07  }
0xc8: {  	[timem:s3], [sflag:s2] =	dma.local @!p0 [hbm:s0], s1  }
0xc9: {  	s0 =	simm.s32 @!p0 $0x7  }
0xca: {  	_ =	swait.ge @!p0 [sflag:s0], s1  }
0xcb: {  	s1 =	ssub.s32 @!p0 $0x0, s1;
	[sflag:s0] =	ssyncset.done @!p0 $0x0  }
0xcc: {  	[sflag:s0] =	ssyncadd.s32 @!p0 s1  }
0xcd: {  	[bflag:$0x3] =	sbarrier.arrive $0xFFFF  }
0xce: {  	_ =	shalt  }

// kernel: kernel.15.cloned.1.call-start
scs
__scs_entry_jumppad:
0x0: {  	(pc) =	sbr.rel $0x88, $3  }
0x1: {  	(tag) =	ssettag $0x0;
	lr =	simm.s32 $0x1  }
0x2: {  	[smem:$0x3F92] =	sst lr;
	_ =	strace $0xD0000000  }
0x3: {  	_ = 	snop  }
0x4: {  	_ = 	snop  }
0x5: {  	_ = 	snop  }
0x6: {  	_ = 	snop  }
0x7: {  	_ = 	snop  }
__scs_overlays_trampoline_lowered:
0x8: {  	[smem:$0x3FA1] =	sst s0  }
0x9: {  	[smem:$0x3FA2] =	sst s1  }
0xa: {  	[smem:$0x3FA3] =	sst s2  }
0xb: {  	[smem:$0x3FA4] =	sst s3  }
0xc: {  	[smem:$0x3FA5] =	sst s4  }
0xd: {  	[smem:$0x3FA6] =	sst s5  }
0xe: {  	[smem:$0x3FA7] =	sst s6  }
0xf: {  	[smem:$0x3FA8] =	sst s7  }
0x10: {  	[smem:$0x3FA9] =	sst s8  }
0x11: {  	[smem:$0x3FAA] =	sst s9;
	s0 =	simm.s32 @!p0 $0x0  }
0x12: {  	s1 =	sld [smem:$0x3F90];
	s0 =	simm.s32 @p0 $0x1  }
0x13: {  	[smem:$0x3FAB] =	sst s0;
	s0 =	simm.s32 @!p1 $0x0  }
0x14: {  	s2 =	sld [smem:$0x3F8F];
	s0 =	simm.s32 @p1 $0x1  }
0x15: {  	[smem:$0x3FAC] =	sst s0;
	s0 =	simm.s32 @!p2 $0x0  }
0x16: {  	s3 =	sld [smem:$0x3FDB];
	s0 =	simm.s32 @p2 $0x1  }
0x17: {  	s4 =	simm.s32 $0x1BF5;
	[smem:$0x3FAE] =	sst s0  }
0x18: {  	s0 =	sld [smem:$0x3F91];
	_ =	swait.ge [sflag:s4], $0x0  }
0x19: {  	s7 =	sld [smem:$0x3F92]  }
0x1a: {  	s8 =	sadd.s32 $0xFFFFE003, lr  }
0x1b: {  	s9 =	sadd.s32 $0xFFFFFEF7, lr;
	s5 =	simm.s32 $0xFFFFFFFF;
	p2 =	slt.u32 s8, $0xFFFFF086  }
0x1c: {  	p1 =	slt.u32 s9, $0xF7A;
	s5 =	simm.s32 @!p2 $0x0  }
0x1d: {  	s5 =	simm.s32 @p1 $0x1;
	p0 =	seq.s32 s7, s2  }
0x1e: {  	s7 =	smul.u32 @!p0 $0xF7A, s2;
	p2 =	seq.s32 @!p0 s5, $0x0  }
0x1f: {  	s9 =	smul.u32 $0xF7A, s1;
	s8 =	simm.s32 @!p0 $0x1BF5;
	p2 =	por !p2, p0  }
0x20: {  	[sflag:s8] =	ssyncset.s32 @!p0 $0xFFFFF086;
	s6 =	sadd.s32 @!p0 s3, s7;
	s7 =	simm.s32 @!p0 $0x108  }
0x21: {  	s3 =	sadd.s32 s3, s9;
	s6 =	sadd.s32 @!p0 $0x88, s6;
	s7 =	simm.s32 @p2 $0x1082  }
0x22: {  	[simem:s7], [sflag:s8] =	dma.local @!p0 [hbm:s6], $0xF7A  }
0x23: {  	s9 =	sor.u32 $0xD0000000, s2;
	s6 =	simm.s32 $0x108;
	_ =	swait.ge @!p0 [sflag:s8], $0x0  }
0x24: {  	s3 =	sadd.s32 $0x88, s3;
	s6 =	simm.s32 @!p1 $0x1082;
	[sflag:s4] =	ssyncset.s32 $0xFFFFF086  }
0x25: {  	[simem:s6], [sflag:s4] =	dma.local [hbm:s3], $0xF7A  }
0x26: {  	[smem:$0x3F92] =	sst s1;
	(tag) =	ssettag s2;
	_ =	strace s9  }
0x27: {  	s1 =	sld [smem:$0x3FA2]  }
0x28: {  	s2 =	sld [smem:$0x3FA3]  }
0x29: {  	s4 =	sld [smem:$0x3FA5]  }
0x2a: {  	p0 =	seq.s32 s5, $0x0;
	s5 =	sld [smem:$0x3FA6]  }
0x2b: {  	s6 =	sld [smem:$0x3FA7]  }
0x2c: {  	s7 =	sld [smem:$0x3FA8]  }
0x2d: {  	s3 =	simm.s32 $0x108;
	s8 =	sld [smem:$0x3FA9]  }
0x2e: {  	s3 =	simm.s32 @!p0 $0x1082;
	s9 =	sld [smem:$0x3FAA]  }
0x2f: {  	lr =	sadd.s32 s0, s3;
	s0 =	sld [smem:$0x3FA1]  }
0x30: {  	s3 =	sld [smem:$0x3FA4]  }
0x31: {  	[smem:$0x3FAD] =	sst s10  }
0x32: {  	s10 =	sld [smem:$0x3FAB];
	_ =	sdelay $0x3  }
0x33: {  	p0 =	seq.s32 s10, $0x1;
	s10 =	sld [smem:$0x3FAD];
	_ =	sdelay $0x3  }
0x34: {  	[smem:$0x3FAD] =	sst s10  }
0x35: {  	s10 =	sld [smem:$0x3FAC];
	_ =	sdelay $0x3  }
0x36: {  	p1 =	seq.s32 s10, $0x1;
	s10 =	sld [smem:$0x3FAD];
	_ =	sdelay $0x3  }
0x37: {  	[smem:$0x3FAD] =	sst s10  }
0x38: {  	s10 =	sld [smem:$0x3FAE]  }
0x39: {  	_ = 	snop;
	(pc) =	sbr.ind lr, $3  }
0x3a: {  	_ = 	snop  }
0x3b: {  	_ = 	snop  }
0x3c: {  	p2 =	seq.s32 s10, $0x1;
	s10 =	sld [smem:$0x3FAD]  }
0x3d: {  	_ =	shalt  }
0x3e: {  	_ =	shalt  }
0x3f: {  	_ =	shalt  }
0x40: {  	_ =	shalt  }
0x41: {  	_ =	shalt  }
0x42: {  	_ =	shalt  }
0x43: {  	_ =	shalt  }
0x44: {  	_ =	shalt  }
0x45: {  	_ =	shalt  }
0x46: {  	_ =	shalt  }
0x47: {  	_ =	shalt  }
0x48: {  	_ =	shalt  }
0x49: {  	_ =	shalt  }
0x4a: {  	_ =	shalt  }
0x4b: {  	_ =	shalt  }
0x4c: {  	_ =	shalt  }
0x4d: {  	_ =	shalt  }
0x4e: {  	_ =	shalt  }
0x4f: {  	_ =	shalt  }
0x50: {  	_ =	shalt  }
0x51: {  	_ =	shalt  }
0x52: {  	_ =	shalt  }
0x53: {  	_ =	shalt  }
0x54: {  	_ =	shalt  }
0x55: {  	_ =	shalt  }
0x56: {  	_ =	shalt  }
0x57: {  	_ =	shalt  }
0x58: {  	_ =	shalt  }
0x59: {  	_ =	shalt  }
0x5a: {  	_ =	shalt  }
0x5b: {  	_ =	shalt  }
0x5c: {  	_ =	shalt  }
0x5d: {  	_ =	shalt  }
0x5e: {  	_ =	shalt  }
0x5f: {  	_ =	shalt  }
0x60: {  	_ =	shalt  }
0x61: {  	_ =	shalt  }
0x62: {  	_ =	shalt  }
0x63: {  	_ =	shalt  }
0x64: {  	_ =	shalt  }
0x65: {  	_ =	shalt  }
0x66: {  	_ =	shalt  }
0x67: {  	_ =	shalt  }
0x68: {  	_ =	shalt  }
0x69: {  	_ =	shalt  }
0x6a: {  	_ =	shalt  }
0x6b: {  	_ =	shalt  }
0x6c: {  	_ =	shalt  }
0x6d: {  	_ =	shalt  }
0x6e: {  	_ =	shalt  }
0x6f: {  	_ =	shalt  }
0x70: {  	_ =	shalt  }
0x71: {  	_ =	shalt  }
0x72: {  	_ =	shalt  }
0x73: {  	_ =	shalt  }
0x74: {  	_ =	shalt  }
0x75: {  	_ =	shalt  }
0x76: {  	_ =	shalt  }
0x77: {  	_ =	shalt  }
0x78: {  	_ =	shalt  }
0x79: {  	_ =	shalt  }
0x7a: {  	_ =	shalt  }
0x7b: {  	_ =	shalt  }
0x7c: {  	_ =	shalt  }
0x7d: {  	_ =	shalt  }
0x7e: {  	_ =	shalt  }
0x7f: {  	_ =	shalt  }
0x80: {  	_ =	shalt  }
0x81: {  	_ =	shalt  }
0x82: {  	_ =	shalt  }
0x83: {  	_ =	shalt  }
0x84: {  	_ =	shalt  }
0x85: {  	_ =	shalt  }
0x86: {  	_ =	shalt  }
0x87: {  	_ =	shalt  }
.Lfunc_end0:
.L_simem_size_0:
called_computation.2_lowered:
.L_overlay_start_0:
0x88: {  	s2 =	sld [smem:$0x3FD9]  }
0x89: {  	s3 =	sld [smem:$0x3FFE];
	_ =	sdelay $0x1  }
0x8a: {  	s1 =	srdreg.scid  }
0x8b: {  	s0 =	sand.u32 $0x1, s1  }
0x8c: {  	s17 =	sshll.u32 s0, $0xA;
	s2 =	sadd.s32 s3, s2  }
0x8d: {  	s2 =	sadd.s32 s2, s17  }
0x8e: {  	[smem:$0x3FB9] =	sst s2  }
0x8f: {  	_ = 	snop  }
0x90: {  	s2 =	sld [smem:$0x3FD0];
	(tm) =	ssettm $0x1  }
0x91: {  	s18 =	sld [smem:$0x3FFB];
	_ =	sdelay $0x3  }
0x92: {  	_ =	strace s18  }
0x93: {  	s3 =	sld [smem:$0x3FFC];
	_ =	sdelay $0x3  }
0x94: {  	_ =	strace s3  }
0x95: {  	s3 =	sld [smem:$0x3FFD];
	_ =	sdelay $0x3  }
0x96: {  	_ =	strace s3  }
0x97: {  	_ =	strace $0x8FFFFFFF  }
0x98: {  	s19 =	sld [smem:$0x3FDB];
	_ =	sdelay $0x1  }
0x99: {  	s4 =	simm.s32 $_scs_section_size  }
0x9a: {  	s5 =	simm.s32 $_size__tile_overlayer_lowered;
	s6 =	simm.s32 $_tile_overlayer_lowered  }
0x9b: {  	s22 =	simm.s32 $0x1BFF;
	s21 =	sshll.u32 s6, $0x1;
	s3 =	sadd.s32 s4, s19  }
0x9c: {  	s7 =	simm.s32 $0x0;
	s20 =	sshll.u32 s5, $0x1;
	s5 =	sadd.s32 s21, s3  }
0x9d: {  	[timem:s7], [sflag:s22] =	dma.local [hbm:s5], s20  }
0x9e: {  	_ =	swait.ge [sflag:s22], s20  }
0x9f: {  	s4 =	ssub.s32 $0x0, s20;
	[sflag:s22] =	ssyncset.done $0x0  }
0xa0: {  	[sflag:s22] =	ssyncadd.s32 s4;
	_ =	sdelay $0x1  }
0xa1: {  	s23 =	simm.s32 $0x1B8B  }
0xa2: {  	_ =	swait.ge [sflag:s23], $0x1  }
0xa3: {  	[sflag:s23] =	ssyncset.done $0x0  }
0xa4: {  	s25 =	simm.s32 $0x1B8E;
	s24 =	sld [smem:$0x3FFE];
	[sflag:s23] =	ssyncadd.s32 $0xFFFFFFFF  }
0xa5: {  	s26 =	simm.s32 $execute0_lowered;
	[smem:$0x3FD2] =	sst s25  }
0xa6: {  	s5 =	sshll.u32 s26, $0x1;
	_ =	strace $0x8000004C;
	[dreg:$0x1] =	wrdreg $0xFFFFFFFF  }
0xa7: {  	s28 =	simm.s32 $_size_execute0_lowered;
	s3 =	sadd.s32 s3, s5;
	[dreg:$0x0] =	wrdreg $0x0  }
0xa8: {  	s5 =	sshll.u32 s28, $0x1;
	[dreg:$0x2] =	wrdreg s3  }
0xa9: {  	[dreg:$0x3] =	wrdreg s5  }
0xaa: {  	[dreg:$0x4] =	wrdreg $0xC0  }
0xab: {  	_ =	task [dreg:s7], $0x5FFFF  }
0xac: {  	[dreg:$0x1] =	wrdreg $0xFFFFFFFF  }
0xad: {  	[dreg:$0x0] =	wrdreg $0x60  }
0xae: {  	[dreg:$0x2] =	wrdreg s2  }
0xaf: {  	[dreg:$0x3] =	wrdreg s24  }
0xb0: {  	[dreg:$0x4] =	wrdreg $0x120200  }
0xb1: {  	[dreg:$0x5] =	wrdreg $0x5AA00  }
0xb2: {  	[dreg:$0x6] =	wrdreg $0x9  }
0xb3: {  	_ =	task.clear_ibuf [dreg:s7], $0x7FFFF;
	_ =	strace $0x9000004C  }
0xb4: {  	s29 =	simm.s32 $0x9;
	_ =	strace $0x8000004E  }
0xb5: {  	_ =	swait.ge [sflag:s29], $0x1  }
0xb6: {  	[sflag:s29] =	ssyncadd.s32 $0xFFFFFFFF  }
0xb7: {  	_ =	strace $0x9000004E  }
0xb8: {  	_ =	sfence  }
0xb9: {  	s30 =	sld [smem:$0x0];
	_ =	sdelay $0x2  }
0xba: {  	s31 =	sshll.u32 s1, $0xD;
	s1 =	sshrl.u32 s1, $0x2  }
0xbb: {  	s3 =	sand.u32 $0x4000, s31;
	s1 =	sadd.s32 s1, s30  }
0xbc: {  	s0 =	sor.u32 s3, s0;
	s1 =	sshll.u32 s1, $0x11  }
0xbd: {  	s0 =	sor.u32 s1, s0  }
0xbe: {  	s0 =	sadd.s32 $0x8F2B, s0  }
0xbf: {  	[sflag:s0] =	ssyncadd.remote.s32 $0x1  }
0xc0: {  	_ =	sfence.sel $0xFFFF  }
0xc1: {  	[dreg:$0x0] =	wrdreg $0xFFFFFFFF;
	(pc) =	sbr.abs _section_cstart, $3  }
0xc2: {  	[dreg:$0x1] =	wrdreg $0xFFFFFFFF  }
0xc3: {  	_ =	task.clear_ibuf [dreg:s7], $0x2FFFF;
	_ =	strace $0x9FFFFFFF  }
0xc4: {  	(tm) =	ssettm $0x7FFFFFFF  }
0xc5: {  	_ =	shalt  }
tec
execute0_lowered:
.L_overlay_start_1:
0x0: {  	(tag) =	ssettag $0x1  }
0x1: {  	s0 =	rddreg [dreg:$0x0]  }
0x2: {  	s1 =	rddreg [dreg:$0x1];
	s15 =	stileid.u32  }
0x3: {  	s3 =	srdreg.scid;
	s2 =	rddreg [dreg:$0x2];
	s28 =	simm.s32 $0x2  }
0x4: {  	s29 =	simm.s32 $0x3;
	s30 =	simm.s32 $0xA0;
	s6 =	smul.u32 $0xC580, s15  }
0x5: {  	s31 =	simm.s32 $0x4;
	s5 =	sand.u32 $0x1, s3;
	s22 =	smul.u32 $0x5000, s15  }
0x6: {  	s4 =	sshll.u32 s15, $0x1;
	s3 =	rddreg [dreg:$0x3];
	s9 =	smul.u32 $0xC5800, s5  }
0x7: {  	s7 =	sor.u32 s5, s4;
	s11 =	ssub.s32 $0x2, s5;
	s5 =	smul.u32 $0x2800, s5  }
0x8: {  	s13 =	sadd.s32 $0x18E00, s1;
	s4 =	simm.s32 $0x0;
	s7 =	smul.u32 $0x2800, s7  }
0x9: {  	[smem:$0x7FF] =	sst s4;
	s8 =	sshrl.u32 s6, $0x3;
	s14 =	sshrl.u32 s11, $0x1  }
0xa: {  	s21 =	sadd.s32 s6, s2;
	_ =	strace $0x8000004D;
	s12 =	sadd.s32 s8, s1  }
0xb: {  	s9 =	sadd.s32 s6, s9;
	s14 =	ssub.s32 s11, s14;
	[dreg:$0x6] =	wrdreg s21  }
0xc: {  	s0 =	sadd.s32 s0, s8;
	s6 =	sadd.s32 s6, s3;
	s21 =	simm.s32 $0x2800  }
0xd: {  	s7 =	sshrl.u32 s7, $0x3;
	s9 =	sshrl.u32 s9, $0x3;
	[dreg:$0x7] =	wrdreg s0  }
0xe: {  	[dreg:$0x8] =	wrdreg s6;
	s24 =	sadd.s32 $0x2CE00, s12;
	s0 =	sadd.s32 s5, s22  }
0xf: {  	s25 =	smax.u32 s14, $0x1;
	s22 =	simm.s32 $0x50;
	s5 =	simm.s32 $0x6  }
0x10: {  	s6 =	simm.s32 $0x0;
	s10 =	sadd.s32 s7, s1;
	[dreg:$0xa] =	wrdreg s24  }
0x11: {  	s1 =	sadd.s32 s9, s1;
	s9 =	sadd.s32 s13, s7;
	[dreg:$0xc] =	wrdreg s25  }
0x12: {  	s26 =	sor.u32 $0x190, s0;
	s0 =	sor.u32 $0x140, s0;
	s24 =	simm.s32 $0x2850  }
0x13: {  	s25 =	simm.s32 $0x41A0;
	s20 =	sadd.s32 $0x22E00, s10;
	s10 =	sadd.s32 $0x45A00, s12  }
0x14: {  	s11 =	sadd.s32 $0xA, s9;
	s23 =	sadd.s32 $0x5E600, s1;
	s1 =	sadd.s32 $0x8FC00, s1  }
.Ltmp0:
0x15: {  	s16 =	sadd.s32 $0x14, s9;
	[dreg:$0x5] =	wrdreg s20;
	(pc) =	sbr.rel .LBB2_1-.Ltmp0, $4  }
0x16: {  	s0 =	sshrl.u32 s0, $0x3;
	s17 =	sadd.s32 $0x1E, s9;
	[dreg:$0x9] =	wrdreg s23  }
0x17: {  	[dreg:$0xb] =	wrdreg s1;
	s1 =	sshrl.u32 s26, $0x3;
	s19 =	sadd.s32 s0, s13  }
0x18: {  	s20 =	simm.s32 $0x7;
	s23 =	simm.s32 $0x28A0;
	s26 =	simm.s32 $0x1  }
0x19: {  	s0 =	simm.s32 $0x5;
	s18 =	sadd.s32 s1, s13;
	s1 =	simm.s32 $0xF0  }
.LBB2_7:
0x1a: {  	_ =	swait.ge [sflag:s31], $0x1900  }
0x1b: {  	[sflag:s31] =	ssyncset.done $0x0  }
0x1c: {  	[sflag:s31] =	ssyncadd.s32 $0xFFFFE700  }
0x1d: {  	[bflag:$0x0] =	sbarrier.arrive $0xFFFF  }
0x1e: {  	s12 =	rddreg [dreg:$0xb]  }
0x1f: {  	[hbm:s12], [sflag:s7] =	dma.local [spmem:s8], $0x18B0  }
0x20: {  	_ =	swait.ge [sflag:s20], $0x18B0  }
0x21: {  	s6 =	sadd.s32 $0x1, s6;
	s15 =	rddreg [dreg:$0xc]  }
0x22: {  	p0 =	sne.s32 s6, s15  }
.Ltmp1:
0x23: {  	_ = 	snop;
	(pc) =	sbr.rel @!p0 .LBB2_8-.Ltmp1, $3  }
0x24: {  	_ =	sdelay $0x1  }
0x25: {  	[sflag:s20] =	ssyncset.done $0x0  }
0x26: {  	[sflag:s20] =	ssyncadd.s32 $0xFFFFE750  }
.LBB2_1:
0x27: {  	s7 =	rddreg [dreg:$0x5];
	s13 =	stileid.u32  }
0x28: {  	[tilespmem:s4], [sflag:$0x7] =	stream.linear.gather [hbm4b:s7+s4], $0x2800, $0x38;
	[tilespmem:$0x1E5A0] =	vst v63  }
0x29: {  	s7 =	sshll.u32 s13, $0x6;
	_ =	swait.ge [sflag:s20], $0x2800  }
0x2a: {  	s7 =	sor.u32 $0x1C07, s7;
	[sflag:s20] =	ssyncset.done $0x0;
	s8 =	rddreg [dreg:$0x6]  }
0x2b: {  	s14 =	rddreg [dreg:$0x7];
	[sflag:s20] =	ssyncadd.s32 $0xFFFFD800;
	s12 =	sshrl.u32 s8, $0x3  }
0x2c: {  	[spmem:s12], [sflag:s7] =	dma.local [hbm:s14], $0x18B0  }
0x2d: {  	_ =	swait.ge [sflag:s20], $0x18B0  }
0x2e: {  	[sflag:s20] =	ssyncset.done $0x0;
	s15 =	rddreg [dreg:$0x8]  }
0x2f: {  	[sflag:s20] =	ssyncadd.s32 $0xFFFFE750;
	s8 =	sshrl.u32 s15, $0x3  }
0x30: {  	[spmem:s8], [sflag:s7] =	dma.local [hbm:s10], $0x18B0  }
0x31: {  	_ =	swait.ge [sflag:s20], $0x18B0  }
0x32: {  	[sflag:s20] =	ssyncset.done $0x0  }
0x33: {  	[sflag:s20] =	ssyncadd.s32 $0xFFFFE750  }
0x34: {  	[bflag:$0x0] =	sbarrier.arrive $0xFFFF  }
0x35: {  	[tilespmem:s21], [sflag:$0x7] =	stream.linear.gather [hbm4b:s9+s4], $0x50, $0x38;
	[tilespmem:$0x1E5A0] =	vst v63  }
0x36: {  	_ =	swait.ge [sflag:s20], $0x50  }
0x37: {  	[sflag:s20] =	ssyncset.done $0x0  }
0x38: {  	[sflag:s20] =	ssyncadd.s32 $0xFFFFFFB0  }
0x39: {  	[tilespmem:s23], [sflag:$0x1] =	stream.indirect.gather [spmem:s2], $0x50, s4, s22, $0xb8;
	[tilespmem:$0x1E5A0] =	vst v63  }
0x3a: {  	_ = 	snop  }
0x3b: {  	[tilespmem:s24], [sflag:$0x7] =	stream.linear.gather [hbm4b:s11+s4], $0x50, $0x38;
	[tilespmem:$0x1E5A0] =	vst v63  }
0x3c: {  	_ =	swait.ge [sflag:s20], $0x50  }
0x3d: {  	[sflag:s20] =	ssyncset.done $0x0  }
0x3e: {  	[sflag:s20] =	ssyncadd.s32 $0xFFFFFFB0  }
0x3f: {  	[tilespmem:s25], [sflag:$0x2] =	stream.indirect.gather [spmem:s2], $0x50, s22, s22, $0xb8;
	[tilespmem:$0x1E5A0] =	vst v63  }
0x40: {  	_ =	swait.ge [sflag:s26], $0x1900  }
0x41: {  	[sflag:s26] =	ssyncset.done $0x0  }
0x42: {  	[sflag:s26] =	ssyncadd.s32 $0xFFFFE700  }
0x43: {  	[spmem:s3] =	stream.indirect.scatter.add.f32 [tilespmem:s23], [sflag:$0x3], $0x50, s21, s22, $0xb8;
	[tilespmem:$0x1E5A0] =	vst v63  }
0x44: {  	_ =	swait.ge [sflag:s28], $0x1900  }
0x45: {  	[sflag:s28] =	ssyncset.done $0x0  }
0x46: {  	[sflag:s28] =	ssyncadd.s32 $0xFFFFE700  }
0x47: {  	[spmem:s3] =	stream.indirect.scatter.add.f32 [tilespmem:s25], [sflag:$0x4], $0x50, s24, s22, $0xb8;
	[tilespmem:$0x1E5A0] =	vst v63  }
0x48: {  	_ =	swait.ge [sflag:s29], $0x1900  }
0x49: {  	[sflag:s29] =	ssyncset.done $0x0  }
0x4a: {  	[sflag:s29] =	ssyncadd.s32 $0xFFFFE700  }
0x4b: {  	[tilespmem:s21], [sflag:$0x5] =	stream.linear.gather [hbm4b:s16+s4], $0x50, $0x38;
	[tilespmem:$0x1E5A0] =	vst v63  }
0x4c: {  	_ = 	snop  }
0x4d: {  	[tilespmem:s23], [sflag:$0x1] =	stream.indirect.gather [spmem:s2], $0x50, s30, s22, $0xb8;
	[tilespmem:$0x1E5A0] =	vst v63  }
0x4e: {  	_ =	swait.ge [sflag:s31], $0x1900  }
0x4f: {  	[sflag:s31] =	ssyncset.done $0x0  }
0x50: {  	[sflag:s31] =	ssyncadd.s32 $0xFFFFE700  }
0x51: {  	[tilespmem:s24], [sflag:$0x6] =	stream.linear.gather [hbm4b:s17+s4], $0x50, $0x38;
	[tilespmem:$0x1E5A0] =	vst v63  }
0x52: {  	s13 =	simm.s32 $0x190;
	s14 =	simm.s32 $0x0  }
0x53: {  	[tilespmem:s25], [sflag:$0x2] =	stream.indirect.gather [spmem:s2], $0x50, s1, s22, $0xb8;
	[tilespmem:$0x1E5A0] =	vst v63  }
.LBB2_2:
0x54: {  	_ =	swait.ge [sflag:s26], $0x1900  }
0x55: {  	[sflag:s26] =	ssyncset.done $0x0  }
0x56: {  	[sflag:s26] =	ssyncadd.s32 $0xFFFFE700  }
0x57: {  	_ =	swait.ge [sflag:s0], $0x50  }
0x58: {  	[sflag:s0] =	ssyncset.done $0x0  }
0x59: {  	[sflag:s0] =	ssyncadd.s32 $0xFFFFFFB0  }
0x5a: {  	[spmem:s3] =	stream.indirect.scatter.add.f32 [tilespmem:s23], [sflag:$0x3], $0x50, s21, s22, $0xb8;
	[tilespmem:$0x1E5A0] =	vst v63  }
0x5b: {  	_ =	swait.ge [sflag:s28], $0x1900  }
0x5c: {  	[sflag:s28] =	ssyncset.done $0x0  }
0x5d: {  	[sflag:s28] =	ssyncadd.s32 $0xFFFFE700  }
0x5e: {  	_ =	swait.ge [sflag:s5], $0x50  }
0x5f: {  	p0 =	seq.s32 s14, $0x4D8;
	[sflag:s5] =	ssyncset.done $0x0  }
.Ltmp2:
0x60: {  	[sflag:s5] =	ssyncadd.s32 $0xFFFFFFB0;
	(pc) =	sbr.rel @p0 .LBB2_4-.Ltmp2, $4  }
0x61: {  	[spmem:s3] =	stream.indirect.scatter.add.f32 [tilespmem:s25], [sflag:$0x4], $0x50, s24, s22, $0xb8;
	[tilespmem:$0x1E5A0] =	vst v63  }
0x62: {  	_ =	swait.ge [sflag:s29], $0x1900  }
0x63: {  	[sflag:s29] =	ssyncset.done $0x0  }
0x64: {  	[sflag:s29] =	ssyncadd.s32 $0xFFFFE700  }
0x65: {  	s15 =	sadd.s32 s14, s19  }
0x66: {  	[tilespmem:s21], [sflag:$0x5] =	stream.linear.gather [hbm4b:s15+s4], $0x50, $0x38;
	[tilespmem:$0x1E5A0] =	vst v63  }
0x67: {  	s15 =	sadd.s32 $0xFFFFFFB0, s13  }
0x68: {  	[tilespmem:s23], [sflag:$0x1] =	stream.indirect.gather [spmem:s2], $0x50, s15, s22, $0xb8;
	[tilespmem:$0x1E5A0] =	vst v63  }
0x69: {  	_ =	swait.ge [sflag:s31], $0x1900  }
0x6a: {  	[sflag:s31] =	ssyncset.done $0x0  }
.Ltmp3:
0x6b: {  	s15 =	sadd.s32 s14, s18;
	[sflag:s31] =	ssyncadd.s32 $0xFFFFE700;
	(pc) =	sbr.rel .LBB2_2-.Ltmp3, $4  }
0x6c: {  	[tilespmem:s24], [sflag:$0x6] =	stream.linear.gather [hbm4b:s15+s4], $0x50, $0x38;
	[tilespmem:$0x1E5A0] =	vst v63  }
0x6d: {  	_ = 	snop  }
0x6e: {  	[tilespmem:s25], [sflag:$0x2] =	stream.indirect.gather [spmem:s2], $0x50, s13, s22, $0xb8;
	[tilespmem:$0x1E5A0] =	vst v63  }
0x6f: {  	s14 =	sadd.s32 $0x14, s14;
	s13 =	sadd.s32 $0xA0, s13  }
.LBB2_4:
0x70: {  	_ =	swait.ge [sflag:s31], $0x1900  }
0x71: {  	[sflag:s31] =	ssyncset.done $0x0  }
0x72: {  	[sflag:s31] =	ssyncadd.s32 $0xFFFFE700  }
0x73: {  	[bflag:$0x0] =	sbarrier.arrive $0xFFFF  }
0x74: {  	s13 =	rddreg [dreg:$0x9]  }
0x75: {  	[hbm:s13], [sflag:s7] =	dma.local [spmem:s8], $0x18B0  }
0x76: {  	_ =	swait.ge [sflag:s20], $0x18B0  }
0x77: {  	[sflag:s20] =	ssyncset.done $0x0  }
0x78: {  	s15 =	rddreg [dreg:$0xa];
	[sflag:s20] =	ssyncadd.s32 $0xFFFFE750  }
0x79: {  	[spmem:s12], [sflag:s7] =	dma.local [hbm:s15], $0x18B0  }
0x7a: {  	_ =	swait.ge [sflag:s20], $0x18B0  }
0x7b: {  	[sflag:s20] =	ssyncset.done $0x0  }
0x7c: {  	[sflag:s20] =	ssyncadd.s32 $0xFFFFE750  }
0x7d: {  	[spmem:s8], [sflag:s7] =	dma.local [hbm:s10], $0x18B0  }
0x7e: {  	_ =	swait.ge [sflag:s20], $0x18B0  }
0x7f: {  	[sflag:s20] =	ssyncset.done $0x0  }
0x80: {  	[sflag:s20] =	ssyncadd.s32 $0xFFFFE750  }
0x81: {  	s12 =	simm.s32 $0x0;
	[bflag:$0x0] =	sbarrier.arrive $0xFFFF  }
0x82: {  	[tilespmem:s21], [sflag:$0x7] =	stream.linear.gather [hbm4b:s9+s12], $0x50, $0x38;
	[tilespmem:$0x1E5A0] =	vst v63  }
0x83: {  	_ =	swait.ge [sflag:s20], $0x50  }
0x84: {  	[sflag:s20] =	ssyncset.done $0x0  }
0x85: {  	[sflag:s20] =	ssyncadd.s32 $0xFFFFFFB0  }
0x86: {  	[tilespmem:s23], [sflag:$0x1] =	stream.indirect.gather [spmem:s2], $0x50, s12, s22, $0xb8;
	[tilespmem:$0x1E5A0] =	vst v63  }
0x87: {  	_ = 	snop  }
0x88: {  	[tilespmem:s24], [sflag:$0x7] =	stream.linear.gather [hbm4b:s11+s12], $0x50, $0x38;
	[tilespmem:$0x1E5A0] =	vst v63  }
0x89: {  	_ =	swait.ge [sflag:s20], $0x50  }
0x8a: {  	[sflag:s20] =	ssyncset.done $0x0  }
0x8b: {  	[sflag:s20] =	ssyncadd.s32 $0xFFFFFFB0  }
0x8c: {  	[tilespmem:s25], [sflag:$0x2] =	stream.indirect.gather [spmem:s2], $0x50, s22, s22, $0xb8;
	[tilespmem:$0x1E5A0] =	vst v63  }
0x8d: {  	_ =	swait.ge [sflag:s26], $0x1900  }
0x8e: {  	[sflag:s26] =	ssyncset.done $0x0  }
0x8f: {  	[sflag:s26] =	ssyncadd.s32 $0xFFFFE700  }
0x90: {  	[spmem:s3] =	stream.indirect.scatter.add.f32 [tilespmem:s23], [sflag:$0x3], $0x50, s21, s22, $0xb8;
	[tilespmem:$0x1E5A0] =	vst v63  }
0x91: {  	_ =	swait.ge [sflag:s28], $0x1900  }
0x92: {  	[sflag:s28] =	ssyncset.done $0x0  }
0x93: {  	[sflag:s28] =	ssyncadd.s32 $0xFFFFE700  }
0x94: {  	[spmem:s3] =	stream.indirect.scatter.add.f32 [tilespmem:s25], [sflag:$0x4], $0x50, s24, s22, $0xb8;
	[tilespmem:$0x1E5A0] =	vst v63  }
0x95: {  	_ =	swait.ge [sflag:s29], $0x1900  }
0x96: {  	[sflag:s29] =	ssyncset.done $0x0  }
0x97: {  	[sflag:s29] =	ssyncadd.s32 $0xFFFFE700  }
0x98: {  	[tilespmem:s21], [sflag:$0x5] =	stream.linear.gather [hbm4b:s16+s12], $0x50, $0x38;
	[tilespmem:$0x1E5A0] =	vst v63  }
0x99: {  	_ = 	snop  }
0x9a: {  	[tilespmem:s23], [sflag:$0x1] =	stream.indirect.gather [spmem:s2], $0x50, s30, s22, $0xb8;
	[tilespmem:$0x1E5A0] =	vst v63  }
0x9b: {  	_ =	swait.ge [sflag:s31], $0x1900  }
0x9c: {  	[sflag:s31] =	ssyncset.done $0x0  }
0x9d: {  	[sflag:s31] =	ssyncadd.s32 $0xFFFFE700  }
0x9e: {  	[tilespmem:s24], [sflag:$0x6] =	stream.linear.gather [hbm4b:s17+s12], $0x50, $0x38;
	[tilespmem:$0x1E5A0] =	vst v63  }
0x9f: {  	s13 =	simm.s32 $0x190  }
0xa0: {  	[tilespmem:s25], [sflag:$0x2] =	stream.indirect.gather [spmem:s2], $0x50, s1, s22, $0xb8;
	[tilespmem:$0x1E5A0] =	vst v63  }
.LBB2_5:
0xa1: {  	_ =	swait.ge [sflag:s26], $0x1900  }
0xa2: {  	[sflag:s26] =	ssyncset.done $0x0  }
0xa3: {  	[sflag:s26] =	ssyncadd.s32 $0xFFFFE700  }
0xa4: {  	_ =	swait.ge [sflag:s0], $0x50  }
0xa5: {  	[sflag:s0] =	ssyncset.done $0x0  }
0xa6: {  	[sflag:s0] =	ssyncadd.s32 $0xFFFFFFB0  }
0xa7: {  	[spmem:s3] =	stream.indirect.scatter.add.f32 [tilespmem:s23], [sflag:$0x3], $0x50, s21, s22, $0xb8;
	[tilespmem:$0x1E5A0] =	vst v63  }
0xa8: {  	_ =	swait.ge [sflag:s28], $0x1900  }
0xa9: {  	[sflag:s28] =	ssyncset.done $0x0  }
0xaa: {  	[sflag:s28] =	ssyncadd.s32 $0xFFFFE700  }
0xab: {  	_ =	swait.ge [sflag:s5], $0x50  }
0xac: {  	p0 =	seq.s32 s12, $0x4D8;
	[sflag:s5] =	ssyncset.done $0x0  }
.Ltmp4:
0xad: {  	[sflag:s5] =	ssyncadd.s32 $0xFFFFFFB0;
	(pc) =	sbr.rel @p0 .LBB2_7-.Ltmp4, $4  }
0xae: {  	[spmem:s3] =	stream.indirect.scatter.add.f32 [tilespmem:s25], [sflag:$0x4], $0x50, s24, s22, $0xb8;
	[tilespmem:$0x1E5A0] =	vst v63  }
0xaf: {  	_ =	swait.ge [sflag:s29], $0x1900  }
0xb0: {  	[sflag:s29] =	ssyncset.done $0x0  }
0xb1: {  	[sflag:s29] =	ssyncadd.s32 $0xFFFFE700  }
0xb2: {  	s14 =	sadd.s32 s12, s19  }
0xb3: {  	[tilespmem:s21], [sflag:$0x5] =	stream.linear.gather [hbm4b:s14+s4], $0x50, $0x38;
	[tilespmem:$0x1E5A0] =	vst v63  }
0xb4: {  	s15 =	sadd.s32 $0xFFFFFFB0, s13  }
0xb5: {  	[tilespmem:s23], [sflag:$0x1] =	stream.indirect.gather [spmem:s2], $0x50, s15, s22, $0xb8;
	[tilespmem:$0x1E5A0] =	vst v63  }
0xb6: {  	_ =	swait.ge [sflag:s31], $0x1900  }
0xb7: {  	[sflag:s31] =	ssyncset.done $0x0  }
.Ltmp5:
0xb8: {  	s15 =	sadd.s32 s12, s18;
	[sflag:s31] =	ssyncadd.s32 $0xFFFFE700;
	(pc) =	sbr.rel .LBB2_5-.Ltmp5, $4  }
0xb9: {  	[tilespmem:s24], [sflag:$0x6] =	stream.linear.gather [hbm4b:s15+s4], $0x50, $0x38;
	[tilespmem:$0x1E5A0] =	vst v63  }
0xba: {  	_ = 	snop  }
0xbb: {  	[tilespmem:s25], [sflag:$0x2] =	stream.indirect.gather [spmem:s2], $0x50, s13, s22, $0xb8;
	[tilespmem:$0x1E5A0] =	vst v63  }
0xbc: {  	s12 =	sadd.s32 $0x14, s12;
	s13 =	sadd.s32 $0xA0, s13  }
.LBB2_8:
0xbd: {  	_ =	sfence.sel $0x180000  }
0xbe: {  	[bflag:$0x0] =	sbarrier.arrive $0xFFFF  }
0xbf: {  	_ =	strace $0x9000004D  }
0xc0: {  	s0 =	stileid.u32;
	[bflag:$0x2] =	sbarrier.arrive $0xFFFF  }
0xc1: {  	p0 =	sne.s32 s0, $0x0;
	s0 =	rddreg [dreg:$0x4]  }
0xc2: {  	s0 =	sadd.s32 @!p0 $0x100000, s0  }
0xc3: {  	[sflag:s0] =	ssyncadd.tile.s32 @!p0 $0x1;
	_ =	shalt  }
.Lfunc_end2:
_tile_overlayer_lowered:
.L_overlay_start_2:
0xc4: {  	(tag) =	ssettag $0x2  }
0xc5: {  	s0 =	rddreg [dreg:$0x0];
	s2 =	stileid.u32  }
0xc6: {  	s1 =	rddreg [dreg:$0x1];
	p0 =	sne.s32 s2, $0x0  }
0xc7: {  	s3 =	rddreg [dreg:$0x2];
	[bflag:$0x3] =	sbarrier.arrive $0xFFFF;
	s2 =	simm.s32 @!p0 $0x1C07  }
0xc8: {  	[timem:s3], [sflag:s2] =	dma.local @!p0 [hbm:s0], s1  }
0xc9: {  	s0 =	simm.s32 @!p0 $0x7  }
0xca: {  	_ =	swait.ge @!p0 [sflag:s0], s1  }
0xcb: {  	s1 =	ssub.s32 @!p0 $0x0, s1;
	[sflag:s0] =	ssyncset.done @!p0 $0x0  }
0xcc: {  	[sflag:s0] =	ssyncadd.s32 @!p0 s1  }
0xcd: {  	[bflag:$0x3] =	sbarrier.arrive $0xFFFF  }
0xce: {  	_ =	shalt  }

// kernel: kernel.18.cloned.1.call-start
scs
__scs_entry_jumppad:
0x0: {  	(pc) =	sbr.rel $0x88, $3  }
0x1: {  	(tag) =	ssettag $0x0;
	lr =	simm.s32 $0x1  }
0x2: {  	[smem:$0x3F92] =	sst lr;
	_ =	strace $0xD0000000  }
0x3: {  	_ = 	snop  }
0x4: {  	_ = 	snop  }
0x5: {  	_ = 	snop  }
0x6: {  	_ = 	snop  }
0x7: {  	_ = 	snop  }
__scs_overlays_trampoline_lowered:
0x8: {  	[smem:$0x3FA1] =	sst s0  }
0x9: {  	[smem:$0x3FA2] =	sst s1  }
0xa: {  	[smem:$0x3FA3] =	sst s2  }
0xb: {  	[smem:$0x3FA4] =	sst s3  }
0xc: {  	[smem:$0x3FA5] =	sst s4  }
0xd: {  	[smem:$0x3FA6] =	sst s5  }
0xe: {  	[smem:$0x3FA7] =	sst s6  }
0xf: {  	[smem:$0x3FA8] =	sst s7  }
0x10: {  	[smem:$0x3FA9] =	sst s8  }
0x11: {  	[smem:$0x3FAA] =	sst s9;
	s0 =	simm.s32 @!p0 $0x0  }
0x12: {  	s1 =	sld [smem:$0x3F90];
	s0 =	simm.s32 @p0 $0x1  }
0x13: {  	[smem:$0x3FAB] =	sst s0;
	s0 =	simm.s32 @!p1 $0x0  }
0x14: {  	s2 =	sld [smem:$0x3F8F];
	s0 =	simm.s32 @p1 $0x1  }
0x15: {  	[smem:$0x3FAC] =	sst s0;
	s0 =	simm.s32 @!p2 $0x0  }
0x16: {  	s3 =	sld [smem:$0x3FDB];
	s0 =	simm.s32 @p2 $0x1  }
0x17: {  	s4 =	simm.s32 $0x1BF5;
	[smem:$0x3FAE] =	sst s0  }
0x18: {  	s0 =	sld [smem:$0x3F91];
	_ =	swait.ge [sflag:s4], $0x0  }
0x19: {  	s7 =	sld [smem:$0x3F92]  }
0x1a: {  	s8 =	sadd.s32 $0xFFFFE003, lr  }
0x1b: {  	s9 =	sadd.s32 $0xFFFFFEF7, lr;
	s5 =	simm.s32 $0xFFFFFFFF;
	p2 =	slt.u32 s8, $0xFFFFF086  }
0x1c: {  	p1 =	slt.u32 s9, $0xF7A;
	s5 =	simm.s32 @!p2 $0x0  }
0x1d: {  	s5 =	simm.s32 @p1 $0x1;
	p0 =	seq.s32 s7, s2  }
0x1e: {  	s7 =	smul.u32 @!p0 $0xF7A, s2;
	p2 =	seq.s32 @!p0 s5, $0x0  }
0x1f: {  	s9 =	smul.u32 $0xF7A, s1;
	s8 =	simm.s32 @!p0 $0x1BF5;
	p2 =	por !p2, p0  }
0x20: {  	[sflag:s8] =	ssyncset.s32 @!p0 $0xFFFFF086;
	s6 =	sadd.s32 @!p0 s3, s7;
	s7 =	simm.s32 @!p0 $0x108  }
0x21: {  	s3 =	sadd.s32 s3, s9;
	s6 =	sadd.s32 @!p0 $0x88, s6;
	s7 =	simm.s32 @p2 $0x1082  }
0x22: {  	[simem:s7], [sflag:s8] =	dma.local @!p0 [hbm:s6], $0xF7A  }
0x23: {  	s9 =	sor.u32 $0xD0000000, s2;
	s6 =	simm.s32 $0x108;
	_ =	swait.ge @!p0 [sflag:s8], $0x0  }
0x24: {  	s3 =	sadd.s32 $0x88, s3;
	s6 =	simm.s32 @!p1 $0x1082;
	[sflag:s4] =	ssyncset.s32 $0xFFFFF086  }
0x25: {  	[simem:s6], [sflag:s4] =	dma.local [hbm:s3], $0xF7A  }
0x26: {  	[smem:$0x3F92] =	sst s1;
	(tag) =	ssettag s2;
	_ =	strace s9  }
0x27: {  	s1 =	sld [smem:$0x3FA2]  }
0x28: {  	s2 =	sld [smem:$0x3FA3]  }
0x29: {  	s4 =	sld [smem:$0x3FA5]  }
0x2a: {  	p0 =	seq.s32 s5, $0x0;
	s5 =	sld [smem:$0x3FA6]  }
0x2b: {  	s6 =	sld [smem:$0x3FA7]  }
0x2c: {  	s7 =	sld [smem:$0x3FA8]  }
0x2d: {  	s3 =	simm.s32 $0x108;
	s8 =	sld [smem:$0x3FA9]  }
0x2e: {  	s3 =	simm.s32 @!p0 $0x1082;
	s9 =	sld [smem:$0x3FAA]  }
0x2f: {  	lr =	sadd.s32 s0, s3;
	s0 =	sld [smem:$0x3FA1]  }
0x30: {  	s3 =	sld [smem:$0x3FA4]  }
0x31: {  	[smem:$0x3FAD] =	sst s10  }
0x32: {  	s10 =	sld [smem:$0x3FAB];
	_ =	sdelay $0x3  }
0x33: {  	p0 =	seq.s32 s10, $0x1;
	s10 =	sld [smem:$0x3FAD];
	_ =	sdelay $0x3  }
0x34: {  	[smem:$0x3FAD] =	sst s10  }
0x35: {  	s10 =	sld [smem:$0x3FAC];
	_ =	sdelay $0x3  }
0x36: {  	p1 =	seq.s32 s10, $0x1;
	s10 =	sld [smem:$0x3FAD];
	_ =	sdelay $0x3  }
0x37: {  	[smem:$0x3FAD] =	sst s10  }
0x38: {  	s10 =	sld [smem:$0x3FAE]  }
0x39: {  	_ = 	snop;
	(pc) =	sbr.ind lr, $3  }
0x3a: {  	_ = 	snop  }
0x3b: {  	_ = 	snop  }
0x3c: {  	p2 =	seq.s32 s10, $0x1;
	s10 =	sld [smem:$0x3FAD]  }
0x3d: {  	_ =	shalt  }
0x3e: {  	_ =	shalt  }
0x3f: {  	_ =	shalt  }
0x40: {  	_ =	shalt  }
0x41: {  	_ =	shalt  }
0x42: {  	_ =	shalt  }
0x43: {  	_ =	shalt  }
0x44: {  	_ =	shalt  }
0x45: {  	_ =	shalt  }
0x46: {  	_ =	shalt  }
0x47: {  	_ =	shalt  }
0x48: {  	_ =	shalt  }
0x49: {  	_ =	shalt  }
0x4a: {  	_ =	shalt  }
0x4b: {  	_ =	shalt  }
0x4c: {  	_ =	shalt  }
0x4d: {  	_ =	shalt  }
0x4e: {  	_ =	shalt  }
0x4f: {  	_ =	shalt  }
0x50: {  	_ =	shalt  }
0x51: {  	_ =	shalt  }
0x52: {  	_ =	shalt  }
0x53: {  	_ =	shalt  }
0x54: {  	_ =	shalt  }
0x55: {  	_ =	shalt  }
0x56: {  	_ =	shalt  }
0x57: {  	_ =	shalt  }
0x58: {  	_ =	shalt  }
0x59: {  	_ =	shalt  }
0x5a: {  	_ =	shalt  }
0x5b: {  	_ =	shalt  }
0x5c: {  	_ =	shalt  }
0x5d: {  	_ =	shalt  }
0x5e: {  	_ =	shalt  }
0x5f: {  	_ =	shalt  }
0x60: {  	_ =	shalt  }
0x61: {  	_ =	shalt  }
0x62: {  	_ =	shalt  }
0x63: {  	_ =	shalt  }
0x64: {  	_ =	shalt  }
0x65: {  	_ =	shalt  }
0x66: {  	_ =	shalt  }
0x67: {  	_ =	shalt  }
0x68: {  	_ =	shalt  }
0x69: {  	_ =	shalt  }
0x6a: {  	_ =	shalt  }
0x6b: {  	_ =	shalt  }
0x6c: {  	_ =	shalt  }
0x6d: {  	_ =	shalt  }
0x6e: {  	_ =	shalt  }
0x6f: {  	_ =	shalt  }
0x70: {  	_ =	shalt  }
0x71: {  	_ =	shalt  }
0x72: {  	_ =	shalt  }
0x73: {  	_ =	shalt  }
0x74: {  	_ =	shalt  }
0x75: {  	_ =	shalt  }
0x76: {  	_ =	shalt  }
0x77: {  	_ =	shalt  }
0x78: {  	_ =	shalt  }
0x79: {  	_ =	shalt  }
0x7a: {  	_ =	shalt  }
0x7b: {  	_ =	shalt  }
0x7c: {  	_ =	shalt  }
0x7d: {  	_ =	shalt  }
0x7e: {  	_ =	shalt  }
0x7f: {  	_ =	shalt  }
0x80: {  	_ =	shalt  }
0x81: {  	_ =	shalt  }
0x82: {  	_ =	shalt  }
0x83: {  	_ =	shalt  }
0x84: {  	_ =	shalt  }
0x85: {  	_ =	shalt  }
0x86: {  	_ =	shalt  }
0x87: {  	_ =	shalt  }
.Lfunc_end0:
.L_simem_size_0:
called_computation.3_lowered:
.L_overlay_start_0:
0x88: {  	s2 =	sld [smem:$0x3FD9]  }
0x89: {  	s3 =	sld [smem:$0x3FFE];
	_ =	sdelay $0x1  }
0x8a: {  	s1 =	srdreg.scid  }
0x8b: {  	s0 =	sand.u32 $0x1, s1  }
0x8c: {  	s17 =	sshll.u32 s0, $0xA;
	s2 =	sadd.s32 s3, s2  }
0x8d: {  	s2 =	sadd.s32 s2, s17  }
0x8e: {  	[smem:$0x3FB9] =	sst s2  }
0x8f: {  	_ = 	snop  }
0x90: {  	s2 =	sld [smem:$0x3FD0];
	(tm) =	ssettm $0x1  }
0x91: {  	s18 =	sld [smem:$0x3FFB];
	_ =	sdelay $0x3  }
0x92: {  	_ =	strace s18  }
0x93: {  	s3 =	sld [smem:$0x3FFC];
	_ =	sdelay $0x3  }
0x94: {  	_ =	strace s3  }
0x95: {  	s3 =	sld [smem:$0x3FFD];
	_ =	sdelay $0x3  }
0x96: {  	_ =	strace s3  }
0x97: {  	_ =	strace $0x8FFFFFFF  }
0x98: {  	s19 =	sld [smem:$0x3FDB];
	_ =	sdelay $0x1  }
0x99: {  	s4 =	simm.s32 $_scs_section_size  }
0x9a: {  	s5 =	simm.s32 $_size__tile_overlayer_lowered;
	s6 =	simm.s32 $_tile_overlayer_lowered  }
0x9b: {  	s22 =	simm.s32 $0x1BFF;
	s21 =	sshll.u32 s6, $0x1;
	s3 =	sadd.s32 s4, s19  }
0x9c: {  	s7 =	simm.s32 $0x0;
	s20 =	sshll.u32 s5, $0x1;
	s5 =	sadd.s32 s21, s3  }
0x9d: {  	[timem:s7], [sflag:s22] =	dma.local [hbm:s5], s20  }
0x9e: {  	_ =	swait.ge [sflag:s22], s20  }
0x9f: {  	s4 =	ssub.s32 $0x0, s20;
	[sflag:s22] =	ssyncset.done $0x0  }
0xa0: {  	[sflag:s22] =	ssyncadd.s32 s4;
	_ =	sdelay $0x1  }
0xa1: {  	s23 =	simm.s32 $0x1B8B  }
0xa2: {  	_ =	swait.ge [sflag:s23], $0x1  }
0xa3: {  	[sflag:s23] =	ssyncset.done $0x0  }
0xa4: {  	s25 =	simm.s32 $0x1B8E;
	s24 =	sld [smem:$0x3FFE];
	[sflag:s23] =	ssyncadd.s32 $0xFFFFFFFF  }
0xa5: {  	s26 =	simm.s32 $execute0_lowered;
	[smem:$0x3FD2] =	sst s25  }
0xa6: {  	s5 =	sshll.u32 s26, $0x1;
	_ =	strace $0x8000004F;
	[dreg:$0x1] =	wrdreg $0xFFFFFFFF  }
0xa7: {  	s28 =	simm.s32 $_size_execute0_lowered;
	s3 =	sadd.s32 s3, s5;
	[dreg:$0x0] =	wrdreg $0x0  }
0xa8: {  	s5 =	sshll.u32 s28, $0x1;
	[dreg:$0x2] =	wrdreg s3  }
0xa9: {  	[dreg:$0x3] =	wrdreg s5  }
0xaa: {  	[dreg:$0x4] =	wrdreg $0xC0  }
0xab: {  	_ =	task [dreg:s7], $0x5FFFF  }
0xac: {  	[dreg:$0x1] =	wrdreg $0xFFFFFFFF  }
0xad: {  	[dreg:$0x0] =	wrdreg $0x60  }
0xae: {  	[dreg:$0x2] =	wrdreg s2  }
0xaf: {  	[dreg:$0x3] =	wrdreg s24  }
0xb0: {  	[dreg:$0x4] =	wrdreg $0x120200  }
0xb1: {  	[dreg:$0x5] =	wrdreg $0x5AA00  }
0xb2: {  	[dreg:$0x6] =	wrdreg $0x9  }
0xb3: {  	_ =	task.clear_ibuf [dreg:s7], $0x7FFFF;
	_ =	strace $0x9000004F  }
0xb4: {  	s29 =	simm.s32 $0x9;
	_ =	strace $0x80000051  }
0xb5: {  	_ =	swait.ge [sflag:s29], $0x1  }
0xb6: {  	[sflag:s29] =	ssyncadd.s32 $0xFFFFFFFF  }
0xb7: {  	_ =	strace $0x90000051  }
0xb8: {  	_ =	sfence  }
0xb9: {  	s30 =	sld [smem:$0x0];
	_ =	sdelay $0x2  }
0xba: {  	s31 =	sshll.u32 s1, $0xD;
	s1 =	sshrl.u32 s1, $0x2  }
0xbb: {  	s3 =	sand.u32 $0x4000, s31;
	s1 =	sadd.s32 s1, s30  }
0xbc: {  	s0 =	sor.u32 s3, s0;
	s1 =	sshll.u32 s1, $0x11  }
0xbd: {  	s0 =	sor.u32 s1, s0  }
0xbe: {  	s0 =	sadd.s32 $0x8F2B, s0  }
0xbf: {  	[sflag:s0] =	ssyncadd.remote.s32 $0x1  }
0xc0: {  	_ =	sfence.sel $0xFFFF  }
0xc1: {  	[dreg:$0x0] =	wrdreg $0xFFFFFFFF;
	(pc) =	sbr.abs _section_cstart, $3  }
0xc2: {  	[dreg:$0x1] =	wrdreg $0xFFFFFFFF  }
0xc3: {  	_ =	task.clear_ibuf [dreg:s7], $0x2FFFF;
	_ =	strace $0x9FFFFFFF  }
0xc4: {  	(tm) =	ssettm $0x7FFFFFFF  }
0xc5: {  	_ =	shalt  }
tec
execute0_lowered:
.L_overlay_start_1:
0x0: {  	(tag) =	ssettag $0x1  }
0x1: {  	s0 =	rddreg [dreg:$0x0]  }
0x2: {  	s1 =	rddreg [dreg:$0x1];
	s15 =	stileid.u32  }
0x3: {  	s3 =	srdreg.scid;
	s2 =	rddreg [dreg:$0x2];
	s28 =	simm.s32 $0x2  }
0x4: {  	s29 =	simm.s32 $0x3;
	s30 =	simm.s32 $0xA0;
	s6 =	smul.u32 $0xC580, s15  }
0x5: {  	s31 =	simm.s32 $0x4;
	s5 =	sand.u32 $0x1, s3;
	s22 =	smul.u32 $0x5000, s15  }
0x6: {  	s4 =	sshll.u32 s15, $0x1;
	s3 =	rddreg [dreg:$0x3];
	s9 =	smul.u32 $0xC5800, s5  }
0x7: {  	s7 =	sor.u32 s5, s4;
	s11 =	ssub.s32 $0x2, s5;
	s5 =	smul.u32 $0x2800, s5  }
0x8: {  	s13 =	sadd.s32 $0x18E00, s1;
	s4 =	simm.s32 $0x0;
	s7 =	smul.u32 $0x2800, s7  }
0x9: {  	[smem:$0x7FF] =	sst s4;
	s8 =	sshrl.u32 s6, $0x3;
	s14 =	sshrl.u32 s11, $0x1  }
0xa: {  	s21 =	sadd.s32 s6, s2;
	_ =	strace $0x80000050;
	s12 =	sadd.s32 s8, s1  }
0xb: {  	s9 =	sadd.s32 s6, s9;
	s14 =	ssub.s32 s11, s14;
	[dreg:$0x6] =	wrdreg s21  }
0xc: {  	s0 =	sadd.s32 s0, s8;
	s6 =	sadd.s32 s6, s3;
	s21 =	simm.s32 $0x2800  }
0xd: {  	s7 =	sshrl.u32 s7, $0x3;
	s9 =	sshrl.u32 s9, $0x3;
	[dreg:$0x7] =	wrdreg s0  }
0xe: {  	[dreg:$0x8] =	wrdreg s6;
	s24 =	sadd.s32 $0x2CE00, s12;
	s0 =	sadd.s32 s5, s22  }
0xf: {  	s25 =	smax.u32 s14, $0x1;
	s22 =	simm.s32 $0x50;
	s5 =	simm.s32 $0x6  }
0x10: {  	s6 =	simm.s32 $0x0;
	s10 =	sadd.s32 s7, s1;
	[dreg:$0xa] =	wrdreg s24  }
0x11: {  	s1 =	sadd.s32 s9, s1;
	s9 =	sadd.s32 s13, s7;
	[dreg:$0xc] =	wrdreg s25  }
0x12: {  	s26 =	sor.u32 $0x190, s0;
	s0 =	sor.u32 $0x140, s0;
	s24 =	simm.s32 $0x2850  }
0x13: {  	s25 =	simm.s32 $0x41A0;
	s20 =	sadd.s32 $0x22E00, s10;
	s10 =	sadd.s32 $0x45A00, s12  }
0x14: {  	s11 =	sadd.s32 $0xA, s9;
	s23 =	sadd.s32 $0x5E600, s1;
	s1 =	sadd.s32 $0x8FC00, s1  }
.Ltmp0:
0x15: {  	s16 =	sadd.s32 $0x14, s9;
	[dreg:$0x5] =	wrdreg s20;
	(pc) =	sbr.rel .LBB2_1-.Ltmp0, $4  }
0x16: {  	s0 =	sshrl.u32 s0, $0x3;
	s17 =	sadd.s32 $0x1E, s9;
	[dreg:$0x9] =	wrdreg s23  }
0x17: {  	[dreg:$0xb] =	wrdreg s1;
	s1 =	sshrl.u32 s26, $0x3;
	s19 =	sadd.s32 s0, s13  }
0x18: {  	s20 =	simm.s32 $0x7;
	s23 =	simm.s32 $0x28A0;
	s26 =	simm.s32 $0x1  }
0x19: {  	s0 =	simm.s32 $0x5;
	s18 =	sadd.s32 s1, s13;
	s1 =	simm.s32 $0xF0  }
.LBB2_7:
0x1a: {  	_ =	swait.ge [sflag:s31], $0x1900  }
0x1b: {  	[sflag:s31] =	ssyncset.done $0x0  }
0x1c: {  	[sflag:s31] =	ssyncadd.s32 $0xFFFFE700  }
0x1d: {  	[bflag:$0x0] =	sbarrier.arrive $0xFFFF  }
0x1e: {  	s12 =	rddreg [dreg:$0xb]  }
0x1f: {  	[hbm:s12], [sflag:s7] =	dma.local [spmem:s8], $0x18B0  }
0x20: {  	_ =	swait.ge [sflag:s20], $0x18B0  }
0x21: {  	s6 =	sadd.s32 $0x1, s6;
	s15 =	rddreg [dreg:$0xc]  }
0x22: {  	p0 =	sne.s32 s6, s15  }
.Ltmp1:
0x23: {  	_ = 	snop;
	(pc) =	sbr.rel @!p0 .LBB2_8-.Ltmp1, $3  }
0x24: {  	_ =	sdelay $0x1  }
0x25: {  	[sflag:s20] =	ssyncset.done $0x0  }
0x26: {  	[sflag:s20] =	ssyncadd.s32 $0xFFFFE750  }
.LBB2_1:
0x27: {  	s7 =	rddreg [dreg:$0x5];
	s13 =	stileid.u32  }
0x28: {  	[tilespmem:s4], [sflag:$0x7] =	stream.linear.gather [hbm4b:s7+s4], $0x2800, $0x38;
	[tilespmem:$0x1E5A0] =	vst v63  }
0x29: {  	s7 =	sshll.u32 s13, $0x6;
	_ =	swait.ge [sflag:s20], $0x2800  }
0x2a: {  	s7 =	sor.u32 $0x1C07, s7;
	[sflag:s20] =	ssyncset.done $0x0;
	s8 =	rddreg [dreg:$0x6]  }
0x2b: {  	s14 =	rddreg [dreg:$0x7];
	[sflag:s20] =	ssyncadd.s32 $0xFFFFD800;
	s12 =	sshrl.u32 s8, $0x3  }
0x2c: {  	[spmem:s12], [sflag:s7] =	dma.local [hbm:s14], $0x18B0  }
0x2d: {  	_ =	swait.ge [sflag:s20], $0x18B0  }
0x2e: {  	[sflag:s20] =	ssyncset.done $0x0;
	s15 =	rddreg [dreg:$0x8]  }
0x2f: {  	[sflag:s20] =	ssyncadd.s32 $0xFFFFE750;
	s8 =	sshrl.u32 s15, $0x3  }
0x30: {  	[spmem:s8], [sflag:s7] =	dma.local [hbm:s10], $0x18B0  }
0x31: {  	_ =	swait.ge [sflag:s20], $0x18B0  }
0x32: {  	[sflag:s20] =	ssyncset.done $0x0  }
0x33: {  	[sflag:s20] =	ssyncadd.s32 $0xFFFFE750  }
0x34: {  	[bflag:$0x0] =	sbarrier.arrive $0xFFFF  }
0x35: {  	[tilespmem:s21], [sflag:$0x7] =	stream.linear.gather [hbm4b:s9+s4], $0x50, $0x38;
	[tilespmem:$0x1E5A0] =	vst v63  }
0x36: {  	_ =	swait.ge [sflag:s20], $0x50  }
0x37: {  	[sflag:s20] =	ssyncset.done $0x0  }
0x38: {  	[sflag:s20] =	ssyncadd.s32 $0xFFFFFFB0  }
0x39: {  	[tilespmem:s23], [sflag:$0x1] =	stream.indirect.gather [spmem:s2], $0x50, s4, s22, $0xb8;
	[tilespmem:$0x1E5A0] =	vst v63  }
0x3a: {  	_ = 	snop  }
0x3b: {  	[tilespmem:s24], [sflag:$0x7] =	stream.linear.gather [hbm4b:s11+s4], $0x50, $0x38;
	[tilespmem:$0x1E5A0] =	vst v63  }
0x3c: {  	_ =	swait.ge [sflag:s20], $0x50  }
0x3d: {  	[sflag:s20] =	ssyncset.done $0x0  }
0x3e: {  	[sflag:s20] =	ssyncadd.s32 $0xFFFFFFB0  }
0x3f: {  	[tilespmem:s25], [sflag:$0x2] =	stream.indirect.gather [spmem:s2], $0x50, s22, s22, $0xb8;
	[tilespmem:$0x1E5A0] =	vst v63  }
0x40: {  	_ =	swait.ge [sflag:s26], $0x1900  }
0x41: {  	[sflag:s26] =	ssyncset.done $0x0  }
0x42: {  	[sflag:s26] =	ssyncadd.s32 $0xFFFFE700  }
0x43: {  	[spmem:s3] =	stream.indirect.scatter.add.f32 [tilespmem:s23], [sflag:$0x3], $0x50, s21, s22, $0xb8;
	[tilespmem:$0x1E5A0] =	vst v63  }
0x44: {  	_ =	swait.ge [sflag:s28], $0x1900  }
0x45: {  	[sflag:s28] =	ssyncset.done $0x0  }
0x46: {  	[sflag:s28] =	ssyncadd.s32 $0xFFFFE700  }
0x47: {  	[spmem:s3] =	stream.indirect.scatter.add.f32 [tilespmem:s25], [sflag:$0x4], $0x50, s24, s22, $0xb8;
	[tilespmem:$0x1E5A0] =	vst v63  }
0x48: {  	_ =	swait.ge [sflag:s29], $0x1900  }
0x49: {  	[sflag:s29] =	ssyncset.done $0x0  }
0x4a: {  	[sflag:s29] =	ssyncadd.s32 $0xFFFFE700  }
0x4b: {  	[tilespmem:s21], [sflag:$0x5] =	stream.linear.gather [hbm4b:s16+s4], $0x50, $0x38;
	[tilespmem:$0x1E5A0] =	vst v63  }
0x4c: {  	_ = 	snop  }
0x4d: {  	[tilespmem:s23], [sflag:$0x1] =	stream.indirect.gather [spmem:s2], $0x50, s30, s22, $0xb8;
	[tilespmem:$0x1E5A0] =	vst v63  }
0x4e: {  	_ =	swait.ge [sflag:s31], $0x1900  }
0x4f: {  	[sflag:s31] =	ssyncset.done $0x0  }
0x50: {  	[sflag:s31] =	ssyncadd.s32 $0xFFFFE700  }
0x51: {  	[tilespmem:s24], [sflag:$0x6] =	stream.linear.gather [hbm4b:s17+s4], $0x50, $0x38;
	[tilespmem:$0x1E5A0] =	vst v63  }
0x52: {  	s13 =	simm.s32 $0x190;
	s14 =	simm.s32 $0x0  }
0x53: {  	[tilespmem:s25], [sflag:$0x2] =	stream.indirect.gather [spmem:s2], $0x50, s1, s22, $0xb8;
	[tilespmem:$0x1E5A0] =	vst v63  }
.LBB2_2:
0x54: {  	_ =	swait.ge [sflag:s26], $0x1900  }
0x55: {  	[sflag:s26] =	ssyncset.done $0x0  }
0x56: {  	[sflag:s26] =	ssyncadd.s32 $0xFFFFE700  }
0x57: {  	_ =	swait.ge [sflag:s0], $0x50  }
0x58: {  	[sflag:s0] =	ssyncset.done $0x0  }
0x59: {  	[sflag:s0] =	ssyncadd.s32 $0xFFFFFFB0  }
0x5a: {  	[spmem:s3] =	stream.indirect.scatter.add.f32 [tilespmem:s23], [sflag:$0x3], $0x50, s21, s22, $0xb8;
	[tilespmem:$0x1E5A0] =	vst v63  }
0x5b: {  	_ =	swait.ge [sflag:s28], $0x1900  }
0x5c: {  	[sflag:s28] =	ssyncset.done $0x0  }
0x5d: {  	[sflag:s28] =	ssyncadd.s32 $0xFFFFE700  }
0x5e: {  	_ =	swait.ge [sflag:s5], $0x50  }
0x5f: {  	p0 =	seq.s32 s14, $0x4D8;
	[sflag:s5] =	ssyncset.done $0x0  }
.Ltmp2:
0x60: {  	[sflag:s5] =	ssyncadd.s32 $0xFFFFFFB0;
	(pc) =	sbr.rel @p0 .LBB2_4-.Ltmp2, $4  }
0x61: {  	[spmem:s3] =	stream.indirect.scatter.add.f32 [tilespmem:s25], [sflag:$0x4], $0x50, s24, s22, $0xb8;
	[tilespmem:$0x1E5A0] =	vst v63  }
0x62: {  	_ =	swait.ge [sflag:s29], $0x1900  }
0x63: {  	[sflag:s29] =	ssyncset.done $0x0  }
0x64: {  	[sflag:s29] =	ssyncadd.s32 $0xFFFFE700  }
0x65: {  	s15 =	sadd.s32 s14, s19  }
0x66: {  	[tilespmem:s21], [sflag:$0x5] =	stream.linear.gather [hbm4b:s15+s4], $0x50, $0x38;
	[tilespmem:$0x1E5A0] =	vst v63  }
0x67: {  	s15 =	sadd.s32 $0xFFFFFFB0, s13  }
0x68: {  	[tilespmem:s23], [sflag:$0x1] =	stream.indirect.gather [spmem:s2], $0x50, s15, s22, $0xb8;
	[tilespmem:$0x1E5A0] =	vst v63  }
0x69: {  	_ =	swait.ge [sflag:s31], $0x1900  }
0x6a: {  	[sflag:s31] =	ssyncset.done $0x0  }
.Ltmp3:
0x6b: {  	s15 =	sadd.s32 s14, s18;
	[sflag:s31] =	ssyncadd.s32 $0xFFFFE700;
	(pc) =	sbr.rel .LBB2_2-.Ltmp3, $4  }
0x6c: {  	[tilespmem:s24], [sflag:$0x6] =	stream.linear.gather [hbm4b:s15+s4], $0x50, $0x38;
	[tilespmem:$0x1E5A0] =	vst v63  }
0x6d: {  	_ = 	snop  }
0x6e: {  	[tilespmem:s25], [sflag:$0x2] =	stream.indirect.gather [spmem:s2], $0x50, s13, s22, $0xb8;
	[tilespmem:$0x1E5A0] =	vst v63  }
0x6f: {  	s14 =	sadd.s32 $0x14, s14;
	s13 =	sadd.s32 $0xA0, s13  }
.LBB2_4:
0x70: {  	_ =	swait.ge [sflag:s31], $0x1900  }
0x71: {  	[sflag:s31] =	ssyncset.done $0x0  }
0x72: {  	[sflag:s31] =	ssyncadd.s32 $0xFFFFE700  }
0x73: {  	[bflag:$0x0] =	sbarrier.arrive $0xFFFF  }
0x74: {  	s13 =	rddreg [dreg:$0x9]  }
0x75: {  	[hbm:s13], [sflag:s7] =	dma.local [spmem:s8], $0x18B0  }
0x76: {  	_ =	swait.ge [sflag:s20], $0x18B0  }
0x77: {  	[sflag:s20] =	ssyncset.done $0x0  }
0x78: {  	s15 =	rddreg [dreg:$0xa];
	[sflag:s20] =	ssyncadd.s32 $0xFFFFE750  }
0x79: {  	[spmem:s12], [sflag:s7] =	dma.local [hbm:s15], $0x18B0  }
0x7a: {  	_ =	swait.ge [sflag:s20], $0x18B0  }
0x7b: {  	[sflag:s20] =	ssyncset.done $0x0  }
0x7c: {  	[sflag:s20] =	ssyncadd.s32 $0xFFFFE750  }
0x7d: {  	[spmem:s8], [sflag:s7] =	dma.local [hbm:s10], $0x18B0  }
0x7e: {  	_ =	swait.ge [sflag:s20], $0x18B0  }
0x7f: {  	[sflag:s20] =	ssyncset.done $0x0  }
0x80: {  	[sflag:s20] =	ssyncadd.s32 $0xFFFFE750  }
0x81: {  	s12 =	simm.s32 $0x0;
	[bflag:$0x0] =	sbarrier.arrive $0xFFFF  }
0x82: {  	[tilespmem:s21], [sflag:$0x7] =	stream.linear.gather [hbm4b:s9+s12], $0x50, $0x38;
	[tilespmem:$0x1E5A0] =	vst v63  }
0x83: {  	_ =	swait.ge [sflag:s20], $0x50  }
0x84: {  	[sflag:s20] =	ssyncset.done $0x0  }
0x85: {  	[sflag:s20] =	ssyncadd.s32 $0xFFFFFFB0  }
0x86: {  	[tilespmem:s23], [sflag:$0x1] =	stream.indirect.gather [spmem:s2], $0x50, s12, s22, $0xb8;
	[tilespmem:$0x1E5A0] =	vst v63  }
0x87: {  	_ = 	snop  }
0x88: {  	[tilespmem:s24], [sflag:$0x7] =	stream.linear.gather [hbm4b:s11+s12], $0x50, $0x38;
	[tilespmem:$0x1E5A0] =	vst v63  }
0x89: {  	_ =	swait.ge [sflag:s20], $0x50  }
0x8a: {  	[sflag:s20] =	ssyncset.done $0x0  }
0x8b: {  	[sflag:s20] =	ssyncadd.s32 $0xFFFFFFB0  }
0x8c: {  	[tilespmem:s25], [sflag:$0x2] =	stream.indirect.gather [spmem:s2], $0x50, s22, s22, $0xb8;
	[tilespmem:$0x1E5A0] =	vst v63  }
0x8d: {  	_ =	swait.ge [sflag:s26], $0x1900  }
0x8e: {  	[sflag:s26] =	ssyncset.done $0x0  }
0x8f: {  	[sflag:s26] =	ssyncadd.s32 $0xFFFFE700  }
0x90: {  	[spmem:s3] =	stream.indirect.scatter.add.f32 [tilespmem:s23], [sflag:$0x3], $0x50, s21, s22, $0xb8;
	[tilespmem:$0x1E5A0] =	vst v63  }
0x91: {  	_ =	swait.ge [sflag:s28], $0x1900  }
0x92: {  	[sflag:s28] =	ssyncset.done $0x0  }
0x93: {  	[sflag:s28] =	ssyncadd.s32 $0xFFFFE700  }
0x94: {  	[spmem:s3] =	stream.indirect.scatter.add.f32 [tilespmem:s25], [sflag:$0x4], $0x50, s24, s22, $0xb8;
	[tilespmem:$0x1E5A0] =	vst v63  }
0x95: {  	_ =	swait.ge [sflag:s29], $0x1900  }
0x96: {  	[sflag:s29] =	ssyncset.done $0x0  }
0x97: {  	[sflag:s29] =	ssyncadd.s32 $0xFFFFE700  }
0x98: {  	[tilespmem:s21], [sflag:$0x5] =	stream.linear.gather [hbm4b:s16+s12], $0x50, $0x38;
	[tilespmem:$0x1E5A0] =	vst v63  }
0x99: {  	_ = 	snop  }
0x9a: {  	[tilespmem:s23], [sflag:$0x1] =	stream.indirect.gather [spmem:s2], $0x50, s30, s22, $0xb8;
	[tilespmem:$0x1E5A0] =	vst v63  }
0x9b: {  	_ =	swait.ge [sflag:s31], $0x1900  }
0x9c: {  	[sflag:s31] =	ssyncset.done $0x0  }
0x9d: {  	[sflag:s31] =	ssyncadd.s32 $0xFFFFE700  }
0x9e: {  	[tilespmem:s24], [sflag:$0x6] =	stream.linear.gather [hbm4b:s17+s12], $0x50, $0x38;
	[tilespmem:$0x1E5A0] =	vst v63  }
0x9f: {  	s13 =	simm.s32 $0x190  }
0xa0: {  	[tilespmem:s25], [sflag:$0x2] =	stream.indirect.gather [spmem:s2], $0x50, s1, s22, $0xb8;
	[tilespmem:$0x1E5A0] =	vst v63  }
.LBB2_5:
0xa1: {  	_ =	swait.ge [sflag:s26], $0x1900  }
0xa2: {  	[sflag:s26] =	ssyncset.done $0x0  }
0xa3: {  	[sflag:s26] =	ssyncadd.s32 $0xFFFFE700  }
0xa4: {  	_ =	swait.ge [sflag:s0], $0x50  }
0xa5: {  	[sflag:s0] =	ssyncset.done $0x0  }
0xa6: {  	[sflag:s0] =	ssyncadd.s32 $0xFFFFFFB0  }
0xa7: {  	[spmem:s3] =	stream.indirect.scatter.add.f32 [tilespmem:s23], [sflag:$0x3], $0x50, s21, s22, $0xb8;
	[tilespmem:$0x1E5A0] =	vst v63  }
0xa8: {  	_ =	swait.ge [sflag:s28], $0x1900  }
0xa9: {  	[sflag:s28] =	ssyncset.done $0x0  }
0xaa: {  	[sflag:s28] =	ssyncadd.s32 $0xFFFFE700  }
0xab: {  	_ =	swait.ge [sflag:s5], $0x50  }
0xac: {  	p0 =	seq.s32 s12, $0x4D8;
	[sflag:s5] =	ssyncset.done $0x0  }
.Ltmp4:
0xad: {  	[sflag:s5] =	ssyncadd.s32 $0xFFFFFFB0;
	(pc) =	sbr.rel @p0 .LBB2_7-.Ltmp4, $4  }
0xae: {  	[spmem:s3] =	stream.indirect.scatter.add.f32 [tilespmem:s25], [sflag:$0x4], $0x50, s24, s22, $0xb8;
	[tilespmem:$0x1E5A0] =	vst v63  }
0xaf: {  	_ =	swait.ge [sflag:s29], $0x1900  }
0xb0: {  	[sflag:s29] =	ssyncset.done $0x0  }
0xb1: {  	[sflag:s29] =	ssyncadd.s32 $0xFFFFE700  }
0xb2: {  	s14 =	sadd.s32 s12, s19  }
0xb3: {  	[tilespmem:s21], [sflag:$0x5] =	stream.linear.gather [hbm4b:s14+s4], $0x50, $0x38;
	[tilespmem:$0x1E5A0] =	vst v63  }
0xb4: {  	s15 =	sadd.s32 $0xFFFFFFB0, s13  }
0xb5: {  	[tilespmem:s23], [sflag:$0x1] =	stream.indirect.gather [spmem:s2], $0x50, s15, s22, $0xb8;
	[tilespmem:$0x1E5A0] =	vst v63  }
0xb6: {  	_ =	swait.ge [sflag:s31], $0x1900  }
0xb7: {  	[sflag:s31] =	ssyncset.done $0x0  }
.Ltmp5:
0xb8: {  	s15 =	sadd.s32 s12, s18;
	[sflag:s31] =	ssyncadd.s32 $0xFFFFE700;
	(pc) =	sbr.rel .LBB2_5-.Ltmp5, $4  }
0xb9: {  	[tilespmem:s24], [sflag:$0x6] =	stream.linear.gather [hbm4b:s15+s4], $0x50, $0x38;
	[tilespmem:$0x1E5A0] =	vst v63  }
0xba: {  	_ = 	snop  }
0xbb: {  	[tilespmem:s25], [sflag:$0x2] =	stream.indirect.gather [spmem:s2], $0x50, s13, s22, $0xb8;
	[tilespmem:$0x1E5A0] =	vst v63  }
0xbc: {  	s12 =	sadd.s32 $0x14, s12;
	s13 =	sadd.s32 $0xA0, s13  }
.LBB2_8:
0xbd: {  	_ =	sfence.sel $0x180000  }
0xbe: {  	[bflag:$0x0] =	sbarrier.arrive $0xFFFF  }
0xbf: {  	_ =	strace $0x90000050  }
0xc0: {  	s0 =	stileid.u32;
	[bflag:$0x2] =	sbarrier.arrive $0xFFFF  }
0xc1: {  	p0 =	sne.s32 s0, $0x0;
	s0 =	rddreg [dreg:$0x4]  }
0xc2: {  	s0 =	sadd.s32 @!p0 $0x100000, s0  }
0xc3: {  	[sflag:s0] =	ssyncadd.tile.s32 @!p0 $0x1;
	_ =	shalt  }
.Lfunc_end2:
_tile_overlayer_lowered:
.L_overlay_start_2:
0xc4: {  	(tag) =	ssettag $0x2  }
0xc5: {  	s0 =	rddreg [dreg:$0x0];
	s2 =	stileid.u32  }
0xc6: {  	s1 =	rddreg [dreg:$0x1];
	p0 =	sne.s32 s2, $0x0  }
0xc7: {  	s3 =	rddreg [dreg:$0x2];
	[bflag:$0x3] =	sbarrier.arrive $0xFFFF;
	s2 =	simm.s32 @!p0 $0x1C07  }
0xc8: {  	[timem:s3], [sflag:s2] =	dma.local @!p0 [hbm:s0], s1  }
0xc9: {  	s0 =	simm.s32 @!p0 $0x7  }
0xca: {  	_ =	swait.ge @!p0 [sflag:s0], s1  }
0xcb: {  	s1 =	ssub.s32 @!p0 $0x0, s1;
	[sflag:s0] =	ssyncset.done @!p0 $0x0  }
0xcc: {  	[sflag:s0] =	ssyncadd.s32 @!p0 s1  }
0xcd: {  	[bflag:$0x3] =	sbarrier.arrive $0xFFFF  }
0xce: {  	_ =	shalt  }

// kernel: kernel.9.cloned.1.call-start
scs
__scs_entry_jumppad:
0x0: {  	(pc) =	sbr.rel $0x88, $3  }
0x1: {  	(tag) =	ssettag $0x0;
	lr =	simm.s32 $0x1  }
0x2: {  	[smem:$0x3F92] =	sst lr;
	_ =	strace $0xD0000000  }
0x3: {  	_ = 	snop  }
0x4: {  	_ = 	snop  }
0x5: {  	_ = 	snop  }
0x6: {  	_ = 	snop  }
0x7: {  	_ = 	snop  }
__scs_overlays_trampoline_lowered:
0x8: {  	[smem:$0x3FA1] =	sst s0  }
0x9: {  	[smem:$0x3FA2] =	sst s1  }
0xa: {  	[smem:$0x3FA3] =	sst s2  }
0xb: {  	[smem:$0x3FA4] =	sst s3  }
0xc: {  	[smem:$0x3FA5] =	sst s4  }
0xd: {  	[smem:$0x3FA6] =	sst s5  }
0xe: {  	[smem:$0x3FA7] =	sst s6  }
0xf: {  	[smem:$0x3FA8] =	sst s7  }
0x10: {  	[smem:$0x3FA9] =	sst s8  }
0x11: {  	[smem:$0x3FAA] =	sst s9;
	s0 =	simm.s32 @!p0 $0x0  }
0x12: {  	s1 =	sld [smem:$0x3F90];
	s0 =	simm.s32 @p0 $0x1  }
0x13: {  	[smem:$0x3FAB] =	sst s0;
	s0 =	simm.s32 @!p1 $0x0  }
0x14: {  	s2 =	sld [smem:$0x3F8F];
	s0 =	simm.s32 @p1 $0x1  }
0x15: {  	[smem:$0x3FAC] =	sst s0;
	s0 =	simm.s32 @!p2 $0x0  }
0x16: {  	s3 =	sld [smem:$0x3FDB];
	s0 =	simm.s32 @p2 $0x1  }
0x17: {  	s4 =	simm.s32 $0x1BF5;
	[smem:$0x3FAE] =	sst s0  }
0x18: {  	s0 =	sld [smem:$0x3F91];
	_ =	swait.ge [sflag:s4], $0x0  }
0x19: {  	s7 =	sld [smem:$0x3F92]  }
0x1a: {  	s8 =	sadd.s32 $0xFFFFE003, lr  }
0x1b: {  	s9 =	sadd.s32 $0xFFFFFEF7, lr;
	s5 =	simm.s32 $0xFFFFFFFF;
	p2 =	slt.u32 s8, $0xFFFFF086  }
0x1c: {  	p1 =	slt.u32 s9, $0xF7A;
	s5 =	simm.s32 @!p2 $0x0  }
0x1d: {  	s5 =	simm.s32 @p1 $0x1;
	p0 =	seq.s32 s7, s2  }
0x1e: {  	s7 =	smul.u32 @!p0 $0xF7A, s2;
	p2 =	seq.s32 @!p0 s5, $0x0  }
0x1f: {  	s9 =	smul.u32 $0xF7A, s1;
	s8 =	simm.s32 @!p0 $0x1BF5;
	p2 =	por !p2, p0  }
0x20: {  	[sflag:s8] =	ssyncset.s32 @!p0 $0xFFFFF086;
	s6 =	sadd.s32 @!p0 s3, s7;
	s7 =	simm.s32 @!p0 $0x108  }
0x21: {  	s3 =	sadd.s32 s3, s9;
	s6 =	sadd.s32 @!p0 $0x88, s6;
	s7 =	simm.s32 @p2 $0x1082  }
0x22: {  	[simem:s7], [sflag:s8] =	dma.local @!p0 [hbm:s6], $0xF7A  }
0x23: {  	s9 =	sor.u32 $0xD0000000, s2;
	s6 =	simm.s32 $0x108;
	_ =	swait.ge @!p0 [sflag:s8], $0x0  }
0x24: {  	s3 =	sadd.s32 $0x88, s3;
	s6 =	simm.s32 @!p1 $0x1082;
	[sflag:s4] =	ssyncset.s32 $0xFFFFF086  }
0x25: {  	[simem:s6], [sflag:s4] =	dma.local [hbm:s3], $0xF7A  }
0x26: {  	[smem:$0x3F92] =	sst s1;
	(tag) =	ssettag s2;
	_ =	strace s9  }
0x27: {  	s1 =	sld [smem:$0x3FA2]  }
0x28: {  	s2 =	sld [smem:$0x3FA3]  }
0x29: {  	s4 =	sld [smem:$0x3FA5]  }
0x2a: {  	p0 =	seq.s32 s5, $0x0;
	s5 =	sld [smem:$0x3FA6]  }
0x2b: {  	s6 =	sld [smem:$0x3FA7]  }
0x2c: {  	s7 =	sld [smem:$0x3FA8]  }
0x2d: {  	s3 =	simm.s32 $0x108;
	s8 =	sld [smem:$0x3FA9]  }
0x2e: {  	s3 =	simm.s32 @!p0 $0x1082;
	s9 =	sld [smem:$0x3FAA]  }
0x2f: {  	lr =	sadd.s32 s0, s3;
	s0 =	sld [smem:$0x3FA1]  }
0x30: {  	s3 =	sld [smem:$0x3FA4]  }
0x31: {  	[smem:$0x3FAD] =	sst s10  }
0x32: {  	s10 =	sld [smem:$0x3FAB];
	_ =	sdelay $0x3  }
0x33: {  	p0 =	seq.s32 s10, $0x1;
	s10 =	sld [smem:$0x3FAD];
	_ =	sdelay $0x3  }
0x34: {  	[smem:$0x3FAD] =	sst s10  }
0x35: {  	s10 =	sld [smem:$0x3FAC];
	_ =	sdelay $0x3  }
0x36: {  	p1 =	seq.s32 s10, $0x1;
	s10 =	sld [smem:$0x3FAD];
	_ =	sdelay $0x3  }
0x37: {  	[smem:$0x3FAD] =	sst s10  }
0x38: {  	s10 =	sld [smem:$0x3FAE]  }
0x39: {  	_ = 	snop;
	(pc) =	sbr.ind lr, $3  }
0x3a: {  	_ = 	snop  }
0x3b: {  	_ = 	snop  }
0x3c: {  	p2 =	seq.s32 s10, $0x1;
	s10 =	sld [smem:$0x3FAD]  }
0x3d: {  	_ =	shalt  }
0x3e: {  	_ =	shalt  }
0x3f: {  	_ =	shalt  }
0x40: {  	_ =	shalt  }
0x41: {  	_ =	shalt  }
0x42: {  	_ =	shalt  }
0x43: {  	_ =	shalt  }
0x44: {  	_ =	shalt  }
0x45: {  	_ =	shalt  }
0x46: {  	_ =	shalt  }
0x47: {  	_ =	shalt  }
0x48: {  	_ =	shalt  }
0x49: {  	_ =	shalt  }
0x4a: {  	_ =	shalt  }
0x4b: {  	_ =	shalt  }
0x4c: {  	_ =	shalt  }
0x4d: {  	_ =	shalt  }
0x4e: {  	_ =	shalt  }
0x4f: {  	_ =	shalt  }
0x50: {  	_ =	shalt  }
0x51: {  	_ =	shalt  }
0x52: {  	_ =	shalt  }
0x53: {  	_ =	shalt  }
0x54: {  	_ =	shalt  }
0x55: {  	_ =	shalt  }
0x56: {  	_ =	shalt  }
0x57: {  	_ =	shalt  }
0x58: {  	_ =	shalt  }
0x59: {  	_ =	shalt  }
0x5a: {  	_ =	shalt  }
0x5b: {  	_ =	shalt  }
0x5c: {  	_ =	shalt  }
0x5d: {  	_ =	shalt  }
0x5e: {  	_ =	shalt  }
0x5f: {  	_ =	shalt  }
0x60: {  	_ =	shalt  }
0x61: {  	_ =	shalt  }
0x62: {  	_ =	shalt  }
0x63: {  	_ =	shalt  }
0x64: {  	_ =	shalt  }
0x65: {  	_ =	shalt  }
0x66: {  	_ =	shalt  }
0x67: {  	_ =	shalt  }
0x68: {  	_ =	shalt  }
0x69: {  	_ =	shalt  }
0x6a: {  	_ =	shalt  }
0x6b: {  	_ =	shalt  }
0x6c: {  	_ =	shalt  }
0x6d: {  	_ =	shalt  }
0x6e: {  	_ =	shalt  }
0x6f: {  	_ =	shalt  }
0x70: {  	_ =	shalt  }
0x71: {  	_ =	shalt  }
0x72: {  	_ =	shalt  }
0x73: {  	_ =	shalt  }
0x74: {  	_ =	shalt  }
0x75: {  	_ =	shalt  }
0x76: {  	_ =	shalt  }
0x77: {  	_ =	shalt  }
0x78: {  	_ =	shalt  }
0x79: {  	_ =	shalt  }
0x7a: {  	_ =	shalt  }
0x7b: {  	_ =	shalt  }
0x7c: {  	_ =	shalt  }
0x7d: {  	_ =	shalt  }
0x7e: {  	_ =	shalt  }
0x7f: {  	_ =	shalt  }
0x80: {  	_ =	shalt  }
0x81: {  	_ =	shalt  }
0x82: {  	_ =	shalt  }
0x83: {  	_ =	shalt  }
0x84: {  	_ =	shalt  }
0x85: {  	_ =	shalt  }
0x86: {  	_ =	shalt  }
0x87: {  	_ =	shalt  }
.Lfunc_end0:
.L_simem_size_0:
called_computation_lowered:
.L_overlay_start_0:
0x88: {  	s2 =	sld [smem:$0x3FD9]  }
0x89: {  	s3 =	sld [smem:$0x3FFE];
	_ =	sdelay $0x1  }
0x8a: {  	s1 =	srdreg.scid  }
0x8b: {  	s0 =	sand.u32 $0x1, s1  }
0x8c: {  	s17 =	sshll.u32 s0, $0xA;
	s2 =	sadd.s32 s3, s2  }
0x8d: {  	s2 =	sadd.s32 s2, s17  }
0x8e: {  	[smem:$0x3FB9] =	sst s2  }
0x8f: {  	_ = 	snop  }
0x90: {  	(tm) =	ssettm $0x1  }
0x91: {  	s18 =	sld [smem:$0x3FFB];
	_ =	sdelay $0x3  }
0x92: {  	_ =	strace s18  }
0x93: {  	s2 =	sld [smem:$0x3FFC];
	_ =	sdelay $0x3  }
0x94: {  	_ =	strace s2  }
0x95: {  	s2 =	sld [smem:$0x3FFD];
	_ =	sdelay $0x3  }
0x96: {  	_ =	strace s2  }
0x97: {  	_ =	strace $0x8FFFFFFF  }
0x98: {  	s19 =	sld [smem:$0x3FDB];
	_ =	sdelay $0x1  }
0x99: {  	s20 =	simm.s32 $_scs_section_size  }
0x9a: {  	s4 =	simm.s32 $_size__tile_overlayer_lowered;
	s5 =	simm.s32 $_tile_overlayer_lowered  }
0x9b: {  	s6 =	simm.s32 $0x1BFF;
	s21 =	sshll.u32 s5, $0x1;
	s3 =	sadd.s32 s20, s19  }
0x9c: {  	s22 =	simm.s32 $0x0;
	s4 =	sshll.u32 s4, $0x1;
	s5 =	sadd.s32 s21, s3  }
0x9d: {  	[timem:s22], [sflag:s6] =	dma.local [hbm:s5], s4  }
0x9e: {  	_ =	swait.ge [sflag:s6], s4  }
0x9f: {  	s4 =	ssub.s32 $0x0, s4;
	[sflag:s6] =	ssyncset.done $0x0  }
0xa0: {  	[sflag:s6] =	ssyncadd.s32 s4;
	_ =	sdelay $0x1  }
0xa1: {  	s23 =	simm.s32 $0x1B8B  }
0xa2: {  	_ =	swait.ge [sflag:s23], $0x1  }
0xa3: {  	[sflag:s23] =	ssyncset.done $0x0  }
0xa4: {  	[sflag:s23] =	ssyncadd.s32 $0xFFFFFFFF  }
0xa5: {  	s4 =	sld [smem:$0x0]  }
0xa6: {  	s5 =	sand.u32 $0xFFFFFFFE, s1  }
0xa7: {  	p0 =	sne.s32 s1, s5  }
0xa8: {  	s5 =	sshll.u32 @p0 s5, $0xE  }
0xa9: {  	s5 =	sadd.s32 @p0 $0x11B8D, s5;
	s6 =	sshll.u32 @p0 s4, $0x11  }
0xaa: {  	s5 =	sor.u32 @p0 s6, s5  }
0xab: {  	[sflag:s5] =	ssyncadd.remote.s32 @p0 $0x1;
	_ =	sdelay $0x1  }
0xac: {  	s5 =	simm.s32 @p0 $0x1B8D  }
0xad: {  	_ =	swait.eq @p0 [sflag:s5], $0x1  }
0xae: {  	[sflag:s5] =	ssyncadd.s32 @p0 $0xFFFFFFFF  }
0xaf: {  	s6 =	sshll.u32 @!p0 s1, $0xE  }
0xb0: {  	s6 =	sor.u32 @!p0 $0x4000, s6;
	s5 =	simm.s32 @!p0 $0x1B8D  }
0xb1: {  	s4 =	sshll.u32 @!p0 s4, $0x11;
	s6 =	sadd.s32 @!p0 $0x11B8D, s6;
	_ =	swait.eq @!p0 [sflag:s5], $0x1  }
0xb2: {  	s4 =	sor.u32 @!p0 s4, s6;
	[sflag:s5] =	ssyncadd.s32 @!p0 $0xFFFFFFFF  }
0xb3: {  	s25 =	simm.s32 $0x1B8E;
	s24 =	sld [smem:$0x3FFE];
	[sflag:s4] =	ssyncadd.remote.s32 @!p0 $0x1  }
0xb4: {  	s26 =	simm.s32 $execute0_lowered;
	[smem:$0x3FD2] =	sst s25  }
0xb5: {  	s5 =	sshll.u32 s26, $0x1;
	_ =	strace $0x80000049;
	[dreg:$0x1] =	wrdreg $0xFFFFFFFF  }
0xb6: {  	s28 =	simm.s32 $_size_execute0_lowered;
	s3 =	sadd.s32 s3, s5;
	[dreg:$0x0] =	wrdreg $0x0  }
0xb7: {  	s5 =	sshll.u32 s28, $0x1;
	[dreg:$0x2] =	wrdreg s3  }
0xb8: {  	[dreg:$0x3] =	wrdreg s5  }
0xb9: {  	[dreg:$0x4] =	wrdreg $0xC0  }
0xba: {  	_ =	task [dreg:s22], $0x5FFFF  }
0xbb: {  	[dreg:$0x1] =	wrdreg $0xFFFFFFFF  }
0xbc: {  	[dreg:$0x0] =	wrdreg $0x60  }
0xbd: {  	[dreg:$0x2] =	wrdreg s24  }
0xbe: {  	[dreg:$0x3] =	wrdreg $0x32A00  }
0xbf: {  	[dreg:$0x4] =	wrdreg $0x9  }
0xc0: {  	_ =	task.clear_ibuf [dreg:s22], $0x5FFFF;
	_ =	strace $0x90000049  }
0xc1: {  	s29 =	simm.s32 $0x9;
	_ =	strace $0x8000004B  }
0xc2: {  	_ =	swait.ge [sflag:s29], $0x1  }
0xc3: {  	[sflag:s29] =	ssyncadd.s32 $0xFFFFFFFF  }
0xc4: {  	_ =	strace $0x9000004B  }
0xc5: {  	_ =	sfence  }
0xc6: {  	s30 =	sld [smem:$0x0];
	_ =	sdelay $0x2  }
0xc7: {  	s31 =	sshll.u32 s1, $0xD;
	s1 =	sshrl.u32 s1, $0x2  }
0xc8: {  	s4 =	sand.u32 $0x4000, s31;
	s1 =	sadd.s32 s1, s30  }
0xc9: {  	s0 =	sor.u32 s4, s0;
	s1 =	sshll.u32 s1, $0x11  }
0xca: {  	s0 =	sor.u32 s1, s0  }
0xcb: {  	s0 =	sadd.s32 $0x8F2B, s0  }
0xcc: {  	[sflag:s0] =	ssyncadd.remote.s32 $0x1  }
0xcd: {  	_ =	sfence.sel $0xFFFF  }
0xce: {  	[dreg:$0x0] =	wrdreg $0xFFFFFFFF;
	(pc) =	sbr.abs _section_cstart, $3  }
0xcf: {  	[dreg:$0x1] =	wrdreg $0xFFFFFFFF  }
0xd0: {  	_ =	task.clear_ibuf [dreg:s22], $0x2FFFF;
	_ =	strace $0x9FFFFFFF  }
0xd1: {  	(tm) =	ssettm $0x7FFFFFFF  }
tec
execute0_lowered:
.L_overlay_start_1:
0x0: {  	(tag) =	ssettag $0x1  }
0x1: {  	s0 =	srdreg.scid;
	s1 =	rddreg [dreg:$0x0]  }
0x2: {  	s21 =	stileid.u32;
	s2 =	rddreg [dreg:$0x1]  }
0x3: {  	s28 =	simm.s32 $0x1;
	s29 =	simm.s32 $0x2;
	s30 =	simm.s32 $0x3  }
0x4: {  	s31 =	simm.s32 $0x5;
	s0 =	sand.u32 $0x1, s0;
	s3 =	sshll.u32 s21, $0x1  }
0x5: {  	s7 =	smul.u32 $0x2780, s21;
	s5 =	sadd.s32 $0x99A00, s1;
	s11 =	sadd.s32 $0x18E00, s1  }
0x6: {  	s18 =	smul.u32 $0x5000, s21;
	s26 =	sshll.u32 s21, $0x6;
	s4 =	sor.u32 s0, s3  }
0x7: {  	s3 =	simm.s32 $0x0;
	s9 =	smul.u32 $0x27800, s0;
	s12 =	ssub.s32 $0x2, s0  }
0x8: {  	s0 =	smul.u32 $0x2800, s0;
	s21 =	sor.u32 $0x1C07, s26;
	s26 =	simm.s32 $0x2DA0  }
0x9: {  	s6 =	smul.u32 $0x2800, s4;
	[smem:$0x7FF] =	sst s3;
	s4 =	sadd.s32 $0x571A00, s1  }
0xa: {  	s13 =	sshrl.u32 s7, $0x3;
	s14 =	sshrl.u32 s12, $0x1;
	_ =	strace $0x8000004A  }
0xb: {  	s9 =	sadd.s32 s7, s9;
	s13 =	sadd.s32 s13, s1;
	s12 =	ssub.s32 s12, s14  }
0xc: {  	s7 =	sadd.s32 s7, s2;
	s0 =	sadd.s32 s0, s18;
	s8 =	sshrl.u32 s6, $0x3  }
0xd: {  	s9 =	sshrl.u32 s9, $0x3;
	[dreg:$0x4] =	wrdreg s7;
	s15 =	sor.u32 $0xA0, s6  }
0xe: {  	s6 =	sor.u32 $0xF0, s6;
	s20 =	smax.u32 s12, $0x1;
	s25 =	sor.u32 $0x190, s0  }
0xf: {  	s0 =	sor.u32 $0x140, s0;
	s10 =	sadd.s32 s8, s1;
	s1 =	sadd.s32 s9, s1  }
0x10: {  	s8 =	sadd.s32 s11, s8;
	s9 =	sadd.s32 $0x99C00, s13;
	[dreg:$0x7] =	wrdreg s20  }
0x11: {  	s23 =	sshrl.u32 s15, $0x3;
	s6 =	sshrl.u32 s6, $0x3;
	s17 =	sadd.s32 $0x8FA00, s10  }
0x12: {  	s0 =	sshrl.u32 s0, $0x3;
	s19 =	sadd.s32 $0x9EC00, s1;
	[dreg:$0x3] =	wrdreg s17  }
0x13: {  	s20 =	simm.s32 $0x7;
	s1 =	sadd.s32 $0xA8A00, s1;
	[dreg:$0x5] =	wrdreg s19  }
0x14: {  	s10 =	sadd.s32 $0xA, s8;
	s22 =	sadd.s32 $0x14, s8;
	[dreg:$0x6] =	wrdreg s1  }
0x15: {  	s24 =	sadd.s32 $0x1E, s8;
	s16 =	sadd.s32 s11, s23;
	[dreg:$0x8] =	wrdreg s22  }
0x16: {  	s23 =	simm.s32 $0x50;
	[dreg:$0x9] =	wrdreg s24;
	s1 =	sshrl.u32 s25, $0x3  }
0x17: {  	s17 =	sadd.s32 s11, s6;
	s19 =	sadd.s32 s0, s11;
	s22 =	simm.s32 $0x2800  }
0x18: {  	s24 =	simm.s32 $0x28A0;
	s25 =	simm.s32 $0x2850;
	s0 =	simm.s32 $0x6  }
0x19: {  	s6 =	simm.s32 $0x0;
	s18 =	sadd.s32 s1, s11;
	s1 =	simm.s32 $0x4  }
.LBB2_1:
0x1a: {  	s7 =	rddreg [dreg:$0x3]  }
0x1b: {  	[tilespmem:s3], [sflag:$0x7] =	stream.linear.gather [hbm4b:s7+s3], $0x2800, $0x38;
	[tilespmem:$0x5A20] =	vst v63  }
0x1c: {  	_ =	swait.ge [sflag:s20], $0x2800  }
0x1d: {  	[sflag:s20] =	ssyncset.done $0x0;
	s12 =	rddreg [dreg:$0x4]  }
0x1e: {  	[sflag:s20] =	ssyncadd.s32 $0xFFFFD800;
	s7 =	sshrl.u32 s12, $0x3  }
0x1f: {  	[spmem:s7], [sflag:s21] =	dma.local [hbm:s9], $0x4F0  }
0x20: {  	_ =	swait.ge [sflag:s20], $0x4F0  }
0x21: {  	[sflag:s20] =	ssyncset.done $0x0  }
0x22: {  	[sflag:s20] =	ssyncadd.s32 $0xFFFFFB10  }
0x23: {  	[bflag:$0x0] =	sbarrier.arrive $0xFFFF  }
0x24: {  	[tilespmem:s22], [sflag:$0x7] =	stream.linear.gather [hbm4b:s8+s3], $0x50, $0x38;
	[tilespmem:$0x5A20] =	vst v63  }
0x25: {  	_ =	swait.ge [sflag:s20], $0x50  }
0x26: {  	[sflag:s20] =	ssyncset.done $0x0  }
0x27: {  	[sflag:s20] =	ssyncadd.s32 $0xFFFFFFB0  }
0x28: {  	[tilespmem:s24], [sflag:$0x1] =	stream.indirect.gather [hbm4b:s4+s23], $0x10, s3, s23, $0xb8;
	[tilespmem:$0x5A20] =	vst v63  }
0x29: {  	_ = 	snop  }
0x2a: {  	[tilespmem:s25], [sflag:$0x7] =	stream.linear.gather [hbm4b:s10+s3], $0x50, $0x38;
	[tilespmem:$0x5A20] =	vst v63  }
0x2b: {  	_ =	swait.ge [sflag:s20], $0x50  }
0x2c: {  	[sflag:s20] =	ssyncset.done $0x0  }
0x2d: {  	[sflag:s20] =	ssyncadd.s32 $0xFFFFFFB0  }
0x2e: {  	[tilespmem:s26], [sflag:$0x2] =	stream.indirect.gather [hbm4b:s4+s23], $0x10, s23, s23, $0xb8;
	[tilespmem:$0x5A20] =	vst v63  }
0x2f: {  	_ =	swait.ge [sflag:s28], $0x500  }
0x30: {  	[sflag:s28] =	ssyncset.done $0x0  }
0x31: {  	[sflag:s28] =	ssyncadd.s32 $0xFFFFFB00  }
0x32: {  	[spmem:s2] =	stream.indirect.scatter.add.f32 [tilespmem:s24], [sflag:$0x3], $0x10, s22, s23, $0xb8;
	[tilespmem:$0x5A20] =	vst v63  }
0x33: {  	_ =	swait.ge [sflag:s29], $0x500  }
0x34: {  	[sflag:s29] =	ssyncset.done $0x0  }
0x35: {  	[sflag:s29] =	ssyncadd.s32 $0xFFFFFB00  }
0x36: {  	[spmem:s2] =	stream.indirect.scatter.add.f32 [tilespmem:s26], [sflag:$0x4], $0x10, s25, s23, $0xb8;
	[tilespmem:$0x5A20] =	vst v63  }
0x37: {  	_ =	swait.ge [sflag:s30], $0x500  }
0x38: {  	[sflag:s30] =	ssyncset.done $0x0  }
0x39: {  	s11 =	rddreg [dreg:$0x8];
	[sflag:s30] =	ssyncadd.s32 $0xFFFFFB00  }
0x3a: {  	[tilespmem:s22], [sflag:$0x5] =	stream.linear.gather [hbm4b:s11+s3], $0x50, $0x38;
	[tilespmem:$0x5A20] =	vst v63  }
0x3b: {  	s13 =	simm.s32 $0xA0  }
0x3c: {  	[tilespmem:s24], [sflag:$0x1] =	stream.indirect.gather [hbm4b:s4+s23], $0x10, s13, s23, $0xb8;
	[tilespmem:$0x5A20] =	vst v63  }
0x3d: {  	_ =	swait.ge [sflag:s1], $0x500  }
0x3e: {  	[sflag:s1] =	ssyncset.done $0x0  }
0x3f: {  	s14 =	rddreg [dreg:$0x9];
	[sflag:s1] =	ssyncadd.s32 $0xFFFFFB00  }
0x40: {  	[tilespmem:s25], [sflag:$0x6] =	stream.linear.gather [hbm4b:s14+s3], $0x50, $0x38;
	[tilespmem:$0x5A20] =	vst v63  }
0x41: {  	s15 =	simm.s32 $0xF0;
	s12 =	simm.s32 $0x0;
	s11 =	simm.s32 $0x190  }
0x42: {  	[tilespmem:s26], [sflag:$0x2] =	stream.indirect.gather [hbm4b:s4+s23], $0x10, s15, s23, $0xb8;
	[tilespmem:$0x5A20] =	vst v63  }
.LBB2_2:
0x43: {  	_ =	swait.ge [sflag:s28], $0x500  }
0x44: {  	[sflag:s28] =	ssyncset.done $0x0  }
0x45: {  	[sflag:s28] =	ssyncadd.s32 $0xFFFFFB00  }
0x46: {  	_ =	swait.ge [sflag:s31], $0x50  }
0x47: {  	[sflag:s31] =	ssyncset.done $0x0  }
0x48: {  	[sflag:s31] =	ssyncadd.s32 $0xFFFFFFB0  }
0x49: {  	[spmem:s2] =	stream.indirect.scatter.add.f32 [tilespmem:s24], [sflag:$0x3], $0x10, s22, s23, $0xb8;
	[tilespmem:$0x5A20] =	vst v63  }
0x4a: {  	_ =	swait.ge [sflag:s29], $0x500  }
0x4b: {  	[sflag:s29] =	ssyncset.done $0x0  }
0x4c: {  	[sflag:s29] =	ssyncadd.s32 $0xFFFFFB00  }
0x4d: {  	_ =	swait.ge [sflag:s0], $0x50  }
0x4e: {  	p0 =	seq.s32 s12, $0x4D8;
	[sflag:s0] =	ssyncset.done $0x0  }
.Ltmp0:
0x4f: {  	[sflag:s0] =	ssyncadd.s32 $0xFFFFFFB0;
	(pc) =	sbr.rel @p0 .LBB2_4-.Ltmp0, $4  }
0x50: {  	[spmem:s2] =	stream.indirect.scatter.add.f32 [tilespmem:s26], [sflag:$0x4], $0x10, s25, s23, $0xb8;
	[tilespmem:$0x5A20] =	vst v63  }
0x51: {  	_ =	swait.ge [sflag:s30], $0x500  }
0x52: {  	[sflag:s30] =	ssyncset.done $0x0  }
0x53: {  	[sflag:s30] =	ssyncadd.s32 $0xFFFFFB00  }
0x54: {  	s13 =	sadd.s32 s12, s19  }
0x55: {  	[tilespmem:s22], [sflag:$0x5] =	stream.linear.gather [hbm4b:s13+s3], $0x50, $0x38;
	[tilespmem:$0x5A20] =	vst v63  }
0x56: {  	s14 =	sadd.s32 $0xFFFFFFB0, s11  }
0x57: {  	[tilespmem:s24], [sflag:$0x1] =	stream.indirect.gather [hbm4b:s4+s23], $0x10, s14, s23, $0xb8;
	[tilespmem:$0x5A20] =	vst v63  }
0x58: {  	_ =	swait.ge [sflag:s1], $0x500  }
0x59: {  	[sflag:s1] =	ssyncset.done $0x0  }
.Ltmp1:
0x5a: {  	s15 =	sadd.s32 s12, s18;
	[sflag:s1] =	ssyncadd.s32 $0xFFFFFB00;
	(pc) =	sbr.rel .LBB2_2-.Ltmp1, $4  }
0x5b: {  	[tilespmem:s25], [sflag:$0x6] =	stream.linear.gather [hbm4b:s15+s3], $0x50, $0x38;
	[tilespmem:$0x5A20] =	vst v63  }
0x5c: {  	_ = 	snop  }
0x5d: {  	[tilespmem:s26], [sflag:$0x2] =	stream.indirect.gather [hbm4b:s4+s23], $0x10, s11, s23, $0xb8;
	[tilespmem:$0x5A20] =	vst v63  }
0x5e: {  	s12 =	sadd.s32 $0x14, s12;
	s11 =	sadd.s32 $0xA0, s11  }
.LBB2_4:
0x5f: {  	_ =	swait.ge [sflag:s1], $0x500  }
0x60: {  	[sflag:s1] =	ssyncset.done $0x0  }
0x61: {  	[sflag:s1] =	ssyncadd.s32 $0xFFFFFB00  }
0x62: {  	[bflag:$0x0] =	sbarrier.arrive $0xFFFF  }
0x63: {  	s11 =	rddreg [dreg:$0x5]  }
0x64: {  	[hbm:s11], [sflag:s21] =	dma.local [spmem:s7], $0x4F0  }
0x65: {  	_ =	swait.ge [sflag:s20], $0x4F0  }
0x66: {  	[sflag:s20] =	ssyncset.done $0x0  }
0x67: {  	s13 =	simm.s32 $0x0;
	[sflag:s20] =	ssyncadd.s32 $0xFFFFFB10  }
0x68: {  	[tilespmem:s24], [sflag:$0x7] =	stream.linear.gather [hbm4b:s5+s13], $0x500, $0x38;
	[tilespmem:$0x5A20] =	vst v63  }
0x69: {  	_ =	swait.ge [sflag:s20], $0x500  }
0x6a: {  	[sflag:s20] =	ssyncset.done $0x0  }
0x6b: {  	[sflag:s20] =	ssyncadd.s32 $0xFFFFFB00  }
0x6c: {  	[tilespmem:s26], [sflag:$0x7] =	stream.linear.gather [hbm4b:s5+s13], $0x500, $0x38;
	[tilespmem:$0x5A20] =	vst v63  }
0x6d: {  	_ =	swait.ge [sflag:s20], $0x500  }
0x6e: {  	[sflag:s20] =	ssyncset.done $0x0  }
0x6f: {  	[sflag:s20] =	ssyncadd.s32 $0xFFFFFB00  }
0x70: {  	[spmem:s7], [sflag:s21] =	dma.local [hbm:s9], $0x4F0  }
0x71: {  	_ =	swait.ge [sflag:s20], $0x4F0  }
0x72: {  	[sflag:s20] =	ssyncset.done $0x0  }
0x73: {  	[sflag:s20] =	ssyncadd.s32 $0xFFFFFB10  }
0x74: {  	[bflag:$0x0] =	sbarrier.arrive $0xFFFF  }
0x75: {  	[tilespmem:s22], [sflag:$0x7] =	stream.linear.gather [hbm4b:s8+s13], $0x50, $0x38;
	[tilespmem:$0x5A20] =	vst v63  }
0x76: {  	_ =	swait.ge [sflag:s20], $0x50  }
0x77: {  	[sflag:s20] =	ssyncset.done $0x0  }
0x78: {  	[sflag:s20] =	ssyncadd.s32 $0xFFFFFFB0  }
0x79: {  	[tilespmem:s25], [sflag:$0x7] =	stream.linear.gather [hbm4b:s10+s13], $0x50, $0x38;
	[tilespmem:$0x5A20] =	vst v63  }
0x7a: {  	_ =	swait.ge [sflag:s20], $0x50  }
0x7b: {  	[sflag:s20] =	ssyncset.done $0x0  }
0x7c: {  	[sflag:s20] =	ssyncadd.s32 $0xFFFFFFB0  }
0x7d: {  	[spmem:s2] =	stream.indirect.scatter.add.f32 [tilespmem:s24], [sflag:$0x3], $0x10, s22, s23, $0xb8;
	[tilespmem:$0x5A20] =	vst v63  }
0x7e: {  	_ = 	snop  }
0x7f: {  	[spmem:s2] =	stream.indirect.scatter.add.f32 [tilespmem:s26], [sflag:$0x4], $0x10, s25, s23, $0xb8;
	[tilespmem:$0x5A20] =	vst v63  }
0x80: {  	_ =	swait.ge [sflag:s30], $0x500  }
0x81: {  	[sflag:s30] =	ssyncset.done $0x0  }
0x82: {  	[sflag:s30] =	ssyncadd.s32 $0xFFFFFB00  }
0x83: {  	[tilespmem:s22], [sflag:$0x5] =	stream.linear.gather [hbm4b:s16+s13], $0x50, $0x38;
	[tilespmem:$0x5A20] =	vst v63  }
0x84: {  	_ =	swait.ge [sflag:s1], $0x500  }
0x85: {  	[sflag:s1] =	ssyncset.done $0x0  }
0x86: {  	[sflag:s1] =	ssyncadd.s32 $0xFFFFFB00  }
0x87: {  	[tilespmem:s25], [sflag:$0x6] =	stream.linear.gather [hbm4b:s17+s13], $0x50, $0x38;
	[tilespmem:$0x5A20] =	vst v63  }
0x88: {  	_ =	swait.ge [sflag:s31], $0x50  }
0x89: {  	[sflag:s31] =	ssyncset.done $0x0  }
0x8a: {  	[sflag:s31] =	ssyncadd.s32 $0xFFFFFFB0  }
0x8b: {  	[spmem:s2] =	stream.indirect.scatter.add.f32 [tilespmem:s24], [sflag:$0x3], $0x10, s22, s23, $0xb8;
	[tilespmem:$0x5A20] =	vst v63  }
0x8c: {  	_ =	swait.ge [sflag:s0], $0x50  }
0x8d: {  	[sflag:s0] =	ssyncset.done $0x0  }
0x8e: {  	[sflag:s0] =	ssyncadd.s32 $0xFFFFFFB0  }
0x8f: {  	[spmem:s2] =	stream.indirect.scatter.add.f32 [tilespmem:s26], [sflag:$0x4], $0x10, s25, s23, $0xb8;
	[tilespmem:$0x5A20] =	vst v63  }
0x90: {  	_ =	swait.ge [sflag:s30], $0x500  }
0x91: {  	[sflag:s30] =	ssyncset.done $0x0  }
0x92: {  	s14 =	sadd.s32 $0x0, s19;
	[sflag:s30] =	ssyncadd.s32 $0xFFFFFB00  }
0x93: {  	[tilespmem:s22], [sflag:$0x5] =	stream.linear.gather [hbm4b:s14+s3], $0x50, $0x38;
	[tilespmem:$0x5A20] =	vst v63  }
0x94: {  	_ =	swait.ge [sflag:s1], $0x500  }
0x95: {  	[sflag:s1] =	ssyncset.done $0x0  }
0x96: {  	s15 =	sadd.s32 $0x0, s18;
	[sflag:s1] =	ssyncadd.s32 $0xFFFFFB00  }
0x97: {  	[tilespmem:s25], [sflag:$0x6] =	stream.linear.gather [hbm4b:s15+s3], $0x50, $0x38;
	[tilespmem:$0x5A20] =	vst v63  }
0x98: {  	_ =	swait.ge [sflag:s31], $0x50  }
0x99: {  	[sflag:s31] =	ssyncset.done $0x0  }
0x9a: {  	[sflag:s31] =	ssyncadd.s32 $0xFFFFFFB0  }
0x9b: {  	[spmem:s2] =	stream.indirect.scatter.add.f32 [tilespmem:s24], [sflag:$0x3], $0x10, s22, s23, $0xb8;
	[tilespmem:$0x5A20] =	vst v63  }
0x9c: {  	_ =	swait.ge [sflag:s0], $0x50  }
0x9d: {  	[sflag:s0] =	ssyncset.done $0x0  }
0x9e: {  	[sflag:s0] =	ssyncadd.s32 $0xFFFFFFB0  }
0x9f: {  	[spmem:s2] =	stream.indirect.scatter.add.f32 [tilespmem:s26], [sflag:$0x4], $0x10, s25, s23, $0xb8;
	[tilespmem:$0x5A20] =	vst v63  }
0xa0: {  	_ =	swait.ge [sflag:s30], $0x500  }
0xa1: {  	s12 =	simm.s32 $0x28;
	s11 =	simm.s32 $0x14;
	[sflag:s30] =	ssyncset.done $0x0  }
.LBB2_5:
0xa2: {  	s13 =	sadd.s32 s11, s19  }
0xa3: {  	[sflag:s30] =	ssyncadd.s32 $0xFFFFFB00;
	s14 =	smov.u32 s12;
	s15 =	sadd.s32 $0x14, s12  }
0xa4: {  	[tilespmem:s22], [sflag:$0x5] =	stream.linear.gather [hbm4b:s13+s3], $0x50, $0x38;
	[tilespmem:$0x5A20] =	vst v63  }
0xa5: {  	p0 =	sne.s32 s12, $0x4C4;
	_ =	swait.ge [sflag:s1], $0x500  }
0xa6: {  	[sflag:s1] =	ssyncset.done $0x0  }
0xa7: {  	s12 =	sadd.s32 s11, s18;
	s11 =	smov.u32 s14;
	[sflag:s1] =	ssyncadd.s32 $0xFFFFFB00  }
0xa8: {  	[tilespmem:s25], [sflag:$0x6] =	stream.linear.gather [hbm4b:s12+s3], $0x50, $0x38;
	[tilespmem:$0x5A20] =	vst v63  }
0xa9: {  	_ =	swait.ge [sflag:s31], $0x50  }
0xaa: {  	[sflag:s31] =	ssyncset.done $0x0  }
0xab: {  	[sflag:s31] =	ssyncadd.s32 $0xFFFFFFB0  }
0xac: {  	[spmem:s2] =	stream.indirect.scatter.add.f32 [tilespmem:s24], [sflag:$0x3], $0x10, s22, s23, $0xb8;
	[tilespmem:$0x5A20] =	vst v63  }
0xad: {  	_ =	swait.ge [sflag:s0], $0x50  }
.Ltmp2:
0xae: {  	[sflag:s0] =	ssyncset.done $0x0;
	(pc) =	sbr.rel @p0 .LBB2_5-.Ltmp2, $4  }
0xaf: {  	[sflag:s0] =	ssyncadd.s32 $0xFFFFFFB0  }
0xb0: {  	[spmem:s2] =	stream.indirect.scatter.add.f32 [tilespmem:s26], [sflag:$0x4], $0x10, s25, s23, $0xb8;
	[tilespmem:$0x5A20] =	vst v63  }
0xb1: {  	_ =	swait.ge [sflag:s30], $0x500  }
0xb2: {  	s12 =	smov.u32 s15;
	[sflag:s30] =	ssyncset.done $0x0  }
0xb3: {  	s12 =	sadd.s32 s11, s19;
	[sflag:s30] =	ssyncadd.s32 $0xFFFFFB00  }
0xb4: {  	[tilespmem:s22], [sflag:$0x5] =	stream.linear.gather [hbm4b:s12+s3], $0x50, $0x38;
	[tilespmem:$0x5A20] =	vst v63  }
0xb5: {  	_ =	swait.ge [sflag:s1], $0x500  }
0xb6: {  	[sflag:s1] =	ssyncset.done $0x0  }
0xb7: {  	s13 =	sadd.s32 s11, s18;
	[sflag:s1] =	ssyncadd.s32 $0xFFFFFB00  }
0xb8: {  	[tilespmem:s25], [sflag:$0x6] =	stream.linear.gather [hbm4b:s13+s3], $0x50, $0x38;
	[tilespmem:$0x5A20] =	vst v63  }
0xb9: {  	_ =	swait.ge [sflag:s31], $0x50  }
0xba: {  	[sflag:s31] =	ssyncset.done $0x0  }
0xbb: {  	[sflag:s31] =	ssyncadd.s32 $0xFFFFFFB0  }
0xbc: {  	[spmem:s2] =	stream.indirect.scatter.add.f32 [tilespmem:s24], [sflag:$0x3], $0x10, s22, s23, $0xb8;
	[tilespmem:$0x5A20] =	vst v63  }
0xbd: {  	_ =	swait.ge [sflag:s0], $0x50  }
0xbe: {  	[sflag:s0] =	ssyncset.done $0x0  }
0xbf: {  	[sflag:s0] =	ssyncadd.s32 $0xFFFFFFB0  }
0xc0: {  	[spmem:s2] =	stream.indirect.scatter.add.f32 [tilespmem:s26], [sflag:$0x4], $0x10, s25, s23, $0xb8;
	[tilespmem:$0x5A20] =	vst v63  }
0xc1: {  	_ =	swait.ge [sflag:s30], $0x500  }
0xc2: {  	[sflag:s30] =	ssyncset.done $0x0  }
0xc3: {  	[sflag:s30] =	ssyncadd.s32 $0xFFFFFB00  }
0xc4: {  	_ =	swait.ge [sflag:s1], $0x500  }
0xc5: {  	[sflag:s1] =	ssyncset.done $0x0  }
0xc6: {  	[sflag:s1] =	ssyncadd.s32 $0xFFFFFB00  }
0xc7: {  	[bflag:$0x0] =	sbarrier.arrive $0xFFFF  }
0xc8: {  	s14 =	rddreg [dreg:$0x6]  }
0xc9: {  	[hbm:s14], [sflag:s21] =	dma.local [spmem:s7], $0x4F0  }
0xca: {  	_ =	swait.ge [sflag:s20], $0x4F0  }
0xcb: {  	s6 =	sadd.s32 $0x1, s6;
	s15 =	rddreg [dreg:$0x7]  }
0xcc: {  	p0 =	sne.s32 s6, s15  }
.Ltmp3:
0xcd: {  	_ = 	snop;
	(pc) =	sbr.rel @p0 .LBB2_1-.Ltmp3, $3  }
0xce: {  	_ =	sdelay $0x1  }
0xcf: {  	[sflag:s20] =	ssyncset.done $0x0  }
0xd0: {  	[sflag:s20] =	ssyncadd.s32 $0xFFFFFB10  }
0xd1: {  	_ =	sfence.sel $0x180000  }
0xd2: {  	[bflag:$0x0] =	sbarrier.arrive $0xFFFF  }
0xd3: {  	_ =	strace $0x9000004A  }
0xd4: {  	s0 =	stileid.u32;
	[bflag:$0x2] =	sbarrier.arrive $0xFFFF  }
0xd5: {  	p0 =	sne.s32 s0, $0x0;
	s0 =	rddreg [dreg:$0x2]  }
0xd6: {  	s0 =	sadd.s32 @!p0 $0x100000, s0  }
0xd7: {  	[sflag:s0] =	ssyncadd.tile.s32 @!p0 $0x1;
	_ =	shalt  }
.Lfunc_end2:
_tile_overlayer_lowered:
.L_overlay_start_2:
0xd8: {  	(tag) =	ssettag $0x2  }
0xd9: {  	s0 =	rddreg [dreg:$0x0];
	s2 =	stileid.u32  }
0xda: {  	s1 =	rddreg [dreg:$0x1];
	p0 =	sne.s32 s2, $0x0  }
0xdb: {  	s3 =	rddreg [dreg:$0x2];
	[bflag:$0x3] =	sbarrier.arrive $0xFFFF;
	s2 =	simm.s32 @!p0 $0x1C07  }
0xdc: {  	[timem:s3], [sflag:s2] =	dma.local @!p0 [hbm:s0], s1  }
0xdd: {  	s0 =	simm.s32 @!p0 $0x7  }
0xde: {  	_ =	swait.ge @!p0 [sflag:s0], s1  }
0xdf: {  	s1 =	ssub.s32 @!p0 $0x0, s1;
	[sflag:s0] =	ssyncset.done @!p0 $0x0  }
0xe0: {  	[sflag:s0] =	ssyncadd.s32 @!p0 s1  }
0xe1: {  	[bflag:$0x3] =	sbarrier.arrive $0xFFFF  }
0xe2: {  	_ =	shalt  }

</sc_bundles>
